<compile_context>
chip_gen: v7x
topology: tpu7x:2x2x1
jax: 0.10.2.dev20260603
libtpu: 0.0.44.dev20260713+nightly
codegen_flags: <defaults>
</compile_context>

<pallas_src>
import functools

import jax
import jax.numpy as jnp
from jax import lax
from jax.experimental import pallas as pl
from jax.experimental.pallas import tpu as pltpu
from jax.experimental.pallas import tpu_sc as plsc

_TOTAL_BITS = 2048
_N = 8192
_NBITS = 12
_B = 256
_ROW = 1 << _NBITS

_NB = 512
_GRID = _N // _NB

_NC = 2
_NS = 16
_NW = _NC * _NS
_TOTAL = _B * _N
_PER_W = _TOTAL // _NW
_LW = 128
_TPS = 4
_K = 8 * _TPS
_NCH = 64 // _TPS


_W8 = _TOTAL_BITS // 8


def _addr_body(bits_ref, conn_ref, idx_ref, pack_ref):
    blk = pl.program_id(0)

    @pl.when(blk == 0)
    def _():
        bits = bits_ref[...].astype(jnp.bfloat16)
        k_iota = lax.broadcasted_iota(jnp.int32, (_TOTAL_BITS, _W8), 0)
        g_iota = lax.broadcasted_iota(jnp.int32, (_TOTAL_BITS, _W8), 1)
        pows = jnp.left_shift(jnp.int32(1), k_iota & 7)
        P = jnp.where((k_iota >> 3) == g_iota, pows, 0).astype(jnp.bfloat16)
        pack_ref[...] = jnp.dot(
            bits, P, preferred_element_type=jnp.float32
        ).astype(jnp.bfloat16)

    pack = pack_ref[...]
    conn = conn_ref[...]
    word_id = conn >> 3
    bit_pos = conn & 7

    addr = jnp.zeros((_B, _NB), jnp.int32)
    for j in range(_NBITS):
        gj = word_id[:, j]
        u_iota = lax.broadcasted_iota(jnp.int32, (_W8, _NB), 0)
        onehot = (u_iota == gj[None, :]).astype(jnp.bfloat16)
        A = jnp.dot(pack, onehot, preferred_element_type=jnp.float32)
        word = A.astype(jnp.int32)
        bit = (word >> bit_pos[:, j][None, :]) & 1
        addr += bit << j

    base = blk * _NB
    neuron = base + lax.broadcasted_iota(jnp.int32, (_B, _NB), 1)
    idx_ref[...] = (
        ((neuron >> 3) << 15)
        + ((addr >> 7) << 10)
        + ((neuron & 7) << 7)
        + (addr & 127)
    )


_addr_call = pl.pallas_call(
    _addr_body,
    grid=(_GRID,),
    in_specs=[
        pl.BlockSpec((_B, _TOTAL_BITS), lambda i: (0, 0)),
        pl.BlockSpec((_NB, _NBITS), lambda i: (i, 0)),
    ],
    out_specs=pl.BlockSpec((_B, _NB), lambda i: (0, i)),
    out_shape=jax.ShapeDtypeStruct((_B, _N), jnp.int32),
    scratch_shapes=[pltpu.VMEM((_B, _W8), jnp.bfloat16)],
)


def _gather_body(mem_hbm, idx_hbm, out_hbm, idx_v, val_v, isem, gsem, osem):
    wid = lax.axis_index("s") * _NC + lax.axis_index("c")
    band = wid * 8

    def idx_src(i, t):
        col = i * _TPS * _LW
        return idx_hbm.at[pl.ds(band, 8), pl.ds(col + t * _LW, _LW)]

    def out_dst(i, t):
        col = i * _TPS * _LW
        return out_hbm.at[pl.ds(band, 8), pl.ds(col + t * _LW, _LW)]

    for t in range(_TPS):
        pltpu.async_copy(idx_src(0, t), idx_v.at[0].at[pl.ds(t * 8, 8)], isem)

    def step(i, b):
        for t in range(_TPS):
            pltpu.make_async_copy(
                idx_src(i, t), idx_v.at[b].at[pl.ds(t * 8, 8)], isem
            ).wait()

        @pl.when(i >= 2)
        def _():
            for t in range(_TPS):
                pltpu.make_async_copy(
                    val_v.at[b].at[pl.ds(t * 8, 8)], out_dst(i - 2, t), osem
                ).wait()

        for j in range(_K):
            pltpu.async_copy(mem_hbm.at[idx_v.at[b].at[j]], val_v.at[b].at[j], gsem)

        @pl.when(i + 1 < _NCH)
        def _():
            for t in range(_TPS):
                pltpu.async_copy(
                    idx_src(i + 1, t), idx_v.at[1 - b].at[pl.ds(t * 8, 8)], isem
                )

        for j in range(_K):
            pltpu.make_async_copy(
                mem_hbm.at[idx_v.at[b].at[j]], val_v.at[b].at[j], gsem
            ).wait()

        for t in range(_TPS):
            pltpu.async_copy(val_v.at[b].at[pl.ds(t * 8, 8)], out_dst(i, t), osem)

    def pair(k, c):
        step(2 * k, 0)
        step(2 * k + 1, 1)
        return c

    lax.fori_loop(0, _NCH // 2, pair, 0)

    for i in (_NCH - 2, _NCH - 1):
        for t in range(_TPS):
            pltpu.make_async_copy(
                val_v.at[i % 2].at[pl.ds(t * 8, 8)], out_dst(i, t), osem
            ).wait()


@functools.cache
def _gather_call():
    return functools.partial(
        pl.kernel,
        out_type=jax.ShapeDtypeStruct((_B, _N), jnp.float32),
        compiler_params=pltpu.CompilerParams(use_tc_tiling_on_sc=True),
        mesh=plsc.VectorSubcoreMesh(
            core_axis_name="c", subcore_axis_name="s",
            num_cores=_NC, num_subcores=_NS,
        ),
        scratch_types=[
            pltpu.VMEM((2, _K, _LW), jnp.int32),
            pltpu.VMEM((2, _K, _LW), jnp.float32),
            pltpu.SemaphoreType.DMA,
            pltpu.SemaphoreType.DMA,
            pltpu.SemaphoreType.DMA,
        ],
    )(_gather_body)


def kernel(input_bits, connections, memory):
    flat_idx = _addr_call(input_bits, connections)
    mem_lin = memory.reshape(1024, 8, 32, 128).transpose(0, 2, 1, 3).reshape(-1)
    return _gather_call()(mem_lin, flat_idx)

# --- scband reference (transcript-rebuilt; emitter-appended) ---
"""Pipeline reference for scband-ramlayer-34703335751938 (READ-ONLY COPY).

The authoritative reference and input builder live on the scoring server;
editing this copy changes nothing except your own understanding.
"""

import jax, jax.numpy as jnp
import numpy as np

TOTAL_INPUT_BITS = 2048
NUM_NEURONS = 8192
N_BITS = 12
BATCH = 256


def setup_inputs(seed: int = 0) -> dict:
    key = jax.random.key(seed)
    k1, k2, k3 = jax.random.split(key, 3)
    # input bit patterns (0/1)
    input_bits = jax.random.randint(k1, (BATCH, TOTAL_INPUT_BITS), 0, 2, dtype=jnp.int32)
    # random connection map: each neuron observes n_bits_per_neuron input bit positions
    connections = jax.random.randint(k2, (NUM_NEURONS, N_BITS), 0, TOTAL_INPUT_BITS, dtype=jnp.int32)
    # learned RAM contents, one row of 2^n_bits cells per neuron (float {0,1}-ish for differentiability)
    memory = jax.random.uniform(k3, (NUM_NEURONS, 2 ** N_BITS), dtype=jnp.float32)
    return {"input_bits": input_bits, "connections": connections, "memory": memory}


def _get_address(input_bits, connections):
    # gather the connected bits for every neuron: [B, N, n_bits]
    sel = jnp.take(input_bits, connections.reshape(-1), axis=1)
    sel = sel.reshape(input_bits.shape[0], NUM_NEURONS, N_BITS)
    # binary-to-integer address per (sample, neuron): [B, N]
    powers = (2 ** jnp.arange(N_BITS, dtype=jnp.int32))
    address = jnp.sum(sel * powers[None, None, :], axis=-1)
    return address


def reference(input_bits, connections, memory):
    # Memory.__call__: address each neuron's RAM and read the stored cell
    address = _get_address(input_bits, connections)  # [B, N]
    neuron_idx = jnp.arange(NUM_NEURONS, dtype=jnp.int32)[None, :]  # [1, N]
    out = memory[neuron_idx, address]  # gather: [B, N]
    return out

if __name__ == "__main__":
    import jax
    _d = setup_inputs()
    print(jax.jit(kernel)(*tuple(_d.values())))

</pallas_src>

<mosaic_0001>
#map = affine_map<(d0, d1) -> (0)>
#map1 = affine_map<(d0, d1) -> (0, 0)>
module attributes {stable_mosaic.version = 14 : i64} {
  func.func @_gather_body(%arg0: i32, %arg1: i32, %arg2: memref<33554432xf32, #tpu.memory_space<hbm>>, %arg3: memref<256x8192xi32, #tpu.memory_space<hbm>>, %arg4: memref<256x8192xf32, #tpu.memory_space<hbm>>, %arg5: memref<2x32x128xi32, #tpu.memory_space<vmem>>, %arg6: memref<2x32x128xf32, #tpu.memory_space<vmem>>, %arg7: memref<!tpu.dma_semaphore, #tpu.memory_space<semaphore_mem>>, %arg8: memref<!tpu.dma_semaphore, #tpu.memory_space<semaphore_mem>>, %arg9: memref<!tpu.dma_semaphore, #tpu.memory_space<semaphore_mem>>) attributes {dimension_semantics = [#tpu.dimension_semantics<core_parallel>, #tpu.dimension_semantics<subcore_parallel>], iteration_bounds = array<i64: 2, 16>, scalar_prefetch = 0 : i64, scratch_operands = 5 : i64, tpu.core_type = #tpu.core_type<sc_vector_subcore>, window_params = [{transform_indices = #map}, {transform_indices = #map1}, {transform_indices = #map1}]} {
    %mul3A = arith.constant 2 : i32
    %mul3A_0 = arith.muli %arg1, %mul3A : i32
    %add3A = arith.addi %mul3A_0, %arg0 : i32
    %mul3A_1 = arith.constant 8 : i32
    %mul3A_2 = arith.muli %add3A, %mul3A_1 : i32
    %dma_start3A = arith.constant 0 : i32
    %dma_start3A_3 = arith.constant 0 : i32
    %dma_start3A_4 = arith.constant 0 : i32
    %dma_start3A_5 = tpu.memref_slice %arg5[%dma_start3A, %dma_start3A_3, %dma_start3A_4] : memref<2x32x128xi32, #tpu.memory_space<vmem>> -> memref<1x32x128xi32, #tpu.memory_space<vmem>>
    %dma_start3A_6 = tpu.memref_squeeze %dma_start3A_5 : memref<1x32x128xi32, #tpu.memory_space<vmem>> -> memref<32x128xi32, #tpu.memory_space<vmem>>
    %dma_start3A_7 = arith.constant 0 : i32
    %dma_start3A_8 = arith.constant 0 : i32
    %dma_start3A_9 = tpu.memref_slice %dma_start3A_6[%dma_start3A_7, %dma_start3A_8] : memref<32x128xi32, #tpu.memory_space<vmem>> -> memref<8x128xi32, #tpu.memory_space<vmem>>
    %dma_start3A_10 = arith.constant 0 : i32
    %dma_start3A_11 = tpu.memref_slice %arg3[%mul3A_2, %dma_start3A_10] : memref<256x8192xi32, #tpu.memory_space<hbm>> -> memref<8x128xi32, #tpu.memory_space<hbm>>
    %dma_start3A_12 = arith.constant 0 : i32
    %dma_start3A_13 = arith.constant 0 : i32
    %dma_start3A_14 = tpu.memref_slice %arg5[%dma_start3A, %dma_start3A_12, %dma_start3A_13] : memref<2x32x128xi32, #tpu.memory_space<vmem>> -> memref<1x32x128xi32, #tpu.memory_space<vmem>>
    %dma_start3A_15 = tpu.memref_squeeze %dma_start3A_14 : memref<1x32x128xi32, #tpu.memory_space<vmem>> -> memref<32x128xi32, #tpu.memory_space<vmem>>
    %dma_start3A_16 = arith.constant 0 : i32
    %dma_start3A_17 = arith.constant 0 : i32
    %dma_start3A_18 = tpu.memref_slice %dma_start3A_15[%dma_start3A_16, %dma_start3A_17] : memref<32x128xi32, #tpu.memory_space<vmem>> -> memref<8x128xi32, #tpu.memory_space<vmem>>
    %dma_start3A_19 = arith.constant 0 : i32
    %dma_start3A_20 = tpu.memref_slice %arg3[%mul3A_2, %dma_start3A_19] : memref<256x8192xi32, #tpu.memory_space<hbm>> -> memref<8x128xi32, #tpu.memory_space<hbm>>
    tpu.enqueue_dma source(%dma_start3A_20 : memref<8x128xi32, #tpu.memory_space<hbm>>) target(%dma_start3A_18 : memref<8x128xi32, #tpu.memory_space<vmem>>) target_semaphore(%arg7 : memref<!tpu.dma_semaphore, #tpu.memory_space<semaphore_mem>>)
    %dma_start3A_21 = arith.constant 0 : i32
    %dma_start3A_22 = arith.constant 0 : i32
    %dma_start3A_23 = arith.constant 0 : i32
    %dma_start3A_24 = tpu.memref_slice %arg5[%dma_start3A_21, %dma_start3A_22, %dma_start3A_23] : memref<2x32x128xi32, #tpu.memory_space<vmem>> -> memref<1x32x128xi32, #tpu.memory_space<vmem>>
    %dma_start3A_25 = tpu.memref_squeeze %dma_start3A_24 : memref<1x32x128xi32, #tpu.memory_space<vmem>> -> memref<32x128xi32, #tpu.memory_space<vmem>>
    %dma_start3A_26 = arith.constant 8 : i32
    %dma_start3A_27 = arith.constant 0 : i32
    %dma_start3A_28 = tpu.memref_slice %dma_start3A_25[%dma_start3A_26, %dma_start3A_27] : memref<32x128xi32, #tpu.memory_space<vmem>> -> memref<8x128xi32, #tpu.memory_space<vmem>>
    %dma_start3A_29 = arith.constant 128 : i32
    %dma_start3A_30 = tpu.memref_slice %arg3[%mul3A_2, %dma_start3A_29] : memref<256x8192xi32, #tpu.memory_space<hbm>> -> memref<8x128xi32, #tpu.memory_space<hbm>>
    %dma_start3A_31 = arith.constant 0 : i32
    %dma_start3A_32 = arith.constant 0 : i32
    %dma_start3A_33 = tpu.memref_slice %arg5[%dma_start3A_21, %dma_start3A_31, %dma_start3A_32] : memref<2x32x128xi32, #tpu.memory_space<vmem>> -> memref<1x32x128xi32, #tpu.memory_space<vmem>>
    %dma_start3A_34 = tpu.memref_squeeze %dma_start3A_33 : memref<1x32x128xi32, #tpu.memory_space<vmem>> -> memref<32x128xi32, #tpu.memory_space<vmem>>
    %dma_start3A_35 = arith.constant 8 : i32
    %dma_start3A_36 = arith.constant 0 : i32
    %dma_start3A_37 = tpu.memref_slice %dma_start3A_34[%dma_start3A_35, %dma_start3A_36] : memref<32x128xi32, #tpu.memory_space<vmem>> -> memref<8x128xi32, #tpu.memory_space<vmem>>
    %dma_start3A_38 = arith.constant 128 : i32
    %dma_start3A_39 = tpu.memref_slice %arg3[%mul3A_2, %dma_start3A_38] : memref<256x8192xi32, #tpu.memory_space<hbm>> -> memref<8x128xi32, #tpu.memory_space<hbm>>
    tpu.enqueue_dma source(%dma_start3A_39 : memref<8x128xi32, #tpu.memory_space<hbm>>) target(%dma_start3A_37 : memref<8x128xi32, #tpu.memory_space<vmem>>) target_semaphore(%arg7 : memref<!tpu.dma_semaphore, #tpu.memory_space<semaphore_mem>>)
    %dma_start3A_40 = arith.constant 0 : i32
    %dma_start3A_41 = arith.constant 0 : i32
    %dma_start3A_42 = arith.constant 0 : i32
    %dma_start3A_43 = tpu.memref_slice %arg5[%dma_start3A_40, %dma_start3A_41, %dma_start3A_42] : memref<2x32x128xi32, #tpu.memory_space<vmem>> -> memref<1x32x128xi32, #tpu.memory_space<vmem>>
    %dma_start3A_44 = tpu.memref_squeeze %dma_start3A_43 : memref<1x32x128xi32, #tpu.memory_space<vmem>> -> memref<32x128xi32, #tpu.memory_space<vmem>>
    %dma_start3A_45 = arith.constant 16 : i32
    %dma_start3A_46 = arith.constant 0 : i32
    %dma_start3A_47 = tpu.memref_slice %dma_start3A_44[%dma_start3A_45, %dma_start3A_46] : memref<32x128xi32, #tpu.memory_space<vmem>> -> memref<8x128xi32, #tpu.memory_space<vmem>>
    %dma_start3A_48 = arith.constant 256 : i32
    %dma_start3A_49 = tpu.memref_slice %arg3[%mul3A_2, %dma_start3A_48] : memref<256x8192xi32, #tpu.memory_space<hbm>> -> memref<8x128xi32, #tpu.memory_space<hbm>>
    %dma_start3A_50 = arith.constant 0 : i32
    %dma_start3A_51 = arith.constant 0 : i32
    %dma_start3A_52 = tpu.memref_slice %arg5[%dma_start3A_40, %dma_start3A_50, %dma_start3A_51] : memref<2x32x128xi32, #tpu.memory_space<vmem>> -> memref<1x32x128xi32, #tpu.memory_space<vmem>>
    %dma_start3A_53 = tpu.memref_squeeze %dma_start3A_52 : memref<1x32x128xi32, #tpu.memory_space<vmem>> -> memref<32x128xi32, #tpu.memory_space<vmem>>
    %dma_start3A_54 = arith.constant 16 : i32
    %dma_start3A_55 = arith.constant 0 : i32
    %dma_start3A_56 = tpu.memref_slice %dma_start3A_53[%dma_start3A_54, %dma_start3A_55] : memref<32x128xi32, #tpu.memory_space<vmem>> -> memref<8x128xi32, #tpu.memory_space<vmem>>
    %dma_start3A_57 = arith.constant 256 : i32
    %dma_start3A_58 = tpu.memref_slice %arg3[%mul3A_2, %dma_start3A_57] : memref<256x8192xi32, #tpu.memory_space<hbm>> -> memref<8x128xi32, #tpu.memory_space<hbm>>
    tpu.enqueue_dma source(%dma_start3A_58 : memref<8x128xi32, #tpu.memory_space<hbm>>) target(%dma_start3A_56 : memref<8x128xi32, #tpu.memory_space<vmem>>) target_semaphore(%arg7 : memref<!tpu.dma_semaphore, #tpu.memory_space<semaphore_mem>>)
    %dma_start3A_59 = arith.constant 0 : i32
    %dma_start3A_60 = arith.constant 0 : i32
    %dma_start3A_61 = arith.constant 0 : i32
    %dma_start3A_62 = tpu.memref_slice %arg5[%dma_start3A_59, %dma_start3A_60, %dma_start3A_61] : memref<2x32x128xi32, #tpu.memory_space<vmem>> -> memref<1x32x128xi32, #tpu.memory_space<vmem>>
    %dma_start3A_63 = tpu.memref_squeeze %dma_start3A_62 : memref<1x32x128xi32, #tpu.memory_space<vmem>> -> memref<32x128xi32, #tpu.memory_space<vmem>>
    %dma_start3A_64 = arith.constant 24 : i32
    %dma_start3A_65 = arith.constant 0 : i32
    %dma_start3A_66 = tpu.memref_slice %dma_start3A_63[%dma_start3A_64, %dma_start3A_65] : memref<32x128xi32, #tpu.memory_space<vmem>> -> memref<8x128xi32, #tpu.memory_space<vmem>>
    %dma_start3A_67 = arith.constant 384 : i32
    %dma_start3A_68 = tpu.memref_slice %arg3[%mul3A_2, %dma_start3A_67] : memref<256x8192xi32, #tpu.memory_space<hbm>> -> memref<8x128xi32, #tpu.memory_space<hbm>>
    %dma_start3A_69 = arith.constant 0 : i32
    %dma_start3A_70 = arith.constant 0 : i32
    %dma_start3A_71 = tpu.memref_slice %arg5[%dma_start3A_59, %dma_start3A_69, %dma_start3A_70] : memref<2x32x128xi32, #tpu.memory_space<vmem>> -> memref<1x32x128xi32, #tpu.memory_space<vmem>>
    %dma_start3A_72 = tpu.memref_squeeze %dma_start3A_71 : memref<1x32x128xi32, #tpu.memory_space<vmem>> -> memref<32x128xi32, #tpu.memory_space<vmem>>
    %dma_start3A_73 = arith.constant 24 : i32
    %dma_start3A_74 = arith.constant 0 : i32
    %dma_start3A_75 = tpu.memref_slice %dma_start3A_72[%dma_start3A_73, %dma_start3A_74] : memref<32x128xi32, #tpu.memory_space<vmem>> -> memref<8x128xi32, #tpu.memory_space<vmem>>
    %dma_start3A_76 = arith.constant 384 : i32
    %dma_start3A_77 = tpu.memref_slice %arg3[%mul3A_2, %dma_start3A_76] : memref<256x8192xi32, #tpu.memory_space<hbm>> -> memref<8x128xi32, #tpu.memory_space<hbm>>
    tpu.enqueue_dma source(%dma_start3A_77 : memref<8x128xi32, #tpu.memory_space<hbm>>) target(%dma_start3A_75 : memref<8x128xi32, #tpu.memory_space<vmem>>) target_semaphore(%arg7 : memref<!tpu.dma_semaphore, #tpu.memory_space<semaphore_mem>>)
    %scan3A = arith.constant 0 : i32
    %scan3A_78 = arith.constant 0 : i32
    %scan3A_79 = arith.constant 8 : i32
    %scan3A_80 = arith.addi %scan3A_78, %scan3A_79 : i32
    %scan3A_81 = arith.constant 1 : i32
    scf.for %scan3A_234 = %scan3A_78 to %scan3A_80 step %scan3A_81  : i32 {
      %mul3A_235 = arith.constant 2 : i32
      %mul3A_236 = arith.muli %mul3A_235, %scan3A_234 : i32
      %mul3A_237 = arith.constant 4 : i32
      %mul3A_238 = arith.muli %mul3A_236, %mul3A_237 : i32
      %mul3A_239 = arith.constant 128 : i32
      %mul3A_240 = arith.muli %mul3A_238, %mul3A_239 : i32
      %add3A_241 = arith.constant 0 : i32
      %add3A_242 = arith.addi %mul3A_240, %add3A_241 : i32
      %dma_wait3A_243 = arith.constant 0 : i32
      %dma_wait3A_244 = arith.constant 0 : i32
      %dma_wait3A_245 = arith.constant 0 : i32
      %dma_wait3A_246 = tpu.memref_slice %arg5[%dma_wait3A_243, %dma_wait3A_244, %dma_wait3A_245] : memref<2x32x128xi32, #tpu.memory_space<vmem>> -> memref<1x32x128xi32, #tpu.memory_space<vmem>>
      %dma_wait3A_247 = tpu.memref_squeeze %dma_wait3A_246 : memref<1x32x128xi32, #tpu.memory_space<vmem>> -> memref<32x128xi32, #tpu.memory_space<vmem>>
      %dma_wait3A_248 = arith.constant 0 : i32
      %dma_wait3A_249 = arith.constant 0 : i32
      %dma_wait3A_250 = tpu.memref_slice %dma_wait3A_247[%dma_wait3A_248, %dma_wait3A_249] : memref<32x128xi32, #tpu.memory_space<vmem>> -> memref<8x128xi32, #tpu.memory_space<vmem>>
      %dma_wait3A_251 = tpu.memref_slice %arg3[%mul3A_2, %add3A_242] : memref<256x8192xi32, #tpu.memory_space<hbm>> -> memref<8x128xi32, #tpu.memory_space<hbm>>
      %dma_wait3A_252 = arith.constant 0 : i32
      %dma_wait3A_253 = arith.constant 0 : i32
      %dma_wait3A_254 = tpu.memref_slice %arg5[%dma_wait3A_243, %dma_wait3A_252, %dma_wait3A_253] : memref<2x32x128xi32, #tpu.memory_space<vmem>> -> memref<1x32x128xi32, #tpu.memory_space<vmem>>
      %dma_wait3A_255 = tpu.memref_squeeze %dma_wait3A_254 : memref<1x32x128xi32, #tpu.memory_space<vmem>> -> memref<32x128xi32, #tpu.memory_space<vmem>>
      %dma_wait3A_256 = arith.constant 0 : i32
      %dma_wait3A_257 = arith.constant 0 : i32
      %dma_wait3A_258 = tpu.memref_slice %dma_wait3A_255[%dma_wait3A_256, %dma_wait3A_257] : memref<32x128xi32, #tpu.memory_space<vmem>> -> memref<8x128xi32, #tpu.memory_space<vmem>>
      %dma_wait3A_259 = tpu.memref_slice %arg3[%mul3A_2, %add3A_242] : memref<256x8192xi32, #tpu.memory_space<hbm>> -> memref<8x128xi32, #tpu.memory_space<hbm>>
      tpu.wait_dma2 semaphore(%arg7 : memref<!tpu.dma_semaphore, #tpu.memory_space<semaphore_mem>>) src(%dma_wait3A_259 : memref<8x128xi32, #tpu.memory_space<hbm>>) dst(%dma_wait3A_258 : memref<8x128xi32, #tpu.memory_space<vmem>>)
      %mul3A_260 = arith.constant 4 : i32
      %mul3A_261 = arith.muli %mul3A_236, %mul3A_260 : i32
      %mul3A_262 = arith.constant 128 : i32
      %mul3A_263 = arith.muli %mul3A_261, %mul3A_262 : i32
      %add3A_264 = arith.constant 128 : i32
      %add3A_265 = arith.addi %mul3A_263, %add3A_264 : i32
      %dma_wait3A_266 = arith.constant 0 : i32
      %dma_wait3A_267 = arith.constant 0 : i32
      %dma_wait3A_268 = arith.constant 0 : i32
      %dma_wait3A_269 = tpu.memref_slice %arg5[%dma_wait3A_266, %dma_wait3A_267, %dma_wait3A_268] : memref<2x32x128xi32, #tpu.memory_space<vmem>> -> memref<1x32x128xi32, #tpu.memory_space<vmem>>
      %dma_wait3A_270 = tpu.memref_squeeze %dma_wait3A_269 : memref<1x32x128xi32, #tpu.memory_space<vmem>> -> memref<32x128xi32, #tpu.memory_space<vmem>>
      %dma_wait3A_271 = arith.constant 8 : i32
      %dma_wait3A_272 = arith.constant 0 : i32
      %dma_wait3A_273 = tpu.memref_slice %dma_wait3A_270[%dma_wait3A_271, %dma_wait3A_272] : memref<32x128xi32, #tpu.memory_space<vmem>> -> memref<8x128xi32, #tpu.memory_space<vmem>>
      %dma_wait3A_274 = tpu.memref_slice %arg3[%mul3A_2, %add3A_265] : memref<256x8192xi32, #tpu.memory_space<hbm>> -> memref<8x128xi32, #tpu.memory_space<hbm>>
      %dma_wait3A_275 = arith.constant 0 : i32
      %dma_wait3A_276 = arith.constant 0 : i32
      %dma_wait3A_277 = tpu.memref_slice %arg5[%dma_wait3A_266, %dma_wait3A_275, %dma_wait3A_276] : memref<2x32x128xi32, #tpu.memory_space<vmem>> -> memref<1x32x128xi32, #tpu.memory_space<vmem>>
      %dma_wait3A_278 = tpu.memref_squeeze %dma_wait3A_277 : memref<1x32x128xi32, #tpu.memory_space<vmem>> -> memref<32x128xi32, #tpu.memory_space<vmem>>
      %dma_wait3A_279 = arith.constant 8 : i32
      %dma_wait3A_280 = arith.constant 0 : i32
      %dma_wait3A_281 = tpu.memref_slice %dma_wait3A_278[%dma_wait3A_279, %dma_wait3A_280] : memref<32x128xi32, #tpu.memory_space<vmem>> -> memref<8x128xi32, #tpu.memory_space<vmem>>
      %dma_wait3A_282 = tpu.memref_slice %arg3[%mul3A_2, %add3A_265] : memref<256x8192xi32, #tpu.memory_space<hbm>> -> memref<8x128xi32, #tpu.memory_space<hbm>>
      tpu.wait_dma2 semaphore(%arg7 : memref<!tpu.dma_semaphore, #tpu.memory_space<semaphore_mem>>) src(%dma_wait3A_282 : memref<8x128xi32, #tpu.memory_space<hbm>>) dst(%dma_wait3A_281 : memref<8x128xi32, #tpu.memory_space<vmem>>)
      %mul3A_283 = arith.constant 4 : i32
      %mul3A_284 = arith.muli %mul3A_236, %mul3A_283 : i32
      %mul3A_285 = arith.constant 128 : i32
      %mul3A_286 = arith.muli %mul3A_284, %mul3A_285 : i32
      %add3A_287 = arith.constant 256 : i32
      %add3A_288 = arith.addi %mul3A_286, %add3A_287 : i32
      %dma_wait3A_289 = arith.constant 0 : i32
      %dma_wait3A_290 = arith.constant 0 : i32
      %dma_wait3A_291 = arith.constant 0 : i32
      %dma_wait3A_292 = tpu.memref_slice %arg5[%dma_wait3A_289, %dma_wait3A_290, %dma_wait3A_291] : memref<2x32x128xi32, #tpu.memory_space<vmem>> -> memref<1x32x128xi32, #tpu.memory_space<vmem>>
      %dma_wait3A_293 = tpu.memref_squeeze %dma_wait3A_292 : memref<1x32x128xi32, #tpu.memory_space<vmem>> -> memref<32x128xi32, #tpu.memory_space<vmem>>
      %dma_wait3A_294 = arith.constant 16 : i32
      %dma_wait3A_295 = arith.constant 0 : i32
      %dma_wait3A_296 = tpu.memref_slice %dma_wait3A_293[%dma_wait3A_294, %dma_wait3A_295] : memref<32x128xi32, #tpu.memory_space<vmem>> -> memref<8x128xi32, #tpu.memory_space<vmem>>
      %dma_wait3A_297 = tpu.memref_slice %arg3[%mul3A_2, %add3A_288] : memref<256x8192xi32, #tpu.memory_space<hbm>> -> memref<8x128xi32, #tpu.memory_space<hbm>>
      %dma_wait3A_298 = arith.constant 0 : i32
      %dma_wait3A_299 = arith.constant 0 : i32
      %dma_wait3A_300 = tpu.memref_slice %arg5[%dma_wait3A_289, %dma_wait3A_298, %dma_wait3A_299] : memref<2x32x128xi32, #tpu.memory_space<vmem>> -> memref<1x32x128xi32, #tpu.memory_space<vmem>>
      %dma_wait3A_301 = tpu.memref_squeeze %dma_wait3A_300 : memref<1x32x128xi32, #tpu.memory_space<vmem>> -> memref<32x128xi32, #tpu.memory_space<vmem>>
      %dma_wait3A_302 = arith.constant 16 : i32
      %dma_wait3A_303 = arith.constant 0 : i32
      %dma_wait3A_304 = tpu.memref_slice %dma_wait3A_301[%dma_wait3A_302, %dma_wait3A_303] : memref<32x128xi32, #tpu.memory_space<vmem>> -> memref<8x128xi32, #tpu.memory_space<vmem>>
      %dma_wait3A_305 = tpu.memref_slice %arg3[%mul3A_2, %add3A_288] : memref<256x8192xi32, #tpu.memory_space<hbm>> -> memref<8x128xi32, #tpu.memory_space<hbm>>
      tpu.wait_dma2 semaphore(%arg7 : memref<!tpu.dma_semaphore, #tpu.memory_space<semaphore_mem>>) src(%dma_wait3A_305 : memref<8x128xi32, #tpu.memory_space<hbm>>) dst(%dma_wait3A_304 : memref<8x128xi32, #tpu.memory_space<vmem>>)
      %mul3A_306 = arith.constant 4 : i32
      %mul3A_307 = arith.muli %mul3A_236, %mul3A_306 : i32
      %mul3A_308 = arith.constant 128 : i32
      %mul3A_309 = arith.muli %mul3A_307, %mul3A_308 : i32
      %add3A_310 = arith.constant 384 : i32
      %add3A_311 = arith.addi %mul3A_309, %add3A_310 : i32
      %dma_wait3A_312 = arith.constant 0 : i32
      %dma_wait3A_313 = arith.constant 0 : i32
      %dma_wait3A_314 = arith.constant 0 : i32
      %dma_wait3A_315 = tpu.memref_slice %arg5[%dma_wait3A_312, %dma_wait3A_313, %dma_wait3A_314] : memref<2x32x128xi32, #tpu.memory_space<vmem>> -> memref<1x32x128xi32, #tpu.memory_space<vmem>>
      %dma_wait3A_316 = tpu.memref_squeeze %dma_wait3A_315 : memref<1x32x128xi32, #tpu.memory_space<vmem>> -> memref<32x128xi32, #tpu.memory_space<vmem>>
      %dma_wait3A_317 = arith.constant 24 : i32
      %dma_wait3A_318 = arith.constant 0 : i32
      %dma_wait3A_319 = tpu.memref_slice %dma_wait3A_316[%dma_wait3A_317, %dma_wait3A_318] : memref<32x128xi32, #tpu.memory_space<vmem>> -> memref<8x128xi32, #tpu.memory_space<vmem>>
      %dma_wait3A_320 = tpu.memref_slice %arg3[%mul3A_2, %add3A_311] : memref<256x8192xi32, #tpu.memory_space<hbm>> -> memref<8x128xi32, #tpu.memory_space<hbm>>
      %dma_wait3A_321 = arith.constant 0 : i32
      %dma_wait3A_322 = arith.constant 0 : i32
      %dma_wait3A_323 = tpu.memref_slice %arg5[%dma_wait3A_312, %dma_wait3A_321, %dma_wait3A_322] : memref<2x32x128xi32, #tpu.memory_space<vmem>> -> memref<1x32x128xi32, #tpu.memory_space<vmem>>
      %dma_wait3A_324 = tpu.memref_squeeze %dma_wait3A_323 : memref<1x32x128xi32, #tpu.memory_space<vmem>> -> memref<32x128xi32, #tpu.memory_space<vmem>>
      %dma_wait3A_325 = arith.constant 24 : i32
      %dma_wait3A_326 = arith.constant 0 : i32
      %dma_wait3A_327 = tpu.memref_slice %dma_wait3A_324[%dma_wait3A_325, %dma_wait3A_326] : memref<32x128xi32, #tpu.memory_space<vmem>> -> memref<8x128xi32, #tpu.memory_space<vmem>>
      %dma_wait3A_328 = tpu.memref_slice %arg3[%mul3A_2, %add3A_311] : memref<256x8192xi32, #tpu.memory_space<hbm>> -> memref<8x128xi32, #tpu.memory_space<hbm>>
      tpu.wait_dma2 semaphore(%arg7 : memref<!tpu.dma_semaphore, #tpu.memory_space<semaphore_mem>>) src(%dma_wait3A_328 : memref<8x128xi32, #tpu.memory_space<hbm>>) dst(%dma_wait3A_327 : memref<8x128xi32, #tpu.memory_space<vmem>>)
      %ge3A = arith.constant 2 : i32
      %ge3A_329 = arith.cmpi sge, %mul3A_236, %ge3A : i32
      %convert_element_type3A = arith.extui %ge3A_329 : i1 to i32
      %cond3A = arith.constant 0 : i32
      %cond3A_330 = arith.cmpi ne, %convert_element_type3A, %cond3A : i32
      scf.if %cond3A_330 {
        %sub3A = arith.constant 2 : i32
        %sub3A_3189 = arith.subi %mul3A_236, %sub3A : i32
        %mul3A_3190 = arith.constant 4 : i32
        %mul3A_3191 = arith.muli %sub3A_3189, %mul3A_3190 : i32
        %mul3A_3192 = arith.constant 128 : i32
        %mul3A_3193 = arith.muli %mul3A_3191, %mul3A_3192 : i32
        %add3A_3194 = arith.constant 0 : i32
        %add3A_3195 = arith.addi %mul3A_3193, %add3A_3194 : i32
        %dma_wait3A_3196 = arith.constant 0 : i32
        %dma_wait3A_3197 = arith.constant 0 : i32
        %dma_wait3A_3198 = arith.constant 0 : i32
        %dma_wait3A_3199 = tpu.memref_slice %arg6[%dma_wait3A_3196, %dma_wait3A_3197, %dma_wait3A_3198] : memref<2x32x128xf32, #tpu.memory_space<vmem>> -> memref<1x32x128xf32, #tpu.memory_space<vmem>>
        %dma_wait3A_3200 = tpu.memref_squeeze %dma_wait3A_3199 : memref<1x32x128xf32, #tpu.memory_space<vmem>> -> memref<32x128xf32, #tpu.memory_space<vmem>>
        %dma_wait3A_3201 = arith.constant 0 : i32
        %dma_wait3A_3202 = arith.constant 0 : i32
        %dma_wait3A_3203 = tpu.memref_slice %dma_wait3A_3200[%dma_wait3A_3201, %dma_wait3A_3202] : memref<32x128xf32, #tpu.memory_space<vmem>> -> memref<8x128xf32, #tpu.memory_space<vmem>>
        %dma_wait3A_3204 = tpu.memref_slice %arg4[%mul3A_2, %add3A_3195] : memref<256x8192xf32, #tpu.memory_space<hbm>> -> memref<8x128xf32, #tpu.memory_space<hbm>>
        %dma_wait3A_3205 = tpu.memref_slice %arg4[%mul3A_2, %add3A_3195] : memref<256x8192xf32, #tpu.memory_space<hbm>> -> memref<8x128xf32, #tpu.memory_space<hbm>>
        %dma_wait3A_3206 = arith.constant 0 : i32
        %dma_wait3A_3207 = arith.constant 0 : i32
        %dma_wait3A_3208 = tpu.memref_slice %arg6[%dma_wait3A_3196, %dma_wait3A_3206, %dma_wait3A_3207] : memref<2x32x128xf32, #tpu.memory_space<vmem>> -> memref<1x32x128xf32, #tpu.memory_space<vmem>>
        %dma_wait3A_3209 = tpu.memref_squeeze %dma_wait3A_3208 : memref<1x32x128xf32, #tpu.memory_space<vmem>> -> memref<32x128xf32, #tpu.memory_space<vmem>>
        %dma_wait3A_3210 = arith.constant 0 : i32
        %dma_wait3A_3211 = arith.constant 0 : i32
        %dma_wait3A_3212 = tpu.memref_slice %dma_wait3A_3209[%dma_wait3A_3210, %dma_wait3A_3211] : memref<32x128xf32, #tpu.memory_space<vmem>> -> memref<8x128xf32, #tpu.memory_space<vmem>>
        tpu.wait_dma2 semaphore(%arg9 : memref<!tpu.dma_semaphore, #tpu.memory_space<semaphore_mem>>) src(%dma_wait3A_3212 : memref<8x128xf32, #tpu.memory_space<vmem>>) dst(%dma_wait3A_3205 : memref<8x128xf32, #tpu.memory_space<hbm>>)
        %sub3A_3213 = arith.constant 2 : i32
        %sub3A_3214 = arith.subi %mul3A_236, %sub3A_3213 : i32
        %mul3A_3215 = arith.constant 4 : i32
        %mul3A_3216 = arith.muli %sub3A_3214, %mul3A_3215 : i32
        %mul3A_3217 = arith.constant 128 : i32
        %mul3A_3218 = arith.muli %mul3A_3216, %mul3A_3217 : i32
        %add3A_3219 = arith.constant 128 : i32
        %add3A_3220 = arith.addi %mul3A_3218, %add3A_3219 : i32
        %dma_wait3A_3221 = arith.constant 0 : i32
        %dma_wait3A_3222 = arith.constant 0 : i32
        %dma_wait3A_3223 = arith.constant 0 : i32
        %dma_wait3A_3224 = tpu.memref_slice %arg6[%dma_wait3A_3221, %dma_wait3A_3222, %dma_wait3A_3223] : memref<2x32x128xf32, #tpu.memory_space<vmem>> -> memref<1x32x128xf32, #tpu.memory_space<vmem>>
        %dma_wait3A_3225 = tpu.memref_squeeze %dma_wait3A_3224 : memref<1x32x128xf32, #tpu.memory_space<vmem>> -> memref<32x128xf32, #tpu.memory_space<vmem>>
        %dma_wait3A_3226 = arith.constant 8 : i32
        %dma_wait3A_3227 = arith.constant 0 : i32
        %dma_wait3A_3228 = tpu.memref_slice %dma_wait3A_3225[%dma_wait3A_3226, %dma_wait3A_3227] : memref<32x128xf32, #tpu.memory_space<vmem>> -> memref<8x128xf32, #tpu.memory_space<vmem>>
        %dma_wait3A_3229 = tpu.memref_slice %arg4[%mul3A_2, %add3A_3220] : memref<256x8192xf32, #tpu.memory_space<hbm>> -> memref<8x128xf32, #tpu.memory_space<hbm>>
        %dma_wait3A_3230 = tpu.memref_slice %arg4[%mul3A_2, %add3A_3220] : memref<256x8192xf32, #tpu.memory_space<hbm>> -> memref<8x128xf32, #tpu.memory_space<hbm>>
        %dma_wait3A_3231 = arith.constant 0 : i32
        %dma_wait3A_3232 = arith.constant 0 : i32
        %dma_wait3A_3233 = tpu.memref_slice %arg6[%dma_wait3A_3221, %dma_wait3A_3231, %dma_wait3A_3232] : memref<2x32x128xf32, #tpu.memory_space<vmem>> -> memref<1x32x128xf32, #tpu.memory_space<vmem>>
        %dma_wait3A_3234 = tpu.memref_squeeze %dma_wait3A_3233 : memref<1x32x128xf32, #tpu.memory_space<vmem>> -> memref<32x128xf32, #tpu.memory_space<vmem>>
        %dma_wait3A_3235 = arith.constant 8 : i32
        %dma_wait3A_3236 = arith.constant 0 : i32
        %dma_wait3A_3237 = tpu.memref_slice %dma_wait3A_3234[%dma_wait3A_3235, %dma_wait3A_3236] : memref<32x128xf32, #tpu.memory_space<vmem>> -> memref<8x128xf32, #tpu.memory_space<vmem>>
        tpu.wait_dma2 semaphore(%arg9 : memref<!tpu.dma_semaphore, #tpu.memory_space<semaphore_mem>>) src(%dma_wait3A_3237 : memref<8x128xf32, #tpu.memory_space<vmem>>) dst(%dma_wait3A_3230 : memref<8x128xf32, #tpu.memory_space<hbm>>)
        %sub3A_3238 = arith.constant 2 : i32
        %sub3A_3239 = arith.subi %mul3A_236, %sub3A_3238 : i32
        %mul3A_3240 = arith.constant 4 : i32
        %mul3A_3241 = arith.muli %sub3A_3239, %mul3A_3240 : i32
        %mul3A_3242 = arith.constant 128 : i32
        %mul3A_3243 = arith.muli %mul3A_3241, %mul3A_3242 : i32
        %add3A_3244 = arith.constant 256 : i32
        %add3A_3245 = arith.addi %mul3A_3243, %add3A_3244 : i32
        %dma_wait3A_3246 = arith.constant 0 : i32
        %dma_wait3A_3247 = arith.constant 0 : i32
        %dma_wait3A_3248 = arith.constant 0 : i32
        %dma_wait3A_3249 = tpu.memref_slice %arg6[%dma_wait3A_3246, %dma_wait3A_3247, %dma_wait3A_3248] : memref<2x32x128xf32, #tpu.memory_space<vmem>> -> memref<1x32x128xf32, #tpu.memory_space<vmem>>
        %dma_wait3A_3250 = tpu.memref_squeeze %dma_wait3A_3249 : memref<1x32x128xf32, #tpu.memory_space<vmem>> -> memref<32x128xf32, #tpu.memory_space<vmem>>
        %dma_wait3A_3251 = arith.constant 16 : i32
        %dma_wait3A_3252 = arith.constant 0 : i32
        %dma_wait3A_3253 = tpu.memref_slice %dma_wait3A_3250[%dma_wait3A_3251, %dma_wait3A_3252] : memref<32x128xf32, #tpu.memory_space<vmem>> -> memref<8x128xf32, #tpu.memory_space<vmem>>
        %dma_wait3A_3254 = tpu.memref_slice %arg4[%mul3A_2, %add3A_3245] : memref<256x8192xf32, #tpu.memory_space<hbm>> -> memref<8x128xf32, #tpu.memory_space<hbm>>
        %dma_wait3A_3255 = tpu.memref_slice %arg4[%mul3A_2, %add3A_3245] : memref<256x8192xf32, #tpu.memory_space<hbm>> -> memref<8x128xf32, #tpu.memory_space<hbm>>
        %dma_wait3A_3256 = arith.constant 0 : i32
        %dma_wait3A_3257 = arith.constant 0 : i32
        %dma_wait3A_3258 = tpu.memref_slice %arg6[%dma_wait3A_3246, %dma_wait3A_3256, %dma_wait3A_3257] : memref<2x32x128xf32, #tpu.memory_space<vmem>> -> memref<1x32x128xf32, #tpu.memory_space<vmem>>
        %dma_wait3A_3259 = tpu.memref_squeeze %dma_wait3A_3258 : memref<1x32x128xf32, #tpu.memory_space<vmem>> -> memref<32x128xf32, #tpu.memory_space<vmem>>
        %dma_wait3A_3260 = arith.constant 16 : i32
        %dma_wait3A_3261 = arith.constant 0 : i32
        %dma_wait3A_3262 = tpu.memref_slice %dma_wait3A_3259[%dma_wait3A_3260, %dma_wait3A_3261] : memref<32x128xf32, #tpu.memory_space<vmem>> -> memref<8x128xf32, #tpu.memory_space<vmem>>
        tpu.wait_dma2 semaphore(%arg9 : memref<!tpu.dma_semaphore, #tpu.memory_space<semaphore_mem>>) src(%dma_wait3A_3262 : memref<8x128xf32, #tpu.memory_space<vmem>>) dst(%dma_wait3A_3255 : memref<8x128xf32, #tpu.memory_space<hbm>>)
        %sub3A_3263 = arith.constant 2 : i32
        %sub3A_3264 = arith.subi %mul3A_236, %sub3A_3263 : i32
        %mul3A_3265 = arith.constant 4 : i32
        %mul3A_3266 = arith.muli %sub3A_3264, %mul3A_3265 : i32
        %mul3A_3267 = arith.constant 128 : i32
        %mul3A_3268 = arith.muli %mul3A_3266, %mul3A_3267 : i32
        %add3A_3269 = arith.constant 384 : i32
        %add3A_3270 = arith.addi %mul3A_3268, %add3A_3269 : i32
        %dma_wait3A_3271 = arith.constant 0 : i32
        %dma_wait3A_3272 = arith.constant 0 : i32
        %dma_wait3A_3273 = arith.constant 0 : i32
        %dma_wait3A_3274 = tpu.memref_slice %arg6[%dma_wait3A_3271, %dma_wait3A_3272, %dma_wait3A_3273] : memref<2x32x128xf32, #tpu.memory_space<vmem>> -> memref<1x32x128xf32, #tpu.memory_space<vmem>>
        %dma_wait3A_3275 = tpu.memref_squeeze %dma_wait3A_3274 : memref<1x32x128xf32, #tpu.memory_space<vmem>> -> memref<32x128xf32, #tpu.memory_space<vmem>>
        %dma_wait3A_3276 = arith.constant 24 : i32
        %dma_wait3A_3277 = arith.constant 0 : i32
        %dma_wait3A_3278 = tpu.memref_slice %dma_wait3A_3275[%dma_wait3A_3276, %dma_wait3A_3277] : memref<32x128xf32, #tpu.memory_space<vmem>> -> memref<8x128xf32, #tpu.memory_space<vmem>>
        %dma_wait3A_3279 = tpu.memref_slice %arg4[%mul3A_2, %add3A_3270] : memref<256x8192xf32, #tpu.memory_space<hbm>> -> memref<8x128xf32, #tpu.memory_space<hbm>>
        %dma_wait3A_3280 = tpu.memref_slice %arg4[%mul3A_2, %add3A_3270] : memref<256x8192xf32, #tpu.memory_space<hbm>> -> memref<8x128xf32, #tpu.memory_space<hbm>>
        %dma_wait3A_3281 = arith.constant 0 : i32
        %dma_wait3A_3282 = arith.constant 0 : i32
        %dma_wait3A_3283 = tpu.memref_slice %arg6[%dma_wait3A_3271, %dma_wait3A_3281, %dma_wait3A_3282] : memref<2x32x128xf32, #tpu.memory_space<vmem>> -> memref<1x32x128xf32, #tpu.memory_space<vmem>>
        %dma_wait3A_3284 = tpu.memref_squeeze %dma_wait3A_3283 : memref<1x32x128xf32, #tpu.memory_space<vmem>> -> memref<32x128xf32, #tpu.memory_space<vmem>>
        %dma_wait3A_3285 = arith.constant 24 : i32
        %dma_wait3A_3286 = arith.constant 0 : i32
        %dma_wait3A_3287 = tpu.memref_slice %dma_wait3A_3284[%dma_wait3A_3285, %dma_wait3A_3286] : memref<32x128xf32, #tpu.memory_space<vmem>> -> memref<8x128xf32, #tpu.memory_space<vmem>>
        tpu.wait_dma2 semaphore(%arg9 : memref<!tpu.dma_semaphore, #tpu.memory_space<semaphore_mem>>) src(%dma_wait3A_3287 : memref<8x128xf32, #tpu.memory_space<vmem>>) dst(%dma_wait3A_3280 : memref<8x128xf32, #tpu.memory_space<hbm>>)
      } else {
      }
      %dma_start3A_331 = arith.constant 0 : i32
      %dma_start3A_332 = arith.constant 0 : i32
      %dma_start3A_333 = arith.constant 0 : i32
      %dma_start3A_334 = arith.constant 0 : i32
      %dma_start3A_335 = arith.constant 0 : i32
      %dma_start3A_336 = arith.constant 0 : i32
      %dma_start3A_337 = tpu.memref_slice %arg6[%dma_start3A_333, %dma_start3A_335, %dma_start3A_336] : memref<2x32x128xf32, #tpu.memory_space<vmem>> -> memref<1x32x128xf32, #tpu.memory_space<vmem>>
      %dma_start3A_338 = tpu.memref_squeeze %dma_start3A_337 : memref<1x32x128xf32, #tpu.memory_space<vmem>> -> memref<32x128xf32, #tpu.memory_space<vmem>>
      %dma_start3A_339 = arith.constant 0 : i32
      %dma_start3A_340 = tpu.memref_slice %dma_start3A_338[%dma_start3A_334, %dma_start3A_339] : memref<32x128xf32, #tpu.memory_space<vmem>> -> memref<1x128xf32, #tpu.memory_space<vmem>>
      %dma_start3A_341 = tpu.memref_squeeze %dma_start3A_340 : memref<1x128xf32, #tpu.memory_space<vmem>> -> memref<128xf32, #tpu.memory_space<vmem>>
      %dma_start3A_342 = arith.constant 0 : i32
      %dma_start3A_343 = arith.constant 0 : i32
      %dma_start3A_344 = tpu.memref_slice %arg5[%dma_start3A_331, %dma_start3A_342, %dma_start3A_343] : memref<2x32x128xi32, #tpu.memory_space<vmem>> -> memref<1x32x128xi32, #tpu.memory_space<vmem>>
      %dma_start3A_345 = tpu.memref_squeeze %dma_start3A_344 : memref<1x32x128xi32, #tpu.memory_space<vmem>> -> memref<32x128xi32, #tpu.memory_space<vmem>>
      %dma_start3A_346 = arith.constant 0 : i32
      %dma_start3A_347 = tpu.memref_slice %dma_start3A_345[%dma_start3A_332, %dma_start3A_346] : memref<32x128xi32, #tpu.memory_space<vmem>> -> memref<1x128xi32, #tpu.memory_space<vmem>>
      %dma_start3A_348 = tpu.memref_squeeze %dma_start3A_347 : memref<1x128xi32, #tpu.memory_space<vmem>> -> memref<128xi32, #tpu.memory_space<vmem>>
      %dma_start3A_349 = arith.constant 0 : i32
      %dma_start3A_350 = tpu.memref_slice %arg2[%dma_start3A_349] : memref<33554432xf32, #tpu.memory_space<hbm>> -> memref<33554432xf32, #tpu.memory_space<hbm>>
      tpu.enqueue_indirect_dma source(%dma_start3A_350 : memref<33554432xf32, #tpu.memory_space<hbm>>) target(%dma_start3A_341 : memref<128xf32, #tpu.memory_space<vmem>>) offsets(%dma_start3A_348 : memref<128xi32, #tpu.memory_space<vmem>>) semaphore(%arg8 : memref<!tpu.dma_semaphore, #tpu.memory_space<semaphore_mem>>)
      %dma_start3A_351 = arith.constant 0 : i32
      %dma_start3A_352 = arith.constant 1 : i32
      %dma_start3A_353 = arith.constant 0 : i32
      %dma_start3A_354 = arith.constant 1 : i32
      %dma_start3A_355 = arith.constant 0 : i32
      %dma_start3A_356 = arith.constant 0 : i32
      %dma_start3A_357 = tpu.memref_slice %arg6[%dma_start3A_353, %dma_start3A_355, %dma_start3A_356] : memref<2x32x128xf32, #tpu.memory_space<vmem>> -> memref<1x32x128xf32, #tpu.memory_space<vmem>>
      %dma_start3A_358 = tpu.memref_squeeze %dma_start3A_357 : memref<1x32x128xf32, #tpu.memory_space<vmem>> -> memref<32x128xf32, #tpu.memory_space<vmem>>
      %dma_start3A_359 = arith.constant 0 : i32
      %dma_start3A_360 = tpu.memref_slice %dma_start3A_358[%dma_start3A_354, %dma_start3A_359] : memref<32x128xf32, #tpu.memory_space<vmem>> -> memref<1x128xf32, #tpu.memory_space<vmem>>
      %dma_start3A_361 = tpu.memref_squeeze %dma_start3A_360 : memref<1x128xf32, #tpu.memory_space<vmem>> -> memref<128xf32, #tpu.memory_space<vmem>>
      %dma_start3A_362 = arith.constant 0 : i32
      %dma_start3A_363 = arith.constant 0 : i32
      %dma_start3A_364 = tpu.memref_slice %arg5[%dma_start3A_351, %dma_start3A_362, %dma_start3A_363] : memref<2x32x128xi32, #tpu.memory_space<vmem>> -> memref<1x32x128xi32, #tpu.memory_space<vmem>>
      %dma_start3A_365 = tpu.memref_squeeze %dma_start3A_364 : memref<1x32x128xi32, #tpu.memory_space<vmem>> -> memref<32x128xi32, #tpu.memory_space<vmem>>
      %dma_start3A_366 = arith.constant 0 : i32
      %dma_start3A_367 = tpu.memref_slice %dma_start3A_365[%dma_start3A_352, %dma_start3A_366] : memref<32x128xi32, #tpu.memory_space<vmem>> -> memref<1x128xi32, #tpu.memory_space<vmem>>
      %dma_start3A_368 = tpu.memref_squeeze %dma_start3A_367 : memref<1x128xi32, #tpu.memory_space<vmem>> -> memref<128xi32, #tpu.memory_space<vmem>>
      %dma_start3A_369 = arith.constant 0 : i32
      %dma_start3A_370 = tpu.memref_slice %arg2[%dma_start3A_369] : memref<33554432xf32, #tpu.memory_space<hbm>> -> memref<33554432xf32, #tpu.memory_space<hbm>>
      tpu.enqueue_indirect_dma source(%dma_start3A_370 : memref<33554432xf32, #tpu.memory_space<hbm>>) target(%dma_start3A_361 : memref<128xf32, #tpu.memory_space<vmem>>) offsets(%dma_start3A_368 : memref<128xi32, #tpu.memory_space<vmem>>) semaphore(%arg8 : memref<!tpu.dma_semaphore, #tpu.memory_space<semaphore_mem>>)
      %dma_start3A_371 = arith.constant 0 : i32
      %dma_start3A_372 = arith.constant 2 : i32
      %dma_start3A_373 = arith.constant 0 : i32
      %dma_start3A_374 = arith.constant 2 : i32
      %dma_start3A_375 = arith.constant 0 : i32
      %dma_start3A_376 = arith.constant 0 : i32
      %dma_start3A_377 = tpu.memref_slice %arg6[%dma_start3A_373, %dma_start3A_375, %dma_start3A_376] : memref<2x32x128xf32, #tpu.memory_space<vmem>> -> memref<1x32x128xf32, #tpu.memory_space<vmem>>
      %dma_start3A_378 = tpu.memref_squeeze %dma_start3A_377 : memref<1x32x128xf32, #tpu.memory_space<vmem>> -> memref<32x128xf32, #tpu.memory_space<vmem>>
      %dma_start3A_379 = arith.constant 0 : i32
      %dma_start3A_380 = tpu.memref_slice %dma_start3A_378[%dma_start3A_374, %dma_start3A_379] : memref<32x128xf32, #tpu.memory_space<vmem>> -> memref<1x128xf32, #tpu.memory_space<vmem>>
      %dma_start3A_381 = tpu.memref_squeeze %dma_start3A_380 : memref<1x128xf32, #tpu.memory_space<vmem>> -> memref<128xf32, #tpu.memory_space<vmem>>
      %dma_start3A_382 = arith.constant 0 : i32
      %dma_start3A_383 = arith.constant 0 : i32
      %dma_start3A_384 = tpu.memref_slice %arg5[%dma_start3A_371, %dma_start3A_382, %dma_start3A_383] : memref<2x32x128xi32, #tpu.memory_space<vmem>> -> memref<1x32x128xi32, #tpu.memory_space<vmem>>
      %dma_start3A_385 = tpu.memref_squeeze %dma_start3A_384 : memref<1x32x128xi32, #tpu.memory_space<vmem>> -> memref<32x128xi32, #tpu.memory_space<vmem>>
      %dma_start3A_386 = arith.constant 0 : i32
      %dma_start3A_387 = tpu.memref_slice %dma_start3A_385[%dma_start3A_372, %dma_start3A_386] : memref<32x128xi32, #tpu.memory_space<vmem>> -> memref<1x128xi32, #tpu.memory_space<vmem>>
      %dma_start3A_388 = tpu.memref_squeeze %dma_start3A_387 : memref<1x128xi32, #tpu.memory_space<vmem>> -> memref<128xi32, #tpu.memory_space<vmem>>
      %dma_start3A_389 = arith.constant 0 : i32
      %dma_start3A_390 = tpu.memref_slice %arg2[%dma_start3A_389] : memref<33554432xf32, #tpu.memory_space<hbm>> -> memref<33554432xf32, #tpu.memory_space<hbm>>
      tpu.enqueue_indirect_dma source(%dma_start3A_390 : memref<33554432xf32, #tpu.memory_space<hbm>>) target(%dma_start3A_381 : memref<128xf32, #tpu.memory_space<vmem>>) offsets(%dma_start3A_388 : memref<128xi32, #tpu.memory_space<vmem>>) semaphore(%arg8 : memref<!tpu.dma_semaphore, #tpu.memory_space<semaphore_mem>>)
      %dma_start3A_391 = arith.constant 0 : i32
      %dma_start3A_392 = arith.constant 3 : i32
      %dma_start3A_393 = arith.constant 0 : i32
      %dma_start3A_394 = arith.constant 3 : i32
      %dma_start3A_395 = arith.constant 0 : i32
      %dma_start3A_396 = arith.constant 0 : i32
      %dma_start3A_397 = tpu.memref_slice %arg6[%dma_start3A_393, %dma_start3A_395, %dma_start3A_396] : memref<2x32x128xf32, #tpu.memory_space<vmem>> -> memref<1x32x128xf32, #tpu.memory_space<vmem>>
      %dma_start3A_398 = tpu.memref_squeeze %dma_start3A_397 : memref<1x32x128xf32, #tpu.memory_space<vmem>> -> memref<32x128xf32, #tpu.memory_space<vmem>>
      %dma_start3A_399 = arith.constant 0 : i32
      %dma_start3A_400 = tpu.memref_slice %dma_start3A_398[%dma_start3A_394, %dma_start3A_399] : memref<32x128xf32, #tpu.memory_space<vmem>> -> memref<1x128xf32, #tpu.memory_space<vmem>>
      %dma_start3A_401 = tpu.memref_squeeze %dma_start3A_400 : memref<1x128xf32, #tpu.memory_space<vmem>> -> memref<128xf32, #tpu.memory_space<vmem>>
      %dma_start3A_402 = arith.constant 0 : i32
      %dma_start3A_403 = arith.constant 0 : i32
      %dma_start3A_404 = tpu.memref_slice %arg5[%dma_start3A_391, %dma_start3A_402, %dma_start3A_403] : memref<2x32x128xi32, #tpu.memory_space<vmem>> -> memref<1x32x128xi32, #tpu.memory_space<vmem>>
      %dma_start3A_405 = tpu.memref_squeeze %dma_start3A_404 : memref<1x32x128xi32, #tpu.memory_space<vmem>> -> memref<32x128xi32, #tpu.memory_space<vmem>>
      %dma_start3A_406 = arith.constant 0 : i32
      %dma_start3A_407 = tpu.memref_slice %dma_start3A_405[%dma_start3A_392, %dma_start3A_406] : memref<32x128xi32, #tpu.memory_space<vmem>> -> memref<1x128xi32, #tpu.memory_space<vmem>>
      %dma_start3A_408 = tpu.memref_squeeze %dma_start3A_407 : memref<1x128xi32, #tpu.memory_space<vmem>> -> memref<128xi32, #tpu.memory_space<vmem>>
      %dma_start3A_409 = arith.constant 0 : i32
      %dma_start3A_410 = tpu.memref_slice %arg2[%dma_start3A_409] : memref<33554432xf32, #tpu.memory_space<hbm>> -> memref<33554432xf32, #tpu.memory_space<hbm>>
      tpu.enqueue_indirect_dma source(%dma_start3A_410 : memref<33554432xf32, #tpu.memory_space<hbm>>) target(%dma_start3A_401 : memref<128xf32, #tpu.memory_space<vmem>>) offsets(%dma_start3A_408 : memref<128xi32, #tpu.memory_space<vmem>>) semaphore(%arg8 : memref<!tpu.dma_semaphore, #tpu.memory_space<semaphore_mem>>)
      %dma_start3A_411 = arith.constant 0 : i32
      %dma_start3A_412 = arith.constant 4 : i32
      %dma_start3A_413 = arith.constant 0 : i32
      %dma_start3A_414 = arith.constant 4 : i32
      %dma_start3A_415 = arith.constant 0 : i32
      %dma_start3A_416 = arith.constant 0 : i32
      %dma_start3A_417 = tpu.memref_slice %arg6[%dma_start3A_413, %dma_start3A_415, %dma_start3A_416] : memref<2x32x128xf32, #tpu.memory_space<vmem>> -> memref<1x32x128xf32, #tpu.memory_space<vmem>>
      %dma_start3A_418 = tpu.memref_squeeze %dma_start3A_417 : memref<1x32x128xf32, #tpu.memory_space<vmem>> -> memref<32x128xf32, #tpu.memory_space<vmem>>
      %dma_start3A_419 = arith.constant 0 : i32
      %dma_start3A_420 = tpu.memref_slice %dma_start3A_418[%dma_start3A_414, %dma_start3A_419] : memref<32x128xf32, #tpu.memory_space<vmem>> -> memref<1x128xf32, #tpu.memory_space<vmem>>
      %dma_start3A_421 = tpu.memref_squeeze %dma_start3A_420 : memref<1x128xf32, #tpu.memory_space<vmem>> -> memref<128xf32, #tpu.memory_space<vmem>>
      %dma_start3A_422 = arith.constant 0 : i32
      %dma_start3A_423 = arith.constant 0 : i32
      %dma_start3A_424 = tpu.memref_slice %arg5[%dma_start3A_411, %dma_start3A_422, %dma_start3A_423] : memref<2x32x128xi32, #tpu.memory_space<vmem>> -> memref<1x32x128xi32, #tpu.memory_space<vmem>>
      %dma_start3A_425 = tpu.memref_squeeze %dma_start3A_424 : memref<1x32x128xi32, #tpu.memory_space<vmem>> -> memref<32x128xi32, #tpu.memory_space<vmem>>
      %dma_start3A_426 = arith.constant 0 : i32
      %dma_start3A_427 = tpu.memref_slice %dma_start3A_425[%dma_start3A_412, %dma_start3A_426] : memref<32x128xi32, #tpu.memory_space<vmem>> -> memref<1x128xi32, #tpu.memory_space<vmem>>
      %dma_start3A_428 = tpu.memref_squeeze %dma_start3A_427 : memref<1x128xi32, #tpu.memory_space<vmem>> -> memref<128xi32, #tpu.memory_space<vmem>>
      %dma_start3A_429 = arith.constant 0 : i32
      %dma_start3A_430 = tpu.memref_slice %arg2[%dma_start3A_429] : memref<33554432xf32, #tpu.memory_space<hbm>> -> memref<33554432xf32, #tpu.memory_space<hbm>>
      tpu.enqueue_indirect_dma source(%dma_start3A_430 : memref<33554432xf32, #tpu.memory_space<hbm>>) target(%dma_start3A_421 : memref<128xf32, #tpu.memory_space<vmem>>) offsets(%dma_start3A_428 : memref<128xi32, #tpu.memory_space<vmem>>) semaphore(%arg8 : memref<!tpu.dma_semaphore, #tpu.memory_space<semaphore_mem>>)
      %dma_start3A_431 = arith.constant 0 : i32
      %dma_start3A_432 = arith.constant 5 : i32
      %dma_start3A_433 = arith.constant 0 : i32
      %dma_start3A_434 = arith.constant 5 : i32
      %dma_start3A_435 = arith.constant 0 : i32
      %dma_start3A_436 = arith.constant 0 : i32
      %dma_start3A_437 = tpu.memref_slice %arg6[%dma_start3A_433, %dma_start3A_435, %dma_start3A_436] : memref<2x32x128xf32, #tpu.memory_space<vmem>> -> memref<1x32x128xf32, #tpu.memory_space<vmem>>
      %dma_start3A_438 = tpu.memref_squeeze %dma_start3A_437 : memref<1x32x128xf32, #tpu.memory_space<vmem>> -> memref<32x128xf32, #tpu.memory_space<vmem>>
      %dma_start3A_439 = arith.constant 0 : i32
      %dma_start3A_440 = tpu.memref_slice %dma_start3A_438[%dma_start3A_434, %dma_start3A_439] : memref<32x128xf32, #tpu.memory_space<vmem>> -> memref<1x128xf32, #tpu.memory_space<vmem>>
      %dma_start3A_441 = tpu.memref_squeeze %dma_start3A_440 : memref<1x128xf32, #tpu.memory_space<vmem>> -> memref<128xf32, #tpu.memory_space<vmem>>
      %dma_start3A_442 = arith.constant 0 : i32
      %dma_start3A_443 = arith.constant 0 : i32
      %dma_start3A_444 = tpu.memref_slice %arg5[%dma_start3A_431, %dma_start3A_442, %dma_start3A_443] : memref<2x32x128xi32, #tpu.memory_space<vmem>> -> memref<1x32x128xi32, #tpu.memory_space<vmem>>
      %dma_start3A_445 = tpu.memref_squeeze %dma_start3A_444 : memref<1x32x128xi32, #tpu.memory_space<vmem>> -> memref<32x128xi32, #tpu.memory_space<vmem>>
      %dma_start3A_446 = arith.constant 0 : i32
      %dma_start3A_447 = tpu.memref_slice %dma_start3A_445[%dma_start3A_432, %dma_start3A_446] : memref<32x128xi32, #tpu.memory_space<vmem>> -> memref<1x128xi32, #tpu.memory_space<vmem>>
      %dma_start3A_448 = tpu.memref_squeeze %dma_start3A_447 : memref<1x128xi32, #tpu.memory_space<vmem>> -> memref<128xi32, #tpu.memory_space<vmem>>
      %dma_start3A_449 = arith.constant 0 : i32
      %dma_start3A_450 = tpu.memref_slice %arg2[%dma_start3A_449] : memref<33554432xf32, #tpu.memory_space<hbm>> -> memref<33554432xf32, #tpu.memory_space<hbm>>
      tpu.enqueue_indirect_dma source(%dma_start3A_450 : memref<33554432xf32, #tpu.memory_space<hbm>>) target(%dma_start3A_441 : memref<128xf32, #tpu.memory_space<vmem>>) offsets(%dma_start3A_448 : memref<128xi32, #tpu.memory_space<vmem>>) semaphore(%arg8 : memref<!tpu.dma_semaphore, #tpu.memory_space<semaphore_mem>>)
      %dma_start3A_451 = arith.constant 0 : i32
      %dma_start3A_452 = arith.constant 6 : i32
      %dma_start3A_453 = arith.constant 0 : i32
      %dma_start3A_454 = arith.constant 6 : i32
      %dma_start3A_455 = arith.constant 0 : i32
      %dma_start3A_456 = arith.constant 0 : i32
      %dma_start3A_457 = tpu.memref_slice %arg6[%dma_start3A_453, %dma_start3A_455, %dma_start3A_456] : memref<2x32x128xf32, #tpu.memory_space<vmem>> -> memref<1x32x128xf32, #tpu.memory_space<vmem>>
      %dma_start3A_458 = tpu.memref_squeeze %dma_start3A_457 : memref<1x32x128xf32, #tpu.memory_space<vmem>> -> memref<32x128xf32, #tpu.memory_space<vmem>>
      %dma_start3A_459 = arith.constant 0 : i32
      %dma_start3A_460 = tpu.memref_slice %dma_start3A_458[%dma_start3A_454, %dma_start3A_459] : memref<32x128xf32, #tpu.memory_space<vmem>> -> memref<1x128xf32, #tpu.memory_space<vmem>>
      %dma_start3A_461 = tpu.memref_squeeze %dma_start3A_460 : memref<1x128xf32, #tpu.memory_space<vmem>> -> memref<128xf32, #tpu.memory_space<vmem>>
      %dma_start3A_462 = arith.constant 0 : i32
      %dma_start3A_463 = arith.constant 0 : i32
      %dma_start3A_464 = tpu.memref_slice %arg5[%dma_start3A_451, %dma_start3A_462, %dma_start3A_463] : memref<2x32x128xi32, #tpu.memory_space<vmem>> -> memref<1x32x128xi32, #tpu.memory_space<vmem>>
      %dma_start3A_465 = tpu.memref_squeeze %dma_start3A_464 : memref<1x32x128xi32, #tpu.memory_space<vmem>> -> memref<32x128xi32, #tpu.memory_space<vmem>>
      %dma_start3A_466 = arith.constant 0 : i32
      %dma_start3A_467 = tpu.memref_slice %dma_start3A_465[%dma_start3A_452, %dma_start3A_466] : memref<32x128xi32, #tpu.memory_space<vmem>> -> memref<1x128xi32, #tpu.memory_space<vmem>>
      %dma_start3A_468 = tpu.memref_squeeze %dma_start3A_467 : memref<1x128xi32, #tpu.memory_space<vmem>> -> memref<128xi32, #tpu.memory_space<vmem>>
      %dma_start3A_469 = arith.constant 0 : i32
      %dma_start3A_470 = tpu.memref_slice %arg2[%dma_start3A_469] : memref<33554432xf32, #tpu.memory_space<hbm>> -> memref<33554432xf32, #tpu.memory_space<hbm>>
      tpu.enqueue_indirect_dma source(%dma_start3A_470 : memref<33554432xf32, #tpu.memory_space<hbm>>) target(%dma_start3A_461 : memref<128xf32, #tpu.memory_space<vmem>>) offsets(%dma_start3A_468 : memref<128xi32, #tpu.memory_space<vmem>>) semaphore(%arg8 : memref<!tpu.dma_semaphore, #tpu.memory_space<semaphore_mem>>)
      %dma_start3A_471 = arith.constant 0 : i32
      %dma_start3A_472 = arith.constant 7 : i32
      %dma_start3A_473 = arith.constant 0 : i32
      %dma_start3A_474 = arith.constant 7 : i32
      %dma_start3A_475 = arith.constant 0 : i32
      %dma_start3A_476 = arith.constant 0 : i32
      %dma_start3A_477 = tpu.memref_slice %arg6[%dma_start3A_473, %dma_start3A_475, %dma_start3A_476] : memref<2x32x128xf32, #tpu.memory_space<vmem>> -> memref<1x32x128xf32, #tpu.memory_space<vmem>>
      %dma_start3A_478 = tpu.memref_squeeze %dma_start3A_477 : memref<1x32x128xf32, #tpu.memory_space<vmem>> -> memref<32x128xf32, #tpu.memory_space<vmem>>
      %dma_start3A_479 = arith.constant 0 : i32
      %dma_start3A_480 = tpu.memref_slice %dma_start3A_478[%dma_start3A_474, %dma_start3A_479] : memref<32x128xf32, #tpu.memory_space<vmem>> -> memref<1x128xf32, #tpu.memory_space<vmem>>
      %dma_start3A_481 = tpu.memref_squeeze %dma_start3A_480 : memref<1x128xf32, #tpu.memory_space<vmem>> -> memref<128xf32, #tpu.memory_space<vmem>>
      %dma_start3A_482 = arith.constant 0 : i32
      %dma_start3A_483 = arith.constant 0 : i32
      %dma_start3A_484 = tpu.memref_slice %arg5[%dma_start3A_471, %dma_start3A_482, %dma_start3A_483] : memref<2x32x128xi32, #tpu.memory_space<vmem>> -> memref<1x32x128xi32, #tpu.memory_space<vmem>>
      %dma_start3A_485 = tpu.memref_squeeze %dma_start3A_484 : memref<1x32x128xi32, #tpu.memory_space<vmem>> -> memref<32x128xi32, #tpu.memory_space<vmem>>
      %dma_start3A_486 = arith.constant 0 : i32
      %dma_start3A_487 = tpu.memref_slice %dma_start3A_485[%dma_start3A_472, %dma_start3A_486] : memref<32x128xi32, #tpu.memory_space<vmem>> -> memref<1x128xi32, #tpu.memory_space<vmem>>
      %dma_start3A_488 = tpu.memref_squeeze %dma_start3A_487 : memref<1x128xi32, #tpu.memory_space<vmem>> -> memref<128xi32, #tpu.memory_space<vmem>>
      %dma_start3A_489 = arith.constant 0 : i32
      %dma_start3A_490 = tpu.memref_slice %arg2[%dma_start3A_489] : memref<33554432xf32, #tpu.memory_space<hbm>> -> memref<33554432xf32, #tpu.memory_space<hbm>>
      tpu.enqueue_indirect_dma source(%dma_start3A_490 : memref<33554432xf32, #tpu.memory_space<hbm>>) target(%dma_start3A_481 : memref<128xf32, #tpu.memory_space<vmem>>) offsets(%dma_start3A_488 : memref<128xi32, #tpu.memory_space<vmem>>) semaphore(%arg8 : memref<!tpu.dma_semaphore, #tpu.memory_space<semaphore_mem>>)
      %dma_start3A_491 = arith.constant 0 : i32
      %dma_start3A_492 = arith.constant 8 : i32
      %dma_start3A_493 = arith.constant 0 : i32
      %dma_start3A_494 = arith.constant 8 : i32
      %dma_start3A_495 = arith.constant 0 : i32
      %dma_start3A_496 = arith.constant 0 : i32
      %dma_start3A_497 = tpu.memref_slice %arg6[%dma_start3A_493, %dma_start3A_495, %dma_start3A_496] : memref<2x32x128xf32, #tpu.memory_space<vmem>> -> memref<1x32x128xf32, #tpu.memory_space<vmem>>
      %dma_start3A_498 = tpu.memref_squeeze %dma_start3A_497 : memref<1x32x128xf32, #tpu.memory_space<vmem>> -> memref<32x128xf32, #tpu.memory_space<vmem>>
      %dma_start3A_499 = arith.constant 0 : i32
      %dma_start3A_500 = tpu.memref_slice %dma_start3A_498[%dma_start3A_494, %dma_start3A_499] : memref<32x128xf32, #tpu.memory_space<vmem>> -> memref<1x128xf32, #tpu.memory_space<vmem>>
      %dma_start3A_501 = tpu.memref_squeeze %dma_start3A_500 : memref<1x128xf32, #tpu.memory_space<vmem>> -> memref<128xf32, #tpu.memory_space<vmem>>
      %dma_start3A_502 = arith.constant 0 : i32
      %dma_start3A_503 = arith.constant 0 : i32
      %dma_start3A_504 = tpu.memref_slice %arg5[%dma_start3A_491, %dma_start3A_502, %dma_start3A_503] : memref<2x32x128xi32, #tpu.memory_space<vmem>> -> memref<1x32x128xi32, #tpu.memory_space<vmem>>
      %dma_start3A_505 = tpu.memref_squeeze %dma_start3A_504 : memref<1x32x128xi32, #tpu.memory_space<vmem>> -> memref<32x128xi32, #tpu.memory_space<vmem>>
      %dma_start3A_506 = arith.constant 0 : i32
      %dma_start3A_507 = tpu.memref_slice %dma_start3A_505[%dma_start3A_492, %dma_start3A_506] : memref<32x128xi32, #tpu.memory_space<vmem>> -> memref<1x128xi32, #tpu.memory_space<vmem>>
      %dma_start3A_508 = tpu.memref_squeeze %dma_start3A_507 : memref<1x128xi32, #tpu.memory_space<vmem>> -> memref<128xi32, #tpu.memory_space<vmem>>
      %dma_start3A_509 = arith.constant 0 : i32
      %dma_start3A_510 = tpu.memref_slice %arg2[%dma_start3A_509] : memref<33554432xf32, #tpu.memory_space<hbm>> -> memref<33554432xf32, #tpu.memory_space<hbm>>
      tpu.enqueue_indirect_dma source(%dma_start3A_510 : memref<33554432xf32, #tpu.memory_space<hbm>>) target(%dma_start3A_501 : memref<128xf32, #tpu.memory_space<vmem>>) offsets(%dma_start3A_508 : memref<128xi32, #tpu.memory_space<vmem>>) semaphore(%arg8 : memref<!tpu.dma_semaphore, #tpu.memory_space<semaphore_mem>>)
      %dma_start3A_511 = arith.constant 0 : i32
      %dma_start3A_512 = arith.constant 9 : i32
      %dma_start3A_513 = arith.constant 0 : i32
      %dma_start3A_514 = arith.constant 9 : i32
      %dma_start3A_515 = arith.constant 0 : i32
      %dma_start3A_516 = arith.constant 0 : i32
      %dma_start3A_517 = tpu.memref_slice %arg6[%dma_start3A_513, %dma_start3A_515, %dma_start3A_516] : memref<2x32x128xf32, #tpu.memory_space<vmem>> -> memref<1x32x128xf32, #tpu.memory_space<vmem>>
      %dma_start3A_518 = tpu.memref_squeeze %dma_start3A_517 : memref<1x32x128xf32, #tpu.memory_space<vmem>> -> memref<32x128xf32, #tpu.memory_space<vmem>>
      %dma_start3A_519 = arith.constant 0 : i32
      %dma_start3A_520 = tpu.memref_slice %dma_start3A_518[%dma_start3A_514, %dma_start3A_519] : memref<32x128xf32, #tpu.memory_space<vmem>> -> memref<1x128xf32, #tpu.memory_space<vmem>>
      %dma_start3A_521 = tpu.memref_squeeze %dma_start3A_520 : memref<1x128xf32, #tpu.memory_space<vmem>> -> memref<128xf32, #tpu.memory_space<vmem>>
      %dma_start3A_522 = arith.constant 0 : i32
      %dma_start3A_523 = arith.constant 0 : i32
      %dma_start3A_524 = tpu.memref_slice %arg5[%dma_start3A_511, %dma_start3A_522, %dma_start3A_523] : memref<2x32x128xi32, #tpu.memory_space<vmem>> -> memref<1x32x128xi32, #tpu.memory_space<vmem>>
      %dma_start3A_525 = tpu.memref_squeeze %dma_start3A_524 : memref<1x32x128xi32, #tpu.memory_space<vmem>> -> memref<32x128xi32, #tpu.memory_space<vmem>>
      %dma_start3A_526 = arith.constant 0 : i32
      %dma_start3A_527 = tpu.memref_slice %dma_start3A_525[%dma_start3A_512, %dma_start3A_526] : memref<32x128xi32, #tpu.memory_space<vmem>> -> memref<1x128xi32, #tpu.memory_space<vmem>>
      %dma_start3A_528 = tpu.memref_squeeze %dma_start3A_527 : memref<1x128xi32, #tpu.memory_space<vmem>> -> memref<128xi32, #tpu.memory_space<vmem>>
      %dma_start3A_529 = arith.constant 0 : i32
      %dma_start3A_530 = tpu.memref_slice %arg2[%dma_start3A_529] : memref<33554432xf32, #tpu.memory_space<hbm>> -> memref<33554432xf32, #tpu.memory_space<hbm>>
      tpu.enqueue_indirect_dma source(%dma_start3A_530 : memref<33554432xf32, #tpu.memory_space<hbm>>) target(%dma_start3A_521 : memref<128xf32, #tpu.memory_space<vmem>>) offsets(%dma_start3A_528 : memref<128xi32, #tpu.memory_space<vmem>>) semaphore(%arg8 : memref<!tpu.dma_semaphore, #tpu.memory_space<semaphore_mem>>)
      %dma_start3A_531 = arith.constant 0 : i32
      %dma_start3A_532 = arith.constant 10 : i32
      %dma_start3A_533 = arith.constant 0 : i32
      %dma_start3A_534 = arith.constant 10 : i32
      %dma_start3A_535 = arith.constant 0 : i32
      %dma_start3A_536 = arith.constant 0 : i32
      %dma_start3A_537 = tpu.memref_slice %arg6[%dma_start3A_533, %dma_start3A_535, %dma_start3A_536] : memref<2x32x128xf32, #tpu.memory_space<vmem>> -> memref<1x32x128xf32, #tpu.memory_space<vmem>>
      %dma_start3A_538 = tpu.memref_squeeze %dma_start3A_537 : memref<1x32x128xf32, #tpu.memory_space<vmem>> -> memref<32x128xf32, #tpu.memory_space<vmem>>
      %dma_start3A_539 = arith.constant 0 : i32
      %dma_start3A_540 = tpu.memref_slice %dma_start3A_538[%dma_start3A_534, %dma_start3A_539] : memref<32x128xf32, #tpu.memory_space<vmem>> -> memref<1x128xf32, #tpu.memory_space<vmem>>
      %dma_start3A_541 = tpu.memref_squeeze %dma_start3A_540 : memref<1x128xf32, #tpu.memory_space<vmem>> -> memref<128xf32, #tpu.memory_space<vmem>>
      %dma_start3A_542 = arith.constant 0 : i32
      %dma_start3A_543 = arith.constant 0 : i32
      %dma_start3A_544 = tpu.memref_slice %arg5[%dma_start3A_531, %dma_start3A_542, %dma_start3A_543] : memref<2x32x128xi32, #tpu.memory_space<vmem>> -> memref<1x32x128xi32, #tpu.memory_space<vmem>>
      %dma_start3A_545 = tpu.memref_squeeze %dma_start3A_544 : memref<1x32x128xi32, #tpu.memory_space<vmem>> -> memref<32x128xi32, #tpu.memory_space<vmem>>
      %dma_start3A_546 = arith.constant 0 : i32
      %dma_start3A_547 = tpu.memref_slice %dma_start3A_545[%dma_start3A_532, %dma_start3A_546] : memref<32x128xi32, #tpu.memory_space<vmem>> -> memref<1x128xi32, #tpu.memory_space<vmem>>
      %dma_start3A_548 = tpu.memref_squeeze %dma_start3A_547 : memref<1x128xi32, #tpu.memory_space<vmem>> -> memref<128xi32, #tpu.memory_space<vmem>>
      %dma_start3A_549 = arith.constant 0 : i32
      %dma_start3A_550 = tpu.memref_slice %arg2[%dma_start3A_549] : memref<33554432xf32, #tpu.memory_space<hbm>> -> memref<33554432xf32, #tpu.memory_space<hbm>>
      tpu.enqueue_indirect_dma source(%dma_start3A_550 : memref<33554432xf32, #tpu.memory_space<hbm>>) target(%dma_start3A_541 : memref<128xf32, #tpu.memory_space<vmem>>) offsets(%dma_start3A_548 : memref<128xi32, #tpu.memory_space<vmem>>) semaphore(%arg8 : memref<!tpu.dma_semaphore, #tpu.memory_space<semaphore_mem>>)
      %dma_start3A_551 = arith.constant 0 : i32
      %dma_start3A_552 = arith.constant 11 : i32
      %dma_start3A_553 = arith.constant 0 : i32
      %dma_start3A_554 = arith.constant 11 : i32
      %dma_start3A_555 = arith.constant 0 : i32
      %dma_start3A_556 = arith.constant 0 : i32
      %dma_start3A_557 = tpu.memref_slice %arg6[%dma_start3A_553, %dma_start3A_555, %dma_start3A_556] : memref<2x32x128xf32, #tpu.memory_space<vmem>> -> memref<1x32x128xf32, #tpu.memory_space<vmem>>
      %dma_start3A_558 = tpu.memref_squeeze %dma_start3A_557 : memref<1x32x128xf32, #tpu.memory_space<vmem>> -> memref<32x128xf32, #tpu.memory_space<vmem>>
      %dma_start3A_559 = arith.constant 0 : i32
      %dma_start3A_560 = tpu.memref_slice %dma_start3A_558[%dma_start3A_554, %dma_start3A_559] : memref<32x128xf32, #tpu.memory_space<vmem>> -> memref<1x128xf32, #tpu.memory_space<vmem>>
      %dma_start3A_561 = tpu.memref_squeeze %dma_start3A_560 : memref<1x128xf32, #tpu.memory_space<vmem>> -> memref<128xf32, #tpu.memory_space<vmem>>
      %dma_start3A_562 = arith.constant 0 : i32
      %dma_start3A_563 = arith.constant 0 : i32
      %dma_start3A_564 = tpu.memref_slice %arg5[%dma_start3A_551, %dma_start3A_562, %dma_start3A_563] : memref<2x32x128xi32, #tpu.memory_space<vmem>> -> memref<1x32x128xi32, #tpu.memory_space<vmem>>
      %dma_start3A_565 = tpu.memref_squeeze %dma_start3A_564 : memref<1x32x128xi32, #tpu.memory_space<vmem>> -> memref<32x128xi32, #tpu.memory_space<vmem>>
      %dma_start3A_566 = arith.constant 0 : i32
      %dma_start3A_567 = tpu.memref_slice %dma_start3A_565[%dma_start3A_552, %dma_start3A_566] : memref<32x128xi32, #tpu.memory_space<vmem>> -> memref<1x128xi32, #tpu.memory_space<vmem>>
      %dma_start3A_568 = tpu.memref_squeeze %dma_start3A_567 : memref<1x128xi32, #tpu.memory_space<vmem>> -> memref<128xi32, #tpu.memory_space<vmem>>
      %dma_start3A_569 = arith.constant 0 : i32
      %dma_start3A_570 = tpu.memref_slice %arg2[%dma_start3A_569] : memref<33554432xf32, #tpu.memory_space<hbm>> -> memref<33554432xf32, #tpu.memory_space<hbm>>
      tpu.enqueue_indirect_dma source(%dma_start3A_570 : memref<33554432xf32, #tpu.memory_space<hbm>>) target(%dma_start3A_561 : memref<128xf32, #tpu.memory_space<vmem>>) offsets(%dma_start3A_568 : memref<128xi32, #tpu.memory_space<vmem>>) semaphore(%arg8 : memref<!tpu.dma_semaphore, #tpu.memory_space<semaphore_mem>>)
      %dma_start3A_571 = arith.constant 0 : i32
      %dma_start3A_572 = arith.constant 12 : i32
      %dma_start3A_573 = arith.constant 0 : i32
      %dma_start3A_574 = arith.constant 12 : i32
      %dma_start3A_575 = arith.constant 0 : i32
      %dma_start3A_576 = arith.constant 0 : i32
      %dma_start3A_577 = tpu.memref_slice %arg6[%dma_start3A_573, %dma_start3A_575, %dma_start3A_576] : memref<2x32x128xf32, #tpu.memory_space<vmem>> -> memref<1x32x128xf32, #tpu.memory_space<vmem>>
      %dma_start3A_578 = tpu.memref_squeeze %dma_start3A_577 : memref<1x32x128xf32, #tpu.memory_space<vmem>> -> memref<32x128xf32, #tpu.memory_space<vmem>>
      %dma_start3A_579 = arith.constant 0 : i32
      %dma_start3A_580 = tpu.memref_slice %dma_start3A_578[%dma_start3A_574, %dma_start3A_579] : memref<32x128xf32, #tpu.memory_space<vmem>> -> memref<1x128xf32, #tpu.memory_space<vmem>>
      %dma_start3A_581 = tpu.memref_squeeze %dma_start3A_580 : memref<1x128xf32, #tpu.memory_space<vmem>> -> memref<128xf32, #tpu.memory_space<vmem>>
      %dma_start3A_582 = arith.constant 0 : i32
      %dma_start3A_583 = arith.constant 0 : i32
      %dma_start3A_584 = tpu.memref_slice %arg5[%dma_start3A_571, %dma_start3A_582, %dma_start3A_583] : memref<2x32x128xi32, #tpu.memory_space<vmem>> -> memref<1x32x128xi32, #tpu.memory_space<vmem>>
      %dma_start3A_585 = tpu.memref_squeeze %dma_start3A_584 : memref<1x32x128xi32, #tpu.memory_space<vmem>> -> memref<32x128xi32, #tpu.memory_space<vmem>>
      %dma_start3A_586 = arith.constant 0 : i32
      %dma_start3A_587 = tpu.memref_slice %dma_start3A_585[%dma_start3A_572, %dma_start3A_586] : memref<32x128xi32, #tpu.memory_space<vmem>> -> memref<1x128xi32, #tpu.memory_space<vmem>>
      %dma_start3A_588 = tpu.memref_squeeze %dma_start3A_587 : memref<1x128xi32, #tpu.memory_space<vmem>> -> memref<128xi32, #tpu.memory_space<vmem>>
      %dma_start3A_589 = arith.constant 0 : i32
      %dma_start3A_590 = tpu.memref_slice %arg2[%dma_start3A_589] : memref<33554432xf32, #tpu.memory_space<hbm>> -> memref<33554432xf32, #tpu.memory_space<hbm>>
      tpu.enqueue_indirect_dma source(%dma_start3A_590 : memref<33554432xf32, #tpu.memory_space<hbm>>) target(%dma_start3A_581 : memref<128xf32, #tpu.memory_space<vmem>>) offsets(%dma_start3A_588 : memref<128xi32, #tpu.memory_space<vmem>>) semaphore(%arg8 : memref<!tpu.dma_semaphore, #tpu.memory_space<semaphore_mem>>)
      %dma_start3A_591 = arith.constant 0 : i32
      %dma_start3A_592 = arith.constant 13 : i32
      %dma_start3A_593 = arith.constant 0 : i32
      %dma_start3A_594 = arith.constant 13 : i32
      %dma_start3A_595 = arith.constant 0 : i32
      %dma_start3A_596 = arith.constant 0 : i32
      %dma_start3A_597 = tpu.memref_slice %arg6[%dma_start3A_593, %dma_start3A_595, %dma_start3A_596] : memref<2x32x128xf32, #tpu.memory_space<vmem>> -> memref<1x32x128xf32, #tpu.memory_space<vmem>>
      %dma_start3A_598 = tpu.memref_squeeze %dma_start3A_597 : memref<1x32x128xf32, #tpu.memory_space<vmem>> -> memref<32x128xf32, #tpu.memory_space<vmem>>
      %dma_start3A_599 = arith.constant 0 : i32
      %dma_start3A_600 = tpu.memref_slice %dma_start3A_598[%dma_start3A_594, %dma_start3A_599] : memref<32x128xf32, #tpu.memory_space<vmem>> -> memref<1x128xf32, #tpu.memory_space<vmem>>
      %dma_start3A_601 = tpu.memref_squeeze %dma_start3A_600 : memref<1x128xf32, #tpu.memory_space<vmem>> -> memref<128xf32, #tpu.memory_space<vmem>>
      %dma_start3A_602 = arith.constant 0 : i32
      %dma_start3A_603 = arith.constant 0 : i32
      %dma_start3A_604 = tpu.memref_slice %arg5[%dma_start3A_591, %dma_start3A_602, %dma_start3A_603] : memref<2x32x128xi32, #tpu.memory_space<vmem>> -> memref<1x32x128xi32, #tpu.memory_space<vmem>>
      %dma_start3A_605 = tpu.memref_squeeze %dma_start3A_604 : memref<1x32x128xi32, #tpu.memory_space<vmem>> -> memref<32x128xi32, #tpu.memory_space<vmem>>
      %dma_start3A_606 = arith.constant 0 : i32
      %dma_start3A_607 = tpu.memref_slice %dma_start3A_605[%dma_start3A_592, %dma_start3A_606] : memref<32x128xi32, #tpu.memory_space<vmem>> -> memref<1x128xi32, #tpu.memory_space<vmem>>
      %dma_start3A_608 = tpu.memref_squeeze %dma_start3A_607 : memref<1x128xi32, #tpu.memory_space<vmem>> -> memref<128xi32, #tpu.memory_space<vmem>>
      %dma_start3A_609 = arith.constant 0 : i32
      %dma_start3A_610 = tpu.memref_slice %arg2[%dma_start3A_609] : memref<33554432xf32, #tpu.memory_space<hbm>> -> memref<33554432xf32, #tpu.memory_space<hbm>>
      tpu.enqueue_indirect_dma source(%dma_start3A_610 : memref<33554432xf32, #tpu.memory_space<hbm>>) target(%dma_start3A_601 : memref<128xf32, #tpu.memory_space<vmem>>) offsets(%dma_start3A_608 : memref<128xi32, #tpu.memory_space<vmem>>) semaphore(%arg8 : memref<!tpu.dma_semaphore, #tpu.memory_space<semaphore_mem>>)
      %dma_start3A_611 = arith.constant 0 : i32
      %dma_start3A_612 = arith.constant 14 : i32
      %dma_start3A_613 = arith.constant 0 : i32
      %dma_start3A_614 = arith.constant 14 : i32
      %dma_start3A_615 = arith.constant 0 : i32
      %dma_start3A_616 = arith.constant 0 : i32
      %dma_start3A_617 = tpu.memref_slice %arg6[%dma_start3A_613, %dma_start3A_615, %dma_start3A_616] : memref<2x32x128xf32, #tpu.memory_space<vmem>> -> memref<1x32x128xf32, #tpu.memory_space<vmem>>
      %dma_start3A_618 = tpu.memref_squeeze %dma_start3A_617 : memref<1x32x128xf32, #tpu.memory_space<vmem>> -> memref<32x128xf32, #tpu.memory_space<vmem>>
      %dma_start3A_619 = arith.constant 0 : i32
      %dma_start3A_620 = tpu.memref_slice %dma_start3A_618[%dma_start3A_614, %dma_start3A_619] : memref<32x128xf32, #tpu.memory_space<vmem>> -> memref<1x128xf32, #tpu.memory_space<vmem>>
      %dma_start3A_621 = tpu.memref_squeeze %dma_start3A_620 : memref<1x128xf32, #tpu.memory_space<vmem>> -> memref<128xf32, #tpu.memory_space<vmem>>
      %dma_start3A_622 = arith.constant 0 : i32
      %dma_start3A_623 = arith.constant 0 : i32
      %dma_start3A_624 = tpu.memref_slice %arg5[%dma_start3A_611, %dma_start3A_622, %dma_start3A_623] : memref<2x32x128xi32, #tpu.memory_space<vmem>> -> memref<1x32x128xi32, #tpu.memory_space<vmem>>
      %dma_start3A_625 = tpu.memref_squeeze %dma_start3A_624 : memref<1x32x128xi32, #tpu.memory_space<vmem>> -> memref<32x128xi32, #tpu.memory_space<vmem>>
      %dma_start3A_626 = arith.constant 0 : i32
      %dma_start3A_627 = tpu.memref_slice %dma_start3A_625[%dma_start3A_612, %dma_start3A_626] : memref<32x128xi32, #tpu.memory_space<vmem>> -> memref<1x128xi32, #tpu.memory_space<vmem>>
      %dma_start3A_628 = tpu.memref_squeeze %dma_start3A_627 : memref<1x128xi32, #tpu.memory_space<vmem>> -> memref<128xi32, #tpu.memory_space<vmem>>
      %dma_start3A_629 = arith.constant 0 : i32
      %dma_start3A_630 = tpu.memref_slice %arg2[%dma_start3A_629] : memref<33554432xf32, #tpu.memory_space<hbm>> -> memref<33554432xf32, #tpu.memory_space<hbm>>
      tpu.enqueue_indirect_dma source(%dma_start3A_630 : memref<33554432xf32, #tpu.memory_space<hbm>>) target(%dma_start3A_621 : memref<128xf32, #tpu.memory_space<vmem>>) offsets(%dma_start3A_628 : memref<128xi32, #tpu.memory_space<vmem>>) semaphore(%arg8 : memref<!tpu.dma_semaphore, #tpu.memory_space<semaphore_mem>>)
      %dma_start3A_631 = arith.constant 0 : i32
      %dma_start3A_632 = arith.constant 15 : i32
      %dma_start3A_633 = arith.constant 0 : i32
      %dma_start3A_634 = arith.constant 15 : i32
      %dma_start3A_635 = arith.constant 0 : i32
      %dma_start3A_636 = arith.constant 0 : i32
      %dma_start3A_637 = tpu.memref_slice %arg6[%dma_start3A_633, %dma_start3A_635, %dma_start3A_636] : memref<2x32x128xf32, #tpu.memory_space<vmem>> -> memref<1x32x128xf32, #tpu.memory_space<vmem>>
      %dma_start3A_638 = tpu.memref_squeeze %dma_start3A_637 : memref<1x32x128xf32, #tpu.memory_space<vmem>> -> memref<32x128xf32, #tpu.memory_space<vmem>>
      %dma_start3A_639 = arith.constant 0 : i32
      %dma_start3A_640 = tpu.memref_slice %dma_start3A_638[%dma_start3A_634, %dma_start3A_639] : memref<32x128xf32, #tpu.memory_space<vmem>> -> memref<1x128xf32, #tpu.memory_space<vmem>>
      %dma_start3A_641 = tpu.memref_squeeze %dma_start3A_640 : memref<1x128xf32, #tpu.memory_space<vmem>> -> memref<128xf32, #tpu.memory_space<vmem>>
      %dma_start3A_642 = arith.constant 0 : i32
      %dma_start3A_643 = arith.constant 0 : i32
      %dma_start3A_644 = tpu.memref_slice %arg5[%dma_start3A_631, %dma_start3A_642, %dma_start3A_643] : memref<2x32x128xi32, #tpu.memory_space<vmem>> -> memref<1x32x128xi32, #tpu.memory_space<vmem>>
      %dma_start3A_645 = tpu.memref_squeeze %dma_start3A_644 : memref<1x32x128xi32, #tpu.memory_space<vmem>> -> memref<32x128xi32, #tpu.memory_space<vmem>>
      %dma_start3A_646 = arith.constant 0 : i32
      %dma_start3A_647 = tpu.memref_slice %dma_start3A_645[%dma_start3A_632, %dma_start3A_646] : memref<32x128xi32, #tpu.memory_space<vmem>> -> memref<1x128xi32, #tpu.memory_space<vmem>>
      %dma_start3A_648 = tpu.memref_squeeze %dma_start3A_647 : memref<1x128xi32, #tpu.memory_space<vmem>> -> memref<128xi32, #tpu.memory_space<vmem>>
      %dma_start3A_649 = arith.constant 0 : i32
      %dma_start3A_650 = tpu.memref_slice %arg2[%dma_start3A_649] : memref<33554432xf32, #tpu.memory_space<hbm>> -> memref<33554432xf32, #tpu.memory_space<hbm>>
      tpu.enqueue_indirect_dma source(%dma_start3A_650 : memref<33554432xf32, #tpu.memory_space<hbm>>) target(%dma_start3A_641 : memref<128xf32, #tpu.memory_space<vmem>>) offsets(%dma_start3A_648 : memref<128xi32, #tpu.memory_space<vmem>>) semaphore(%arg8 : memref<!tpu.dma_semaphore, #tpu.memory_space<semaphore_mem>>)
      %dma_start3A_651 = arith.constant 0 : i32
      %dma_start3A_652 = arith.constant 16 : i32
      %dma_start3A_653 = arith.constant 0 : i32
      %dma_start3A_654 = arith.constant 16 : i32
      %dma_start3A_655 = arith.constant 0 : i32
      %dma_start3A_656 = arith.constant 0 : i32
      %dma_start3A_657 = tpu.memref_slice %arg6[%dma_start3A_653, %dma_start3A_655, %dma_start3A_656] : memref<2x32x128xf32, #tpu.memory_space<vmem>> -> memref<1x32x128xf32, #tpu.memory_space<vmem>>
      %dma_start3A_658 = tpu.memref_squeeze %dma_start3A_657 : memref<1x32x128xf32, #tpu.memory_space<vmem>> -> memref<32x128xf32, #tpu.memory_space<vmem>>
      %dma_start3A_659 = arith.constant 0 : i32
      %dma_start3A_660 = tpu.memref_slice %dma_start3A_658[%dma_start3A_654, %dma_start3A_659] : memref<32x128xf32, #tpu.memory_space<vmem>> -> memref<1x128xf32, #tpu.memory_space<vmem>>
      %dma_start3A_661 = tpu.memref_squeeze %dma_start3A_660 : memref<1x128xf32, #tpu.memory_space<vmem>> -> memref<128xf32, #tpu.memory_space<vmem>>
      %dma_start3A_662 = arith.constant 0 : i32
      %dma_start3A_663 = arith.constant 0 : i32
      %dma_start3A_664 = tpu.memref_slice %arg5[%dma_start3A_651, %dma_start3A_662, %dma_start3A_663] : memref<2x32x128xi32, #tpu.memory_space<vmem>> -> memref<1x32x128xi32, #tpu.memory_space<vmem>>
      %dma_start3A_665 = tpu.memref_squeeze %dma_start3A_664 : memref<1x32x128xi32, #tpu.memory_space<vmem>> -> memref<32x128xi32, #tpu.memory_space<vmem>>
      %dma_start3A_666 = arith.constant 0 : i32
      %dma_start3A_667 = tpu.memref_slice %dma_start3A_665[%dma_start3A_652, %dma_start3A_666] : memref<32x128xi32, #tpu.memory_space<vmem>> -> memref<1x128xi32, #tpu.memory_space<vmem>>
      %dma_start3A_668 = tpu.memref_squeeze %dma_start3A_667 : memref<1x128xi32, #tpu.memory_space<vmem>> -> memref<128xi32, #tpu.memory_space<vmem>>
      %dma_start3A_669 = arith.constant 0 : i32
      %dma_start3A_670 = tpu.memref_slice %arg2[%dma_start3A_669] : memref<33554432xf32, #tpu.memory_space<hbm>> -> memref<33554432xf32, #tpu.memory_space<hbm>>
      tpu.enqueue_indirect_dma source(%dma_start3A_670 : memref<33554432xf32, #tpu.memory_space<hbm>>) target(%dma_start3A_661 : memref<128xf32, #tpu.memory_space<vmem>>) offsets(%dma_start3A_668 : memref<128xi32, #tpu.memory_space<vmem>>) semaphore(%arg8 : memref<!tpu.dma_semaphore, #tpu.memory_space<semaphore_mem>>)
      %dma_start3A_671 = arith.constant 0 : i32
      %dma_start3A_672 = arith.constant 17 : i32
      %dma_start3A_673 = arith.constant 0 : i32
      %dma_start3A_674 = arith.constant 17 : i32
      %dma_start3A_675 = arith.constant 0 : i32
      %dma_start3A_676 = arith.constant 0 : i32
      %dma_start3A_677 = tpu.memref_slice %arg6[%dma_start3A_673, %dma_start3A_675, %dma_start3A_676] : memref<2x32x128xf32, #tpu.memory_space<vmem>> -> memref<1x32x128xf32, #tpu.memory_space<vmem>>
      %dma_start3A_678 = tpu.memref_squeeze %dma_start3A_677 : memref<1x32x128xf32, #tpu.memory_space<vmem>> -> memref<32x128xf32, #tpu.memory_space<vmem>>
      %dma_start3A_679 = arith.constant 0 : i32
      %dma_start3A_680 = tpu.memref_slice %dma_start3A_678[%dma_start3A_674, %dma_start3A_679] : memref<32x128xf32, #tpu.memory_space<vmem>> -> memref<1x128xf32, #tpu.memory_space<vmem>>
      %dma_start3A_681 = tpu.memref_squeeze %dma_start3A_680 : memref<1x128xf32, #tpu.memory_space<vmem>> -> memref<128xf32, #tpu.memory_space<vmem>>
      %dma_start3A_682 = arith.constant 0 : i32
      %dma_start3A_683 = arith.constant 0 : i32
      %dma_start3A_684 = tpu.memref_slice %arg5[%dma_start3A_671, %dma_start3A_682, %dma_start3A_683] : memref<2x32x128xi32, #tpu.memory_space<vmem>> -> memref<1x32x128xi32, #tpu.memory_space<vmem>>
      %dma_start3A_685 = tpu.memref_squeeze %dma_start3A_684 : memref<1x32x128xi32, #tpu.memory_space<vmem>> -> memref<32x128xi32, #tpu.memory_space<vmem>>
      %dma_start3A_686 = arith.constant 0 : i32
      %dma_start3A_687 = tpu.memref_slice %dma_start3A_685[%dma_start3A_672, %dma_start3A_686] : memref<32x128xi32, #tpu.memory_space<vmem>> -> memref<1x128xi32, #tpu.memory_space<vmem>>
      %dma_start3A_688 = tpu.memref_squeeze %dma_start3A_687 : memref<1x128xi32, #tpu.memory_space<vmem>> -> memref<128xi32, #tpu.memory_space<vmem>>
      %dma_start3A_689 = arith.constant 0 : i32
      %dma_start3A_690 = tpu.memref_slice %arg2[%dma_start3A_689] : memref<33554432xf32, #tpu.memory_space<hbm>> -> memref<33554432xf32, #tpu.memory_space<hbm>>
      tpu.enqueue_indirect_dma source(%dma_start3A_690 : memref<33554432xf32, #tpu.memory_space<hbm>>) target(%dma_start3A_681 : memref<128xf32, #tpu.memory_space<vmem>>) offsets(%dma_start3A_688 : memref<128xi32, #tpu.memory_space<vmem>>) semaphore(%arg8 : memref<!tpu.dma_semaphore, #tpu.memory_space<semaphore_mem>>)
      %dma_start3A_691 = arith.constant 0 : i32
      %dma_start3A_692 = arith.constant 18 : i32
      %dma_start3A_693 = arith.constant 0 : i32
      %dma_start3A_694 = arith.constant 18 : i32
      %dma_start3A_695 = arith.constant 0 : i32
      %dma_start3A_696 = arith.constant 0 : i32
      %dma_start3A_697 = tpu.memref_slice %arg6[%dma_start3A_693, %dma_start3A_695, %dma_start3A_696] : memref<2x32x128xf32, #tpu.memory_space<vmem>> -> memref<1x32x128xf32, #tpu.memory_space<vmem>>
      %dma_start3A_698 = tpu.memref_squeeze %dma_start3A_697 : memref<1x32x128xf32, #tpu.memory_space<vmem>> -> memref<32x128xf32, #tpu.memory_space<vmem>>
      %dma_start3A_699 = arith.constant 0 : i32
      %dma_start3A_700 = tpu.memref_slice %dma_start3A_698[%dma_start3A_694, %dma_start3A_699] : memref<32x128xf32, #tpu.memory_space<vmem>> -> memref<1x128xf32, #tpu.memory_space<vmem>>
      %dma_start3A_701 = tpu.memref_squeeze %dma_start3A_700 : memref<1x128xf32, #tpu.memory_space<vmem>> -> memref<128xf32, #tpu.memory_space<vmem>>
      %dma_start3A_702 = arith.constant 0 : i32
      %dma_start3A_703 = arith.constant 0 : i32
      %dma_start3A_704 = tpu.memref_slice %arg5[%dma_start3A_691, %dma_start3A_702, %dma_start3A_703] : memref<2x32x128xi32, #tpu.memory_space<vmem>> -> memref<1x32x128xi32, #tpu.memory_space<vmem>>
      %dma_start3A_705 = tpu.memref_squeeze %dma_start3A_704 : memref<1x32x128xi32, #tpu.memory_space<vmem>> -> memref<32x128xi32, #tpu.memory_space<vmem>>
      %dma_start3A_706 = arith.constant 0 : i32
      %dma_start3A_707 = tpu.memref_slice %dma_start3A_705[%dma_start3A_692, %dma_start3A_706] : memref<32x128xi32, #tpu.memory_space<vmem>> -> memref<1x128xi32, #tpu.memory_space<vmem>>
      %dma_start3A_708 = tpu.memref_squeeze %dma_start3A_707 : memref<1x128xi32, #tpu.memory_space<vmem>> -> memref<128xi32, #tpu.memory_space<vmem>>
      %dma_start3A_709 = arith.constant 0 : i32
      %dma_start3A_710 = tpu.memref_slice %arg2[%dma_start3A_709] : memref<33554432xf32, #tpu.memory_space<hbm>> -> memref<33554432xf32, #tpu.memory_space<hbm>>
      tpu.enqueue_indirect_dma source(%dma_start3A_710 : memref<33554432xf32, #tpu.memory_space<hbm>>) target(%dma_start3A_701 : memref<128xf32, #tpu.memory_space<vmem>>) offsets(%dma_start3A_708 : memref<128xi32, #tpu.memory_space<vmem>>) semaphore(%arg8 : memref<!tpu.dma_semaphore, #tpu.memory_space<semaphore_mem>>)
      %dma_start3A_711 = arith.constant 0 : i32
      %dma_start3A_712 = arith.constant 19 : i32
      %dma_start3A_713 = arith.constant 0 : i32
      %dma_start3A_714 = arith.constant 19 : i32
      %dma_start3A_715 = arith.constant 0 : i32
      %dma_start3A_716 = arith.constant 0 : i32
      %dma_start3A_717 = tpu.memref_slice %arg6[%dma_start3A_713, %dma_start3A_715, %dma_start3A_716] : memref<2x32x128xf32, #tpu.memory_space<vmem>> -> memref<1x32x128xf32, #tpu.memory_space<vmem>>
      %dma_start3A_718 = tpu.memref_squeeze %dma_start3A_717 : memref<1x32x128xf32, #tpu.memory_space<vmem>> -> memref<32x128xf32, #tpu.memory_space<vmem>>
      %dma_start3A_719 = arith.constant 0 : i32
      %dma_start3A_720 = tpu.memref_slice %dma_start3A_718[%dma_start3A_714, %dma_start3A_719] : memref<32x128xf32, #tpu.memory_space<vmem>> -> memref<1x128xf32, #tpu.memory_space<vmem>>
      %dma_start3A_721 = tpu.memref_squeeze %dma_start3A_720 : memref<1x128xf32, #tpu.memory_space<vmem>> -> memref<128xf32, #tpu.memory_space<vmem>>
      %dma_start3A_722 = arith.constant 0 : i32
      %dma_start3A_723 = arith.constant 0 : i32
      %dma_start3A_724 = tpu.memref_slice %arg5[%dma_start3A_711, %dma_start3A_722, %dma_start3A_723] : memref<2x32x128xi32, #tpu.memory_space<vmem>> -> memref<1x32x128xi32, #tpu.memory_space<vmem>>
      %dma_start3A_725 = tpu.memref_squeeze %dma_start3A_724 : memref<1x32x128xi32, #tpu.memory_space<vmem>> -> memref<32x128xi32, #tpu.memory_space<vmem>>
      %dma_start3A_726 = arith.constant 0 : i32
      %dma_start3A_727 = tpu.memref_slice %dma_start3A_725[%dma_start3A_712, %dma_start3A_726] : memref<32x128xi32, #tpu.memory_space<vmem>> -> memref<1x128xi32, #tpu.memory_space<vmem>>
      %dma_start3A_728 = tpu.memref_squeeze %dma_start3A_727 : memref<1x128xi32, #tpu.memory_space<vmem>> -> memref<128xi32, #tpu.memory_space<vmem>>
      %dma_start3A_729 = arith.constant 0 : i32
      %dma_start3A_730 = tpu.memref_slice %arg2[%dma_start3A_729] : memref<33554432xf32, #tpu.memory_space<hbm>> -> memref<33554432xf32, #tpu.memory_space<hbm>>
      tpu.enqueue_indirect_dma source(%dma_start3A_730 : memref<33554432xf32, #tpu.memory_space<hbm>>) target(%dma_start3A_721 : memref<128xf32, #tpu.memory_space<vmem>>) offsets(%dma_start3A_728 : memref<128xi32, #tpu.memory_space<vmem>>) semaphore(%arg8 : memref<!tpu.dma_semaphore, #tpu.memory_space<semaphore_mem>>)
      %dma_start3A_731 = arith.constant 0 : i32
      %dma_start3A_732 = arith.constant 20 : i32
      %dma_start3A_733 = arith.constant 0 : i32
      %dma_start3A_734 = arith.constant 20 : i32
      %dma_start3A_735 = arith.constant 0 : i32
      %dma_start3A_736 = arith.constant 0 : i32
      %dma_start3A_737 = tpu.memref_slice %arg6[%dma_start3A_733, %dma_start3A_735, %dma_start3A_736] : memref<2x32x128xf32, #tpu.memory_space<vmem>> -> memref<1x32x128xf32, #tpu.memory_space<vmem>>
      %dma_start3A_738 = tpu.memref_squeeze %dma_start3A_737 : memref<1x32x128xf32, #tpu.memory_space<vmem>> -> memref<32x128xf32, #tpu.memory_space<vmem>>
      %dma_start3A_739 = arith.constant 0 : i32
      %dma_start3A_740 = tpu.memref_slice %dma_start3A_738[%dma_start3A_734, %dma_start3A_739] : memref<32x128xf32, #tpu.memory_space<vmem>> -> memref<1x128xf32, #tpu.memory_space<vmem>>
      %dma_start3A_741 = tpu.memref_squeeze %dma_start3A_740 : memref<1x128xf32, #tpu.memory_space<vmem>> -> memref<128xf32, #tpu.memory_space<vmem>>
      %dma_start3A_742 = arith.constant 0 : i32
      %dma_start3A_743 = arith.constant 0 : i32
      %dma_start3A_744 = tpu.memref_slice %arg5[%dma_start3A_731, %dma_start3A_742, %dma_start3A_743] : memref<2x32x128xi32, #tpu.memory_space<vmem>> -> memref<1x32x128xi32, #tpu.memory_space<vmem>>
      %dma_start3A_745 = tpu.memref_squeeze %dma_start3A_744 : memref<1x32x128xi32, #tpu.memory_space<vmem>> -> memref<32x128xi32, #tpu.memory_space<vmem>>
      %dma_start3A_746 = arith.constant 0 : i32
      %dma_start3A_747 = tpu.memref_slice %dma_start3A_745[%dma_start3A_732, %dma_start3A_746] : memref<32x128xi32, #tpu.memory_space<vmem>> -> memref<1x128xi32, #tpu.memory_space<vmem>>
      %dma_start3A_748 = tpu.memref_squeeze %dma_start3A_747 : memref<1x128xi32, #tpu.memory_space<vmem>> -> memref<128xi32, #tpu.memory_space<vmem>>
      %dma_start3A_749 = arith.constant 0 : i32
      %dma_start3A_750 = tpu.memref_slice %arg2[%dma_start3A_749] : memref<33554432xf32, #tpu.memory_space<hbm>> -> memref<33554432xf32, #tpu.memory_space<hbm>>
      tpu.enqueue_indirect_dma source(%dma_start3A_750 : memref<33554432xf32, #tpu.memory_space<hbm>>) target(%dma_start3A_741 : memref<128xf32, #tpu.memory_space<vmem>>) offsets(%dma_start3A_748 : memref<128xi32, #tpu.memory_space<vmem>>) semaphore(%arg8 : memref<!tpu.dma_semaphore, #tpu.memory_space<semaphore_mem>>)
      %dma_start3A_751 = arith.constant 0 : i32
      %dma_start3A_752 = arith.constant 21 : i32
      %dma_start3A_753 = arith.constant 0 : i32
      %dma_start3A_754 = arith.constant 21 : i32
      %dma_start3A_755 = arith.constant 0 : i32
      %dma_start3A_756 = arith.constant 0 : i32
      %dma_start3A_757 = tpu.memref_slice %arg6[%dma_start3A_753, %dma_start3A_755, %dma_start3A_756] : memref<2x32x128xf32, #tpu.memory_space<vmem>> -> memref<1x32x128xf32, #tpu.memory_space<vmem>>
      %dma_start3A_758 = tpu.memref_squeeze %dma_start3A_757 : memref<1x32x128xf32, #tpu.memory_space<vmem>> -> memref<32x128xf32, #tpu.memory_space<vmem>>
      %dma_start3A_759 = arith.constant 0 : i32
      %dma_start3A_760 = tpu.memref_slice %dma_start3A_758[%dma_start3A_754, %dma_start3A_759] : memref<32x128xf32, #tpu.memory_space<vmem>> -> memref<1x128xf32, #tpu.memory_space<vmem>>
      %dma_start3A_761 = tpu.memref_squeeze %dma_start3A_760 : memref<1x128xf32, #tpu.memory_space<vmem>> -> memref<128xf32, #tpu.memory_space<vmem>>
      %dma_start3A_762 = arith.constant 0 : i32
      %dma_start3A_763 = arith.constant 0 : i32
      %dma_start3A_764 = tpu.memref_slice %arg5[%dma_start3A_751, %dma_start3A_762, %dma_start3A_763] : memref<2x32x128xi32, #tpu.memory_space<vmem>> -> memref<1x32x128xi32, #tpu.memory_space<vmem>>
      %dma_start3A_765 = tpu.memref_squeeze %dma_start3A_764 : memref<1x32x128xi32, #tpu.memory_space<vmem>> -> memref<32x128xi32, #tpu.memory_space<vmem>>
      %dma_start3A_766 = arith.constant 0 : i32
      %dma_start3A_767 = tpu.memref_slice %dma_start3A_765[%dma_start3A_752, %dma_start3A_766] : memref<32x128xi32, #tpu.memory_space<vmem>> -> memref<1x128xi32, #tpu.memory_space<vmem>>
      %dma_start3A_768 = tpu.memref_squeeze %dma_start3A_767 : memref<1x128xi32, #tpu.memory_space<vmem>> -> memref<128xi32, #tpu.memory_space<vmem>>
      %dma_start3A_769 = arith.constant 0 : i32
      %dma_start3A_770 = tpu.memref_slice %arg2[%dma_start3A_769] : memref<33554432xf32, #tpu.memory_space<hbm>> -> memref<33554432xf32, #tpu.memory_space<hbm>>
      tpu.enqueue_indirect_dma source(%dma_start3A_770 : memref<33554432xf32, #tpu.memory_space<hbm>>) target(%dma_start3A_761 : memref<128xf32, #tpu.memory_space<vmem>>) offsets(%dma_start3A_768 : memref<128xi32, #tpu.memory_space<vmem>>) semaphore(%arg8 : memref<!tpu.dma_semaphore, #tpu.memory_space<semaphore_mem>>)
      %dma_start3A_771 = arith.constant 0 : i32
      %dma_start3A_772 = arith.constant 22 : i32
      %dma_start3A_773 = arith.constant 0 : i32
      %dma_start3A_774 = arith.constant 22 : i32
      %dma_start3A_775 = arith.constant 0 : i32
      %dma_start3A_776 = arith.constant 0 : i32
      %dma_start3A_777 = tpu.memref_slice %arg6[%dma_start3A_773, %dma_start3A_775, %dma_start3A_776] : memref<2x32x128xf32, #tpu.memory_space<vmem>> -> memref<1x32x128xf32, #tpu.memory_space<vmem>>
      %dma_start3A_778 = tpu.memref_squeeze %dma_start3A_777 : memref<1x32x128xf32, #tpu.memory_space<vmem>> -> memref<32x128xf32, #tpu.memory_space<vmem>>
      %dma_start3A_779 = arith.constant 0 : i32
      %dma_start3A_780 = tpu.memref_slice %dma_start3A_778[%dma_start3A_774, %dma_start3A_779] : memref<32x128xf32, #tpu.memory_space<vmem>> -> memref<1x128xf32, #tpu.memory_space<vmem>>
      %dma_start3A_781 = tpu.memref_squeeze %dma_start3A_780 : memref<1x128xf32, #tpu.memory_space<vmem>> -> memref<128xf32, #tpu.memory_space<vmem>>
      %dma_start3A_782 = arith.constant 0 : i32
      %dma_start3A_783 = arith.constant 0 : i32
      %dma_start3A_784 = tpu.memref_slice %arg5[%dma_start3A_771, %dma_start3A_782, %dma_start3A_783] : memref<2x32x128xi32, #tpu.memory_space<vmem>> -> memref<1x32x128xi32, #tpu.memory_space<vmem>>
      %dma_start3A_785 = tpu.memref_squeeze %dma_start3A_784 : memref<1x32x128xi32, #tpu.memory_space<vmem>> -> memref<32x128xi32, #tpu.memory_space<vmem>>
      %dma_start3A_786 = arith.constant 0 : i32
      %dma_start3A_787 = tpu.memref_slice %dma_start3A_785[%dma_start3A_772, %dma_start3A_786] : memref<32x128xi32, #tpu.memory_space<vmem>> -> memref<1x128xi32, #tpu.memory_space<vmem>>
      %dma_start3A_788 = tpu.memref_squeeze %dma_start3A_787 : memref<1x128xi32, #tpu.memory_space<vmem>> -> memref<128xi32, #tpu.memory_space<vmem>>
      %dma_start3A_789 = arith.constant 0 : i32
      %dma_start3A_790 = tpu.memref_slice %arg2[%dma_start3A_789] : memref<33554432xf32, #tpu.memory_space<hbm>> -> memref<33554432xf32, #tpu.memory_space<hbm>>
      tpu.enqueue_indirect_dma source(%dma_start3A_790 : memref<33554432xf32, #tpu.memory_space<hbm>>) target(%dma_start3A_781 : memref<128xf32, #tpu.memory_space<vmem>>) offsets(%dma_start3A_788 : memref<128xi32, #tpu.memory_space<vmem>>) semaphore(%arg8 : memref<!tpu.dma_semaphore, #tpu.memory_space<semaphore_mem>>)
      %dma_start3A_791 = arith.constant 0 : i32
      %dma_start3A_792 = arith.constant 23 : i32
      %dma_start3A_793 = arith.constant 0 : i32
      %dma_start3A_794 = arith.constant 23 : i32
      %dma_start3A_795 = arith.constant 0 : i32
      %dma_start3A_796 = arith.constant 0 : i32
      %dma_start3A_797 = tpu.memref_slice %arg6[%dma_start3A_793, %dma_start3A_795, %dma_start3A_796] : memref<2x32x128xf32, #tpu.memory_space<vmem>> -> memref<1x32x128xf32, #tpu.memory_space<vmem>>
      %dma_start3A_798 = tpu.memref_squeeze %dma_start3A_797 : memref<1x32x128xf32, #tpu.memory_space<vmem>> -> memref<32x128xf32, #tpu.memory_space<vmem>>
      %dma_start3A_799 = arith.constant 0 : i32
      %dma_start3A_800 = tpu.memref_slice %dma_start3A_798[%dma_start3A_794, %dma_start3A_799] : memref<32x128xf32, #tpu.memory_space<vmem>> -> memref<1x128xf32, #tpu.memory_space<vmem>>
      %dma_start3A_801 = tpu.memref_squeeze %dma_start3A_800 : memref<1x128xf32, #tpu.memory_space<vmem>> -> memref<128xf32, #tpu.memory_space<vmem>>
      %dma_start3A_802 = arith.constant 0 : i32
      %dma_start3A_803 = arith.constant 0 : i32
      %dma_start3A_804 = tpu.memref_slice %arg5[%dma_start3A_791, %dma_start3A_802, %dma_start3A_803] : memref<2x32x128xi32, #tpu.memory_space<vmem>> -> memref<1x32x128xi32, #tpu.memory_space<vmem>>
      %dma_start3A_805 = tpu.memref_squeeze %dma_start3A_804 : memref<1x32x128xi32, #tpu.memory_space<vmem>> -> memref<32x128xi32, #tpu.memory_space<vmem>>
      %dma_start3A_806 = arith.constant 0 : i32
      %dma_start3A_807 = tpu.memref_slice %dma_start3A_805[%dma_start3A_792, %dma_start3A_806] : memref<32x128xi32, #tpu.memory_space<vmem>> -> memref<1x128xi32, #tpu.memory_space<vmem>>
      %dma_start3A_808 = tpu.memref_squeeze %dma_start3A_807 : memref<1x128xi32, #tpu.memory_space<vmem>> -> memref<128xi32, #tpu.memory_space<vmem>>
      %dma_start3A_809 = arith.constant 0 : i32
      %dma_start3A_810 = tpu.memref_slice %arg2[%dma_start3A_809] : memref<33554432xf32, #tpu.memory_space<hbm>> -> memref<33554432xf32, #tpu.memory_space<hbm>>
      tpu.enqueue_indirect_dma source(%dma_start3A_810 : memref<33554432xf32, #tpu.memory_space<hbm>>) target(%dma_start3A_801 : memref<128xf32, #tpu.memory_space<vmem>>) offsets(%dma_start3A_808 : memref<128xi32, #tpu.memory_space<vmem>>) semaphore(%arg8 : memref<!tpu.dma_semaphore, #tpu.memory_space<semaphore_mem>>)
      %dma_start3A_811 = arith.constant 0 : i32
      %dma_start3A_812 = arith.constant 24 : i32
      %dma_start3A_813 = arith.constant 0 : i32
      %dma_start3A_814 = arith.constant 24 : i32
      %dma_start3A_815 = arith.constant 0 : i32
      %dma_start3A_816 = arith.constant 0 : i32
      %dma_start3A_817 = tpu.memref_slice %arg6[%dma_start3A_813, %dma_start3A_815, %dma_start3A_816] : memref<2x32x128xf32, #tpu.memory_space<vmem>> -> memref<1x32x128xf32, #tpu.memory_space<vmem>>
      %dma_start3A_818 = tpu.memref_squeeze %dma_start3A_817 : memref<1x32x128xf32, #tpu.memory_space<vmem>> -> memref<32x128xf32, #tpu.memory_space<vmem>>
      %dma_start3A_819 = arith.constant 0 : i32
      %dma_start3A_820 = tpu.memref_slice %dma_start3A_818[%dma_start3A_814, %dma_start3A_819] : memref<32x128xf32, #tpu.memory_space<vmem>> -> memref<1x128xf32, #tpu.memory_space<vmem>>
      %dma_start3A_821 = tpu.memref_squeeze %dma_start3A_820 : memref<1x128xf32, #tpu.memory_space<vmem>> -> memref<128xf32, #tpu.memory_space<vmem>>
      %dma_start3A_822 = arith.constant 0 : i32
      %dma_start3A_823 = arith.constant 0 : i32
      %dma_start3A_824 = tpu.memref_slice %arg5[%dma_start3A_811, %dma_start3A_822, %dma_start3A_823] : memref<2x32x128xi32, #tpu.memory_space<vmem>> -> memref<1x32x128xi32, #tpu.memory_space<vmem>>
      %dma_start3A_825 = tpu.memref_squeeze %dma_start3A_824 : memref<1x32x128xi32, #tpu.memory_space<vmem>> -> memref<32x128xi32, #tpu.memory_space<vmem>>
      %dma_start3A_826 = arith.constant 0 : i32
      %dma_start3A_827 = tpu.memref_slice %dma_start3A_825[%dma_start3A_812, %dma_start3A_826] : memref<32x128xi32, #tpu.memory_space<vmem>> -> memref<1x128xi32, #tpu.memory_space<vmem>>
      %dma_start3A_828 = tpu.memref_squeeze %dma_start3A_827 : memref<1x128xi32, #tpu.memory_space<vmem>> -> memref<128xi32, #tpu.memory_space<vmem>>
      %dma_start3A_829 = arith.constant 0 : i32
      %dma_start3A_830 = tpu.memref_slice %arg2[%dma_start3A_829] : memref<33554432xf32, #tpu.memory_space<hbm>> -> memref<33554432xf32, #tpu.memory_space<hbm>>
      tpu.enqueue_indirect_dma source(%dma_start3A_830 : memref<33554432xf32, #tpu.memory_space<hbm>>) target(%dma_start3A_821 : memref<128xf32, #tpu.memory_space<vmem>>) offsets(%dma_start3A_828 : memref<128xi32, #tpu.memory_space<vmem>>) semaphore(%arg8 : memref<!tpu.dma_semaphore, #tpu.memory_space<semaphore_mem>>)
      %dma_start3A_831 = arith.constant 0 : i32
      %dma_start3A_832 = arith.constant 25 : i32
      %dma_start3A_833 = arith.constant 0 : i32
      %dma_start3A_834 = arith.constant 25 : i32
      %dma_start3A_835 = arith.constant 0 : i32
      %dma_start3A_836 = arith.constant 0 : i32
      %dma_start3A_837 = tpu.memref_slice %arg6[%dma_start3A_833, %dma_start3A_835, %dma_start3A_836] : memref<2x32x128xf32, #tpu.memory_space<vmem>> -> memref<1x32x128xf32, #tpu.memory_space<vmem>>
      %dma_start3A_838 = tpu.memref_squeeze %dma_start3A_837 : memref<1x32x128xf32, #tpu.memory_space<vmem>> -> memref<32x128xf32, #tpu.memory_space<vmem>>
      %dma_start3A_839 = arith.constant 0 : i32
      %dma_start3A_840 = tpu.memref_slice %dma_start3A_838[%dma_start3A_834, %dma_start3A_839] : memref<32x128xf32, #tpu.memory_space<vmem>> -> memref<1x128xf32, #tpu.memory_space<vmem>>
      %dma_start3A_841 = tpu.memref_squeeze %dma_start3A_840 : memref<1x128xf32, #tpu.memory_space<vmem>> -> memref<128xf32, #tpu.memory_space<vmem>>
      %dma_start3A_842 = arith.constant 0 : i32
      %dma_start3A_843 = arith.constant 0 : i32
      %dma_start3A_844 = tpu.memref_slice %arg5[%dma_start3A_831, %dma_start3A_842, %dma_start3A_843] : memref<2x32x128xi32, #tpu.memory_space<vmem>> -> memref<1x32x128xi32, #tpu.memory_space<vmem>>
      %dma_start3A_845 = tpu.memref_squeeze %dma_start3A_844 : memref<1x32x128xi32, #tpu.memory_space<vmem>> -> memref<32x128xi32, #tpu.memory_space<vmem>>
      %dma_start3A_846 = arith.constant 0 : i32
      %dma_start3A_847 = tpu.memref_slice %dma_start3A_845[%dma_start3A_832, %dma_start3A_846] : memref<32x128xi32, #tpu.memory_space<vmem>> -> memref<1x128xi32, #tpu.memory_space<vmem>>
      %dma_start3A_848 = tpu.memref_squeeze %dma_start3A_847 : memref<1x128xi32, #tpu.memory_space<vmem>> -> memref<128xi32, #tpu.memory_space<vmem>>
      %dma_start3A_849 = arith.constant 0 : i32
      %dma_start3A_850 = tpu.memref_slice %arg2[%dma_start3A_849] : memref<33554432xf32, #tpu.memory_space<hbm>> -> memref<33554432xf32, #tpu.memory_space<hbm>>
      tpu.enqueue_indirect_dma source(%dma_start3A_850 : memref<33554432xf32, #tpu.memory_space<hbm>>) target(%dma_start3A_841 : memref<128xf32, #tpu.memory_space<vmem>>) offsets(%dma_start3A_848 : memref<128xi32, #tpu.memory_space<vmem>>) semaphore(%arg8 : memref<!tpu.dma_semaphore, #tpu.memory_space<semaphore_mem>>)
      %dma_start3A_851 = arith.constant 0 : i32
      %dma_start3A_852 = arith.constant 26 : i32
      %dma_start3A_853 = arith.constant 0 : i32
      %dma_start3A_854 = arith.constant 26 : i32
      %dma_start3A_855 = arith.constant 0 : i32
      %dma_start3A_856 = arith.constant 0 : i32
      %dma_start3A_857 = tpu.memref_slice %arg6[%dma_start3A_853, %dma_start3A_855, %dma_start3A_856] : memref<2x32x128xf32, #tpu.memory_space<vmem>> -> memref<1x32x128xf32, #tpu.memory_space<vmem>>
      %dma_start3A_858 = tpu.memref_squeeze %dma_start3A_857 : memref<1x32x128xf32, #tpu.memory_space<vmem>> -> memref<32x128xf32, #tpu.memory_space<vmem>>
      %dma_start3A_859 = arith.constant 0 : i32
      %dma_start3A_860 = tpu.memref_slice %dma_start3A_858[%dma_start3A_854, %dma_start3A_859] : memref<32x128xf32, #tpu.memory_space<vmem>> -> memref<1x128xf32, #tpu.memory_space<vmem>>
      %dma_start3A_861 = tpu.memref_squeeze %dma_start3A_860 : memref<1x128xf32, #tpu.memory_space<vmem>> -> memref<128xf32, #tpu.memory_space<vmem>>
      %dma_start3A_862 = arith.constant 0 : i32
      %dma_start3A_863 = arith.constant 0 : i32
      %dma_start3A_864 = tpu.memref_slice %arg5[%dma_start3A_851, %dma_start3A_862, %dma_start3A_863] : memref<2x32x128xi32, #tpu.memory_space<vmem>> -> memref<1x32x128xi32, #tpu.memory_space<vmem>>
      %dma_start3A_865 = tpu.memref_squeeze %dma_start3A_864 : memref<1x32x128xi32, #tpu.memory_space<vmem>> -> memref<32x128xi32, #tpu.memory_space<vmem>>
      %dma_start3A_866 = arith.constant 0 : i32
      %dma_start3A_867 = tpu.memref_slice %dma_start3A_865[%dma_start3A_852, %dma_start3A_866] : memref<32x128xi32, #tpu.memory_space<vmem>> -> memref<1x128xi32, #tpu.memory_space<vmem>>
      %dma_start3A_868 = tpu.memref_squeeze %dma_start3A_867 : memref<1x128xi32, #tpu.memory_space<vmem>> -> memref<128xi32, #tpu.memory_space<vmem>>
      %dma_start3A_869 = arith.constant 0 : i32
      %dma_start3A_870 = tpu.memref_slice %arg2[%dma_start3A_869] : memref<33554432xf32, #tpu.memory_space<hbm>> -> memref<33554432xf32, #tpu.memory_space<hbm>>
      tpu.enqueue_indirect_dma source(%dma_start3A_870 : memref<33554432xf32, #tpu.memory_space<hbm>>) target(%dma_start3A_861 : memref<128xf32, #tpu.memory_space<vmem>>) offsets(%dma_start3A_868 : memref<128xi32, #tpu.memory_space<vmem>>) semaphore(%arg8 : memref<!tpu.dma_semaphore, #tpu.memory_space<semaphore_mem>>)
      %dma_start3A_871 = arith.constant 0 : i32
      %dma_start3A_872 = arith.constant 27 : i32
      %dma_start3A_873 = arith.constant 0 : i32
      %dma_start3A_874 = arith.constant 27 : i32
      %dma_start3A_875 = arith.constant 0 : i32
      %dma_start3A_876 = arith.constant 0 : i32
      %dma_start3A_877 = tpu.memref_slice %arg6[%dma_start3A_873, %dma_start3A_875, %dma_start3A_876] : memref<2x32x128xf32, #tpu.memory_space<vmem>> -> memref<1x32x128xf32, #tpu.memory_space<vmem>>
      %dma_start3A_878 = tpu.memref_squeeze %dma_start3A_877 : memref<1x32x128xf32, #tpu.memory_space<vmem>> -> memref<32x128xf32, #tpu.memory_space<vmem>>
      %dma_start3A_879 = arith.constant 0 : i32
      %dma_start3A_880 = tpu.memref_slice %dma_start3A_878[%dma_start3A_874, %dma_start3A_879] : memref<32x128xf32, #tpu.memory_space<vmem>> -> memref<1x128xf32, #tpu.memory_space<vmem>>
      %dma_start3A_881 = tpu.memref_squeeze %dma_start3A_880 : memref<1x128xf32, #tpu.memory_space<vmem>> -> memref<128xf32, #tpu.memory_space<vmem>>
      %dma_start3A_882 = arith.constant 0 : i32
      %dma_start3A_883 = arith.constant 0 : i32
      %dma_start3A_884 = tpu.memref_slice %arg5[%dma_start3A_871, %dma_start3A_882, %dma_start3A_883] : memref<2x32x128xi32, #tpu.memory_space<vmem>> -> memref<1x32x128xi32, #tpu.memory_space<vmem>>
      %dma_start3A_885 = tpu.memref_squeeze %dma_start3A_884 : memref<1x32x128xi32, #tpu.memory_space<vmem>> -> memref<32x128xi32, #tpu.memory_space<vmem>>
      %dma_start3A_886 = arith.constant 0 : i32
      %dma_start3A_887 = tpu.memref_slice %dma_start3A_885[%dma_start3A_872, %dma_start3A_886] : memref<32x128xi32, #tpu.memory_space<vmem>> -> memref<1x128xi32, #tpu.memory_space<vmem>>
      %dma_start3A_888 = tpu.memref_squeeze %dma_start3A_887 : memref<1x128xi32, #tpu.memory_space<vmem>> -> memref<128xi32, #tpu.memory_space<vmem>>
      %dma_start3A_889 = arith.constant 0 : i32
      %dma_start3A_890 = tpu.memref_slice %arg2[%dma_start3A_889] : memref<33554432xf32, #tpu.memory_space<hbm>> -> memref<33554432xf32, #tpu.memory_space<hbm>>
      tpu.enqueue_indirect_dma source(%dma_start3A_890 : memref<33554432xf32, #tpu.memory_space<hbm>>) target(%dma_start3A_881 : memref<128xf32, #tpu.memory_space<vmem>>) offsets(%dma_start3A_888 : memref<128xi32, #tpu.memory_space<vmem>>) semaphore(%arg8 : memref<!tpu.dma_semaphore, #tpu.memory_space<semaphore_mem>>)
      %dma_start3A_891 = arith.constant 0 : i32
      %dma_start3A_892 = arith.constant 28 : i32
      %dma_start3A_893 = arith.constant 0 : i32
      %dma_start3A_894 = arith.constant 28 : i32
      %dma_start3A_895 = arith.constant 0 : i32
      %dma_start3A_896 = arith.constant 0 : i32
      %dma_start3A_897 = tpu.memref_slice %arg6[%dma_start3A_893, %dma_start3A_895, %dma_start3A_896] : memref<2x32x128xf32, #tpu.memory_space<vmem>> -> memref<1x32x128xf32, #tpu.memory_space<vmem>>
      %dma_start3A_898 = tpu.memref_squeeze %dma_start3A_897 : memref<1x32x128xf32, #tpu.memory_space<vmem>> -> memref<32x128xf32, #tpu.memory_space<vmem>>
      %dma_start3A_899 = arith.constant 0 : i32
      %dma_start3A_900 = tpu.memref_slice %dma_start3A_898[%dma_start3A_894, %dma_start3A_899] : memref<32x128xf32, #tpu.memory_space<vmem>> -> memref<1x128xf32, #tpu.memory_space<vmem>>
      %dma_start3A_901 = tpu.memref_squeeze %dma_start3A_900 : memref<1x128xf32, #tpu.memory_space<vmem>> -> memref<128xf32, #tpu.memory_space<vmem>>
      %dma_start3A_902 = arith.constant 0 : i32
      %dma_start3A_903 = arith.constant 0 : i32
      %dma_start3A_904 = tpu.memref_slice %arg5[%dma_start3A_891, %dma_start3A_902, %dma_start3A_903] : memref<2x32x128xi32, #tpu.memory_space<vmem>> -> memref<1x32x128xi32, #tpu.memory_space<vmem>>
      %dma_start3A_905 = tpu.memref_squeeze %dma_start3A_904 : memref<1x32x128xi32, #tpu.memory_space<vmem>> -> memref<32x128xi32, #tpu.memory_space<vmem>>
      %dma_start3A_906 = arith.constant 0 : i32
      %dma_start3A_907 = tpu.memref_slice %dma_start3A_905[%dma_start3A_892, %dma_start3A_906] : memref<32x128xi32, #tpu.memory_space<vmem>> -> memref<1x128xi32, #tpu.memory_space<vmem>>
      %dma_start3A_908 = tpu.memref_squeeze %dma_start3A_907 : memref<1x128xi32, #tpu.memory_space<vmem>> -> memref<128xi32, #tpu.memory_space<vmem>>
      %dma_start3A_909 = arith.constant 0 : i32
      %dma_start3A_910 = tpu.memref_slice %arg2[%dma_start3A_909] : memref<33554432xf32, #tpu.memory_space<hbm>> -> memref<33554432xf32, #tpu.memory_space<hbm>>
      tpu.enqueue_indirect_dma source(%dma_start3A_910 : memref<33554432xf32, #tpu.memory_space<hbm>>) target(%dma_start3A_901 : memref<128xf32, #tpu.memory_space<vmem>>) offsets(%dma_start3A_908 : memref<128xi32, #tpu.memory_space<vmem>>) semaphore(%arg8 : memref<!tpu.dma_semaphore, #tpu.memory_space<semaphore_mem>>)
      %dma_start3A_911 = arith.constant 0 : i32
      %dma_start3A_912 = arith.constant 29 : i32
      %dma_start3A_913 = arith.constant 0 : i32
      %dma_start3A_914 = arith.constant 29 : i32
      %dma_start3A_915 = arith.constant 0 : i32
      %dma_start3A_916 = arith.constant 0 : i32
      %dma_start3A_917 = tpu.memref_slice %arg6[%dma_start3A_913, %dma_start3A_915, %dma_start3A_916] : memref<2x32x128xf32, #tpu.memory_space<vmem>> -> memref<1x32x128xf32, #tpu.memory_space<vmem>>
      %dma_start3A_918 = tpu.memref_squeeze %dma_start3A_917 : memref<1x32x128xf32, #tpu.memory_space<vmem>> -> memref<32x128xf32, #tpu.memory_space<vmem>>
      %dma_start3A_919 = arith.constant 0 : i32
      %dma_start3A_920 = tpu.memref_slice %dma_start3A_918[%dma_start3A_914, %dma_start3A_919] : memref<32x128xf32, #tpu.memory_space<vmem>> -> memref<1x128xf32, #tpu.memory_space<vmem>>
      %dma_start3A_921 = tpu.memref_squeeze %dma_start3A_920 : memref<1x128xf32, #tpu.memory_space<vmem>> -> memref<128xf32, #tpu.memory_space<vmem>>
      %dma_start3A_922 = arith.constant 0 : i32
      %dma_start3A_923 = arith.constant 0 : i32
      %dma_start3A_924 = tpu.memref_slice %arg5[%dma_start3A_911, %dma_start3A_922, %dma_start3A_923] : memref<2x32x128xi32, #tpu.memory_space<vmem>> -> memref<1x32x128xi32, #tpu.memory_space<vmem>>
      %dma_start3A_925 = tpu.memref_squeeze %dma_start3A_924 : memref<1x32x128xi32, #tpu.memory_space<vmem>> -> memref<32x128xi32, #tpu.memory_space<vmem>>
      %dma_start3A_926 = arith.constant 0 : i32
      %dma_start3A_927 = tpu.memref_slice %dma_start3A_925[%dma_start3A_912, %dma_start3A_926] : memref<32x128xi32, #tpu.memory_space<vmem>> -> memref<1x128xi32, #tpu.memory_space<vmem>>
      %dma_start3A_928 = tpu.memref_squeeze %dma_start3A_927 : memref<1x128xi32, #tpu.memory_space<vmem>> -> memref<128xi32, #tpu.memory_space<vmem>>
      %dma_start3A_929 = arith.constant 0 : i32
      %dma_start3A_930 = tpu.memref_slice %arg2[%dma_start3A_929] : memref<33554432xf32, #tpu.memory_space<hbm>> -> memref<33554432xf32, #tpu.memory_space<hbm>>
      tpu.enqueue_indirect_dma source(%dma_start3A_930 : memref<33554432xf32, #tpu.memory_space<hbm>>) target(%dma_start3A_921 : memref<128xf32, #tpu.memory_space<vmem>>) offsets(%dma_start3A_928 : memref<128xi32, #tpu.memory_space<vmem>>) semaphore(%arg8 : memref<!tpu.dma_semaphore, #tpu.memory_space<semaphore_mem>>)
      %dma_start3A_931 = arith.constant 0 : i32
      %dma_start3A_932 = arith.constant 30 : i32
      %dma_start3A_933 = arith.constant 0 : i32
      %dma_start3A_934 = arith.constant 30 : i32
      %dma_start3A_935 = arith.constant 0 : i32
      %dma_start3A_936 = arith.constant 0 : i32
      %dma_start3A_937 = tpu.memref_slice %arg6[%dma_start3A_933, %dma_start3A_935, %dma_start3A_936] : memref<2x32x128xf32, #tpu.memory_space<vmem>> -> memref<1x32x128xf32, #tpu.memory_space<vmem>>
      %dma_start3A_938 = tpu.memref_squeeze %dma_start3A_937 : memref<1x32x128xf32, #tpu.memory_space<vmem>> -> memref<32x128xf32, #tpu.memory_space<vmem>>
      %dma_start3A_939 = arith.constant 0 : i32
      %dma_start3A_940 = tpu.memref_slice %dma_start3A_938[%dma_start3A_934, %dma_start3A_939] : memref<32x128xf32, #tpu.memory_space<vmem>> -> memref<1x128xf32, #tpu.memory_space<vmem>>
      %dma_start3A_941 = tpu.memref_squeeze %dma_start3A_940 : memref<1x128xf32, #tpu.memory_space<vmem>> -> memref<128xf32, #tpu.memory_space<vmem>>
      %dma_start3A_942 = arith.constant 0 : i32
      %dma_start3A_943 = arith.constant 0 : i32
      %dma_start3A_944 = tpu.memref_slice %arg5[%dma_start3A_931, %dma_start3A_942, %dma_start3A_943] : memref<2x32x128xi32, #tpu.memory_space<vmem>> -> memref<1x32x128xi32, #tpu.memory_space<vmem>>
      %dma_start3A_945 = tpu.memref_squeeze %dma_start3A_944 : memref<1x32x128xi32, #tpu.memory_space<vmem>> -> memref<32x128xi32, #tpu.memory_space<vmem>>
      %dma_start3A_946 = arith.constant 0 : i32
      %dma_start3A_947 = tpu.memref_slice %dma_start3A_945[%dma_start3A_932, %dma_start3A_946] : memref<32x128xi32, #tpu.memory_space<vmem>> -> memref<1x128xi32, #tpu.memory_space<vmem>>
      %dma_start3A_948 = tpu.memref_squeeze %dma_start3A_947 : memref<1x128xi32, #tpu.memory_space<vmem>> -> memref<128xi32, #tpu.memory_space<vmem>>
      %dma_start3A_949 = arith.constant 0 : i32
      %dma_start3A_950 = tpu.memref_slice %arg2[%dma_start3A_949] : memref<33554432xf32, #tpu.memory_space<hbm>> -> memref<33554432xf32, #tpu.memory_space<hbm>>
      tpu.enqueue_indirect_dma source(%dma_start3A_950 : memref<33554432xf32, #tpu.memory_space<hbm>>) target(%dma_start3A_941 : memref<128xf32, #tpu.memory_space<vmem>>) offsets(%dma_start3A_948 : memref<128xi32, #tpu.memory_space<vmem>>) semaphore(%arg8 : memref<!tpu.dma_semaphore, #tpu.memory_space<semaphore_mem>>)
      %dma_start3A_951 = arith.constant 0 : i32
      %dma_start3A_952 = arith.constant 31 : i32
      %dma_start3A_953 = arith.constant 0 : i32
      %dma_start3A_954 = arith.constant 31 : i32
      %dma_start3A_955 = arith.constant 0 : i32
      %dma_start3A_956 = arith.constant 0 : i32
      %dma_start3A_957 = tpu.memref_slice %arg6[%dma_start3A_953, %dma_start3A_955, %dma_start3A_956] : memref<2x32x128xf32, #tpu.memory_space<vmem>> -> memref<1x32x128xf32, #tpu.memory_space<vmem>>
      %dma_start3A_958 = tpu.memref_squeeze %dma_start3A_957 : memref<1x32x128xf32, #tpu.memory_space<vmem>> -> memref<32x128xf32, #tpu.memory_space<vmem>>
      %dma_start3A_959 = arith.constant 0 : i32
      %dma_start3A_960 = tpu.memref_slice %dma_start3A_958[%dma_start3A_954, %dma_start3A_959] : memref<32x128xf32, #tpu.memory_space<vmem>> -> memref<1x128xf32, #tpu.memory_space<vmem>>
      %dma_start3A_961 = tpu.memref_squeeze %dma_start3A_960 : memref<1x128xf32, #tpu.memory_space<vmem>> -> memref<128xf32, #tpu.memory_space<vmem>>
      %dma_start3A_962 = arith.constant 0 : i32
      %dma_start3A_963 = arith.constant 0 : i32
      %dma_start3A_964 = tpu.memref_slice %arg5[%dma_start3A_951, %dma_start3A_962, %dma_start3A_963] : memref<2x32x128xi32, #tpu.memory_space<vmem>> -> memref<1x32x128xi32, #tpu.memory_space<vmem>>
      %dma_start3A_965 = tpu.memref_squeeze %dma_start3A_964 : memref<1x32x128xi32, #tpu.memory_space<vmem>> -> memref<32x128xi32, #tpu.memory_space<vmem>>
      %dma_start3A_966 = arith.constant 0 : i32
      %dma_start3A_967 = tpu.memref_slice %dma_start3A_965[%dma_start3A_952, %dma_start3A_966] : memref<32x128xi32, #tpu.memory_space<vmem>> -> memref<1x128xi32, #tpu.memory_space<vmem>>
      %dma_start3A_968 = tpu.memref_squeeze %dma_start3A_967 : memref<1x128xi32, #tpu.memory_space<vmem>> -> memref<128xi32, #tpu.memory_space<vmem>>
      %dma_start3A_969 = arith.constant 0 : i32
      %dma_start3A_970 = tpu.memref_slice %arg2[%dma_start3A_969] : memref<33554432xf32, #tpu.memory_space<hbm>> -> memref<33554432xf32, #tpu.memory_space<hbm>>
      tpu.enqueue_indirect_dma source(%dma_start3A_970 : memref<33554432xf32, #tpu.memory_space<hbm>>) target(%dma_start3A_961 : memref<128xf32, #tpu.memory_space<vmem>>) offsets(%dma_start3A_968 : memref<128xi32, #tpu.memory_space<vmem>>) semaphore(%arg8 : memref<!tpu.dma_semaphore, #tpu.memory_space<semaphore_mem>>)
      %add3A_971 = arith.constant 1 : i32
      %add3A_972 = arith.addi %mul3A_236, %add3A_971 : i32
      %lt3A = arith.constant 16 : i32
      %lt3A_973 = arith.cmpi slt, %add3A_972, %lt3A : i32
      %convert_element_type3A_974 = arith.extui %lt3A_973 : i1 to i32
      %cond3A_975 = arith.constant 0 : i32
      %cond3A_976 = arith.cmpi ne, %convert_element_type3A_974, %cond3A_975 : i32
      scf.if %cond3A_976 {
        %add3A_3189 = arith.constant 1 : i32
        %add3A_3190 = arith.addi %mul3A_236, %add3A_3189 : i32
        %mul3A_3191 = arith.constant 4 : i32
        %mul3A_3192 = arith.muli %add3A_3190, %mul3A_3191 : i32
        %mul3A_3193 = arith.constant 128 : i32
        %mul3A_3194 = arith.muli %mul3A_3192, %mul3A_3193 : i32
        %add3A_3195 = arith.constant 0 : i32
        %add3A_3196 = arith.addi %mul3A_3194, %add3A_3195 : i32
        %dma_start3A_3197 = arith.constant 1 : i32
        %dma_start3A_3198 = arith.constant 0 : i32
        %dma_start3A_3199 = arith.constant 0 : i32
        %dma_start3A_3200 = tpu.memref_slice %arg5[%dma_start3A_3197, %dma_start3A_3198, %dma_start3A_3199] : memref<2x32x128xi32, #tpu.memory_space<vmem>> -> memref<1x32x128xi32, #tpu.memory_space<vmem>>
        %dma_start3A_3201 = tpu.memref_squeeze %dma_start3A_3200 : memref<1x32x128xi32, #tpu.memory_space<vmem>> -> memref<32x128xi32, #tpu.memory_space<vmem>>
        %dma_start3A_3202 = arith.constant 0 : i32
        %dma_start3A_3203 = arith.constant 0 : i32
        %dma_start3A_3204 = tpu.memref_slice %dma_start3A_3201[%dma_start3A_3202, %dma_start3A_3203] : memref<32x128xi32, #tpu.memory_space<vmem>> -> memref<8x128xi32, #tpu.memory_space<vmem>>
        %dma_start3A_3205 = tpu.memref_slice %arg3[%mul3A_2, %add3A_3196] : memref<256x8192xi32, #tpu.memory_space<hbm>> -> memref<8x128xi32, #tpu.memory_space<hbm>>
        %dma_start3A_3206 = arith.constant 0 : i32
        %dma_start3A_3207 = arith.constant 0 : i32
        %dma_start3A_3208 = tpu.memref_slice %arg5[%dma_start3A_3197, %dma_start3A_3206, %dma_start3A_3207] : memref<2x32x128xi32, #tpu.memory_space<vmem>> -> memref<1x32x128xi32, #tpu.memory_space<vmem>>
        %dma_start3A_3209 = tpu.memref_squeeze %dma_start3A_3208 : memref<1x32x128xi32, #tpu.memory_space<vmem>> -> memref<32x128xi32, #tpu.memory_space<vmem>>
        %dma_start3A_3210 = arith.constant 0 : i32
        %dma_start3A_3211 = arith.constant 0 : i32
        %dma_start3A_3212 = tpu.memref_slice %dma_start3A_3209[%dma_start3A_3210, %dma_start3A_3211] : memref<32x128xi32, #tpu.memory_space<vmem>> -> memref<8x128xi32, #tpu.memory_space<vmem>>
        %dma_start3A_3213 = tpu.memref_slice %arg3[%mul3A_2, %add3A_3196] : memref<256x8192xi32, #tpu.memory_space<hbm>> -> memref<8x128xi32, #tpu.memory_space<hbm>>
        tpu.enqueue_dma source(%dma_start3A_3213 : memref<8x128xi32, #tpu.memory_space<hbm>>) target(%dma_start3A_3212 : memref<8x128xi32, #tpu.memory_space<vmem>>) target_semaphore(%arg7 : memref<!tpu.dma_semaphore, #tpu.memory_space<semaphore_mem>>)
        %add3A_3214 = arith.constant 1 : i32
        %add3A_3215 = arith.addi %mul3A_236, %add3A_3214 : i32
        %mul3A_3216 = arith.constant 4 : i32
        %mul3A_3217 = arith.muli %add3A_3215, %mul3A_3216 : i32
        %mul3A_3218 = arith.constant 128 : i32
        %mul3A_3219 = arith.muli %mul3A_3217, %mul3A_3218 : i32
        %add3A_3220 = arith.constant 128 : i32
        %add3A_3221 = arith.addi %mul3A_3219, %add3A_3220 : i32
        %dma_start3A_3222 = arith.constant 1 : i32
        %dma_start3A_3223 = arith.constant 0 : i32
        %dma_start3A_3224 = arith.constant 0 : i32
        %dma_start3A_3225 = tpu.memref_slice %arg5[%dma_start3A_3222, %dma_start3A_3223, %dma_start3A_3224] : memref<2x32x128xi32, #tpu.memory_space<vmem>> -> memref<1x32x128xi32, #tpu.memory_space<vmem>>
        %dma_start3A_3226 = tpu.memref_squeeze %dma_start3A_3225 : memref<1x32x128xi32, #tpu.memory_space<vmem>> -> memref<32x128xi32, #tpu.memory_space<vmem>>
        %dma_start3A_3227 = arith.constant 8 : i32
        %dma_start3A_3228 = arith.constant 0 : i32
        %dma_start3A_3229 = tpu.memref_slice %dma_start3A_3226[%dma_start3A_3227, %dma_start3A_3228] : memref<32x128xi32, #tpu.memory_space<vmem>> -> memref<8x128xi32, #tpu.memory_space<vmem>>
        %dma_start3A_3230 = tpu.memref_slice %arg3[%mul3A_2, %add3A_3221] : memref<256x8192xi32, #tpu.memory_space<hbm>> -> memref<8x128xi32, #tpu.memory_space<hbm>>
        %dma_start3A_3231 = arith.constant 0 : i32
        %dma_start3A_3232 = arith.constant 0 : i32
        %dma_start3A_3233 = tpu.memref_slice %arg5[%dma_start3A_3222, %dma_start3A_3231, %dma_start3A_3232] : memref<2x32x128xi32, #tpu.memory_space<vmem>> -> memref<1x32x128xi32, #tpu.memory_space<vmem>>
        %dma_start3A_3234 = tpu.memref_squeeze %dma_start3A_3233 : memref<1x32x128xi32, #tpu.memory_space<vmem>> -> memref<32x128xi32, #tpu.memory_space<vmem>>
        %dma_start3A_3235 = arith.constant 8 : i32
        %dma_start3A_3236 = arith.constant 0 : i32
        %dma_start3A_3237 = tpu.memref_slice %dma_start3A_3234[%dma_start3A_3235, %dma_start3A_3236] : memref<32x128xi32, #tpu.memory_space<vmem>> -> memref<8x128xi32, #tpu.memory_space<vmem>>
        %dma_start3A_3238 = tpu.memref_slice %arg3[%mul3A_2, %add3A_3221] : memref<256x8192xi32, #tpu.memory_space<hbm>> -> memref<8x128xi32, #tpu.memory_space<hbm>>
        tpu.enqueue_dma source(%dma_start3A_3238 : memref<8x128xi32, #tpu.memory_space<hbm>>) target(%dma_start3A_3237 : memref<8x128xi32, #tpu.memory_space<vmem>>) target_semaphore(%arg7 : memref<!tpu.dma_semaphore, #tpu.memory_space<semaphore_mem>>)
        %add3A_3239 = arith.constant 1 : i32
        %add3A_3240 = arith.addi %mul3A_236, %add3A_3239 : i32
        %mul3A_3241 = arith.constant 4 : i32
        %mul3A_3242 = arith.muli %add3A_3240, %mul3A_3241 : i32
        %mul3A_3243 = arith.constant 128 : i32
        %mul3A_3244 = arith.muli %mul3A_3242, %mul3A_3243 : i32
        %add3A_3245 = arith.constant 256 : i32
        %add3A_3246 = arith.addi %mul3A_3244, %add3A_3245 : i32
        %dma_start3A_3247 = arith.constant 1 : i32
        %dma_start3A_3248 = arith.constant 0 : i32
        %dma_start3A_3249 = arith.constant 0 : i32
        %dma_start3A_3250 = tpu.memref_slice %arg5[%dma_start3A_3247, %dma_start3A_3248, %dma_start3A_3249] : memref<2x32x128xi32, #tpu.memory_space<vmem>> -> memref<1x32x128xi32, #tpu.memory_space<vmem>>
        %dma_start3A_3251 = tpu.memref_squeeze %dma_start3A_3250 : memref<1x32x128xi32, #tpu.memory_space<vmem>> -> memref<32x128xi32, #tpu.memory_space<vmem>>
        %dma_start3A_3252 = arith.constant 16 : i32
        %dma_start3A_3253 = arith.constant 0 : i32
        %dma_start3A_3254 = tpu.memref_slice %dma_start3A_3251[%dma_start3A_3252, %dma_start3A_3253] : memref<32x128xi32, #tpu.memory_space<vmem>> -> memref<8x128xi32, #tpu.memory_space<vmem>>
        %dma_start3A_3255 = tpu.memref_slice %arg3[%mul3A_2, %add3A_3246] : memref<256x8192xi32, #tpu.memory_space<hbm>> -> memref<8x128xi32, #tpu.memory_space<hbm>>
        %dma_start3A_3256 = arith.constant 0 : i32
        %dma_start3A_3257 = arith.constant 0 : i32
        %dma_start3A_3258 = tpu.memref_slice %arg5[%dma_start3A_3247, %dma_start3A_3256, %dma_start3A_3257] : memref<2x32x128xi32, #tpu.memory_space<vmem>> -> memref<1x32x128xi32, #tpu.memory_space<vmem>>
        %dma_start3A_3259 = tpu.memref_squeeze %dma_start3A_3258 : memref<1x32x128xi32, #tpu.memory_space<vmem>> -> memref<32x128xi32, #tpu.memory_space<vmem>>
        %dma_start3A_3260 = arith.constant 16 : i32
        %dma_start3A_3261 = arith.constant 0 : i32
        %dma_start3A_3262 = tpu.memref_slice %dma_start3A_3259[%dma_start3A_3260, %dma_start3A_3261] : memref<32x128xi32, #tpu.memory_space<vmem>> -> memref<8x128xi32, #tpu.memory_space<vmem>>
        %dma_start3A_3263 = tpu.memref_slice %arg3[%mul3A_2, %add3A_3246] : memref<256x8192xi32, #tpu.memory_space<hbm>> -> memref<8x128xi32, #tpu.memory_space<hbm>>
        tpu.enqueue_dma source(%dma_start3A_3263 : memref<8x128xi32, #tpu.memory_space<hbm>>) target(%dma_start3A_3262 : memref<8x128xi32, #tpu.memory_space<vmem>>) target_semaphore(%arg7 : memref<!tpu.dma_semaphore, #tpu.memory_space<semaphore_mem>>)
        %add3A_3264 = arith.constant 1 : i32
        %add3A_3265 = arith.addi %mul3A_236, %add3A_3264 : i32
        %mul3A_3266 = arith.constant 4 : i32
        %mul3A_3267 = arith.muli %add3A_3265, %mul3A_3266 : i32
        %mul3A_3268 = arith.constant 128 : i32
        %mul3A_3269 = arith.muli %mul3A_3267, %mul3A_3268 : i32
        %add3A_3270 = arith.constant 384 : i32
        %add3A_3271 = arith.addi %mul3A_3269, %add3A_3270 : i32
        %dma_start3A_3272 = arith.constant 1 : i32
        %dma_start3A_3273 = arith.constant 0 : i32
        %dma_start3A_3274 = arith.constant 0 : i32
        %dma_start3A_3275 = tpu.memref_slice %arg5[%dma_start3A_3272, %dma_start3A_3273, %dma_start3A_3274] : memref<2x32x128xi32, #tpu.memory_space<vmem>> -> memref<1x32x128xi32, #tpu.memory_space<vmem>>
        %dma_start3A_3276 = tpu.memref_squeeze %dma_start3A_3275 : memref<1x32x128xi32, #tpu.memory_space<vmem>> -> memref<32x128xi32, #tpu.memory_space<vmem>>
        %dma_start3A_3277 = arith.constant 24 : i32
        %dma_start3A_3278 = arith.constant 0 : i32
        %dma_start3A_3279 = tpu.memref_slice %dma_start3A_3276[%dma_start3A_3277, %dma_start3A_3278] : memref<32x128xi32, #tpu.memory_space<vmem>> -> memref<8x128xi32, #tpu.memory_space<vmem>>
        %dma_start3A_3280 = tpu.memref_slice %arg3[%mul3A_2, %add3A_3271] : memref<256x8192xi32, #tpu.memory_space<hbm>> -> memref<8x128xi32, #tpu.memory_space<hbm>>
        %dma_start3A_3281 = arith.constant 0 : i32
        %dma_start3A_3282 = arith.constant 0 : i32
        %dma_start3A_3283 = tpu.memref_slice %arg5[%dma_start3A_3272, %dma_start3A_3281, %dma_start3A_3282] : memref<2x32x128xi32, #tpu.memory_space<vmem>> -> memref<1x32x128xi32, #tpu.memory_space<vmem>>
        %dma_start3A_3284 = tpu.memref_squeeze %dma_start3A_3283 : memref<1x32x128xi32, #tpu.memory_space<vmem>> -> memref<32x128xi32, #tpu.memory_space<vmem>>
        %dma_start3A_3285 = arith.constant 24 : i32
        %dma_start3A_3286 = arith.constant 0 : i32
        %dma_start3A_3287 = tpu.memref_slice %dma_start3A_3284[%dma_start3A_3285, %dma_start3A_3286] : memref<32x128xi32, #tpu.memory_space<vmem>> -> memref<8x128xi32, #tpu.memory_space<vmem>>
        %dma_start3A_3288 = tpu.memref_slice %arg3[%mul3A_2, %add3A_3271] : memref<256x8192xi32, #tpu.memory_space<hbm>> -> memref<8x128xi32, #tpu.memory_space<hbm>>
        tpu.enqueue_dma source(%dma_start3A_3288 : memref<8x128xi32, #tpu.memory_space<hbm>>) target(%dma_start3A_3287 : memref<8x128xi32, #tpu.memory_space<vmem>>) target_semaphore(%arg7 : memref<!tpu.dma_semaphore, #tpu.memory_space<semaphore_mem>>)
      } else {
      }
      %dma_wait3A_977 = arith.constant 0 : i32
      %dma_wait3A_978 = arith.constant 0 : i32
      %dma_wait3A_979 = arith.constant 0 : i32
      %dma_wait3A_980 = arith.constant 0 : i32
      %dma_wait3A_981 = arith.constant 0 : i32
      %dma_wait3A_982 = arith.constant 0 : i32
      %dma_wait3A_983 = tpu.memref_slice %arg6[%dma_wait3A_979, %dma_wait3A_981, %dma_wait3A_982] : memref<2x32x128xf32, #tpu.memory_space<vmem>> -> memref<1x32x128xf32, #tpu.memory_space<vmem>>
      %dma_wait3A_984 = tpu.memref_squeeze %dma_wait3A_983 : memref<1x32x128xf32, #tpu.memory_space<vmem>> -> memref<32x128xf32, #tpu.memory_space<vmem>>
      %dma_wait3A_985 = arith.constant 0 : i32
      %dma_wait3A_986 = tpu.memref_slice %dma_wait3A_984[%dma_wait3A_980, %dma_wait3A_985] : memref<32x128xf32, #tpu.memory_space<vmem>> -> memref<1x128xf32, #tpu.memory_space<vmem>>
      %dma_wait3A_987 = tpu.memref_squeeze %dma_wait3A_986 : memref<1x128xf32, #tpu.memory_space<vmem>> -> memref<128xf32, #tpu.memory_space<vmem>>
      %dma_wait3A_988 = arith.constant 0 : i32
      %dma_wait3A_989 = arith.constant 0 : i32
      %dma_wait3A_990 = tpu.memref_slice %arg5[%dma_wait3A_977, %dma_wait3A_988, %dma_wait3A_989] : memref<2x32x128xi32, #tpu.memory_space<vmem>> -> memref<1x32x128xi32, #tpu.memory_space<vmem>>
      %dma_wait3A_991 = tpu.memref_squeeze %dma_wait3A_990 : memref<1x32x128xi32, #tpu.memory_space<vmem>> -> memref<32x128xi32, #tpu.memory_space<vmem>>
      %dma_wait3A_992 = arith.constant 0 : i32
      %dma_wait3A_993 = tpu.memref_slice %dma_wait3A_991[%dma_wait3A_978, %dma_wait3A_992] : memref<32x128xi32, #tpu.memory_space<vmem>> -> memref<1x128xi32, #tpu.memory_space<vmem>>
      %dma_wait3A_994 = tpu.memref_squeeze %dma_wait3A_993 : memref<1x128xi32, #tpu.memory_space<vmem>> -> memref<128xi32, #tpu.memory_space<vmem>>
      %dma_wait3A_995 = arith.constant 0 : i32
      %dma_wait3A_996 = tpu.memref_slice %arg2[%dma_wait3A_995] : memref<33554432xf32, #tpu.memory_space<hbm>> -> memref<33554432xf32, #tpu.memory_space<hbm>>
      tpu.wait_indirect_dma semaphore(%arg8 : memref<!tpu.dma_semaphore, #tpu.memory_space<semaphore_mem>>) src(%dma_wait3A_996 : memref<33554432xf32, #tpu.memory_space<hbm>>) dst(%dma_wait3A_987 : memref<128xf32, #tpu.memory_space<vmem>>)
      %dma_wait3A_997 = arith.constant 0 : i32
      %dma_wait3A_998 = arith.constant 1 : i32
      %dma_wait3A_999 = arith.constant 0 : i32
      %dma_wait3A_1000 = arith.constant 1 : i32
      %dma_wait3A_1001 = arith.constant 0 : i32
      %dma_wait3A_1002 = arith.constant 0 : i32
      %dma_wait3A_1003 = tpu.memref_slice %arg6[%dma_wait3A_999, %dma_wait3A_1001, %dma_wait3A_1002] : memref<2x32x128xf32, #tpu.memory_space<vmem>> -> memref<1x32x128xf32, #tpu.memory_space<vmem>>
      %dma_wait3A_1004 = tpu.memref_squeeze %dma_wait3A_1003 : memref<1x32x128xf32, #tpu.memory_space<vmem>> -> memref<32x128xf32, #tpu.memory_space<vmem>>
      %dma_wait3A_1005 = arith.constant 0 : i32
      %dma_wait3A_1006 = tpu.memref_slice %dma_wait3A_1004[%dma_wait3A_1000, %dma_wait3A_1005] : memref<32x128xf32, #tpu.memory_space<vmem>> -> memref<1x128xf32, #tpu.memory_space<vmem>>
      %dma_wait3A_1007 = tpu.memref_squeeze %dma_wait3A_1006 : memref<1x128xf32, #tpu.memory_space<vmem>> -> memref<128xf32, #tpu.memory_space<vmem>>
      %dma_wait3A_1008 = arith.constant 0 : i32
      %dma_wait3A_1009 = arith.constant 0 : i32
      %dma_wait3A_1010 = tpu.memref_slice %arg5[%dma_wait3A_997, %dma_wait3A_1008, %dma_wait3A_1009] : memref<2x32x128xi32, #tpu.memory_space<vmem>> -> memref<1x32x128xi32, #tpu.memory_space<vmem>>
      %dma_wait3A_1011 = tpu.memref_squeeze %dma_wait3A_1010 : memref<1x32x128xi32, #tpu.memory_space<vmem>> -> memref<32x128xi32, #tpu.memory_space<vmem>>
      %dma_wait3A_1012 = arith.constant 0 : i32
      %dma_wait3A_1013 = tpu.memref_slice %dma_wait3A_1011[%dma_wait3A_998, %dma_wait3A_1012] : memref<32x128xi32, #tpu.memory_space<vmem>> -> memref<1x128xi32, #tpu.memory_space<vmem>>
      %dma_wait3A_1014 = tpu.memref_squeeze %dma_wait3A_1013 : memref<1x128xi32, #tpu.memory_space<vmem>> -> memref<128xi32, #tpu.memory_space<vmem>>
      %dma_wait3A_1015 = arith.constant 0 : i32
      %dma_wait3A_1016 = tpu.memref_slice %arg2[%dma_wait3A_1015] : memref<33554432xf32, #tpu.memory_space<hbm>> -> memref<33554432xf32, #tpu.memory_space<hbm>>
      tpu.wait_indirect_dma semaphore(%arg8 : memref<!tpu.dma_semaphore, #tpu.memory_space<semaphore_mem>>) src(%dma_wait3A_1016 : memref<33554432xf32, #tpu.memory_space<hbm>>) dst(%dma_wait3A_1007 : memref<128xf32, #tpu.memory_space<vmem>>)
      %dma_wait3A_1017 = arith.constant 0 : i32
      %dma_wait3A_1018 = arith.constant 2 : i32
      %dma_wait3A_1019 = arith.constant 0 : i32
      %dma_wait3A_1020 = arith.constant 2 : i32
      %dma_wait3A_1021 = arith.constant 0 : i32
      %dma_wait3A_1022 = arith.constant 0 : i32
      %dma_wait3A_1023 = tpu.memref_slice %arg6[%dma_wait3A_1019, %dma_wait3A_1021, %dma_wait3A_1022] : memref<2x32x128xf32, #tpu.memory_space<vmem>> -> memref<1x32x128xf32, #tpu.memory_space<vmem>>
      %dma_wait3A_1024 = tpu.memref_squeeze %dma_wait3A_1023 : memref<1x32x128xf32, #tpu.memory_space<vmem>> -> memref<32x128xf32, #tpu.memory_space<vmem>>
      %dma_wait3A_1025 = arith.constant 0 : i32
      %dma_wait3A_1026 = tpu.memref_slice %dma_wait3A_1024[%dma_wait3A_1020, %dma_wait3A_1025] : memref<32x128xf32, #tpu.memory_space<vmem>> -> memref<1x128xf32, #tpu.memory_space<vmem>>
      %dma_wait3A_1027 = tpu.memref_squeeze %dma_wait3A_1026 : memref<1x128xf32, #tpu.memory_space<vmem>> -> memref<128xf32, #tpu.memory_space<vmem>>
      %dma_wait3A_1028 = arith.constant 0 : i32
      %dma_wait3A_1029 = arith.constant 0 : i32
      %dma_wait3A_1030 = tpu.memref_slice %arg5[%dma_wait3A_1017, %dma_wait3A_1028, %dma_wait3A_1029] : memref<2x32x128xi32, #tpu.memory_space<vmem>> -> memref<1x32x128xi32, #tpu.memory_space<vmem>>
      %dma_wait3A_1031 = tpu.memref_squeeze %dma_wait3A_1030 : memref<1x32x128xi32, #tpu.memory_space<vmem>> -> memref<32x128xi32, #tpu.memory_space<vmem>>
      %dma_wait3A_1032 = arith.constant 0 : i32
      %dma_wait3A_1033 = tpu.memref_slice %dma_wait3A_1031[%dma_wait3A_1018, %dma_wait3A_1032] : memref<32x128xi32, #tpu.memory_space<vmem>> -> memref<1x128xi32, #tpu.memory_space<vmem>>
      %dma_wait3A_1034 = tpu.memref_squeeze %dma_wait3A_1033 : memref<1x128xi32, #tpu.memory_space<vmem>> -> memref<128xi32, #tpu.memory_space<vmem>>
      %dma_wait3A_1035 = arith.constant 0 : i32
      %dma_wait3A_1036 = tpu.memref_slice %arg2[%dma_wait3A_1035] : memref<33554432xf32, #tpu.memory_space<hbm>> -> memref<33554432xf32, #tpu.memory_space<hbm>>
      tpu.wait_indirect_dma semaphore(%arg8 : memref<!tpu.dma_semaphore, #tpu.memory_space<semaphore_mem>>) src(%dma_wait3A_1036 : memref<33554432xf32, #tpu.memory_space<hbm>>) dst(%dma_wait3A_1027 : memref<128xf32, #tpu.memory_space<vmem>>)
      %dma_wait3A_1037 = arith.constant 0 : i32
      %dma_wait3A_1038 = arith.constant 3 : i32
      %dma_wait3A_1039 = arith.constant 0 : i32
      %dma_wait3A_1040 = arith.constant 3 : i32
      %dma_wait3A_1041 = arith.constant 0 : i32
      %dma_wait3A_1042 = arith.constant 0 : i32
      %dma_wait3A_1043 = tpu.memref_slice %arg6[%dma_wait3A_1039, %dma_wait3A_1041, %dma_wait3A_1042] : memref<2x32x128xf32, #tpu.memory_space<vmem>> -> memref<1x32x128xf32, #tpu.memory_space<vmem>>
      %dma_wait3A_1044 = tpu.memref_squeeze %dma_wait3A_1043 : memref<1x32x128xf32, #tpu.memory_space<vmem>> -> memref<32x128xf32, #tpu.memory_space<vmem>>
      %dma_wait3A_1045 = arith.constant 0 : i32
      %dma_wait3A_1046 = tpu.memref_slice %dma_wait3A_1044[%dma_wait3A_1040, %dma_wait3A_1045] : memref<32x128xf32, #tpu.memory_space<vmem>> -> memref<1x128xf32, #tpu.memory_space<vmem>>
      %dma_wait3A_1047 = tpu.memref_squeeze %dma_wait3A_1046 : memref<1x128xf32, #tpu.memory_space<vmem>> -> memref<128xf32, #tpu.memory_space<vmem>>
      %dma_wait3A_1048 = arith.constant 0 : i32
      %dma_wait3A_1049 = arith.constant 0 : i32
      %dma_wait3A_1050 = tpu.memref_slice %arg5[%dma_wait3A_1037, %dma_wait3A_1048, %dma_wait3A_1049] : memref<2x32x128xi32, #tpu.memory_space<vmem>> -> memref<1x32x128xi32, #tpu.memory_space<vmem>>
      %dma_wait3A_1051 = tpu.memref_squeeze %dma_wait3A_1050 : memref<1x32x128xi32, #tpu.memory_space<vmem>> -> memref<32x128xi32, #tpu.memory_space<vmem>>
      %dma_wait3A_1052 = arith.constant 0 : i32
      %dma_wait3A_1053 = tpu.memref_slice %dma_wait3A_1051[%dma_wait3A_1038, %dma_wait3A_1052] : memref<32x128xi32, #tpu.memory_space<vmem>> -> memref<1x128xi32, #tpu.memory_space<vmem>>
      %dma_wait3A_1054 = tpu.memref_squeeze %dma_wait3A_1053 : memref<1x128xi32, #tpu.memory_space<vmem>> -> memref<128xi32, #tpu.memory_space<vmem>>
      %dma_wait3A_1055 = arith.constant 0 : i32
      %dma_wait3A_1056 = tpu.memref_slice %arg2[%dma_wait3A_1055] : memref<33554432xf32, #tpu.memory_space<hbm>> -> memref<33554432xf32, #tpu.memory_space<hbm>>
      tpu.wait_indirect_dma semaphore(%arg8 : memref<!tpu.dma_semaphore, #tpu.memory_space<semaphore_mem>>) src(%dma_wait3A_1056 : memref<33554432xf32, #tpu.memory_space<hbm>>) dst(%dma_wait3A_1047 : memref<128xf32, #tpu.memory_space<vmem>>)
      %dma_wait3A_1057 = arith.constant 0 : i32
      %dma_wait3A_1058 = arith.constant 4 : i32
      %dma_wait3A_1059 = arith.constant 0 : i32
      %dma_wait3A_1060 = arith.constant 4 : i32
      %dma_wait3A_1061 = arith.constant 0 : i32
      %dma_wait3A_1062 = arith.constant 0 : i32
      %dma_wait3A_1063 = tpu.memref_slice %arg6[%dma_wait3A_1059, %dma_wait3A_1061, %dma_wait3A_1062] : memref<2x32x128xf32, #tpu.memory_space<vmem>> -> memref<1x32x128xf32, #tpu.memory_space<vmem>>
      %dma_wait3A_1064 = tpu.memref_squeeze %dma_wait3A_1063 : memref<1x32x128xf32, #tpu.memory_space<vmem>> -> memref<32x128xf32, #tpu.memory_space<vmem>>
      %dma_wait3A_1065 = arith.constant 0 : i32
      %dma_wait3A_1066 = tpu.memref_slice %dma_wait3A_1064[%dma_wait3A_1060, %dma_wait3A_1065] : memref<32x128xf32, #tpu.memory_space<vmem>> -> memref<1x128xf32, #tpu.memory_space<vmem>>
      %dma_wait3A_1067 = tpu.memref_squeeze %dma_wait3A_1066 : memref<1x128xf32, #tpu.memory_space<vmem>> -> memref<128xf32, #tpu.memory_space<vmem>>
      %dma_wait3A_1068 = arith.constant 0 : i32
      %dma_wait3A_1069 = arith.constant 0 : i32
      %dma_wait3A_1070 = tpu.memref_slice %arg5[%dma_wait3A_1057, %dma_wait3A_1068, %dma_wait3A_1069] : memref<2x32x128xi32, #tpu.memory_space<vmem>> -> memref<1x32x128xi32, #tpu.memory_space<vmem>>
      %dma_wait3A_1071 = tpu.memref_squeeze %dma_wait3A_1070 : memref<1x32x128xi32, #tpu.memory_space<vmem>> -> memref<32x128xi32, #tpu.memory_space<vmem>>
      %dma_wait3A_1072 = arith.constant 0 : i32
      %dma_wait3A_1073 = tpu.memref_slice %dma_wait3A_1071[%dma_wait3A_1058, %dma_wait3A_1072] : memref<32x128xi32, #tpu.memory_space<vmem>> -> memref<1x128xi32, #tpu.memory_space<vmem>>
      %dma_wait3A_1074 = tpu.memref_squeeze %dma_wait3A_1073 : memref<1x128xi32, #tpu.memory_space<vmem>> -> memref<128xi32, #tpu.memory_space<vmem>>
      %dma_wait3A_1075 = arith.constant 0 : i32
      %dma_wait3A_1076 = tpu.memref_slice %arg2[%dma_wait3A_1075] : memref<33554432xf32, #tpu.memory_space<hbm>> -> memref<33554432xf32, #tpu.memory_space<hbm>>
      tpu.wait_indirect_dma semaphore(%arg8 : memref<!tpu.dma_semaphore, #tpu.memory_space<semaphore_mem>>) src(%dma_wait3A_1076 : memref<33554432xf32, #tpu.memory_space<hbm>>) dst(%dma_wait3A_1067 : memref<128xf32, #tpu.memory_space<vmem>>)
      %dma_wait3A_1077 = arith.constant 0 : i32
      %dma_wait3A_1078 = arith.constant 5 : i32
      %dma_wait3A_1079 = arith.constant 0 : i32
      %dma_wait3A_1080 = arith.constant 5 : i32
      %dma_wait3A_1081 = arith.constant 0 : i32
      %dma_wait3A_1082 = arith.constant 0 : i32
      %dma_wait3A_1083 = tpu.memref_slice %arg6[%dma_wait3A_1079, %dma_wait3A_1081, %dma_wait3A_1082] : memref<2x32x128xf32, #tpu.memory_space<vmem>> -> memref<1x32x128xf32, #tpu.memory_space<vmem>>
      %dma_wait3A_1084 = tpu.memref_squeeze %dma_wait3A_1083 : memref<1x32x128xf32, #tpu.memory_space<vmem>> -> memref<32x128xf32, #tpu.memory_space<vmem>>
      %dma_wait3A_1085 = arith.constant 0 : i32
      %dma_wait3A_1086 = tpu.memref_slice %dma_wait3A_1084[%dma_wait3A_1080, %dma_wait3A_1085] : memref<32x128xf32, #tpu.memory_space<vmem>> -> memref<1x128xf32, #tpu.memory_space<vmem>>
      %dma_wait3A_1087 = tpu.memref_squeeze %dma_wait3A_1086 : memref<1x128xf32, #tpu.memory_space<vmem>> -> memref<128xf32, #tpu.memory_space<vmem>>
      %dma_wait3A_1088 = arith.constant 0 : i32
      %dma_wait3A_1089 = arith.constant 0 : i32
      %dma_wait3A_1090 = tpu.memref_slice %arg5[%dma_wait3A_1077, %dma_wait3A_1088, %dma_wait3A_1089] : memref<2x32x128xi32, #tpu.memory_space<vmem>> -> memref<1x32x128xi32, #tpu.memory_space<vmem>>
      %dma_wait3A_1091 = tpu.memref_squeeze %dma_wait3A_1090 : memref<1x32x128xi32, #tpu.memory_space<vmem>> -> memref<32x128xi32, #tpu.memory_space<vmem>>
      %dma_wait3A_1092 = arith.constant 0 : i32
      %dma_wait3A_1093 = tpu.memref_slice %dma_wait3A_1091[%dma_wait3A_1078, %dma_wait3A_1092] : memref<32x128xi32, #tpu.memory_space<vmem>> -> memref<1x128xi32, #tpu.memory_space<vmem>>
      %dma_wait3A_1094 = tpu.memref_squeeze %dma_wait3A_1093 : memref<1x128xi32, #tpu.memory_space<vmem>> -> memref<128xi32, #tpu.memory_space<vmem>>
      %dma_wait3A_1095 = arith.constant 0 : i32
      %dma_wait3A_1096 = tpu.memref_slice %arg2[%dma_wait3A_1095] : memref<33554432xf32, #tpu.memory_space<hbm>> -> memref<33554432xf32, #tpu.memory_space<hbm>>
      tpu.wait_indirect_dma semaphore(%arg8 : memref<!tpu.dma_semaphore, #tpu.memory_space<semaphore_mem>>) src(%dma_wait3A_1096 : memref<33554432xf32, #tpu.memory_space<hbm>>) dst(%dma_wait3A_1087 : memref<128xf32, #tpu.memory_space<vmem>>)
      %dma_wait3A_1097 = arith.constant 0 : i32
      %dma_wait3A_1098 = arith.constant 6 : i32
      %dma_wait3A_1099 = arith.constant 0 : i32
      %dma_wait3A_1100 = arith.constant 6 : i32
      %dma_wait3A_1101 = arith.constant 0 : i32
      %dma_wait3A_1102 = arith.constant 0 : i32
      %dma_wait3A_1103 = tpu.memref_slice %arg6[%dma_wait3A_1099, %dma_wait3A_1101, %dma_wait3A_1102] : memref<2x32x128xf32, #tpu.memory_space<vmem>> -> memref<1x32x128xf32, #tpu.memory_space<vmem>>
      %dma_wait3A_1104 = tpu.memref_squeeze %dma_wait3A_1103 : memref<1x32x128xf32, #tpu.memory_space<vmem>> -> memref<32x128xf32, #tpu.memory_space<vmem>>
      %dma_wait3A_1105 = arith.constant 0 : i32
      %dma_wait3A_1106 = tpu.memref_slice %dma_wait3A_1104[%dma_wait3A_1100, %dma_wait3A_1105] : memref<32x128xf32, #tpu.memory_space<vmem>> -> memref<1x128xf32, #tpu.memory_space<vmem>>
      %dma_wait3A_1107 = tpu.memref_squeeze %dma_wait3A_1106 : memref<1x128xf32, #tpu.memory_space<vmem>> -> memref<128xf32, #tpu.memory_space<vmem>>
      %dma_wait3A_1108 = arith.constant 0 : i32
      %dma_wait3A_1109 = arith.constant 0 : i32
      %dma_wait3A_1110 = tpu.memref_slice %arg5[%dma_wait3A_1097, %dma_wait3A_1108, %dma_wait3A_1109] : memref<2x32x128xi32, #tpu.memory_space<vmem>> -> memref<1x32x128xi32, #tpu.memory_space<vmem>>
      %dma_wait3A_1111 = tpu.memref_squeeze %dma_wait3A_1110 : memref<1x32x128xi32, #tpu.memory_space<vmem>> -> memref<32x128xi32, #tpu.memory_space<vmem>>
      %dma_wait3A_1112 = arith.constant 0 : i32
      %dma_wait3A_1113 = tpu.memref_slice %dma_wait3A_1111[%dma_wait3A_1098, %dma_wait3A_1112] : memref<32x128xi32, #tpu.memory_space<vmem>> -> memref<1x128xi32, #tpu.memory_space<vmem>>
      %dma_wait3A_1114 = tpu.memref_squeeze %dma_wait3A_1113 : memref<1x128xi32, #tpu.memory_space<vmem>> -> memref<128xi32, #tpu.memory_space<vmem>>
      %dma_wait3A_1115 = arith.constant 0 : i32
      %dma_wait3A_1116 = tpu.memref_slice %arg2[%dma_wait3A_1115] : memref<33554432xf32, #tpu.memory_space<hbm>> -> memref<33554432xf32, #tpu.memory_space<hbm>>
      tpu.wait_indirect_dma semaphore(%arg8 : memref<!tpu.dma_semaphore, #tpu.memory_space<semaphore_mem>>) src(%dma_wait3A_1116 : memref<33554432xf32, #tpu.memory_space<hbm>>) dst(%dma_wait3A_1107 : memref<128xf32, #tpu.memory_space<vmem>>)
      %dma_wait3A_1117 = arith.constant 0 : i32
      %dma_wait3A_1118 = arith.constant 7 : i32
      %dma_wait3A_1119 = arith.constant 0 : i32
      %dma_wait3A_1120 = arith.constant 7 : i32
      %dma_wait3A_1121 = arith.constant 0 : i32
      %dma_wait3A_1122 = arith.constant 0 : i32
      %dma_wait3A_1123 = tpu.memref_slice %arg6[%dma_wait3A_1119, %dma_wait3A_1121, %dma_wait3A_1122] : memref<2x32x128xf32, #tpu.memory_space<vmem>> -> memref<1x32x128xf32, #tpu.memory_space<vmem>>
      %dma_wait3A_1124 = tpu.memref_squeeze %dma_wait3A_1123 : memref<1x32x128xf32, #tpu.memory_space<vmem>> -> memref<32x128xf32, #tpu.memory_space<vmem>>
      %dma_wait3A_1125 = arith.constant 0 : i32
      %dma_wait3A_1126 = tpu.memref_slice %dma_wait3A_1124[%dma_wait3A_1120, %dma_wait3A_1125] : memref<32x128xf32, #tpu.memory_space<vmem>> -> memref<1x128xf32, #tpu.memory_space<vmem>>
      %dma_wait3A_1127 = tpu.memref_squeeze %dma_wait3A_1126 : memref<1x128xf32, #tpu.memory_space<vmem>> -> memref<128xf32, #tpu.memory_space<vmem>>
      %dma_wait3A_1128 = arith.constant 0 : i32
      %dma_wait3A_1129 = arith.constant 0 : i32
      %dma_wait3A_1130 = tpu.memref_slice %arg5[%dma_wait3A_1117, %dma_wait3A_1128, %dma_wait3A_1129] : memref<2x32x128xi32, #tpu.memory_space<vmem>> -> memref<1x32x128xi32, #tpu.memory_space<vmem>>
      %dma_wait3A_1131 = tpu.memref_squeeze %dma_wait3A_1130 : memref<1x32x128xi32, #tpu.memory_space<vmem>> -> memref<32x128xi32, #tpu.memory_space<vmem>>
      %dma_wait3A_1132 = arith.constant 0 : i32
      %dma_wait3A_1133 = tpu.memref_slice %dma_wait3A_1131[%dma_wait3A_1118, %dma_wait3A_1132] : memref<32x128xi32, #tpu.memory_space<vmem>> -> memref<1x128xi32, #tpu.memory_space<vmem>>
      %dma_wait3A_1134 = tpu.memref_squeeze %dma_wait3A_1133 : memref<1x128xi32, #tpu.memory_space<vmem>> -> memref<128xi32, #tpu.memory_space<vmem>>
      %dma_wait3A_1135 = arith.constant 0 : i32
      %dma_wait3A_1136 = tpu.memref_slice %arg2[%dma_wait3A_1135] : memref<33554432xf32, #tpu.memory_space<hbm>> -> memref<33554432xf32, #tpu.memory_space<hbm>>
      tpu.wait_indirect_dma semaphore(%arg8 : memref<!tpu.dma_semaphore, #tpu.memory_space<semaphore_mem>>) src(%dma_wait3A_1136 : memref<33554432xf32, #tpu.memory_space<hbm>>) dst(%dma_wait3A_1127 : memref<128xf32, #tpu.memory_space<vmem>>)
      %dma_wait3A_1137 = arith.constant 0 : i32
      %dma_wait3A_1138 = arith.constant 8 : i32
      %dma_wait3A_1139 = arith.constant 0 : i32
      %dma_wait3A_1140 = arith.constant 8 : i32
      %dma_wait3A_1141 = arith.constant 0 : i32
      %dma_wait3A_1142 = arith.constant 0 : i32
      %dma_wait3A_1143 = tpu.memref_slice %arg6[%dma_wait3A_1139, %dma_wait3A_1141, %dma_wait3A_1142] : memref<2x32x128xf32, #tpu.memory_space<vmem>> -> memref<1x32x128xf32, #tpu.memory_space<vmem>>
      %dma_wait3A_1144 = tpu.memref_squeeze %dma_wait3A_1143 : memref<1x32x128xf32, #tpu.memory_space<vmem>> -> memref<32x128xf32, #tpu.memory_space<vmem>>
      %dma_wait3A_1145 = arith.constant 0 : i32
      %dma_wait3A_1146 = tpu.memref_slice %dma_wait3A_1144[%dma_wait3A_1140, %dma_wait3A_1145] : memref<32x128xf32, #tpu.memory_space<vmem>> -> memref<1x128xf32, #tpu.memory_space<vmem>>
      %dma_wait3A_1147 = tpu.memref_squeeze %dma_wait3A_1146 : memref<1x128xf32, #tpu.memory_space<vmem>> -> memref<128xf32, #tpu.memory_space<vmem>>
      %dma_wait3A_1148 = arith.constant 0 : i32
      %dma_wait3A_1149 = arith.constant 0 : i32
      %dma_wait3A_1150 = tpu.memref_slice %arg5[%dma_wait3A_1137, %dma_wait3A_1148, %dma_wait3A_1149] : memref<2x32x128xi32, #tpu.memory_space<vmem>> -> memref<1x32x128xi32, #tpu.memory_space<vmem>>
      %dma_wait3A_1151 = tpu.memref_squeeze %dma_wait3A_1150 : memref<1x32x128xi32, #tpu.memory_space<vmem>> -> memref<32x128xi32, #tpu.memory_space<vmem>>
      %dma_wait3A_1152 = arith.constant 0 : i32
      %dma_wait3A_1153 = tpu.memref_slice %dma_wait3A_1151[%dma_wait3A_1138, %dma_wait3A_1152] : memref<32x128xi32, #tpu.memory_space<vmem>> -> memref<1x128xi32, #tpu.memory_space<vmem>>
      %dma_wait3A_1154 = tpu.memref_squeeze %dma_wait3A_1153 : memref<1x128xi32, #tpu.memory_space<vmem>> -> memref<128xi32, #tpu.memory_space<vmem>>
      %dma_wait3A_1155 = arith.constant 0 : i32
      %dma_wait3A_1156 = tpu.memref_slice %arg2[%dma_wait3A_1155] : memref<33554432xf32, #tpu.memory_space<hbm>> -> memref<33554432xf32, #tpu.memory_space<hbm>>
      tpu.wait_indirect_dma semaphore(%arg8 : memref<!tpu.dma_semaphore, #tpu.memory_space<semaphore_mem>>) src(%dma_wait3A_1156 : memref<33554432xf32, #tpu.memory_space<hbm>>) dst(%dma_wait3A_1147 : memref<128xf32, #tpu.memory_space<vmem>>)
      %dma_wait3A_1157 = arith.constant 0 : i32
      %dma_wait3A_1158 = arith.constant 9 : i32
      %dma_wait3A_1159 = arith.constant 0 : i32
      %dma_wait3A_1160 = arith.constant 9 : i32
      %dma_wait3A_1161 = arith.constant 0 : i32
      %dma_wait3A_1162 = arith.constant 0 : i32
      %dma_wait3A_1163 = tpu.memref_slice %arg6[%dma_wait3A_1159, %dma_wait3A_1161, %dma_wait3A_1162] : memref<2x32x128xf32, #tpu.memory_space<vmem>> -> memref<1x32x128xf32, #tpu.memory_space<vmem>>
      %dma_wait3A_1164 = tpu.memref_squeeze %dma_wait3A_1163 : memref<1x32x128xf32, #tpu.memory_space<vmem>> -> memref<32x128xf32, #tpu.memory_space<vmem>>
      %dma_wait3A_1165 = arith.constant 0 : i32
      %dma_wait3A_1166 = tpu.memref_slice %dma_wait3A_1164[%dma_wait3A_1160, %dma_wait3A_1165] : memref<32x128xf32, #tpu.memory_space<vmem>> -> memref<1x128xf32, #tpu.memory_space<vmem>>
      %dma_wait3A_1167 = tpu.memref_squeeze %dma_wait3A_1166 : memref<1x128xf32, #tpu.memory_space<vmem>> -> memref<128xf32, #tpu.memory_space<vmem>>
      %dma_wait3A_1168 = arith.constant 0 : i32
      %dma_wait3A_1169 = arith.constant 0 : i32
      %dma_wait3A_1170 = tpu.memref_slice %arg5[%dma_wait3A_1157, %dma_wait3A_1168, %dma_wait3A_1169] : memref<2x32x128xi32, #tpu.memory_space<vmem>> -> memref<1x32x128xi32, #tpu.memory_space<vmem>>
      %dma_wait3A_1171 = tpu.memref_squeeze %dma_wait3A_1170 : memref<1x32x128xi32, #tpu.memory_space<vmem>> -> memref<32x128xi32, #tpu.memory_space<vmem>>
      %dma_wait3A_1172 = arith.constant 0 : i32
      %dma_wait3A_1173 = tpu.memref_slice %dma_wait3A_1171[%dma_wait3A_1158, %dma_wait3A_1172] : memref<32x128xi32, #tpu.memory_space<vmem>> -> memref<1x128xi32, #tpu.memory_space<vmem>>
      %dma_wait3A_1174 = tpu.memref_squeeze %dma_wait3A_1173 : memref<1x128xi32, #tpu.memory_space<vmem>> -> memref<128xi32, #tpu.memory_space<vmem>>
      %dma_wait3A_1175 = arith.constant 0 : i32
      %dma_wait3A_1176 = tpu.memref_slice %arg2[%dma_wait3A_1175] : memref<33554432xf32, #tpu.memory_space<hbm>> -> memref<33554432xf32, #tpu.memory_space<hbm>>
      tpu.wait_indirect_dma semaphore(%arg8 : memref<!tpu.dma_semaphore, #tpu.memory_space<semaphore_mem>>) src(%dma_wait3A_1176 : memref<33554432xf32, #tpu.memory_space<hbm>>) dst(%dma_wait3A_1167 : memref<128xf32, #tpu.memory_space<vmem>>)
      %dma_wait3A_1177 = arith.constant 0 : i32
      %dma_wait3A_1178 = arith.constant 10 : i32
      %dma_wait3A_1179 = arith.constant 0 : i32
      %dma_wait3A_1180 = arith.constant 10 : i32
      %dma_wait3A_1181 = arith.constant 0 : i32
      %dma_wait3A_1182 = arith.constant 0 : i32
      %dma_wait3A_1183 = tpu.memref_slice %arg6[%dma_wait3A_1179, %dma_wait3A_1181, %dma_wait3A_1182] : memref<2x32x128xf32, #tpu.memory_space<vmem>> -> memref<1x32x128xf32, #tpu.memory_space<vmem>>
      %dma_wait3A_1184 = tpu.memref_squeeze %dma_wait3A_1183 : memref<1x32x128xf32, #tpu.memory_space<vmem>> -> memref<32x128xf32, #tpu.memory_space<vmem>>
      %dma_wait3A_1185 = arith.constant 0 : i32
      %dma_wait3A_1186 = tpu.memref_slice %dma_wait3A_1184[%dma_wait3A_1180, %dma_wait3A_1185] : memref<32x128xf32, #tpu.memory_space<vmem>> -> memref<1x128xf32, #tpu.memory_space<vmem>>
      %dma_wait3A_1187 = tpu.memref_squeeze %dma_wait3A_1186 : memref<1x128xf32, #tpu.memory_space<vmem>> -> memref<128xf32, #tpu.memory_space<vmem>>
      %dma_wait3A_1188 = arith.constant 0 : i32
      %dma_wait3A_1189 = arith.constant 0 : i32
      %dma_wait3A_1190 = tpu.memref_slice %arg5[%dma_wait3A_1177, %dma_wait3A_1188, %dma_wait3A_1189] : memref<2x32x128xi32, #tpu.memory_space<vmem>> -> memref<1x32x128xi32, #tpu.memory_space<vmem>>
      %dma_wait3A_1191 = tpu.memref_squeeze %dma_wait3A_1190 : memref<1x32x128xi32, #tpu.memory_space<vmem>> -> memref<32x128xi32, #tpu.memory_space<vmem>>
      %dma_wait3A_1192 = arith.constant 0 : i32
      %dma_wait3A_1193 = tpu.memref_slice %dma_wait3A_1191[%dma_wait3A_1178, %dma_wait3A_1192] : memref<32x128xi32, #tpu.memory_space<vmem>> -> memref<1x128xi32, #tpu.memory_space<vmem>>
      %dma_wait3A_1194 = tpu.memref_squeeze %dma_wait3A_1193 : memref<1x128xi32, #tpu.memory_space<vmem>> -> memref<128xi32, #tpu.memory_space<vmem>>
      %dma_wait3A_1195 = arith.constant 0 : i32
      %dma_wait3A_1196 = tpu.memref_slice %arg2[%dma_wait3A_1195] : memref<33554432xf32, #tpu.memory_space<hbm>> -> memref<33554432xf32, #tpu.memory_space<hbm>>
      tpu.wait_indirect_dma semaphore(%arg8 : memref<!tpu.dma_semaphore, #tpu.memory_space<semaphore_mem>>) src(%dma_wait3A_1196 : memref<33554432xf32, #tpu.memory_space<hbm>>) dst(%dma_wait3A_1187 : memref<128xf32, #tpu.memory_space<vmem>>)
      %dma_wait3A_1197 = arith.constant 0 : i32
      %dma_wait3A_1198 = arith.constant 11 : i32
      %dma_wait3A_1199 = arith.constant 0 : i32
      %dma_wait3A_1200 = arith.constant 11 : i32
      %dma_wait3A_1201 = arith.constant 0 : i32
      %dma_wait3A_1202 = arith.constant 0 : i32
      %dma_wait3A_1203 = tpu.memref_slice %arg6[%dma_wait3A_1199, %dma_wait3A_1201, %dma_wait3A_1202] : memref<2x32x128xf32, #tpu.memory_space<vmem>> -> memref<1x32x128xf32, #tpu.memory_space<vmem>>
      %dma_wait3A_1204 = tpu.memref_squeeze %dma_wait3A_1203 : memref<1x32x128xf32, #tpu.memory_space<vmem>> -> memref<32x128xf32, #tpu.memory_space<vmem>>
      %dma_wait3A_1205 = arith.constant 0 : i32
      %dma_wait3A_1206 = tpu.memref_slice %dma_wait3A_1204[%dma_wait3A_1200, %dma_wait3A_1205] : memref<32x128xf32, #tpu.memory_space<vmem>> -> memref<1x128xf32, #tpu.memory_space<vmem>>
      %dma_wait3A_1207 = tpu.memref_squeeze %dma_wait3A_1206 : memref<1x128xf32, #tpu.memory_space<vmem>> -> memref<128xf32, #tpu.memory_space<vmem>>
      %dma_wait3A_1208 = arith.constant 0 : i32
      %dma_wait3A_1209 = arith.constant 0 : i32
      %dma_wait3A_1210 = tpu.memref_slice %arg5[%dma_wait3A_1197, %dma_wait3A_1208, %dma_wait3A_1209] : memref<2x32x128xi32, #tpu.memory_space<vmem>> -> memref<1x32x128xi32, #tpu.memory_space<vmem>>
      %dma_wait3A_1211 = tpu.memref_squeeze %dma_wait3A_1210 : memref<1x32x128xi32, #tpu.memory_space<vmem>> -> memref<32x128xi32, #tpu.memory_space<vmem>>
      %dma_wait3A_1212 = arith.constant 0 : i32
      %dma_wait3A_1213 = tpu.memref_slice %dma_wait3A_1211[%dma_wait3A_1198, %dma_wait3A_1212] : memref<32x128xi32, #tpu.memory_space<vmem>> -> memref<1x128xi32, #tpu.memory_space<vmem>>
      %dma_wait3A_1214 = tpu.memref_squeeze %dma_wait3A_1213 : memref<1x128xi32, #tpu.memory_space<vmem>> -> memref<128xi32, #tpu.memory_space<vmem>>
      %dma_wait3A_1215 = arith.constant 0 : i32
      %dma_wait3A_1216 = tpu.memref_slice %arg2[%dma_wait3A_1215] : memref<33554432xf32, #tpu.memory_space<hbm>> -> memref<33554432xf32, #tpu.memory_space<hbm>>
      tpu.wait_indirect_dma semaphore(%arg8 : memref<!tpu.dma_semaphore, #tpu.memory_space<semaphore_mem>>) src(%dma_wait3A_1216 : memref<33554432xf32, #tpu.memory_space<hbm>>) dst(%dma_wait3A_1207 : memref<128xf32, #tpu.memory_space<vmem>>)
      %dma_wait3A_1217 = arith.constant 0 : i32
      %dma_wait3A_1218 = arith.constant 12 : i32
      %dma_wait3A_1219 = arith.constant 0 : i32
      %dma_wait3A_1220 = arith.constant 12 : i32
      %dma_wait3A_1221 = arith.constant 0 : i32
      %dma_wait3A_1222 = arith.constant 0 : i32
      %dma_wait3A_1223 = tpu.memref_slice %arg6[%dma_wait3A_1219, %dma_wait3A_1221, %dma_wait3A_1222] : memref<2x32x128xf32, #tpu.memory_space<vmem>> -> memref<1x32x128xf32, #tpu.memory_space<vmem>>
      %dma_wait3A_1224 = tpu.memref_squeeze %dma_wait3A_1223 : memref<1x32x128xf32, #tpu.memory_space<vmem>> -> memref<32x128xf32, #tpu.memory_space<vmem>>
      %dma_wait3A_1225 = arith.constant 0 : i32
      %dma_wait3A_1226 = tpu.memref_slice %dma_wait3A_1224[%dma_wait3A_1220, %dma_wait3A_1225] : memref<32x128xf32, #tpu.memory_space<vmem>> -> memref<1x128xf32, #tpu.memory_space<vmem>>
      %dma_wait3A_1227 = tpu.memref_squeeze %dma_wait3A_1226 : memref<1x128xf32, #tpu.memory_space<vmem>> -> memref<128xf32, #tpu.memory_space<vmem>>
      %dma_wait3A_1228 = arith.constant 0 : i32
      %dma_wait3A_1229 = arith.constant 0 : i32
      %dma_wait3A_1230 = tpu.memref_slice %arg5[%dma_wait3A_1217, %dma_wait3A_1228, %dma_wait3A_1229] : memref<2x32x128xi32, #tpu.memory_space<vmem>> -> memref<1x32x128xi32, #tpu.memory_space<vmem>>
      %dma_wait3A_1231 = tpu.memref_squeeze %dma_wait3A_1230 : memref<1x32x128xi32, #tpu.memory_space<vmem>> -> memref<32x128xi32, #tpu.memory_space<vmem>>
      %dma_wait3A_1232 = arith.constant 0 : i32
      %dma_wait3A_1233 = tpu.memref_slice %dma_wait3A_1231[%dma_wait3A_1218, %dma_wait3A_1232] : memref<32x128xi32, #tpu.memory_space<vmem>> -> memref<1x128xi32, #tpu.memory_space<vmem>>
      %dma_wait3A_1234 = tpu.memref_squeeze %dma_wait3A_1233 : memref<1x128xi32, #tpu.memory_space<vmem>> -> memref<128xi32, #tpu.memory_space<vmem>>
      %dma_wait3A_1235 = arith.constant 0 : i32
      %dma_wait3A_1236 = tpu.memref_slice %arg2[%dma_wait3A_1235] : memref<33554432xf32, #tpu.memory_space<hbm>> -> memref<33554432xf32, #tpu.memory_space<hbm>>
      tpu.wait_indirect_dma semaphore(%arg8 : memref<!tpu.dma_semaphore, #tpu.memory_space<semaphore_mem>>) src(%dma_wait3A_1236 : memref<33554432xf32, #tpu.memory_space<hbm>>) dst(%dma_wait3A_1227 : memref<128xf32, #tpu.memory_space<vmem>>)
      %dma_wait3A_1237 = arith.constant 0 : i32
      %dma_wait3A_1238 = arith.constant 13 : i32
      %dma_wait3A_1239 = arith.constant 0 : i32
      %dma_wait3A_1240 = arith.constant 13 : i32
      %dma_wait3A_1241 = arith.constant 0 : i32
      %dma_wait3A_1242 = arith.constant 0 : i32
      %dma_wait3A_1243 = tpu.memref_slice %arg6[%dma_wait3A_1239, %dma_wait3A_1241, %dma_wait3A_1242] : memref<2x32x128xf32, #tpu.memory_space<vmem>> -> memref<1x32x128xf32, #tpu.memory_space<vmem>>
      %dma_wait3A_1244 = tpu.memref_squeeze %dma_wait3A_1243 : memref<1x32x128xf32, #tpu.memory_space<vmem>> -> memref<32x128xf32, #tpu.memory_space<vmem>>
      %dma_wait3A_1245 = arith.constant 0 : i32
      %dma_wait3A_1246 = tpu.memref_slice %dma_wait3A_1244[%dma_wait3A_1240, %dma_wait3A_1245] : memref<32x128xf32, #tpu.memory_space<vmem>> -> memref<1x128xf32, #tpu.memory_space<vmem>>
      %dma_wait3A_1247 = tpu.memref_squeeze %dma_wait3A_1246 : memref<1x128xf32, #tpu.memory_space<vmem>> -> memref<128xf32, #tpu.memory_space<vmem>>
      %dma_wait3A_1248 = arith.constant 0 : i32
      %dma_wait3A_1249 = arith.constant 0 : i32
      %dma_wait3A_1250 = tpu.memref_slice %arg5[%dma_wait3A_1237, %dma_wait3A_1248, %dma_wait3A_1249] : memref<2x32x128xi32, #tpu.memory_space<vmem>> -> memref<1x32x128xi32, #tpu.memory_space<vmem>>
      %dma_wait3A_1251 = tpu.memref_squeeze %dma_wait3A_1250 : memref<1x32x128xi32, #tpu.memory_space<vmem>> -> memref<32x128xi32, #tpu.memory_space<vmem>>
      %dma_wait3A_1252 = arith.constant 0 : i32
      %dma_wait3A_1253 = tpu.memref_slice %dma_wait3A_1251[%dma_wait3A_1238, %dma_wait3A_1252] : memref<32x128xi32, #tpu.memory_space<vmem>> -> memref<1x128xi32, #tpu.memory_space<vmem>>
      %dma_wait3A_1254 = tpu.memref_squeeze %dma_wait3A_1253 : memref<1x128xi32, #tpu.memory_space<vmem>> -> memref<128xi32, #tpu.memory_space<vmem>>
      %dma_wait3A_1255 = arith.constant 0 : i32
      %dma_wait3A_1256 = tpu.memref_slice %arg2[%dma_wait3A_1255] : memref<33554432xf32, #tpu.memory_space<hbm>> -> memref<33554432xf32, #tpu.memory_space<hbm>>
      tpu.wait_indirect_dma semaphore(%arg8 : memref<!tpu.dma_semaphore, #tpu.memory_space<semaphore_mem>>) src(%dma_wait3A_1256 : memref<33554432xf32, #tpu.memory_space<hbm>>) dst(%dma_wait3A_1247 : memref<128xf32, #tpu.memory_space<vmem>>)
      %dma_wait3A_1257 = arith.constant 0 : i32
      %dma_wait3A_1258 = arith.constant 14 : i32
      %dma_wait3A_1259 = arith.constant 0 : i32
      %dma_wait3A_1260 = arith.constant 14 : i32
      %dma_wait3A_1261 = arith.constant 0 : i32
      %dma_wait3A_1262 = arith.constant 0 : i32
      %dma_wait3A_1263 = tpu.memref_slice %arg6[%dma_wait3A_1259, %dma_wait3A_1261, %dma_wait3A_1262] : memref<2x32x128xf32, #tpu.memory_space<vmem>> -> memref<1x32x128xf32, #tpu.memory_space<vmem>>
      %dma_wait3A_1264 = tpu.memref_squeeze %dma_wait3A_1263 : memref<1x32x128xf32, #tpu.memory_space<vmem>> -> memref<32x128xf32, #tpu.memory_space<vmem>>
      %dma_wait3A_1265 = arith.constant 0 : i32
      %dma_wait3A_1266 = tpu.memref_slice %dma_wait3A_1264[%dma_wait3A_1260, %dma_wait3A_1265] : memref<32x128xf32, #tpu.memory_space<vmem>> -> memref<1x128xf32, #tpu.memory_space<vmem>>
      %dma_wait3A_1267 = tpu.memref_squeeze %dma_wait3A_1266 : memref<1x128xf32, #tpu.memory_space<vmem>> -> memref<128xf32, #tpu.memory_space<vmem>>
      %dma_wait3A_1268 = arith.constant 0 : i32
      %dma_wait3A_1269 = arith.constant 0 : i32
      %dma_wait3A_1270 = tpu.memref_slice %arg5[%dma_wait3A_1257, %dma_wait3A_1268, %dma_wait3A_1269] : memref<2x32x128xi32, #tpu.memory_space<vmem>> -> memref<1x32x128xi32, #tpu.memory_space<vmem>>
      %dma_wait3A_1271 = tpu.memref_squeeze %dma_wait3A_1270 : memref<1x32x128xi32, #tpu.memory_space<vmem>> -> memref<32x128xi32, #tpu.memory_space<vmem>>
      %dma_wait3A_1272 = arith.constant 0 : i32
      %dma_wait3A_1273 = tpu.memref_slice %dma_wait3A_1271[%dma_wait3A_1258, %dma_wait3A_1272] : memref<32x128xi32, #tpu.memory_space<vmem>> -> memref<1x128xi32, #tpu.memory_space<vmem>>
      %dma_wait3A_1274 = tpu.memref_squeeze %dma_wait3A_1273 : memref<1x128xi32, #tpu.memory_space<vmem>> -> memref<128xi32, #tpu.memory_space<vmem>>
      %dma_wait3A_1275 = arith.constant 0 : i32
      %dma_wait3A_1276 = tpu.memref_slice %arg2[%dma_wait3A_1275] : memref<33554432xf32, #tpu.memory_space<hbm>> -> memref<33554432xf32, #tpu.memory_space<hbm>>
      tpu.wait_indirect_dma semaphore(%arg8 : memref<!tpu.dma_semaphore, #tpu.memory_space<semaphore_mem>>) src(%dma_wait3A_1276 : memref<33554432xf32, #tpu.memory_space<hbm>>) dst(%dma_wait3A_1267 : memref<128xf32, #tpu.memory_space<vmem>>)
      %dma_wait3A_1277 = arith.constant 0 : i32
      %dma_wait3A_1278 = arith.constant 15 : i32
      %dma_wait3A_1279 = arith.constant 0 : i32
      %dma_wait3A_1280 = arith.constant 15 : i32
      %dma_wait3A_1281 = arith.constant 0 : i32
      %dma_wait3A_1282 = arith.constant 0 : i32
      %dma_wait3A_1283 = tpu.memref_slice %arg6[%dma_wait3A_1279, %dma_wait3A_1281, %dma_wait3A_1282] : memref<2x32x128xf32, #tpu.memory_space<vmem>> -> memref<1x32x128xf32, #tpu.memory_space<vmem>>
      %dma_wait3A_1284 = tpu.memref_squeeze %dma_wait3A_1283 : memref<1x32x128xf32, #tpu.memory_space<vmem>> -> memref<32x128xf32, #tpu.memory_space<vmem>>
      %dma_wait3A_1285 = arith.constant 0 : i32
      %dma_wait3A_1286 = tpu.memref_slice %dma_wait3A_1284[%dma_wait3A_1280, %dma_wait3A_1285] : memref<32x128xf32, #tpu.memory_space<vmem>> -> memref<1x128xf32, #tpu.memory_space<vmem>>
      %dma_wait3A_1287 = tpu.memref_squeeze %dma_wait3A_1286 : memref<1x128xf32, #tpu.memory_space<vmem>> -> memref<128xf32, #tpu.memory_space<vmem>>
      %dma_wait3A_1288 = arith.constant 0 : i32
      %dma_wait3A_1289 = arith.constant 0 : i32
      %dma_wait3A_1290 = tpu.memref_slice %arg5[%dma_wait3A_1277, %dma_wait3A_1288, %dma_wait3A_1289] : memref<2x32x128xi32, #tpu.memory_space<vmem>> -> memref<1x32x128xi32, #tpu.memory_space<vmem>>
      %dma_wait3A_1291 = tpu.memref_squeeze %dma_wait3A_1290 : memref<1x32x128xi32, #tpu.memory_space<vmem>> -> memref<32x128xi32, #tpu.memory_space<vmem>>
      %dma_wait3A_1292 = arith.constant 0 : i32
      %dma_wait3A_1293 = tpu.memref_slice %dma_wait3A_1291[%dma_wait3A_1278, %dma_wait3A_1292] : memref<32x128xi32, #tpu.memory_space<vmem>> -> memref<1x128xi32, #tpu.memory_space<vmem>>
      %dma_wait3A_1294 = tpu.memref_squeeze %dma_wait3A_1293 : memref<1x128xi32, #tpu.memory_space<vmem>> -> memref<128xi32, #tpu.memory_space<vmem>>
      %dma_wait3A_1295 = arith.constant 0 : i32
      %dma_wait3A_1296 = tpu.memref_slice %arg2[%dma_wait3A_1295] : memref<33554432xf32, #tpu.memory_space<hbm>> -> memref<33554432xf32, #tpu.memory_space<hbm>>
      tpu.wait_indirect_dma semaphore(%arg8 : memref<!tpu.dma_semaphore, #tpu.memory_space<semaphore_mem>>) src(%dma_wait3A_1296 : memref<33554432xf32, #tpu.memory_space<hbm>>) dst(%dma_wait3A_1287 : memref<128xf32, #tpu.memory_space<vmem>>)
      %dma_wait3A_1297 = arith.constant 0 : i32
      %dma_wait3A_1298 = arith.constant 16 : i32
      %dma_wait3A_1299 = arith.constant 0 : i32
      %dma_wait3A_1300 = arith.constant 16 : i32
      %dma_wait3A_1301 = arith.constant 0 : i32
      %dma_wait3A_1302 = arith.constant 0 : i32
      %dma_wait3A_1303 = tpu.memref_slice %arg6[%dma_wait3A_1299, %dma_wait3A_1301, %dma_wait3A_1302] : memref<2x32x128xf32, #tpu.memory_space<vmem>> -> memref<1x32x128xf32, #tpu.memory_space<vmem>>
      %dma_wait3A_1304 = tpu.memref_squeeze %dma_wait3A_1303 : memref<1x32x128xf32, #tpu.memory_space<vmem>> -> memref<32x128xf32, #tpu.memory_space<vmem>>
      %dma_wait3A_1305 = arith.constant 0 : i32
      %dma_wait3A_1306 = tpu.memref_slice %dma_wait3A_1304[%dma_wait3A_1300, %dma_wait3A_1305] : memref<32x128xf32, #tpu.memory_space<vmem>> -> memref<1x128xf32, #tpu.memory_space<vmem>>
      %dma_wait3A_1307 = tpu.memref_squeeze %dma_wait3A_1306 : memref<1x128xf32, #tpu.memory_space<vmem>> -> memref<128xf32, #tpu.memory_space<vmem>>
      %dma_wait3A_1308 = arith.constant 0 : i32
      %dma_wait3A_1309 = arith.constant 0 : i32
      %dma_wait3A_1310 = tpu.memref_slice %arg5[%dma_wait3A_1297, %dma_wait3A_1308, %dma_wait3A_1309] : memref<2x32x128xi32, #tpu.memory_space<vmem>> -> memref<1x32x128xi32, #tpu.memory_space<vmem>>
      %dma_wait3A_1311 = tpu.memref_squeeze %dma_wait3A_1310 : memref<1x32x128xi32, #tpu.memory_space<vmem>> -> memref<32x128xi32, #tpu.memory_space<vmem>>
      %dma_wait3A_1312 = arith.constant 0 : i32
      %dma_wait3A_1313 = tpu.memref_slice %dma_wait3A_1311[%dma_wait3A_1298, %dma_wait3A_1312] : memref<32x128xi32, #tpu.memory_space<vmem>> -> memref<1x128xi32, #tpu.memory_space<vmem>>
      %dma_wait3A_1314 = tpu.memref_squeeze %dma_wait3A_1313 : memref<1x128xi32, #tpu.memory_space<vmem>> -> memref<128xi32, #tpu.memory_space<vmem>>
      %dma_wait3A_1315 = arith.constant 0 : i32
      %dma_wait3A_1316 = tpu.memref_slice %arg2[%dma_wait3A_1315] : memref<33554432xf32, #tpu.memory_space<hbm>> -> memref<33554432xf32, #tpu.memory_space<hbm>>
      tpu.wait_indirect_dma semaphore(%arg8 : memref<!tpu.dma_semaphore, #tpu.memory_space<semaphore_mem>>) src(%dma_wait3A_1316 : memref<33554432xf32, #tpu.memory_space<hbm>>) dst(%dma_wait3A_1307 : memref<128xf32, #tpu.memory_space<vmem>>)
      %dma_wait3A_1317 = arith.constant 0 : i32
      %dma_wait3A_1318 = arith.constant 17 : i32
      %dma_wait3A_1319 = arith.constant 0 : i32
      %dma_wait3A_1320 = arith.constant 17 : i32
      %dma_wait3A_1321 = arith.constant 0 : i32
      %dma_wait3A_1322 = arith.constant 0 : i32
      %dma_wait3A_1323 = tpu.memref_slice %arg6[%dma_wait3A_1319, %dma_wait3A_1321, %dma_wait3A_1322] : memref<2x32x128xf32, #tpu.memory_space<vmem>> -> memref<1x32x128xf32, #tpu.memory_space<vmem>>
      %dma_wait3A_1324 = tpu.memref_squeeze %dma_wait3A_1323 : memref<1x32x128xf32, #tpu.memory_space<vmem>> -> memref<32x128xf32, #tpu.memory_space<vmem>>
      %dma_wait3A_1325 = arith.constant 0 : i32
      %dma_wait3A_1326 = tpu.memref_slice %dma_wait3A_1324[%dma_wait3A_1320, %dma_wait3A_1325] : memref<32x128xf32, #tpu.memory_space<vmem>> -> memref<1x128xf32, #tpu.memory_space<vmem>>
      %dma_wait3A_1327 = tpu.memref_squeeze %dma_wait3A_1326 : memref<1x128xf32, #tpu.memory_space<vmem>> -> memref<128xf32, #tpu.memory_space<vmem>>
      %dma_wait3A_1328 = arith.constant 0 : i32
      %dma_wait3A_1329 = arith.constant 0 : i32
      %dma_wait3A_1330 = tpu.memref_slice %arg5[%dma_wait3A_1317, %dma_wait3A_1328, %dma_wait3A_1329] : memref<2x32x128xi32, #tpu.memory_space<vmem>> -> memref<1x32x128xi32, #tpu.memory_space<vmem>>
      %dma_wait3A_1331 = tpu.memref_squeeze %dma_wait3A_1330 : memref<1x32x128xi32, #tpu.memory_space<vmem>> -> memref<32x128xi32, #tpu.memory_space<vmem>>
      %dma_wait3A_1332 = arith.constant 0 : i32
      %dma_wait3A_1333 = tpu.memref_slice %dma_wait3A_1331[%dma_wait3A_1318, %dma_wait3A_1332] : memref<32x128xi32, #tpu.memory_space<vmem>> -> memref<1x128xi32, #tpu.memory_space<vmem>>
      %dma_wait3A_1334 = tpu.memref_squeeze %dma_wait3A_1333 : memref<1x128xi32, #tpu.memory_space<vmem>> -> memref<128xi32, #tpu.memory_space<vmem>>
      %dma_wait3A_1335 = arith.constant 0 : i32
      %dma_wait3A_1336 = tpu.memref_slice %arg2[%dma_wait3A_1335] : memref<33554432xf32, #tpu.memory_space<hbm>> -> memref<33554432xf32, #tpu.memory_space<hbm>>
      tpu.wait_indirect_dma semaphore(%arg8 : memref<!tpu.dma_semaphore, #tpu.memory_space<semaphore_mem>>) src(%dma_wait3A_1336 : memref<33554432xf32, #tpu.memory_space<hbm>>) dst(%dma_wait3A_1327 : memref<128xf32, #tpu.memory_space<vmem>>)
      %dma_wait3A_1337 = arith.constant 0 : i32
      %dma_wait3A_1338 = arith.constant 18 : i32
      %dma_wait3A_1339 = arith.constant 0 : i32
      %dma_wait3A_1340 = arith.constant 18 : i32
      %dma_wait3A_1341 = arith.constant 0 : i32
      %dma_wait3A_1342 = arith.constant 0 : i32
      %dma_wait3A_1343 = tpu.memref_slice %arg6[%dma_wait3A_1339, %dma_wait3A_1341, %dma_wait3A_1342] : memref<2x32x128xf32, #tpu.memory_space<vmem>> -> memref<1x32x128xf32, #tpu.memory_space<vmem>>
      %dma_wait3A_1344 = tpu.memref_squeeze %dma_wait3A_1343 : memref<1x32x128xf32, #tpu.memory_space<vmem>> -> memref<32x128xf32, #tpu.memory_space<vmem>>
      %dma_wait3A_1345 = arith.constant 0 : i32
      %dma_wait3A_1346 = tpu.memref_slice %dma_wait3A_1344[%dma_wait3A_1340, %dma_wait3A_1345] : memref<32x128xf32, #tpu.memory_space<vmem>> -> memref<1x128xf32, #tpu.memory_space<vmem>>
      %dma_wait3A_1347 = tpu.memref_squeeze %dma_wait3A_1346 : memref<1x128xf32, #tpu.memory_space<vmem>> -> memref<128xf32, #tpu.memory_space<vmem>>
      %dma_wait3A_1348 = arith.constant 0 : i32
      %dma_wait3A_1349 = arith.constant 0 : i32
      %dma_wait3A_1350 = tpu.memref_slice %arg5[%dma_wait3A_1337, %dma_wait3A_1348, %dma_wait3A_1349] : memref<2x32x128xi32, #tpu.memory_space<vmem>> -> memref<1x32x128xi32, #tpu.memory_space<vmem>>
      %dma_wait3A_1351 = tpu.memref_squeeze %dma_wait3A_1350 : memref<1x32x128xi32, #tpu.memory_space<vmem>> -> memref<32x128xi32, #tpu.memory_space<vmem>>
      %dma_wait3A_1352 = arith.constant 0 : i32
      %dma_wait3A_1353 = tpu.memref_slice %dma_wait3A_1351[%dma_wait3A_1338, %dma_wait3A_1352] : memref<32x128xi32, #tpu.memory_space<vmem>> -> memref<1x128xi32, #tpu.memory_space<vmem>>
      %dma_wait3A_1354 = tpu.memref_squeeze %dma_wait3A_1353 : memref<1x128xi32, #tpu.memory_space<vmem>> -> memref<128xi32, #tpu.memory_space<vmem>>
      %dma_wait3A_1355 = arith.constant 0 : i32
      %dma_wait3A_1356 = tpu.memref_slice %arg2[%dma_wait3A_1355] : memref<33554432xf32, #tpu.memory_space<hbm>> -> memref<33554432xf32, #tpu.memory_space<hbm>>
      tpu.wait_indirect_dma semaphore(%arg8 : memref<!tpu.dma_semaphore, #tpu.memory_space<semaphore_mem>>) src(%dma_wait3A_1356 : memref<33554432xf32, #tpu.memory_space<hbm>>) dst(%dma_wait3A_1347 : memref<128xf32, #tpu.memory_space<vmem>>)
      %dma_wait3A_1357 = arith.constant 0 : i32
      %dma_wait3A_1358 = arith.constant 19 : i32
      %dma_wait3A_1359 = arith.constant 0 : i32
      %dma_wait3A_1360 = arith.constant 19 : i32
      %dma_wait3A_1361 = arith.constant 0 : i32
      %dma_wait3A_1362 = arith.constant 0 : i32
      %dma_wait3A_1363 = tpu.memref_slice %arg6[%dma_wait3A_1359, %dma_wait3A_1361, %dma_wait3A_1362] : memref<2x32x128xf32, #tpu.memory_space<vmem>> -> memref<1x32x128xf32, #tpu.memory_space<vmem>>
      %dma_wait3A_1364 = tpu.memref_squeeze %dma_wait3A_1363 : memref<1x32x128xf32, #tpu.memory_space<vmem>> -> memref<32x128xf32, #tpu.memory_space<vmem>>
      %dma_wait3A_1365 = arith.constant 0 : i32
      %dma_wait3A_1366 = tpu.memref_slice %dma_wait3A_1364[%dma_wait3A_1360, %dma_wait3A_1365] : memref<32x128xf32, #tpu.memory_space<vmem>> -> memref<1x128xf32, #tpu.memory_space<vmem>>
      %dma_wait3A_1367 = tpu.memref_squeeze %dma_wait3A_1366 : memref<1x128xf32, #tpu.memory_space<vmem>> -> memref<128xf32, #tpu.memory_space<vmem>>
      %dma_wait3A_1368 = arith.constant 0 : i32
      %dma_wait3A_1369 = arith.constant 0 : i32
      %dma_wait3A_1370 = tpu.memref_slice %arg5[%dma_wait3A_1357, %dma_wait3A_1368, %dma_wait3A_1369] : memref<2x32x128xi32, #tpu.memory_space<vmem>> -> memref<1x32x128xi32, #tpu.memory_space<vmem>>
      %dma_wait3A_1371 = tpu.memref_squeeze %dma_wait3A_1370 : memref<1x32x128xi32, #tpu.memory_space<vmem>> -> memref<32x128xi32, #tpu.memory_space<vmem>>
      %dma_wait3A_1372 = arith.constant 0 : i32
      %dma_wait3A_1373 = tpu.memref_slice %dma_wait3A_1371[%dma_wait3A_1358, %dma_wait3A_1372] : memref<32x128xi32, #tpu.memory_space<vmem>> -> memref<1x128xi32, #tpu.memory_space<vmem>>
      %dma_wait3A_1374 = tpu.memref_squeeze %dma_wait3A_1373 : memref<1x128xi32, #tpu.memory_space<vmem>> -> memref<128xi32, #tpu.memory_space<vmem>>
      %dma_wait3A_1375 = arith.constant 0 : i32
      %dma_wait3A_1376 = tpu.memref_slice %arg2[%dma_wait3A_1375] : memref<33554432xf32, #tpu.memory_space<hbm>> -> memref<33554432xf32, #tpu.memory_space<hbm>>
      tpu.wait_indirect_dma semaphore(%arg8 : memref<!tpu.dma_semaphore, #tpu.memory_space<semaphore_mem>>) src(%dma_wait3A_1376 : memref<33554432xf32, #tpu.memory_space<hbm>>) dst(%dma_wait3A_1367 : memref<128xf32, #tpu.memory_space<vmem>>)
      %dma_wait3A_1377 = arith.constant 0 : i32
      %dma_wait3A_1378 = arith.constant 20 : i32
      %dma_wait3A_1379 = arith.constant 0 : i32
      %dma_wait3A_1380 = arith.constant 20 : i32
      %dma_wait3A_1381 = arith.constant 0 : i32
      %dma_wait3A_1382 = arith.constant 0 : i32
      %dma_wait3A_1383 = tpu.memref_slice %arg6[%dma_wait3A_1379, %dma_wait3A_1381, %dma_wait3A_1382] : memref<2x32x128xf32, #tpu.memory_space<vmem>> -> memref<1x32x128xf32, #tpu.memory_space<vmem>>
      %dma_wait3A_1384 = tpu.memref_squeeze %dma_wait3A_1383 : memref<1x32x128xf32, #tpu.memory_space<vmem>> -> memref<32x128xf32, #tpu.memory_space<vmem>>
      %dma_wait3A_1385 = arith.constant 0 : i32
      %dma_wait3A_1386 = tpu.memref_slice %dma_wait3A_1384[%dma_wait3A_1380, %dma_wait3A_1385] : memref<32x128xf32, #tpu.memory_space<vmem>> -> memref<1x128xf32, #tpu.memory_space<vmem>>
      %dma_wait3A_1387 = tpu.memref_squeeze %dma_wait3A_1386 : memref<1x128xf32, #tpu.memory_space<vmem>> -> memref<128xf32, #tpu.memory_space<vmem>>
      %dma_wait3A_1388 = arith.constant 0 : i32
      %dma_wait3A_1389 = arith.constant 0 : i32
      %dma_wait3A_1390 = tpu.memref_slice %arg5[%dma_wait3A_1377, %dma_wait3A_1388, %dma_wait3A_1389] : memref<2x32x128xi32, #tpu.memory_space<vmem>> -> memref<1x32x128xi32, #tpu.memory_space<vmem>>
      %dma_wait3A_1391 = tpu.memref_squeeze %dma_wait3A_1390 : memref<1x32x128xi32, #tpu.memory_space<vmem>> -> memref<32x128xi32, #tpu.memory_space<vmem>>
      %dma_wait3A_1392 = arith.constant 0 : i32
      %dma_wait3A_1393 = tpu.memref_slice %dma_wait3A_1391[%dma_wait3A_1378, %dma_wait3A_1392] : memref<32x128xi32, #tpu.memory_space<vmem>> -> memref<1x128xi32, #tpu.memory_space<vmem>>
      %dma_wait3A_1394 = tpu.memref_squeeze %dma_wait3A_1393 : memref<1x128xi32, #tpu.memory_space<vmem>> -> memref<128xi32, #tpu.memory_space<vmem>>
      %dma_wait3A_1395 = arith.constant 0 : i32
      %dma_wait3A_1396 = tpu.memref_slice %arg2[%dma_wait3A_1395] : memref<33554432xf32, #tpu.memory_space<hbm>> -> memref<33554432xf32, #tpu.memory_space<hbm>>
      tpu.wait_indirect_dma semaphore(%arg8 : memref<!tpu.dma_semaphore, #tpu.memory_space<semaphore_mem>>) src(%dma_wait3A_1396 : memref<33554432xf32, #tpu.memory_space<hbm>>) dst(%dma_wait3A_1387 : memref<128xf32, #tpu.memory_space<vmem>>)
      %dma_wait3A_1397 = arith.constant 0 : i32
      %dma_wait3A_1398 = arith.constant 21 : i32
      %dma_wait3A_1399 = arith.constant 0 : i32
      %dma_wait3A_1400 = arith.constant 21 : i32
      %dma_wait3A_1401 = arith.constant 0 : i32
      %dma_wait3A_1402 = arith.constant 0 : i32
      %dma_wait3A_1403 = tpu.memref_slice %arg6[%dma_wait3A_1399, %dma_wait3A_1401, %dma_wait3A_1402] : memref<2x32x128xf32, #tpu.memory_space<vmem>> -> memref<1x32x128xf32, #tpu.memory_space<vmem>>
      %dma_wait3A_1404 = tpu.memref_squeeze %dma_wait3A_1403 : memref<1x32x128xf32, #tpu.memory_space<vmem>> -> memref<32x128xf32, #tpu.memory_space<vmem>>
      %dma_wait3A_1405 = arith.constant 0 : i32
      %dma_wait3A_1406 = tpu.memref_slice %dma_wait3A_1404[%dma_wait3A_1400, %dma_wait3A_1405] : memref<32x128xf32, #tpu.memory_space<vmem>> -> memref<1x128xf32, #tpu.memory_space<vmem>>
      %dma_wait3A_1407 = tpu.memref_squeeze %dma_wait3A_1406 : memref<1x128xf32, #tpu.memory_space<vmem>> -> memref<128xf32, #tpu.memory_space<vmem>>
      %dma_wait3A_1408 = arith.constant 0 : i32
      %dma_wait3A_1409 = arith.constant 0 : i32
      %dma_wait3A_1410 = tpu.memref_slice %arg5[%dma_wait3A_1397, %dma_wait3A_1408, %dma_wait3A_1409] : memref<2x32x128xi32, #tpu.memory_space<vmem>> -> memref<1x32x128xi32, #tpu.memory_space<vmem>>
      %dma_wait3A_1411 = tpu.memref_squeeze %dma_wait3A_1410 : memref<1x32x128xi32, #tpu.memory_space<vmem>> -> memref<32x128xi32, #tpu.memory_space<vmem>>
      %dma_wait3A_1412 = arith.constant 0 : i32
      %dma_wait3A_1413 = tpu.memref_slice %dma_wait3A_1411[%dma_wait3A_1398, %dma_wait3A_1412] : memref<32x128xi32, #tpu.memory_space<vmem>> -> memref<1x128xi32, #tpu.memory_space<vmem>>
      %dma_wait3A_1414 = tpu.memref_squeeze %dma_wait3A_1413 : memref<1x128xi32, #tpu.memory_space<vmem>> -> memref<128xi32, #tpu.memory_space<vmem>>
      %dma_wait3A_1415 = arith.constant 0 : i32
      %dma_wait3A_1416 = tpu.memref_slice %arg2[%dma_wait3A_1415] : memref<33554432xf32, #tpu.memory_space<hbm>> -> memref<33554432xf32, #tpu.memory_space<hbm>>
      tpu.wait_indirect_dma semaphore(%arg8 : memref<!tpu.dma_semaphore, #tpu.memory_space<semaphore_mem>>) src(%dma_wait3A_1416 : memref<33554432xf32, #tpu.memory_space<hbm>>) dst(%dma_wait3A_1407 : memref<128xf32, #tpu.memory_space<vmem>>)
      %dma_wait3A_1417 = arith.constant 0 : i32
      %dma_wait3A_1418 = arith.constant 22 : i32
      %dma_wait3A_1419 = arith.constant 0 : i32
      %dma_wait3A_1420 = arith.constant 22 : i32
      %dma_wait3A_1421 = arith.constant 0 : i32
      %dma_wait3A_1422 = arith.constant 0 : i32
      %dma_wait3A_1423 = tpu.memref_slice %arg6[%dma_wait3A_1419, %dma_wait3A_1421, %dma_wait3A_1422] : memref<2x32x128xf32, #tpu.memory_space<vmem>> -> memref<1x32x128xf32, #tpu.memory_space<vmem>>
      %dma_wait3A_1424 = tpu.memref_squeeze %dma_wait3A_1423 : memref<1x32x128xf32, #tpu.memory_space<vmem>> -> memref<32x128xf32, #tpu.memory_space<vmem>>
      %dma_wait3A_1425 = arith.constant 0 : i32
      %dma_wait3A_1426 = tpu.memref_slice %dma_wait3A_1424[%dma_wait3A_1420, %dma_wait3A_1425] : memref<32x128xf32, #tpu.memory_space<vmem>> -> memref<1x128xf32, #tpu.memory_space<vmem>>
      %dma_wait3A_1427 = tpu.memref_squeeze %dma_wait3A_1426 : memref<1x128xf32, #tpu.memory_space<vmem>> -> memref<128xf32, #tpu.memory_space<vmem>>
      %dma_wait3A_1428 = arith.constant 0 : i32
      %dma_wait3A_1429 = arith.constant 0 : i32
      %dma_wait3A_1430 = tpu.memref_slice %arg5[%dma_wait3A_1417, %dma_wait3A_1428, %dma_wait3A_1429] : memref<2x32x128xi32, #tpu.memory_space<vmem>> -> memref<1x32x128xi32, #tpu.memory_space<vmem>>
      %dma_wait3A_1431 = tpu.memref_squeeze %dma_wait3A_1430 : memref<1x32x128xi32, #tpu.memory_space<vmem>> -> memref<32x128xi32, #tpu.memory_space<vmem>>
      %dma_wait3A_1432 = arith.constant 0 : i32
      %dma_wait3A_1433 = tpu.memref_slice %dma_wait3A_1431[%dma_wait3A_1418, %dma_wait3A_1432] : memref<32x128xi32, #tpu.memory_space<vmem>> -> memref<1x128xi32, #tpu.memory_space<vmem>>
      %dma_wait3A_1434 = tpu.memref_squeeze %dma_wait3A_1433 : memref<1x128xi32, #tpu.memory_space<vmem>> -> memref<128xi32, #tpu.memory_space<vmem>>
      %dma_wait3A_1435 = arith.constant 0 : i32
      %dma_wait3A_1436 = tpu.memref_slice %arg2[%dma_wait3A_1435] : memref<33554432xf32, #tpu.memory_space<hbm>> -> memref<33554432xf32, #tpu.memory_space<hbm>>
      tpu.wait_indirect_dma semaphore(%arg8 : memref<!tpu.dma_semaphore, #tpu.memory_space<semaphore_mem>>) src(%dma_wait3A_1436 : memref<33554432xf32, #tpu.memory_space<hbm>>) dst(%dma_wait3A_1427 : memref<128xf32, #tpu.memory_space<vmem>>)
      %dma_wait3A_1437 = arith.constant 0 : i32
      %dma_wait3A_1438 = arith.constant 23 : i32
      %dma_wait3A_1439 = arith.constant 0 : i32
      %dma_wait3A_1440 = arith.constant 23 : i32
      %dma_wait3A_1441 = arith.constant 0 : i32
      %dma_wait3A_1442 = arith.constant 0 : i32
      %dma_wait3A_1443 = tpu.memref_slice %arg6[%dma_wait3A_1439, %dma_wait3A_1441, %dma_wait3A_1442] : memref<2x32x128xf32, #tpu.memory_space<vmem>> -> memref<1x32x128xf32, #tpu.memory_space<vmem>>
      %dma_wait3A_1444 = tpu.memref_squeeze %dma_wait3A_1443 : memref<1x32x128xf32, #tpu.memory_space<vmem>> -> memref<32x128xf32, #tpu.memory_space<vmem>>
      %dma_wait3A_1445 = arith.constant 0 : i32
      %dma_wait3A_1446 = tpu.memref_slice %dma_wait3A_1444[%dma_wait3A_1440, %dma_wait3A_1445] : memref<32x128xf32, #tpu.memory_space<vmem>> -> memref<1x128xf32, #tpu.memory_space<vmem>>
      %dma_wait3A_1447 = tpu.memref_squeeze %dma_wait3A_1446 : memref<1x128xf32, #tpu.memory_space<vmem>> -> memref<128xf32, #tpu.memory_space<vmem>>
      %dma_wait3A_1448 = arith.constant 0 : i32
      %dma_wait3A_1449 = arith.constant 0 : i32
      %dma_wait3A_1450 = tpu.memref_slice %arg5[%dma_wait3A_1437, %dma_wait3A_1448, %dma_wait3A_1449] : memref<2x32x128xi32, #tpu.memory_space<vmem>> -> memref<1x32x128xi32, #tpu.memory_space<vmem>>
      %dma_wait3A_1451 = tpu.memref_squeeze %dma_wait3A_1450 : memref<1x32x128xi32, #tpu.memory_space<vmem>> -> memref<32x128xi32, #tpu.memory_space<vmem>>
      %dma_wait3A_1452 = arith.constant 0 : i32
      %dma_wait3A_1453 = tpu.memref_slice %dma_wait3A_1451[%dma_wait3A_1438, %dma_wait3A_1452] : memref<32x128xi32, #tpu.memory_space<vmem>> -> memref<1x128xi32, #tpu.memory_space<vmem>>
      %dma_wait3A_1454 = tpu.memref_squeeze %dma_wait3A_1453 : memref<1x128xi32, #tpu.memory_space<vmem>> -> memref<128xi32, #tpu.memory_space<vmem>>
      %dma_wait3A_1455 = arith.constant 0 : i32
      %dma_wait3A_1456 = tpu.memref_slice %arg2[%dma_wait3A_1455] : memref<33554432xf32, #tpu.memory_space<hbm>> -> memref<33554432xf32, #tpu.memory_space<hbm>>
      tpu.wait_indirect_dma semaphore(%arg8 : memref<!tpu.dma_semaphore, #tpu.memory_space<semaphore_mem>>) src(%dma_wait3A_1456 : memref<33554432xf32, #tpu.memory_space<hbm>>) dst(%dma_wait3A_1447 : memref<128xf32, #tpu.memory_space<vmem>>)
      %dma_wait3A_1457 = arith.constant 0 : i32
      %dma_wait3A_1458 = arith.constant 24 : i32
      %dma_wait3A_1459 = arith.constant 0 : i32
      %dma_wait3A_1460 = arith.constant 24 : i32
      %dma_wait3A_1461 = arith.constant 0 : i32
      %dma_wait3A_1462 = arith.constant 0 : i32
      %dma_wait3A_1463 = tpu.memref_slice %arg6[%dma_wait3A_1459, %dma_wait3A_1461, %dma_wait3A_1462] : memref<2x32x128xf32, #tpu.memory_space<vmem>> -> memref<1x32x128xf32, #tpu.memory_space<vmem>>
      %dma_wait3A_1464 = tpu.memref_squeeze %dma_wait3A_1463 : memref<1x32x128xf32, #tpu.memory_space<vmem>> -> memref<32x128xf32, #tpu.memory_space<vmem>>
      %dma_wait3A_1465 = arith.constant 0 : i32
      %dma_wait3A_1466 = tpu.memref_slice %dma_wait3A_1464[%dma_wait3A_1460, %dma_wait3A_1465] : memref<32x128xf32, #tpu.memory_space<vmem>> -> memref<1x128xf32, #tpu.memory_space<vmem>>
      %dma_wait3A_1467 = tpu.memref_squeeze %dma_wait3A_1466 : memref<1x128xf32, #tpu.memory_space<vmem>> -> memref<128xf32, #tpu.memory_space<vmem>>
      %dma_wait3A_1468 = arith.constant 0 : i32
      %dma_wait3A_1469 = arith.constant 0 : i32
      %dma_wait3A_1470 = tpu.memref_slice %arg5[%dma_wait3A_1457, %dma_wait3A_1468, %dma_wait3A_1469] : memref<2x32x128xi32, #tpu.memory_space<vmem>> -> memref<1x32x128xi32, #tpu.memory_space<vmem>>
      %dma_wait3A_1471 = tpu.memref_squeeze %dma_wait3A_1470 : memref<1x32x128xi32, #tpu.memory_space<vmem>> -> memref<32x128xi32, #tpu.memory_space<vmem>>
      %dma_wait3A_1472 = arith.constant 0 : i32
      %dma_wait3A_1473 = tpu.memref_slice %dma_wait3A_1471[%dma_wait3A_1458, %dma_wait3A_1472] : memref<32x128xi32, #tpu.memory_space<vmem>> -> memref<1x128xi32, #tpu.memory_space<vmem>>
      %dma_wait3A_1474 = tpu.memref_squeeze %dma_wait3A_1473 : memref<1x128xi32, #tpu.memory_space<vmem>> -> memref<128xi32, #tpu.memory_space<vmem>>
      %dma_wait3A_1475 = arith.constant 0 : i32
      %dma_wait3A_1476 = tpu.memref_slice %arg2[%dma_wait3A_1475] : memref<33554432xf32, #tpu.memory_space<hbm>> -> memref<33554432xf32, #tpu.memory_space<hbm>>
      tpu.wait_indirect_dma semaphore(%arg8 : memref<!tpu.dma_semaphore, #tpu.memory_space<semaphore_mem>>) src(%dma_wait3A_1476 : memref<33554432xf32, #tpu.memory_space<hbm>>) dst(%dma_wait3A_1467 : memref<128xf32, #tpu.memory_space<vmem>>)
      %dma_wait3A_1477 = arith.constant 0 : i32
      %dma_wait3A_1478 = arith.constant 25 : i32
      %dma_wait3A_1479 = arith.constant 0 : i32
      %dma_wait3A_1480 = arith.constant 25 : i32
      %dma_wait3A_1481 = arith.constant 0 : i32
      %dma_wait3A_1482 = arith.constant 0 : i32
      %dma_wait3A_1483 = tpu.memref_slice %arg6[%dma_wait3A_1479, %dma_wait3A_1481, %dma_wait3A_1482] : memref<2x32x128xf32, #tpu.memory_space<vmem>> -> memref<1x32x128xf32, #tpu.memory_space<vmem>>
      %dma_wait3A_1484 = tpu.memref_squeeze %dma_wait3A_1483 : memref<1x32x128xf32, #tpu.memory_space<vmem>> -> memref<32x128xf32, #tpu.memory_space<vmem>>
      %dma_wait3A_1485 = arith.constant 0 : i32
      %dma_wait3A_1486 = tpu.memref_slice %dma_wait3A_1484[%dma_wait3A_1480, %dma_wait3A_1485] : memref<32x128xf32, #tpu.memory_space<vmem>> -> memref<1x128xf32, #tpu.memory_space<vmem>>
      %dma_wait3A_1487 = tpu.memref_squeeze %dma_wait3A_1486 : memref<1x128xf32, #tpu.memory_space<vmem>> -> memref<128xf32, #tpu.memory_space<vmem>>
      %dma_wait3A_1488 = arith.constant 0 : i32
      %dma_wait3A_1489 = arith.constant 0 : i32
      %dma_wait3A_1490 = tpu.memref_slice %arg5[%dma_wait3A_1477, %dma_wait3A_1488, %dma_wait3A_1489] : memref<2x32x128xi32, #tpu.memory_space<vmem>> -> memref<1x32x128xi32, #tpu.memory_space<vmem>>
      %dma_wait3A_1491 = tpu.memref_squeeze %dma_wait3A_1490 : memref<1x32x128xi32, #tpu.memory_space<vmem>> -> memref<32x128xi32, #tpu.memory_space<vmem>>
      %dma_wait3A_1492 = arith.constant 0 : i32
      %dma_wait3A_1493 = tpu.memref_slice %dma_wait3A_1491[%dma_wait3A_1478, %dma_wait3A_1492] : memref<32x128xi32, #tpu.memory_space<vmem>> -> memref<1x128xi32, #tpu.memory_space<vmem>>
      %dma_wait3A_1494 = tpu.memref_squeeze %dma_wait3A_1493 : memref<1x128xi32, #tpu.memory_space<vmem>> -> memref<128xi32, #tpu.memory_space<vmem>>
      %dma_wait3A_1495 = arith.constant 0 : i32
      %dma_wait3A_1496 = tpu.memref_slice %arg2[%dma_wait3A_1495] : memref<33554432xf32, #tpu.memory_space<hbm>> -> memref<33554432xf32, #tpu.memory_space<hbm>>
      tpu.wait_indirect_dma semaphore(%arg8 : memref<!tpu.dma_semaphore, #tpu.memory_space<semaphore_mem>>) src(%dma_wait3A_1496 : memref<33554432xf32, #tpu.memory_space<hbm>>) dst(%dma_wait3A_1487 : memref<128xf32, #tpu.memory_space<vmem>>)
      %dma_wait3A_1497 = arith.constant 0 : i32
      %dma_wait3A_1498 = arith.constant 26 : i32
      %dma_wait3A_1499 = arith.constant 0 : i32
      %dma_wait3A_1500 = arith.constant 26 : i32
      %dma_wait3A_1501 = arith.constant 0 : i32
      %dma_wait3A_1502 = arith.constant 0 : i32
      %dma_wait3A_1503 = tpu.memref_slice %arg6[%dma_wait3A_1499, %dma_wait3A_1501, %dma_wait3A_1502] : memref<2x32x128xf32, #tpu.memory_space<vmem>> -> memref<1x32x128xf32, #tpu.memory_space<vmem>>
      %dma_wait3A_1504 = tpu.memref_squeeze %dma_wait3A_1503 : memref<1x32x128xf32, #tpu.memory_space<vmem>> -> memref<32x128xf32, #tpu.memory_space<vmem>>
      %dma_wait3A_1505 = arith.constant 0 : i32
      %dma_wait3A_1506 = tpu.memref_slice %dma_wait3A_1504[%dma_wait3A_1500, %dma_wait3A_1505] : memref<32x128xf32, #tpu.memory_space<vmem>> -> memref<1x128xf32, #tpu.memory_space<vmem>>
      %dma_wait3A_1507 = tpu.memref_squeeze %dma_wait3A_1506 : memref<1x128xf32, #tpu.memory_space<vmem>> -> memref<128xf32, #tpu.memory_space<vmem>>
      %dma_wait3A_1508 = arith.constant 0 : i32
      %dma_wait3A_1509 = arith.constant 0 : i32
      %dma_wait3A_1510 = tpu.memref_slice %arg5[%dma_wait3A_1497, %dma_wait3A_1508, %dma_wait3A_1509] : memref<2x32x128xi32, #tpu.memory_space<vmem>> -> memref<1x32x128xi32, #tpu.memory_space<vmem>>
      %dma_wait3A_1511 = tpu.memref_squeeze %dma_wait3A_1510 : memref<1x32x128xi32, #tpu.memory_space<vmem>> -> memref<32x128xi32, #tpu.memory_space<vmem>>
      %dma_wait3A_1512 = arith.constant 0 : i32
      %dma_wait3A_1513 = tpu.memref_slice %dma_wait3A_1511[%dma_wait3A_1498, %dma_wait3A_1512] : memref<32x128xi32, #tpu.memory_space<vmem>> -> memref<1x128xi32, #tpu.memory_space<vmem>>
      %dma_wait3A_1514 = tpu.memref_squeeze %dma_wait3A_1513 : memref<1x128xi32, #tpu.memory_space<vmem>> -> memref<128xi32, #tpu.memory_space<vmem>>
      %dma_wait3A_1515 = arith.constant 0 : i32
      %dma_wait3A_1516 = tpu.memref_slice %arg2[%dma_wait3A_1515] : memref<33554432xf32, #tpu.memory_space<hbm>> -> memref<33554432xf32, #tpu.memory_space<hbm>>
      tpu.wait_indirect_dma semaphore(%arg8 : memref<!tpu.dma_semaphore, #tpu.memory_space<semaphore_mem>>) src(%dma_wait3A_1516 : memref<33554432xf32, #tpu.memory_space<hbm>>) dst(%dma_wait3A_1507 : memref<128xf32, #tpu.memory_space<vmem>>)
      %dma_wait3A_1517 = arith.constant 0 : i32
      %dma_wait3A_1518 = arith.constant 27 : i32
      %dma_wait3A_1519 = arith.constant 0 : i32
      %dma_wait3A_1520 = arith.constant 27 : i32
      %dma_wait3A_1521 = arith.constant 0 : i32
      %dma_wait3A_1522 = arith.constant 0 : i32
      %dma_wait3A_1523 = tpu.memref_slice %arg6[%dma_wait3A_1519, %dma_wait3A_1521, %dma_wait3A_1522] : memref<2x32x128xf32, #tpu.memory_space<vmem>> -> memref<1x32x128xf32, #tpu.memory_space<vmem>>
      %dma_wait3A_1524 = tpu.memref_squeeze %dma_wait3A_1523 : memref<1x32x128xf32, #tpu.memory_space<vmem>> -> memref<32x128xf32, #tpu.memory_space<vmem>>
      %dma_wait3A_1525 = arith.constant 0 : i32
      %dma_wait3A_1526 = tpu.memref_slice %dma_wait3A_1524[%dma_wait3A_1520, %dma_wait3A_1525] : memref<32x128xf32, #tpu.memory_space<vmem>> -> memref<1x128xf32, #tpu.memory_space<vmem>>
      %dma_wait3A_1527 = tpu.memref_squeeze %dma_wait3A_1526 : memref<1x128xf32, #tpu.memory_space<vmem>> -> memref<128xf32, #tpu.memory_space<vmem>>
      %dma_wait3A_1528 = arith.constant 0 : i32
      %dma_wait3A_1529 = arith.constant 0 : i32
      %dma_wait3A_1530 = tpu.memref_slice %arg5[%dma_wait3A_1517, %dma_wait3A_1528, %dma_wait3A_1529] : memref<2x32x128xi32, #tpu.memory_space<vmem>> -> memref<1x32x128xi32, #tpu.memory_space<vmem>>
      %dma_wait3A_1531 = tpu.memref_squeeze %dma_wait3A_1530 : memref<1x32x128xi32, #tpu.memory_space<vmem>> -> memref<32x128xi32, #tpu.memory_space<vmem>>
      %dma_wait3A_1532 = arith.constant 0 : i32
      %dma_wait3A_1533 = tpu.memref_slice %dma_wait3A_1531[%dma_wait3A_1518, %dma_wait3A_1532] : memref<32x128xi32, #tpu.memory_space<vmem>> -> memref<1x128xi32, #tpu.memory_space<vmem>>
      %dma_wait3A_1534 = tpu.memref_squeeze %dma_wait3A_1533 : memref<1x128xi32, #tpu.memory_space<vmem>> -> memref<128xi32, #tpu.memory_space<vmem>>
      %dma_wait3A_1535 = arith.constant 0 : i32
      %dma_wait3A_1536 = tpu.memref_slice %arg2[%dma_wait3A_1535] : memref<33554432xf32, #tpu.memory_space<hbm>> -> memref<33554432xf32, #tpu.memory_space<hbm>>
      tpu.wait_indirect_dma semaphore(%arg8 : memref<!tpu.dma_semaphore, #tpu.memory_space<semaphore_mem>>) src(%dma_wait3A_1536 : memref<33554432xf32, #tpu.memory_space<hbm>>) dst(%dma_wait3A_1527 : memref<128xf32, #tpu.memory_space<vmem>>)
      %dma_wait3A_1537 = arith.constant 0 : i32
      %dma_wait3A_1538 = arith.constant 28 : i32
      %dma_wait3A_1539 = arith.constant 0 : i32
      %dma_wait3A_1540 = arith.constant 28 : i32
      %dma_wait3A_1541 = arith.constant 0 : i32
      %dma_wait3A_1542 = arith.constant 0 : i32
      %dma_wait3A_1543 = tpu.memref_slice %arg6[%dma_wait3A_1539, %dma_wait3A_1541, %dma_wait3A_1542] : memref<2x32x128xf32, #tpu.memory_space<vmem>> -> memref<1x32x128xf32, #tpu.memory_space<vmem>>
      %dma_wait3A_1544 = tpu.memref_squeeze %dma_wait3A_1543 : memref<1x32x128xf32, #tpu.memory_space<vmem>> -> memref<32x128xf32, #tpu.memory_space<vmem>>
      %dma_wait3A_1545 = arith.constant 0 : i32
      %dma_wait3A_1546 = tpu.memref_slice %dma_wait3A_1544[%dma_wait3A_1540, %dma_wait3A_1545] : memref<32x128xf32, #tpu.memory_space<vmem>> -> memref<1x128xf32, #tpu.memory_space<vmem>>
      %dma_wait3A_1547 = tpu.memref_squeeze %dma_wait3A_1546 : memref<1x128xf32, #tpu.memory_space<vmem>> -> memref<128xf32, #tpu.memory_space<vmem>>
      %dma_wait3A_1548 = arith.constant 0 : i32
      %dma_wait3A_1549 = arith.constant 0 : i32
      %dma_wait3A_1550 = tpu.memref_slice %arg5[%dma_wait3A_1537, %dma_wait3A_1548, %dma_wait3A_1549] : memref<2x32x128xi32, #tpu.memory_space<vmem>> -> memref<1x32x128xi32, #tpu.memory_space<vmem>>
      %dma_wait3A_1551 = tpu.memref_squeeze %dma_wait3A_1550 : memref<1x32x128xi32, #tpu.memory_space<vmem>> -> memref<32x128xi32, #tpu.memory_space<vmem>>
      %dma_wait3A_1552 = arith.constant 0 : i32
      %dma_wait3A_1553 = tpu.memref_slice %dma_wait3A_1551[%dma_wait3A_1538, %dma_wait3A_1552] : memref<32x128xi32, #tpu.memory_space<vmem>> -> memref<1x128xi32, #tpu.memory_space<vmem>>
      %dma_wait3A_1554 = tpu.memref_squeeze %dma_wait3A_1553 : memref<1x128xi32, #tpu.memory_space<vmem>> -> memref<128xi32, #tpu.memory_space<vmem>>
      %dma_wait3A_1555 = arith.constant 0 : i32
      %dma_wait3A_1556 = tpu.memref_slice %arg2[%dma_wait3A_1555] : memref<33554432xf32, #tpu.memory_space<hbm>> -> memref<33554432xf32, #tpu.memory_space<hbm>>
      tpu.wait_indirect_dma semaphore(%arg8 : memref<!tpu.dma_semaphore, #tpu.memory_space<semaphore_mem>>) src(%dma_wait3A_1556 : memref<33554432xf32, #tpu.memory_space<hbm>>) dst(%dma_wait3A_1547 : memref<128xf32, #tpu.memory_space<vmem>>)
      %dma_wait3A_1557 = arith.constant 0 : i32
      %dma_wait3A_1558 = arith.constant 29 : i32
      %dma_wait3A_1559 = arith.constant 0 : i32
      %dma_wait3A_1560 = arith.constant 29 : i32
      %dma_wait3A_1561 = arith.constant 0 : i32
      %dma_wait3A_1562 = arith.constant 0 : i32
      %dma_wait3A_1563 = tpu.memref_slice %arg6[%dma_wait3A_1559, %dma_wait3A_1561, %dma_wait3A_1562] : memref<2x32x128xf32, #tpu.memory_space<vmem>> -> memref<1x32x128xf32, #tpu.memory_space<vmem>>
      %dma_wait3A_1564 = tpu.memref_squeeze %dma_wait3A_1563 : memref<1x32x128xf32, #tpu.memory_space<vmem>> -> memref<32x128xf32, #tpu.memory_space<vmem>>
      %dma_wait3A_1565 = arith.constant 0 : i32
      %dma_wait3A_1566 = tpu.memref_slice %dma_wait3A_1564[%dma_wait3A_1560, %dma_wait3A_1565] : memref<32x128xf32, #tpu.memory_space<vmem>> -> memref<1x128xf32, #tpu.memory_space<vmem>>
      %dma_wait3A_1567 = tpu.memref_squeeze %dma_wait3A_1566 : memref<1x128xf32, #tpu.memory_space<vmem>> -> memref<128xf32, #tpu.memory_space<vmem>>
      %dma_wait3A_1568 = arith.constant 0 : i32
      %dma_wait3A_1569 = arith.constant 0 : i32
      %dma_wait3A_1570 = tpu.memref_slice %arg5[%dma_wait3A_1557, %dma_wait3A_1568, %dma_wait3A_1569] : memref<2x32x128xi32, #tpu.memory_space<vmem>> -> memref<1x32x128xi32, #tpu.memory_space<vmem>>
      %dma_wait3A_1571 = tpu.memref_squeeze %dma_wait3A_1570 : memref<1x32x128xi32, #tpu.memory_space<vmem>> -> memref<32x128xi32, #tpu.memory_space<vmem>>
      %dma_wait3A_1572 = arith.constant 0 : i32
      %dma_wait3A_1573 = tpu.memref_slice %dma_wait3A_1571[%dma_wait3A_1558, %dma_wait3A_1572] : memref<32x128xi32, #tpu.memory_space<vmem>> -> memref<1x128xi32, #tpu.memory_space<vmem>>
      %dma_wait3A_1574 = tpu.memref_squeeze %dma_wait3A_1573 : memref<1x128xi32, #tpu.memory_space<vmem>> -> memref<128xi32, #tpu.memory_space<vmem>>
      %dma_wait3A_1575 = arith.constant 0 : i32
      %dma_wait3A_1576 = tpu.memref_slice %arg2[%dma_wait3A_1575] : memref<33554432xf32, #tpu.memory_space<hbm>> -> memref<33554432xf32, #tpu.memory_space<hbm>>
      tpu.wait_indirect_dma semaphore(%arg8 : memref<!tpu.dma_semaphore, #tpu.memory_space<semaphore_mem>>) src(%dma_wait3A_1576 : memref<33554432xf32, #tpu.memory_space<hbm>>) dst(%dma_wait3A_1567 : memref<128xf32, #tpu.memory_space<vmem>>)
      %dma_wait3A_1577 = arith.constant 0 : i32
      %dma_wait3A_1578 = arith.constant 30 : i32
      %dma_wait3A_1579 = arith.constant 0 : i32
      %dma_wait3A_1580 = arith.constant 30 : i32
      %dma_wait3A_1581 = arith.constant 0 : i32
      %dma_wait3A_1582 = arith.constant 0 : i32
      %dma_wait3A_1583 = tpu.memref_slice %arg6[%dma_wait3A_1579, %dma_wait3A_1581, %dma_wait3A_1582] : memref<2x32x128xf32, #tpu.memory_space<vmem>> -> memref<1x32x128xf32, #tpu.memory_space<vmem>>
      %dma_wait3A_1584 = tpu.memref_squeeze %dma_wait3A_1583 : memref<1x32x128xf32, #tpu.memory_space<vmem>> -> memref<32x128xf32, #tpu.memory_space<vmem>>
      %dma_wait3A_1585 = arith.constant 0 : i32
      %dma_wait3A_1586 = tpu.memref_slice %dma_wait3A_1584[%dma_wait3A_1580, %dma_wait3A_1585] : memref<32x128xf32, #tpu.memory_space<vmem>> -> memref<1x128xf32, #tpu.memory_space<vmem>>
      %dma_wait3A_1587 = tpu.memref_squeeze %dma_wait3A_1586 : memref<1x128xf32, #tpu.memory_space<vmem>> -> memref<128xf32, #tpu.memory_space<vmem>>
      %dma_wait3A_1588 = arith.constant 0 : i32
      %dma_wait3A_1589 = arith.constant 0 : i32
      %dma_wait3A_1590 = tpu.memref_slice %arg5[%dma_wait3A_1577, %dma_wait3A_1588, %dma_wait3A_1589] : memref<2x32x128xi32, #tpu.memory_space<vmem>> -> memref<1x32x128xi32, #tpu.memory_space<vmem>>
      %dma_wait3A_1591 = tpu.memref_squeeze %dma_wait3A_1590 : memref<1x32x128xi32, #tpu.memory_space<vmem>> -> memref<32x128xi32, #tpu.memory_space<vmem>>
      %dma_wait3A_1592 = arith.constant 0 : i32
      %dma_wait3A_1593 = tpu.memref_slice %dma_wait3A_1591[%dma_wait3A_1578, %dma_wait3A_1592] : memref<32x128xi32, #tpu.memory_space<vmem>> -> memref<1x128xi32, #tpu.memory_space<vmem>>
      %dma_wait3A_1594 = tpu.memref_squeeze %dma_wait3A_1593 : memref<1x128xi32, #tpu.memory_space<vmem>> -> memref<128xi32, #tpu.memory_space<vmem>>
      %dma_wait3A_1595 = arith.constant 0 : i32
      %dma_wait3A_1596 = tpu.memref_slice %arg2[%dma_wait3A_1595] : memref<33554432xf32, #tpu.memory_space<hbm>> -> memref<33554432xf32, #tpu.memory_space<hbm>>
      tpu.wait_indirect_dma semaphore(%arg8 : memref<!tpu.dma_semaphore, #tpu.memory_space<semaphore_mem>>) src(%dma_wait3A_1596 : memref<33554432xf32, #tpu.memory_space<hbm>>) dst(%dma_wait3A_1587 : memref<128xf32, #tpu.memory_space<vmem>>)
      %dma_wait3A_1597 = arith.constant 0 : i32
      %dma_wait3A_1598 = arith.constant 31 : i32
      %dma_wait3A_1599 = arith.constant 0 : i32
      %dma_wait3A_1600 = arith.constant 31 : i32
      %dma_wait3A_1601 = arith.constant 0 : i32
      %dma_wait3A_1602 = arith.constant 0 : i32
      %dma_wait3A_1603 = tpu.memref_slice %arg6[%dma_wait3A_1599, %dma_wait3A_1601, %dma_wait3A_1602] : memref<2x32x128xf32, #tpu.memory_space<vmem>> -> memref<1x32x128xf32, #tpu.memory_space<vmem>>
      %dma_wait3A_1604 = tpu.memref_squeeze %dma_wait3A_1603 : memref<1x32x128xf32, #tpu.memory_space<vmem>> -> memref<32x128xf32, #tpu.memory_space<vmem>>
      %dma_wait3A_1605 = arith.constant 0 : i32
      %dma_wait3A_1606 = tpu.memref_slice %dma_wait3A_1604[%dma_wait3A_1600, %dma_wait3A_1605] : memref<32x128xf32, #tpu.memory_space<vmem>> -> memref<1x128xf32, #tpu.memory_space<vmem>>
      %dma_wait3A_1607 = tpu.memref_squeeze %dma_wait3A_1606 : memref<1x128xf32, #tpu.memory_space<vmem>> -> memref<128xf32, #tpu.memory_space<vmem>>
      %dma_wait3A_1608 = arith.constant 0 : i32
      %dma_wait3A_1609 = arith.constant 0 : i32
      %dma_wait3A_1610 = tpu.memref_slice %arg5[%dma_wait3A_1597, %dma_wait3A_1608, %dma_wait3A_1609] : memref<2x32x128xi32, #tpu.memory_space<vmem>> -> memref<1x32x128xi32, #tpu.memory_space<vmem>>
      %dma_wait3A_1611 = tpu.memref_squeeze %dma_wait3A_1610 : memref<1x32x128xi32, #tpu.memory_space<vmem>> -> memref<32x128xi32, #tpu.memory_space<vmem>>
      %dma_wait3A_1612 = arith.constant 0 : i32
      %dma_wait3A_1613 = tpu.memref_slice %dma_wait3A_1611[%dma_wait3A_1598, %dma_wait3A_1612] : memref<32x128xi32, #tpu.memory_space<vmem>> -> memref<1x128xi32, #tpu.memory_space<vmem>>
      %dma_wait3A_1614 = tpu.memref_squeeze %dma_wait3A_1613 : memref<1x128xi32, #tpu.memory_space<vmem>> -> memref<128xi32, #tpu.memory_space<vmem>>
      %dma_wait3A_1615 = arith.constant 0 : i32
      %dma_wait3A_1616 = tpu.memref_slice %arg2[%dma_wait3A_1615] : memref<33554432xf32, #tpu.memory_space<hbm>> -> memref<33554432xf32, #tpu.memory_space<hbm>>
      tpu.wait_indirect_dma semaphore(%arg8 : memref<!tpu.dma_semaphore, #tpu.memory_space<semaphore_mem>>) src(%dma_wait3A_1616 : memref<33554432xf32, #tpu.memory_space<hbm>>) dst(%dma_wait3A_1607 : memref<128xf32, #tpu.memory_space<vmem>>)
      %mul3A_1617 = arith.constant 4 : i32
      %mul3A_1618 = arith.muli %mul3A_236, %mul3A_1617 : i32
      %mul3A_1619 = arith.constant 128 : i32
      %mul3A_1620 = arith.muli %mul3A_1618, %mul3A_1619 : i32
      %add3A_1621 = arith.constant 0 : i32
      %add3A_1622 = arith.addi %mul3A_1620, %add3A_1621 : i32
      %dma_start3A_1623 = arith.constant 0 : i32
      %dma_start3A_1624 = arith.constant 0 : i32
      %dma_start3A_1625 = arith.constant 0 : i32
      %dma_start3A_1626 = tpu.memref_slice %arg6[%dma_start3A_1623, %dma_start3A_1624, %dma_start3A_1625] : memref<2x32x128xf32, #tpu.memory_space<vmem>> -> memref<1x32x128xf32, #tpu.memory_space<vmem>>
      %dma_start3A_1627 = tpu.memref_squeeze %dma_start3A_1626 : memref<1x32x128xf32, #tpu.memory_space<vmem>> -> memref<32x128xf32, #tpu.memory_space<vmem>>
      %dma_start3A_1628 = arith.constant 0 : i32
      %dma_start3A_1629 = arith.constant 0 : i32
      %dma_start3A_1630 = tpu.memref_slice %dma_start3A_1627[%dma_start3A_1628, %dma_start3A_1629] : memref<32x128xf32, #tpu.memory_space<vmem>> -> memref<8x128xf32, #tpu.memory_space<vmem>>
      %dma_start3A_1631 = tpu.memref_slice %arg4[%mul3A_2, %add3A_1622] : memref<256x8192xf32, #tpu.memory_space<hbm>> -> memref<8x128xf32, #tpu.memory_space<hbm>>
      %dma_start3A_1632 = tpu.memref_slice %arg4[%mul3A_2, %add3A_1622] : memref<256x8192xf32, #tpu.memory_space<hbm>> -> memref<8x128xf32, #tpu.memory_space<hbm>>
      %dma_start3A_1633 = arith.constant 0 : i32
      %dma_start3A_1634 = arith.constant 0 : i32
      %dma_start3A_1635 = tpu.memref_slice %arg6[%dma_start3A_1623, %dma_start3A_1633, %dma_start3A_1634] : memref<2x32x128xf32, #tpu.memory_space<vmem>> -> memref<1x32x128xf32, #tpu.memory_space<vmem>>
      %dma_start3A_1636 = tpu.memref_squeeze %dma_start3A_1635 : memref<1x32x128xf32, #tpu.memory_space<vmem>> -> memref<32x128xf32, #tpu.memory_space<vmem>>
      %dma_start3A_1637 = arith.constant 0 : i32
      %dma_start3A_1638 = arith.constant 0 : i32
      %dma_start3A_1639 = tpu.memref_slice %dma_start3A_1636[%dma_start3A_1637, %dma_start3A_1638] : memref<32x128xf32, #tpu.memory_space<vmem>> -> memref<8x128xf32, #tpu.memory_space<vmem>>
      tpu.enqueue_dma source(%dma_start3A_1639 : memref<8x128xf32, #tpu.memory_space<vmem>>) target(%dma_start3A_1632 : memref<8x128xf32, #tpu.memory_space<hbm>>) target_semaphore(%arg9 : memref<!tpu.dma_semaphore, #tpu.memory_space<semaphore_mem>>)
      %mul3A_1640 = arith.constant 4 : i32
      %mul3A_1641 = arith.muli %mul3A_236, %mul3A_1640 : i32
      %mul3A_1642 = arith.constant 128 : i32
      %mul3A_1643 = arith.muli %mul3A_1641, %mul3A_1642 : i32
      %add3A_1644 = arith.constant 128 : i32
      %add3A_1645 = arith.addi %mul3A_1643, %add3A_1644 : i32
      %dma_start3A_1646 = arith.constant 0 : i32
      %dma_start3A_1647 = arith.constant 0 : i32
      %dma_start3A_1648 = arith.constant 0 : i32
      %dma_start3A_1649 = tpu.memref_slice %arg6[%dma_start3A_1646, %dma_start3A_1647, %dma_start3A_1648] : memref<2x32x128xf32, #tpu.memory_space<vmem>> -> memref<1x32x128xf32, #tpu.memory_space<vmem>>
      %dma_start3A_1650 = tpu.memref_squeeze %dma_start3A_1649 : memref<1x32x128xf32, #tpu.memory_space<vmem>> -> memref<32x128xf32, #tpu.memory_space<vmem>>
      %dma_start3A_1651 = arith.constant 8 : i32
      %dma_start3A_1652 = arith.constant 0 : i32
      %dma_start3A_1653 = tpu.memref_slice %dma_start3A_1650[%dma_start3A_1651, %dma_start3A_1652] : memref<32x128xf32, #tpu.memory_space<vmem>> -> memref<8x128xf32, #tpu.memory_space<vmem>>
      %dma_start3A_1654 = tpu.memref_slice %arg4[%mul3A_2, %add3A_1645] : memref<256x8192xf32, #tpu.memory_space<hbm>> -> memref<8x128xf32, #tpu.memory_space<hbm>>
      %dma_start3A_1655 = tpu.memref_slice %arg4[%mul3A_2, %add3A_1645] : memref<256x8192xf32, #tpu.memory_space<hbm>> -> memref<8x128xf32, #tpu.memory_space<hbm>>
      %dma_start3A_1656 = arith.constant 0 : i32
      %dma_start3A_1657 = arith.constant 0 : i32
      %dma_start3A_1658 = tpu.memref_slice %arg6[%dma_start3A_1646, %dma_start3A_1656, %dma_start3A_1657] : memref<2x32x128xf32, #tpu.memory_space<vmem>> -> memref<1x32x128xf32, #tpu.memory_space<vmem>>
      %dma_start3A_1659 = tpu.memref_squeeze %dma_start3A_1658 : memref<1x32x128xf32, #tpu.memory_space<vmem>> -> memref<32x128xf32, #tpu.memory_space<vmem>>
      %dma_start3A_1660 = arith.constant 8 : i32
      %dma_start3A_1661 = arith.constant 0 : i32
      %dma_start3A_1662 = tpu.memref_slice %dma_start3A_1659[%dma_start3A_1660, %dma_start3A_1661] : memref<32x128xf32, #tpu.memory_space<vmem>> -> memref<8x128xf32, #tpu.memory_space<vmem>>
      tpu.enqueue_dma source(%dma_start3A_1662 : memref<8x128xf32, #tpu.memory_space<vmem>>) target(%dma_start3A_1655 : memref<8x128xf32, #tpu.memory_space<hbm>>) target_semaphore(%arg9 : memref<!tpu.dma_semaphore, #tpu.memory_space<semaphore_mem>>)
      %mul3A_1663 = arith.constant 4 : i32
      %mul3A_1664 = arith.muli %mul3A_236, %mul3A_1663 : i32
      %mul3A_1665 = arith.constant 128 : i32
      %mul3A_1666 = arith.muli %mul3A_1664, %mul3A_1665 : i32
      %add3A_1667 = arith.constant 256 : i32
      %add3A_1668 = arith.addi %mul3A_1666, %add3A_1667 : i32
      %dma_start3A_1669 = arith.constant 0 : i32
      %dma_start3A_1670 = arith.constant 0 : i32
      %dma_start3A_1671 = arith.constant 0 : i32
      %dma_start3A_1672 = tpu.memref_slice %arg6[%dma_start3A_1669, %dma_start3A_1670, %dma_start3A_1671] : memref<2x32x128xf32, #tpu.memory_space<vmem>> -> memref<1x32x128xf32, #tpu.memory_space<vmem>>
      %dma_start3A_1673 = tpu.memref_squeeze %dma_start3A_1672 : memref<1x32x128xf32, #tpu.memory_space<vmem>> -> memref<32x128xf32, #tpu.memory_space<vmem>>
      %dma_start3A_1674 = arith.constant 16 : i32
      %dma_start3A_1675 = arith.constant 0 : i32
      %dma_start3A_1676 = tpu.memref_slice %dma_start3A_1673[%dma_start3A_1674, %dma_start3A_1675] : memref<32x128xf32, #tpu.memory_space<vmem>> -> memref<8x128xf32, #tpu.memory_space<vmem>>
      %dma_start3A_1677 = tpu.memref_slice %arg4[%mul3A_2, %add3A_1668] : memref<256x8192xf32, #tpu.memory_space<hbm>> -> memref<8x128xf32, #tpu.memory_space<hbm>>
      %dma_start3A_1678 = tpu.memref_slice %arg4[%mul3A_2, %add3A_1668] : memref<256x8192xf32, #tpu.memory_space<hbm>> -> memref<8x128xf32, #tpu.memory_space<hbm>>
      %dma_start3A_1679 = arith.constant 0 : i32
      %dma_start3A_1680 = arith.constant 0 : i32
      %dma_start3A_1681 = tpu.memref_slice %arg6[%dma_start3A_1669, %dma_start3A_1679, %dma_start3A_1680] : memref<2x32x128xf32, #tpu.memory_space<vmem>> -> memref<1x32x128xf32, #tpu.memory_space<vmem>>
      %dma_start3A_1682 = tpu.memref_squeeze %dma_start3A_1681 : memref<1x32x128xf32, #tpu.memory_space<vmem>> -> memref<32x128xf32, #tpu.memory_space<vmem>>
      %dma_start3A_1683 = arith.constant 16 : i32
      %dma_start3A_1684 = arith.constant 0 : i32
      %dma_start3A_1685 = tpu.memref_slice %dma_start3A_1682[%dma_start3A_1683, %dma_start3A_1684] : memref<32x128xf32, #tpu.memory_space<vmem>> -> memref<8x128xf32, #tpu.memory_space<vmem>>
      tpu.enqueue_dma source(%dma_start3A_1685 : memref<8x128xf32, #tpu.memory_space<vmem>>) target(%dma_start3A_1678 : memref<8x128xf32, #tpu.memory_space<hbm>>) target_semaphore(%arg9 : memref<!tpu.dma_semaphore, #tpu.memory_space<semaphore_mem>>)
      %mul3A_1686 = arith.constant 4 : i32
      %mul3A_1687 = arith.muli %mul3A_236, %mul3A_1686 : i32
      %mul3A_1688 = arith.constant 128 : i32
      %mul3A_1689 = arith.muli %mul3A_1687, %mul3A_1688 : i32
      %add3A_1690 = arith.constant 384 : i32
      %add3A_1691 = arith.addi %mul3A_1689, %add3A_1690 : i32
      %dma_start3A_1692 = arith.constant 0 : i32
      %dma_start3A_1693 = arith.constant 0 : i32
      %dma_start3A_1694 = arith.constant 0 : i32
      %dma_start3A_1695 = tpu.memref_slice %arg6[%dma_start3A_1692, %dma_start3A_1693, %dma_start3A_1694] : memref<2x32x128xf32, #tpu.memory_space<vmem>> -> memref<1x32x128xf32, #tpu.memory_space<vmem>>
      %dma_start3A_1696 = tpu.memref_squeeze %dma_start3A_1695 : memref<1x32x128xf32, #tpu.memory_space<vmem>> -> memref<32x128xf32, #tpu.memory_space<vmem>>
      %dma_start3A_1697 = arith.constant 24 : i32
      %dma_start3A_1698 = arith.constant 0 : i32
      %dma_start3A_1699 = tpu.memref_slice %dma_start3A_1696[%dma_start3A_1697, %dma_start3A_1698] : memref<32x128xf32, #tpu.memory_space<vmem>> -> memref<8x128xf32, #tpu.memory_space<vmem>>
      %dma_start3A_1700 = tpu.memref_slice %arg4[%mul3A_2, %add3A_1691] : memref<256x8192xf32, #tpu.memory_space<hbm>> -> memref<8x128xf32, #tpu.memory_space<hbm>>
      %dma_start3A_1701 = tpu.memref_slice %arg4[%mul3A_2, %add3A_1691] : memref<256x8192xf32, #tpu.memory_space<hbm>> -> memref<8x128xf32, #tpu.memory_space<hbm>>
      %dma_start3A_1702 = arith.constant 0 : i32
      %dma_start3A_1703 = arith.constant 0 : i32
      %dma_start3A_1704 = tpu.memref_slice %arg6[%dma_start3A_1692, %dma_start3A_1702, %dma_start3A_1703] : memref<2x32x128xf32, #tpu.memory_space<vmem>> -> memref<1x32x128xf32, #tpu.memory_space<vmem>>
      %dma_start3A_1705 = tpu.memref_squeeze %dma_start3A_1704 : memref<1x32x128xf32, #tpu.memory_space<vmem>> -> memref<32x128xf32, #tpu.memory_space<vmem>>
      %dma_start3A_1706 = arith.constant 24 : i32
      %dma_start3A_1707 = arith.constant 0 : i32
      %dma_start3A_1708 = tpu.memref_slice %dma_start3A_1705[%dma_start3A_1706, %dma_start3A_1707] : memref<32x128xf32, #tpu.memory_space<vmem>> -> memref<8x128xf32, #tpu.memory_space<vmem>>
      tpu.enqueue_dma source(%dma_start3A_1708 : memref<8x128xf32, #tpu.memory_space<vmem>>) target(%dma_start3A_1701 : memref<8x128xf32, #tpu.memory_space<hbm>>) target_semaphore(%arg9 : memref<!tpu.dma_semaphore, #tpu.memory_space<semaphore_mem>>)
      %mul3A_1709 = arith.constant 2 : i32
      %mul3A_1710 = arith.muli %mul3A_1709, %scan3A_234 : i32
      %add3A_1711 = arith.constant 1 : i32
      %add3A_1712 = arith.addi %mul3A_1710, %add3A_1711 : i32
      %mul3A_1713 = arith.constant 4 : i32
      %mul3A_1714 = arith.muli %add3A_1712, %mul3A_1713 : i32
      %mul3A_1715 = arith.constant 128 : i32
      %mul3A_1716 = arith.muli %mul3A_1714, %mul3A_1715 : i32
      %add3A_1717 = arith.constant 0 : i32
      %add3A_1718 = arith.addi %mul3A_1716, %add3A_1717 : i32
      %dma_wait3A_1719 = arith.constant 1 : i32
      %dma_wait3A_1720 = arith.constant 0 : i32
      %dma_wait3A_1721 = arith.constant 0 : i32
      %dma_wait3A_1722 = tpu.memref_slice %arg5[%dma_wait3A_1719, %dma_wait3A_1720, %dma_wait3A_1721] : memref<2x32x128xi32, #tpu.memory_space<vmem>> -> memref<1x32x128xi32, #tpu.memory_space<vmem>>
      %dma_wait3A_1723 = tpu.memref_squeeze %dma_wait3A_1722 : memref<1x32x128xi32, #tpu.memory_space<vmem>> -> memref<32x128xi32, #tpu.memory_space<vmem>>
      %dma_wait3A_1724 = arith.constant 0 : i32
      %dma_wait3A_1725 = arith.constant 0 : i32
      %dma_wait3A_1726 = tpu.memref_slice %dma_wait3A_1723[%dma_wait3A_1724, %dma_wait3A_1725] : memref<32x128xi32, #tpu.memory_space<vmem>> -> memref<8x128xi32, #tpu.memory_space<vmem>>
      %dma_wait3A_1727 = tpu.memref_slice %arg3[%mul3A_2, %add3A_1718] : memref<256x8192xi32, #tpu.memory_space<hbm>> -> memref<8x128xi32, #tpu.memory_space<hbm>>
      %dma_wait3A_1728 = arith.constant 0 : i32
      %dma_wait3A_1729 = arith.constant 0 : i32
      %dma_wait3A_1730 = tpu.memref_slice %arg5[%dma_wait3A_1719, %dma_wait3A_1728, %dma_wait3A_1729] : memref<2x32x128xi32, #tpu.memory_space<vmem>> -> memref<1x32x128xi32, #tpu.memory_space<vmem>>
      %dma_wait3A_1731 = tpu.memref_squeeze %dma_wait3A_1730 : memref<1x32x128xi32, #tpu.memory_space<vmem>> -> memref<32x128xi32, #tpu.memory_space<vmem>>
      %dma_wait3A_1732 = arith.constant 0 : i32
      %dma_wait3A_1733 = arith.constant 0 : i32
      %dma_wait3A_1734 = tpu.memref_slice %dma_wait3A_1731[%dma_wait3A_1732, %dma_wait3A_1733] : memref<32x128xi32, #tpu.memory_space<vmem>> -> memref<8x128xi32, #tpu.memory_space<vmem>>
      %dma_wait3A_1735 = tpu.memref_slice %arg3[%mul3A_2, %add3A_1718] : memref<256x8192xi32, #tpu.memory_space<hbm>> -> memref<8x128xi32, #tpu.memory_space<hbm>>
      tpu.wait_dma2 semaphore(%arg7 : memref<!tpu.dma_semaphore, #tpu.memory_space<semaphore_mem>>) src(%dma_wait3A_1735 : memref<8x128xi32, #tpu.memory_space<hbm>>) dst(%dma_wait3A_1734 : memref<8x128xi32, #tpu.memory_space<vmem>>)
      %mul3A_1736 = arith.constant 4 : i32
      %mul3A_1737 = arith.muli %add3A_1712, %mul3A_1736 : i32
      %mul3A_1738 = arith.constant 128 : i32
      %mul3A_1739 = arith.muli %mul3A_1737, %mul3A_1738 : i32
      %add3A_1740 = arith.constant 128 : i32
      %add3A_1741 = arith.addi %mul3A_1739, %add3A_1740 : i32
      %dma_wait3A_1742 = arith.constant 1 : i32
      %dma_wait3A_1743 = arith.constant 0 : i32
      %dma_wait3A_1744 = arith.constant 0 : i32
      %dma_wait3A_1745 = tpu.memref_slice %arg5[%dma_wait3A_1742, %dma_wait3A_1743, %dma_wait3A_1744] : memref<2x32x128xi32, #tpu.memory_space<vmem>> -> memref<1x32x128xi32, #tpu.memory_space<vmem>>
      %dma_wait3A_1746 = tpu.memref_squeeze %dma_wait3A_1745 : memref<1x32x128xi32, #tpu.memory_space<vmem>> -> memref<32x128xi32, #tpu.memory_space<vmem>>
      %dma_wait3A_1747 = arith.constant 8 : i32
      %dma_wait3A_1748 = arith.constant 0 : i32
      %dma_wait3A_1749 = tpu.memref_slice %dma_wait3A_1746[%dma_wait3A_1747, %dma_wait3A_1748] : memref<32x128xi32, #tpu.memory_space<vmem>> -> memref<8x128xi32, #tpu.memory_space<vmem>>
      %dma_wait3A_1750 = tpu.memref_slice %arg3[%mul3A_2, %add3A_1741] : memref<256x8192xi32, #tpu.memory_space<hbm>> -> memref<8x128xi32, #tpu.memory_space<hbm>>
      %dma_wait3A_1751 = arith.constant 0 : i32
      %dma_wait3A_1752 = arith.constant 0 : i32
      %dma_wait3A_1753 = tpu.memref_slice %arg5[%dma_wait3A_1742, %dma_wait3A_1751, %dma_wait3A_1752] : memref<2x32x128xi32, #tpu.memory_space<vmem>> -> memref<1x32x128xi32, #tpu.memory_space<vmem>>
      %dma_wait3A_1754 = tpu.memref_squeeze %dma_wait3A_1753 : memref<1x32x128xi32, #tpu.memory_space<vmem>> -> memref<32x128xi32, #tpu.memory_space<vmem>>
      %dma_wait3A_1755 = arith.constant 8 : i32
      %dma_wait3A_1756 = arith.constant 0 : i32
      %dma_wait3A_1757 = tpu.memref_slice %dma_wait3A_1754[%dma_wait3A_1755, %dma_wait3A_1756] : memref<32x128xi32, #tpu.memory_space<vmem>> -> memref<8x128xi32, #tpu.memory_space<vmem>>
      %dma_wait3A_1758 = tpu.memref_slice %arg3[%mul3A_2, %add3A_1741] : memref<256x8192xi32, #tpu.memory_space<hbm>> -> memref<8x128xi32, #tpu.memory_space<hbm>>
      tpu.wait_dma2 semaphore(%arg7 : memref<!tpu.dma_semaphore, #tpu.memory_space<semaphore_mem>>) src(%dma_wait3A_1758 : memref<8x128xi32, #tpu.memory_space<hbm>>) dst(%dma_wait3A_1757 : memref<8x128xi32, #tpu.memory_space<vmem>>)
      %mul3A_1759 = arith.constant 4 : i32
      %mul3A_1760 = arith.muli %add3A_1712, %mul3A_1759 : i32
      %mul3A_1761 = arith.constant 128 : i32
      %mul3A_1762 = arith.muli %mul3A_1760, %mul3A_1761 : i32
      %add3A_1763 = arith.constant 256 : i32
      %add3A_1764 = arith.addi %mul3A_1762, %add3A_1763 : i32
      %dma_wait3A_1765 = arith.constant 1 : i32
      %dma_wait3A_1766 = arith.constant 0 : i32
      %dma_wait3A_1767 = arith.constant 0 : i32
      %dma_wait3A_1768 = tpu.memref_slice %arg5[%dma_wait3A_1765, %dma_wait3A_1766, %dma_wait3A_1767] : memref<2x32x128xi32, #tpu.memory_space<vmem>> -> memref<1x32x128xi32, #tpu.memory_space<vmem>>
      %dma_wait3A_1769 = tpu.memref_squeeze %dma_wait3A_1768 : memref<1x32x128xi32, #tpu.memory_space<vmem>> -> memref<32x128xi32, #tpu.memory_space<vmem>>
      %dma_wait3A_1770 = arith.constant 16 : i32
      %dma_wait3A_1771 = arith.constant 0 : i32
      %dma_wait3A_1772 = tpu.memref_slice %dma_wait3A_1769[%dma_wait3A_1770, %dma_wait3A_1771] : memref<32x128xi32, #tpu.memory_space<vmem>> -> memref<8x128xi32, #tpu.memory_space<vmem>>
      %dma_wait3A_1773 = tpu.memref_slice %arg3[%mul3A_2, %add3A_1764] : memref<256x8192xi32, #tpu.memory_space<hbm>> -> memref<8x128xi32, #tpu.memory_space<hbm>>
      %dma_wait3A_1774 = arith.constant 0 : i32
      %dma_wait3A_1775 = arith.constant 0 : i32
      %dma_wait3A_1776 = tpu.memref_slice %arg5[%dma_wait3A_1765, %dma_wait3A_1774, %dma_wait3A_1775] : memref<2x32x128xi32, #tpu.memory_space<vmem>> -> memref<1x32x128xi32, #tpu.memory_space<vmem>>
      %dma_wait3A_1777 = tpu.memref_squeeze %dma_wait3A_1776 : memref<1x32x128xi32, #tpu.memory_space<vmem>> -> memref<32x128xi32, #tpu.memory_space<vmem>>
      %dma_wait3A_1778 = arith.constant 16 : i32
      %dma_wait3A_1779 = arith.constant 0 : i32
      %dma_wait3A_1780 = tpu.memref_slice %dma_wait3A_1777[%dma_wait3A_1778, %dma_wait3A_1779] : memref<32x128xi32, #tpu.memory_space<vmem>> -> memref<8x128xi32, #tpu.memory_space<vmem>>
      %dma_wait3A_1781 = tpu.memref_slice %arg3[%mul3A_2, %add3A_1764] : memref<256x8192xi32, #tpu.memory_space<hbm>> -> memref<8x128xi32, #tpu.memory_space<hbm>>
      tpu.wait_dma2 semaphore(%arg7 : memref<!tpu.dma_semaphore, #tpu.memory_space<semaphore_mem>>) src(%dma_wait3A_1781 : memref<8x128xi32, #tpu.memory_space<hbm>>) dst(%dma_wait3A_1780 : memref<8x128xi32, #tpu.memory_space<vmem>>)
      %mul3A_1782 = arith.constant 4 : i32
      %mul3A_1783 = arith.muli %add3A_1712, %mul3A_1782 : i32
      %mul3A_1784 = arith.constant 128 : i32
      %mul3A_1785 = arith.muli %mul3A_1783, %mul3A_1784 : i32
      %add3A_1786 = arith.constant 384 : i32
      %add3A_1787 = arith.addi %mul3A_1785, %add3A_1786 : i32
      %dma_wait3A_1788 = arith.constant 1 : i32
      %dma_wait3A_1789 = arith.constant 0 : i32
      %dma_wait3A_1790 = arith.constant 0 : i32
      %dma_wait3A_1791 = tpu.memref_slice %arg5[%dma_wait3A_1788, %dma_wait3A_1789, %dma_wait3A_1790] : memref<2x32x128xi32, #tpu.memory_space<vmem>> -> memref<1x32x128xi32, #tpu.memory_space<vmem>>
      %dma_wait3A_1792 = tpu.memref_squeeze %dma_wait3A_1791 : memref<1x32x128xi32, #tpu.memory_space<vmem>> -> memref<32x128xi32, #tpu.memory_space<vmem>>
      %dma_wait3A_1793 = arith.constant 24 : i32
      %dma_wait3A_1794 = arith.constant 0 : i32
      %dma_wait3A_1795 = tpu.memref_slice %dma_wait3A_1792[%dma_wait3A_1793, %dma_wait3A_1794] : memref<32x128xi32, #tpu.memory_space<vmem>> -> memref<8x128xi32, #tpu.memory_space<vmem>>
      %dma_wait3A_1796 = tpu.memref_slice %arg3[%mul3A_2, %add3A_1787] : memref<256x8192xi32, #tpu.memory_space<hbm>> -> memref<8x128xi32, #tpu.memory_space<hbm>>
      %dma_wait3A_1797 = arith.constant 0 : i32
      %dma_wait3A_1798 = arith.constant 0 : i32
      %dma_wait3A_1799 = tpu.memref_slice %arg5[%dma_wait3A_1788, %dma_wait3A_1797, %dma_wait3A_1798] : memref<2x32x128xi32, #tpu.memory_space<vmem>> -> memref<1x32x128xi32, #tpu.memory_space<vmem>>
      %dma_wait3A_1800 = tpu.memref_squeeze %dma_wait3A_1799 : memref<1x32x128xi32, #tpu.memory_space<vmem>> -> memref<32x128xi32, #tpu.memory_space<vmem>>
      %dma_wait3A_1801 = arith.constant 24 : i32
      %dma_wait3A_1802 = arith.constant 0 : i32
      %dma_wait3A_1803 = tpu.memref_slice %dma_wait3A_1800[%dma_wait3A_1801, %dma_wait3A_1802] : memref<32x128xi32, #tpu.memory_space<vmem>> -> memref<8x128xi32, #tpu.memory_space<vmem>>
      %dma_wait3A_1804 = tpu.memref_slice %arg3[%mul3A_2, %add3A_1787] : memref<256x8192xi32, #tpu.memory_space<hbm>> -> memref<8x128xi32, #tpu.memory_space<hbm>>
      tpu.wait_dma2 semaphore(%arg7 : memref<!tpu.dma_semaphore, #tpu.memory_space<semaphore_mem>>) src(%dma_wait3A_1804 : memref<8x128xi32, #tpu.memory_space<hbm>>) dst(%dma_wait3A_1803 : memref<8x128xi32, #tpu.memory_space<vmem>>)
      %ge3A_1805 = arith.constant 2 : i32
      %ge3A_1806 = arith.cmpi sge, %add3A_1712, %ge3A_1805 : i32
      %convert_element_type3A_1807 = arith.extui %ge3A_1806 : i1 to i32
      %cond3A_1808 = arith.constant 0 : i32
      %cond3A_1809 = arith.cmpi ne, %convert_element_type3A_1807, %cond3A_1808 : i32
      scf.if %cond3A_1809 {
        %sub3A = arith.constant 2 : i32
        %sub3A_3189 = arith.subi %add3A_1712, %sub3A : i32
        %mul3A_3190 = arith.constant 4 : i32
        %mul3A_3191 = arith.muli %sub3A_3189, %mul3A_3190 : i32
        %mul3A_3192 = arith.constant 128 : i32
        %mul3A_3193 = arith.muli %mul3A_3191, %mul3A_3192 : i32
        %add3A_3194 = arith.constant 0 : i32
        %add3A_3195 = arith.addi %mul3A_3193, %add3A_3194 : i32
        %dma_wait3A_3196 = arith.constant 1 : i32
        %dma_wait3A_3197 = arith.constant 0 : i32
        %dma_wait3A_3198 = arith.constant 0 : i32
        %dma_wait3A_3199 = tpu.memref_slice %arg6[%dma_wait3A_3196, %dma_wait3A_3197, %dma_wait3A_3198] : memref<2x32x128xf32, #tpu.memory_space<vmem>> -> memref<1x32x128xf32, #tpu.memory_space<vmem>>
        %dma_wait3A_3200 = tpu.memref_squeeze %dma_wait3A_3199 : memref<1x32x128xf32, #tpu.memory_space<vmem>> -> memref<32x128xf32, #tpu.memory_space<vmem>>
        %dma_wait3A_3201 = arith.constant 0 : i32
        %dma_wait3A_3202 = arith.constant 0 : i32
        %dma_wait3A_3203 = tpu.memref_slice %dma_wait3A_3200[%dma_wait3A_3201, %dma_wait3A_3202] : memref<32x128xf32, #tpu.memory_space<vmem>> -> memref<8x128xf32, #tpu.memory_space<vmem>>
        %dma_wait3A_3204 = tpu.memref_slice %arg4[%mul3A_2, %add3A_3195] : memref<256x8192xf32, #tpu.memory_space<hbm>> -> memref<8x128xf32, #tpu.memory_space<hbm>>
        %dma_wait3A_3205 = tpu.memref_slice %arg4[%mul3A_2, %add3A_3195] : memref<256x8192xf32, #tpu.memory_space<hbm>> -> memref<8x128xf32, #tpu.memory_space<hbm>>
        %dma_wait3A_3206 = arith.constant 0 : i32
        %dma_wait3A_3207 = arith.constant 0 : i32
        %dma_wait3A_3208 = tpu.memref_slice %arg6[%dma_wait3A_3196, %dma_wait3A_3206, %dma_wait3A_3207] : memref<2x32x128xf32, #tpu.memory_space<vmem>> -> memref<1x32x128xf32, #tpu.memory_space<vmem>>
        %dma_wait3A_3209 = tpu.memref_squeeze %dma_wait3A_3208 : memref<1x32x128xf32, #tpu.memory_space<vmem>> -> memref<32x128xf32, #tpu.memory_space<vmem>>
        %dma_wait3A_3210 = arith.constant 0 : i32
        %dma_wait3A_3211 = arith.constant 0 : i32
        %dma_wait3A_3212 = tpu.memref_slice %dma_wait3A_3209[%dma_wait3A_3210, %dma_wait3A_3211] : memref<32x128xf32, #tpu.memory_space<vmem>> -> memref<8x128xf32, #tpu.memory_space<vmem>>
        tpu.wait_dma2 semaphore(%arg9 : memref<!tpu.dma_semaphore, #tpu.memory_space<semaphore_mem>>) src(%dma_wait3A_3212 : memref<8x128xf32, #tpu.memory_space<vmem>>) dst(%dma_wait3A_3205 : memref<8x128xf32, #tpu.memory_space<hbm>>)
        %sub3A_3213 = arith.constant 2 : i32
        %sub3A_3214 = arith.subi %add3A_1712, %sub3A_3213 : i32
        %mul3A_3215 = arith.constant 4 : i32
        %mul3A_3216 = arith.muli %sub3A_3214, %mul3A_3215 : i32
        %mul3A_3217 = arith.constant 128 : i32
        %mul3A_3218 = arith.muli %mul3A_3216, %mul3A_3217 : i32
        %add3A_3219 = arith.constant 128 : i32
        %add3A_3220 = arith.addi %mul3A_3218, %add3A_3219 : i32
        %dma_wait3A_3221 = arith.constant 1 : i32
        %dma_wait3A_3222 = arith.constant 0 : i32
        %dma_wait3A_3223 = arith.constant 0 : i32
        %dma_wait3A_3224 = tpu.memref_slice %arg6[%dma_wait3A_3221, %dma_wait3A_3222, %dma_wait3A_3223] : memref<2x32x128xf32, #tpu.memory_space<vmem>> -> memref<1x32x128xf32, #tpu.memory_space<vmem>>
        %dma_wait3A_3225 = tpu.memref_squeeze %dma_wait3A_3224 : memref<1x32x128xf32, #tpu.memory_space<vmem>> -> memref<32x128xf32, #tpu.memory_space<vmem>>
        %dma_wait3A_3226 = arith.constant 8 : i32
        %dma_wait3A_3227 = arith.constant 0 : i32
        %dma_wait3A_3228 = tpu.memref_slice %dma_wait3A_3225[%dma_wait3A_3226, %dma_wait3A_3227] : memref<32x128xf32, #tpu.memory_space<vmem>> -> memref<8x128xf32, #tpu.memory_space<vmem>>
        %dma_wait3A_3229 = tpu.memref_slice %arg4[%mul3A_2, %add3A_3220] : memref<256x8192xf32, #tpu.memory_space<hbm>> -> memref<8x128xf32, #tpu.memory_space<hbm>>
        %dma_wait3A_3230 = tpu.memref_slice %arg4[%mul3A_2, %add3A_3220] : memref<256x8192xf32, #tpu.memory_space<hbm>> -> memref<8x128xf32, #tpu.memory_space<hbm>>
        %dma_wait3A_3231 = arith.constant 0 : i32
        %dma_wait3A_3232 = arith.constant 0 : i32
        %dma_wait3A_3233 = tpu.memref_slice %arg6[%dma_wait3A_3221, %dma_wait3A_3231, %dma_wait3A_3232] : memref<2x32x128xf32, #tpu.memory_space<vmem>> -> memref<1x32x128xf32, #tpu.memory_space<vmem>>
        %dma_wait3A_3234 = tpu.memref_squeeze %dma_wait3A_3233 : memref<1x32x128xf32, #tpu.memory_space<vmem>> -> memref<32x128xf32, #tpu.memory_space<vmem>>
        %dma_wait3A_3235 = arith.constant 8 : i32
        %dma_wait3A_3236 = arith.constant 0 : i32
        %dma_wait3A_3237 = tpu.memref_slice %dma_wait3A_3234[%dma_wait3A_3235, %dma_wait3A_3236] : memref<32x128xf32, #tpu.memory_space<vmem>> -> memref<8x128xf32, #tpu.memory_space<vmem>>
        tpu.wait_dma2 semaphore(%arg9 : memref<!tpu.dma_semaphore, #tpu.memory_space<semaphore_mem>>) src(%dma_wait3A_3237 : memref<8x128xf32, #tpu.memory_space<vmem>>) dst(%dma_wait3A_3230 : memref<8x128xf32, #tpu.memory_space<hbm>>)
        %sub3A_3238 = arith.constant 2 : i32
        %sub3A_3239 = arith.subi %add3A_1712, %sub3A_3238 : i32
        %mul3A_3240 = arith.constant 4 : i32
        %mul3A_3241 = arith.muli %sub3A_3239, %mul3A_3240 : i32
        %mul3A_3242 = arith.constant 128 : i32
        %mul3A_3243 = arith.muli %mul3A_3241, %mul3A_3242 : i32
        %add3A_3244 = arith.constant 256 : i32
        %add3A_3245 = arith.addi %mul3A_3243, %add3A_3244 : i32
        %dma_wait3A_3246 = arith.constant 1 : i32
        %dma_wait3A_3247 = arith.constant 0 : i32
        %dma_wait3A_3248 = arith.constant 0 : i32
        %dma_wait3A_3249 = tpu.memref_slice %arg6[%dma_wait3A_3246, %dma_wait3A_3247, %dma_wait3A_3248] : memref<2x32x128xf32, #tpu.memory_space<vmem>> -> memref<1x32x128xf32, #tpu.memory_space<vmem>>
        %dma_wait3A_3250 = tpu.memref_squeeze %dma_wait3A_3249 : memref<1x32x128xf32, #tpu.memory_space<vmem>> -> memref<32x128xf32, #tpu.memory_space<vmem>>
        %dma_wait3A_3251 = arith.constant 16 : i32
        %dma_wait3A_3252 = arith.constant 0 : i32
        %dma_wait3A_3253 = tpu.memref_slice %dma_wait3A_3250[%dma_wait3A_3251, %dma_wait3A_3252] : memref<32x128xf32, #tpu.memory_space<vmem>> -> memref<8x128xf32, #tpu.memory_space<vmem>>
        %dma_wait3A_3254 = tpu.memref_slice %arg4[%mul3A_2, %add3A_3245] : memref<256x8192xf32, #tpu.memory_space<hbm>> -> memref<8x128xf32, #tpu.memory_space<hbm>>
        %dma_wait3A_3255 = tpu.memref_slice %arg4[%mul3A_2, %add3A_3245] : memref<256x8192xf32, #tpu.memory_space<hbm>> -> memref<8x128xf32, #tpu.memory_space<hbm>>
        %dma_wait3A_3256 = arith.constant 0 : i32
        %dma_wait3A_3257 = arith.constant 0 : i32
        %dma_wait3A_3258 = tpu.memref_slice %arg6[%dma_wait3A_3246, %dma_wait3A_3256, %dma_wait3A_3257] : memref<2x32x128xf32, #tpu.memory_space<vmem>> -> memref<1x32x128xf32, #tpu.memory_space<vmem>>
        %dma_wait3A_3259 = tpu.memref_squeeze %dma_wait3A_3258 : memref<1x32x128xf32, #tpu.memory_space<vmem>> -> memref<32x128xf32, #tpu.memory_space<vmem>>
        %dma_wait3A_3260 = arith.constant 16 : i32
        %dma_wait3A_3261 = arith.constant 0 : i32
        %dma_wait3A_3262 = tpu.memref_slice %dma_wait3A_3259[%dma_wait3A_3260, %dma_wait3A_3261] : memref<32x128xf32, #tpu.memory_space<vmem>> -> memref<8x128xf32, #tpu.memory_space<vmem>>
        tpu.wait_dma2 semaphore(%arg9 : memref<!tpu.dma_semaphore, #tpu.memory_space<semaphore_mem>>) src(%dma_wait3A_3262 : memref<8x128xf32, #tpu.memory_space<vmem>>) dst(%dma_wait3A_3255 : memref<8x128xf32, #tpu.memory_space<hbm>>)
        %sub3A_3263 = arith.constant 2 : i32
        %sub3A_3264 = arith.subi %add3A_1712, %sub3A_3263 : i32
        %mul3A_3265 = arith.constant 4 : i32
        %mul3A_3266 = arith.muli %sub3A_3264, %mul3A_3265 : i32
        %mul3A_3267 = arith.constant 128 : i32
        %mul3A_3268 = arith.muli %mul3A_3266, %mul3A_3267 : i32
        %add3A_3269 = arith.constant 384 : i32
        %add3A_3270 = arith.addi %mul3A_3268, %add3A_3269 : i32
        %dma_wait3A_3271 = arith.constant 1 : i32
        %dma_wait3A_3272 = arith.constant 0 : i32
        %dma_wait3A_3273 = arith.constant 0 : i32
        %dma_wait3A_3274 = tpu.memref_slice %arg6[%dma_wait3A_3271, %dma_wait3A_3272, %dma_wait3A_3273] : memref<2x32x128xf32, #tpu.memory_space<vmem>> -> memref<1x32x128xf32, #tpu.memory_space<vmem>>
        %dma_wait3A_3275 = tpu.memref_squeeze %dma_wait3A_3274 : memref<1x32x128xf32, #tpu.memory_space<vmem>> -> memref<32x128xf32, #tpu.memory_space<vmem>>
        %dma_wait3A_3276 = arith.constant 24 : i32
        %dma_wait3A_3277 = arith.constant 0 : i32
        %dma_wait3A_3278 = tpu.memref_slice %dma_wait3A_3275[%dma_wait3A_3276, %dma_wait3A_3277] : memref<32x128xf32, #tpu.memory_space<vmem>> -> memref<8x128xf32, #tpu.memory_space<vmem>>
        %dma_wait3A_3279 = tpu.memref_slice %arg4[%mul3A_2, %add3A_3270] : memref<256x8192xf32, #tpu.memory_space<hbm>> -> memref<8x128xf32, #tpu.memory_space<hbm>>
        %dma_wait3A_3280 = tpu.memref_slice %arg4[%mul3A_2, %add3A_3270] : memref<256x8192xf32, #tpu.memory_space<hbm>> -> memref<8x128xf32, #tpu.memory_space<hbm>>
        %dma_wait3A_3281 = arith.constant 0 : i32
        %dma_wait3A_3282 = arith.constant 0 : i32
        %dma_wait3A_3283 = tpu.memref_slice %arg6[%dma_wait3A_3271, %dma_wait3A_3281, %dma_wait3A_3282] : memref<2x32x128xf32, #tpu.memory_space<vmem>> -> memref<1x32x128xf32, #tpu.memory_space<vmem>>
        %dma_wait3A_3284 = tpu.memref_squeeze %dma_wait3A_3283 : memref<1x32x128xf32, #tpu.memory_space<vmem>> -> memref<32x128xf32, #tpu.memory_space<vmem>>
        %dma_wait3A_3285 = arith.constant 24 : i32
        %dma_wait3A_3286 = arith.constant 0 : i32
        %dma_wait3A_3287 = tpu.memref_slice %dma_wait3A_3284[%dma_wait3A_3285, %dma_wait3A_3286] : memref<32x128xf32, #tpu.memory_space<vmem>> -> memref<8x128xf32, #tpu.memory_space<vmem>>
        tpu.wait_dma2 semaphore(%arg9 : memref<!tpu.dma_semaphore, #tpu.memory_space<semaphore_mem>>) src(%dma_wait3A_3287 : memref<8x128xf32, #tpu.memory_space<vmem>>) dst(%dma_wait3A_3280 : memref<8x128xf32, #tpu.memory_space<hbm>>)
      } else {
      }
      %dma_start3A_1810 = arith.constant 1 : i32
      %dma_start3A_1811 = arith.constant 0 : i32
      %dma_start3A_1812 = arith.constant 1 : i32
      %dma_start3A_1813 = arith.constant 0 : i32
      %dma_start3A_1814 = arith.constant 0 : i32
      %dma_start3A_1815 = arith.constant 0 : i32
      %dma_start3A_1816 = tpu.memref_slice %arg6[%dma_start3A_1812, %dma_start3A_1814, %dma_start3A_1815] : memref<2x32x128xf32, #tpu.memory_space<vmem>> -> memref<1x32x128xf32, #tpu.memory_space<vmem>>
      %dma_start3A_1817 = tpu.memref_squeeze %dma_start3A_1816 : memref<1x32x128xf32, #tpu.memory_space<vmem>> -> memref<32x128xf32, #tpu.memory_space<vmem>>
      %dma_start3A_1818 = arith.constant 0 : i32
      %dma_start3A_1819 = tpu.memref_slice %dma_start3A_1817[%dma_start3A_1813, %dma_start3A_1818] : memref<32x128xf32, #tpu.memory_space<vmem>> -> memref<1x128xf32, #tpu.memory_space<vmem>>
      %dma_start3A_1820 = tpu.memref_squeeze %dma_start3A_1819 : memref<1x128xf32, #tpu.memory_space<vmem>> -> memref<128xf32, #tpu.memory_space<vmem>>
      %dma_start3A_1821 = arith.constant 0 : i32
      %dma_start3A_1822 = arith.constant 0 : i32
      %dma_start3A_1823 = tpu.memref_slice %arg5[%dma_start3A_1810, %dma_start3A_1821, %dma_start3A_1822] : memref<2x32x128xi32, #tpu.memory_space<vmem>> -> memref<1x32x128xi32, #tpu.memory_space<vmem>>
      %dma_start3A_1824 = tpu.memref_squeeze %dma_start3A_1823 : memref<1x32x128xi32, #tpu.memory_space<vmem>> -> memref<32x128xi32, #tpu.memory_space<vmem>>
      %dma_start3A_1825 = arith.constant 0 : i32
      %dma_start3A_1826 = tpu.memref_slice %dma_start3A_1824[%dma_start3A_1811, %dma_start3A_1825] : memref<32x128xi32, #tpu.memory_space<vmem>> -> memref<1x128xi32, #tpu.memory_space<vmem>>
      %dma_start3A_1827 = tpu.memref_squeeze %dma_start3A_1826 : memref<1x128xi32, #tpu.memory_space<vmem>> -> memref<128xi32, #tpu.memory_space<vmem>>
      %dma_start3A_1828 = arith.constant 0 : i32
      %dma_start3A_1829 = tpu.memref_slice %arg2[%dma_start3A_1828] : memref<33554432xf32, #tpu.memory_space<hbm>> -> memref<33554432xf32, #tpu.memory_space<hbm>>
      tpu.enqueue_indirect_dma source(%dma_start3A_1829 : memref<33554432xf32, #tpu.memory_space<hbm>>) target(%dma_start3A_1820 : memref<128xf32, #tpu.memory_space<vmem>>) offsets(%dma_start3A_1827 : memref<128xi32, #tpu.memory_space<vmem>>) semaphore(%arg8 : memref<!tpu.dma_semaphore, #tpu.memory_space<semaphore_mem>>)
      %dma_start3A_1830 = arith.constant 1 : i32
      %dma_start3A_1831 = arith.constant 1 : i32
      %dma_start3A_1832 = arith.constant 1 : i32
      %dma_start3A_1833 = arith.constant 1 : i32
      %dma_start3A_1834 = arith.constant 0 : i32
      %dma_start3A_1835 = arith.constant 0 : i32
      %dma_start3A_1836 = tpu.memref_slice %arg6[%dma_start3A_1832, %dma_start3A_1834, %dma_start3A_1835] : memref<2x32x128xf32, #tpu.memory_space<vmem>> -> memref<1x32x128xf32, #tpu.memory_space<vmem>>
      %dma_start3A_1837 = tpu.memref_squeeze %dma_start3A_1836 : memref<1x32x128xf32, #tpu.memory_space<vmem>> -> memref<32x128xf32, #tpu.memory_space<vmem>>
      %dma_start3A_1838 = arith.constant 0 : i32
      %dma_start3A_1839 = tpu.memref_slice %dma_start3A_1837[%dma_start3A_1833, %dma_start3A_1838] : memref<32x128xf32, #tpu.memory_space<vmem>> -> memref<1x128xf32, #tpu.memory_space<vmem>>
      %dma_start3A_1840 = tpu.memref_squeeze %dma_start3A_1839 : memref<1x128xf32, #tpu.memory_space<vmem>> -> memref<128xf32, #tpu.memory_space<vmem>>
      %dma_start3A_1841 = arith.constant 0 : i32
      %dma_start3A_1842 = arith.constant 0 : i32
      %dma_start3A_1843 = tpu.memref_slice %arg5[%dma_start3A_1830, %dma_start3A_1841, %dma_start3A_1842] : memref<2x32x128xi32, #tpu.memory_space<vmem>> -> memref<1x32x128xi32, #tpu.memory_space<vmem>>
      %dma_start3A_1844 = tpu.memref_squeeze %dma_start3A_1843 : memref<1x32x128xi32, #tpu.memory_space<vmem>> -> memref<32x128xi32, #tpu.memory_space<vmem>>
      %dma_start3A_1845 = arith.constant 0 : i32
      %dma_start3A_1846 = tpu.memref_slice %dma_start3A_1844[%dma_start3A_1831, %dma_start3A_1845] : memref<32x128xi32, #tpu.memory_space<vmem>> -> memref<1x128xi32, #tpu.memory_space<vmem>>
      %dma_start3A_1847 = tpu.memref_squeeze %dma_start3A_1846 : memref<1x128xi32, #tpu.memory_space<vmem>> -> memref<128xi32, #tpu.memory_space<vmem>>
      %dma_start3A_1848 = arith.constant 0 : i32
      %dma_start3A_1849 = tpu.memref_slice %arg2[%dma_start3A_1848] : memref<33554432xf32, #tpu.memory_space<hbm>> -> memref<33554432xf32, #tpu.memory_space<hbm>>
      tpu.enqueue_indirect_dma source(%dma_start3A_1849 : memref<33554432xf32, #tpu.memory_space<hbm>>) target(%dma_start3A_1840 : memref<128xf32, #tpu.memory_space<vmem>>) offsets(%dma_start3A_1847 : memref<128xi32, #tpu.memory_space<vmem>>) semaphore(%arg8 : memref<!tpu.dma_semaphore, #tpu.memory_space<semaphore_mem>>)
      %dma_start3A_1850 = arith.constant 1 : i32
      %dma_start3A_1851 = arith.constant 2 : i32
      %dma_start3A_1852 = arith.constant 1 : i32
      %dma_start3A_1853 = arith.constant 2 : i32
      %dma_start3A_1854 = arith.constant 0 : i32
      %dma_start3A_1855 = arith.constant 0 : i32
      %dma_start3A_1856 = tpu.memref_slice %arg6[%dma_start3A_1852, %dma_start3A_1854, %dma_start3A_1855] : memref<2x32x128xf32, #tpu.memory_space<vmem>> -> memref<1x32x128xf32, #tpu.memory_space<vmem>>
      %dma_start3A_1857 = tpu.memref_squeeze %dma_start3A_1856 : memref<1x32x128xf32, #tpu.memory_space<vmem>> -> memref<32x128xf32, #tpu.memory_space<vmem>>
      %dma_start3A_1858 = arith.constant 0 : i32
      %dma_start3A_1859 = tpu.memref_slice %dma_start3A_1857[%dma_start3A_1853, %dma_start3A_1858] : memref<32x128xf32, #tpu.memory_space<vmem>> -> memref<1x128xf32, #tpu.memory_space<vmem>>
      %dma_start3A_1860 = tpu.memref_squeeze %dma_start3A_1859 : memref<1x128xf32, #tpu.memory_space<vmem>> -> memref<128xf32, #tpu.memory_space<vmem>>
      %dma_start3A_1861 = arith.constant 0 : i32
      %dma_start3A_1862 = arith.constant 0 : i32
      %dma_start3A_1863 = tpu.memref_slice %arg5[%dma_start3A_1850, %dma_start3A_1861, %dma_start3A_1862] : memref<2x32x128xi32, #tpu.memory_space<vmem>> -> memref<1x32x128xi32, #tpu.memory_space<vmem>>
      %dma_start3A_1864 = tpu.memref_squeeze %dma_start3A_1863 : memref<1x32x128xi32, #tpu.memory_space<vmem>> -> memref<32x128xi32, #tpu.memory_space<vmem>>
      %dma_start3A_1865 = arith.constant 0 : i32
      %dma_start3A_1866 = tpu.memref_slice %dma_start3A_1864[%dma_start3A_1851, %dma_start3A_1865] : memref<32x128xi32, #tpu.memory_space<vmem>> -> memref<1x128xi32, #tpu.memory_space<vmem>>
      %dma_start3A_1867 = tpu.memref_squeeze %dma_start3A_1866 : memref<1x128xi32, #tpu.memory_space<vmem>> -> memref<128xi32, #tpu.memory_space<vmem>>
      %dma_start3A_1868 = arith.constant 0 : i32
      %dma_start3A_1869 = tpu.memref_slice %arg2[%dma_start3A_1868] : memref<33554432xf32, #tpu.memory_space<hbm>> -> memref<33554432xf32, #tpu.memory_space<hbm>>
      tpu.enqueue_indirect_dma source(%dma_start3A_1869 : memref<33554432xf32, #tpu.memory_space<hbm>>) target(%dma_start3A_1860 : memref<128xf32, #tpu.memory_space<vmem>>) offsets(%dma_start3A_1867 : memref<128xi32, #tpu.memory_space<vmem>>) semaphore(%arg8 : memref<!tpu.dma_semaphore, #tpu.memory_space<semaphore_mem>>)
      %dma_start3A_1870 = arith.constant 1 : i32
      %dma_start3A_1871 = arith.constant 3 : i32
      %dma_start3A_1872 = arith.constant 1 : i32
      %dma_start3A_1873 = arith.constant 3 : i32
      %dma_start3A_1874 = arith.constant 0 : i32
      %dma_start3A_1875 = arith.constant 0 : i32
      %dma_start3A_1876 = tpu.memref_slice %arg6[%dma_start3A_1872, %dma_start3A_1874, %dma_start3A_1875] : memref<2x32x128xf32, #tpu.memory_space<vmem>> -> memref<1x32x128xf32, #tpu.memory_space<vmem>>
      %dma_start3A_1877 = tpu.memref_squeeze %dma_start3A_1876 : memref<1x32x128xf32, #tpu.memory_space<vmem>> -> memref<32x128xf32, #tpu.memory_space<vmem>>
      %dma_start3A_1878 = arith.constant 0 : i32
      %dma_start3A_1879 = tpu.memref_slice %dma_start3A_1877[%dma_start3A_1873, %dma_start3A_1878] : memref<32x128xf32, #tpu.memory_space<vmem>> -> memref<1x128xf32, #tpu.memory_space<vmem>>
      %dma_start3A_1880 = tpu.memref_squeeze %dma_start3A_1879 : memref<1x128xf32, #tpu.memory_space<vmem>> -> memref<128xf32, #tpu.memory_space<vmem>>
      %dma_start3A_1881 = arith.constant 0 : i32
      %dma_start3A_1882 = arith.constant 0 : i32
      %dma_start3A_1883 = tpu.memref_slice %arg5[%dma_start3A_1870, %dma_start3A_1881, %dma_start3A_1882] : memref<2x32x128xi32, #tpu.memory_space<vmem>> -> memref<1x32x128xi32, #tpu.memory_space<vmem>>
      %dma_start3A_1884 = tpu.memref_squeeze %dma_start3A_1883 : memref<1x32x128xi32, #tpu.memory_space<vmem>> -> memref<32x128xi32, #tpu.memory_space<vmem>>
      %dma_start3A_1885 = arith.constant 0 : i32
      %dma_start3A_1886 = tpu.memref_slice %dma_start3A_1884[%dma_start3A_1871, %dma_start3A_1885] : memref<32x128xi32, #tpu.memory_space<vmem>> -> memref<1x128xi32, #tpu.memory_space<vmem>>
      %dma_start3A_1887 = tpu.memref_squeeze %dma_start3A_1886 : memref<1x128xi32, #tpu.memory_space<vmem>> -> memref<128xi32, #tpu.memory_space<vmem>>
      %dma_start3A_1888 = arith.constant 0 : i32
      %dma_start3A_1889 = tpu.memref_slice %arg2[%dma_start3A_1888] : memref<33554432xf32, #tpu.memory_space<hbm>> -> memref<33554432xf32, #tpu.memory_space<hbm>>
      tpu.enqueue_indirect_dma source(%dma_start3A_1889 : memref<33554432xf32, #tpu.memory_space<hbm>>) target(%dma_start3A_1880 : memref<128xf32, #tpu.memory_space<vmem>>) offsets(%dma_start3A_1887 : memref<128xi32, #tpu.memory_space<vmem>>) semaphore(%arg8 : memref<!tpu.dma_semaphore, #tpu.memory_space<semaphore_mem>>)
      %dma_start3A_1890 = arith.constant 1 : i32
      %dma_start3A_1891 = arith.constant 4 : i32
      %dma_start3A_1892 = arith.constant 1 : i32
      %dma_start3A_1893 = arith.constant 4 : i32
      %dma_start3A_1894 = arith.constant 0 : i32
      %dma_start3A_1895 = arith.constant 0 : i32
      %dma_start3A_1896 = tpu.memref_slice %arg6[%dma_start3A_1892, %dma_start3A_1894, %dma_start3A_1895] : memref<2x32x128xf32, #tpu.memory_space<vmem>> -> memref<1x32x128xf32, #tpu.memory_space<vmem>>
      %dma_start3A_1897 = tpu.memref_squeeze %dma_start3A_1896 : memref<1x32x128xf32, #tpu.memory_space<vmem>> -> memref<32x128xf32, #tpu.memory_space<vmem>>
      %dma_start3A_1898 = arith.constant 0 : i32
      %dma_start3A_1899 = tpu.memref_slice %dma_start3A_1897[%dma_start3A_1893, %dma_start3A_1898] : memref<32x128xf32, #tpu.memory_space<vmem>> -> memref<1x128xf32, #tpu.memory_space<vmem>>
      %dma_start3A_1900 = tpu.memref_squeeze %dma_start3A_1899 : memref<1x128xf32, #tpu.memory_space<vmem>> -> memref<128xf32, #tpu.memory_space<vmem>>
      %dma_start3A_1901 = arith.constant 0 : i32
      %dma_start3A_1902 = arith.constant 0 : i32
      %dma_start3A_1903 = tpu.memref_slice %arg5[%dma_start3A_1890, %dma_start3A_1901, %dma_start3A_1902] : memref<2x32x128xi32, #tpu.memory_space<vmem>> -> memref<1x32x128xi32, #tpu.memory_space<vmem>>
      %dma_start3A_1904 = tpu.memref_squeeze %dma_start3A_1903 : memref<1x32x128xi32, #tpu.memory_space<vmem>> -> memref<32x128xi32, #tpu.memory_space<vmem>>
      %dma_start3A_1905 = arith.constant 0 : i32
      %dma_start3A_1906 = tpu.memref_slice %dma_start3A_1904[%dma_start3A_1891, %dma_start3A_1905] : memref<32x128xi32, #tpu.memory_space<vmem>> -> memref<1x128xi32, #tpu.memory_space<vmem>>
      %dma_start3A_1907 = tpu.memref_squeeze %dma_start3A_1906 : memref<1x128xi32, #tpu.memory_space<vmem>> -> memref<128xi32, #tpu.memory_space<vmem>>
      %dma_start3A_1908 = arith.constant 0 : i32
      %dma_start3A_1909 = tpu.memref_slice %arg2[%dma_start3A_1908] : memref<33554432xf32, #tpu.memory_space<hbm>> -> memref<33554432xf32, #tpu.memory_space<hbm>>
      tpu.enqueue_indirect_dma source(%dma_start3A_1909 : memref<33554432xf32, #tpu.memory_space<hbm>>) target(%dma_start3A_1900 : memref<128xf32, #tpu.memory_space<vmem>>) offsets(%dma_start3A_1907 : memref<128xi32, #tpu.memory_space<vmem>>) semaphore(%arg8 : memref<!tpu.dma_semaphore, #tpu.memory_space<semaphore_mem>>)
      %dma_start3A_1910 = arith.constant 1 : i32
      %dma_start3A_1911 = arith.constant 5 : i32
      %dma_start3A_1912 = arith.constant 1 : i32
      %dma_start3A_1913 = arith.constant 5 : i32
      %dma_start3A_1914 = arith.constant 0 : i32
      %dma_start3A_1915 = arith.constant 0 : i32
      %dma_start3A_1916 = tpu.memref_slice %arg6[%dma_start3A_1912, %dma_start3A_1914, %dma_start3A_1915] : memref<2x32x128xf32, #tpu.memory_space<vmem>> -> memref<1x32x128xf32, #tpu.memory_space<vmem>>
      %dma_start3A_1917 = tpu.memref_squeeze %dma_start3A_1916 : memref<1x32x128xf32, #tpu.memory_space<vmem>> -> memref<32x128xf32, #tpu.memory_space<vmem>>
      %dma_start3A_1918 = arith.constant 0 : i32
      %dma_start3A_1919 = tpu.memref_slice %dma_start3A_1917[%dma_start3A_1913, %dma_start3A_1918] : memref<32x128xf32, #tpu.memory_space<vmem>> -> memref<1x128xf32, #tpu.memory_space<vmem>>
      %dma_start3A_1920 = tpu.memref_squeeze %dma_start3A_1919 : memref<1x128xf32, #tpu.memory_space<vmem>> -> memref<128xf32, #tpu.memory_space<vmem>>
      %dma_start3A_1921 = arith.constant 0 : i32
      %dma_start3A_1922 = arith.constant 0 : i32
      %dma_start3A_1923 = tpu.memref_slice %arg5[%dma_start3A_1910, %dma_start3A_1921, %dma_start3A_1922] : memref<2x32x128xi32, #tpu.memory_space<vmem>> -> memref<1x32x128xi32, #tpu.memory_space<vmem>>
      %dma_start3A_1924 = tpu.memref_squeeze %dma_start3A_1923 : memref<1x32x128xi32, #tpu.memory_space<vmem>> -> memref<32x128xi32, #tpu.memory_space<vmem>>
      %dma_start3A_1925 = arith.constant 0 : i32
      %dma_start3A_1926 = tpu.memref_slice %dma_start3A_1924[%dma_start3A_1911, %dma_start3A_1925] : memref<32x128xi32, #tpu.memory_space<vmem>> -> memref<1x128xi32, #tpu.memory_space<vmem>>
      %dma_start3A_1927 = tpu.memref_squeeze %dma_start3A_1926 : memref<1x128xi32, #tpu.memory_space<vmem>> -> memref<128xi32, #tpu.memory_space<vmem>>
      %dma_start3A_1928 = arith.constant 0 : i32
      %dma_start3A_1929 = tpu.memref_slice %arg2[%dma_start3A_1928] : memref<33554432xf32, #tpu.memory_space<hbm>> -> memref<33554432xf32, #tpu.memory_space<hbm>>
      tpu.enqueue_indirect_dma source(%dma_start3A_1929 : memref<33554432xf32, #tpu.memory_space<hbm>>) target(%dma_start3A_1920 : memref<128xf32, #tpu.memory_space<vmem>>) offsets(%dma_start3A_1927 : memref<128xi32, #tpu.memory_space<vmem>>) semaphore(%arg8 : memref<!tpu.dma_semaphore, #tpu.memory_space<semaphore_mem>>)
      %dma_start3A_1930 = arith.constant 1 : i32
      %dma_start3A_1931 = arith.constant 6 : i32
      %dma_start3A_1932 = arith.constant 1 : i32
      %dma_start3A_1933 = arith.constant 6 : i32
      %dma_start3A_1934 = arith.constant 0 : i32
      %dma_start3A_1935 = arith.constant 0 : i32
      %dma_start3A_1936 = tpu.memref_slice %arg6[%dma_start3A_1932, %dma_start3A_1934, %dma_start3A_1935] : memref<2x32x128xf32, #tpu.memory_space<vmem>> -> memref<1x32x128xf32, #tpu.memory_space<vmem>>
      %dma_start3A_1937 = tpu.memref_squeeze %dma_start3A_1936 : memref<1x32x128xf32, #tpu.memory_space<vmem>> -> memref<32x128xf32, #tpu.memory_space<vmem>>
      %dma_start3A_1938 = arith.constant 0 : i32
      %dma_start3A_1939 = tpu.memref_slice %dma_start3A_1937[%dma_start3A_1933, %dma_start3A_1938] : memref<32x128xf32, #tpu.memory_space<vmem>> -> memref<1x128xf32, #tpu.memory_space<vmem>>
      %dma_start3A_1940 = tpu.memref_squeeze %dma_start3A_1939 : memref<1x128xf32, #tpu.memory_space<vmem>> -> memref<128xf32, #tpu.memory_space<vmem>>
      %dma_start3A_1941 = arith.constant 0 : i32
      %dma_start3A_1942 = arith.constant 0 : i32
      %dma_start3A_1943 = tpu.memref_slice %arg5[%dma_start3A_1930, %dma_start3A_1941, %dma_start3A_1942] : memref<2x32x128xi32, #tpu.memory_space<vmem>> -> memref<1x32x128xi32, #tpu.memory_space<vmem>>
      %dma_start3A_1944 = tpu.memref_squeeze %dma_start3A_1943 : memref<1x32x128xi32, #tpu.memory_space<vmem>> -> memref<32x128xi32, #tpu.memory_space<vmem>>
      %dma_start3A_1945 = arith.constant 0 : i32
      %dma_start3A_1946 = tpu.memref_slice %dma_start3A_1944[%dma_start3A_1931, %dma_start3A_1945] : memref<32x128xi32, #tpu.memory_space<vmem>> -> memref<1x128xi32, #tpu.memory_space<vmem>>
      %dma_start3A_1947 = tpu.memref_squeeze %dma_start3A_1946 : memref<1x128xi32, #tpu.memory_space<vmem>> -> memref<128xi32, #tpu.memory_space<vmem>>
      %dma_start3A_1948 = arith.constant 0 : i32
      %dma_start3A_1949 = tpu.memref_slice %arg2[%dma_start3A_1948] : memref<33554432xf32, #tpu.memory_space<hbm>> -> memref<33554432xf32, #tpu.memory_space<hbm>>
      tpu.enqueue_indirect_dma source(%dma_start3A_1949 : memref<33554432xf32, #tpu.memory_space<hbm>>) target(%dma_start3A_1940 : memref<128xf32, #tpu.memory_space<vmem>>) offsets(%dma_start3A_1947 : memref<128xi32, #tpu.memory_space<vmem>>) semaphore(%arg8 : memref<!tpu.dma_semaphore, #tpu.memory_space<semaphore_mem>>)
      %dma_start3A_1950 = arith.constant 1 : i32
      %dma_start3A_1951 = arith.constant 7 : i32
      %dma_start3A_1952 = arith.constant 1 : i32
      %dma_start3A_1953 = arith.constant 7 : i32
      %dma_start3A_1954 = arith.constant 0 : i32
      %dma_start3A_1955 = arith.constant 0 : i32
      %dma_start3A_1956 = tpu.memref_slice %arg6[%dma_start3A_1952, %dma_start3A_1954, %dma_start3A_1955] : memref<2x32x128xf32, #tpu.memory_space<vmem>> -> memref<1x32x128xf32, #tpu.memory_space<vmem>>
      %dma_start3A_1957 = tpu.memref_squeeze %dma_start3A_1956 : memref<1x32x128xf32, #tpu.memory_space<vmem>> -> memref<32x128xf32, #tpu.memory_space<vmem>>
      %dma_start3A_1958 = arith.constant 0 : i32
      %dma_start3A_1959 = tpu.memref_slice %dma_start3A_1957[%dma_start3A_1953, %dma_start3A_1958] : memref<32x128xf32, #tpu.memory_space<vmem>> -> memref<1x128xf32, #tpu.memory_space<vmem>>
      %dma_start3A_1960 = tpu.memref_squeeze %dma_start3A_1959 : memref<1x128xf32, #tpu.memory_space<vmem>> -> memref<128xf32, #tpu.memory_space<vmem>>
      %dma_start3A_1961 = arith.constant 0 : i32
      %dma_start3A_1962 = arith.constant 0 : i32
      %dma_start3A_1963 = tpu.memref_slice %arg5[%dma_start3A_1950, %dma_start3A_1961, %dma_start3A_1962] : memref<2x32x128xi32, #tpu.memory_space<vmem>> -> memref<1x32x128xi32, #tpu.memory_space<vmem>>
      %dma_start3A_1964 = tpu.memref_squeeze %dma_start3A_1963 : memref<1x32x128xi32, #tpu.memory_space<vmem>> -> memref<32x128xi32, #tpu.memory_space<vmem>>
      %dma_start3A_1965 = arith.constant 0 : i32
      %dma_start3A_1966 = tpu.memref_slice %dma_start3A_1964[%dma_start3A_1951, %dma_start3A_1965] : memref<32x128xi32, #tpu.memory_space<vmem>> -> memref<1x128xi32, #tpu.memory_space<vmem>>
      %dma_start3A_1967 = tpu.memref_squeeze %dma_start3A_1966 : memref<1x128xi32, #tpu.memory_space<vmem>> -> memref<128xi32, #tpu.memory_space<vmem>>
      %dma_start3A_1968 = arith.constant 0 : i32
      %dma_start3A_1969 = tpu.memref_slice %arg2[%dma_start3A_1968] : memref<33554432xf32, #tpu.memory_space<hbm>> -> memref<33554432xf32, #tpu.memory_space<hbm>>
      tpu.enqueue_indirect_dma source(%dma_start3A_1969 : memref<33554432xf32, #tpu.memory_space<hbm>>) target(%dma_start3A_1960 : memref<128xf32, #tpu.memory_space<vmem>>) offsets(%dma_start3A_1967 : memref<128xi32, #tpu.memory_space<vmem>>) semaphore(%arg8 : memref<!tpu.dma_semaphore, #tpu.memory_space<semaphore_mem>>)
      %dma_start3A_1970 = arith.constant 1 : i32
      %dma_start3A_1971 = arith.constant 8 : i32
      %dma_start3A_1972 = arith.constant 1 : i32
      %dma_start3A_1973 = arith.constant 8 : i32
      %dma_start3A_1974 = arith.constant 0 : i32
      %dma_start3A_1975 = arith.constant 0 : i32
      %dma_start3A_1976 = tpu.memref_slice %arg6[%dma_start3A_1972, %dma_start3A_1974, %dma_start3A_1975] : memref<2x32x128xf32, #tpu.memory_space<vmem>> -> memref<1x32x128xf32, #tpu.memory_space<vmem>>
      %dma_start3A_1977 = tpu.memref_squeeze %dma_start3A_1976 : memref<1x32x128xf32, #tpu.memory_space<vmem>> -> memref<32x128xf32, #tpu.memory_space<vmem>>
      %dma_start3A_1978 = arith.constant 0 : i32
      %dma_start3A_1979 = tpu.memref_slice %dma_start3A_1977[%dma_start3A_1973, %dma_start3A_1978] : memref<32x128xf32, #tpu.memory_space<vmem>> -> memref<1x128xf32, #tpu.memory_space<vmem>>
      %dma_start3A_1980 = tpu.memref_squeeze %dma_start3A_1979 : memref<1x128xf32, #tpu.memory_space<vmem>> -> memref<128xf32, #tpu.memory_space<vmem>>
      %dma_start3A_1981 = arith.constant 0 : i32
      %dma_start3A_1982 = arith.constant 0 : i32
      %dma_start3A_1983 = tpu.memref_slice %arg5[%dma_start3A_1970, %dma_start3A_1981, %dma_start3A_1982] : memref<2x32x128xi32, #tpu.memory_space<vmem>> -> memref<1x32x128xi32, #tpu.memory_space<vmem>>
      %dma_start3A_1984 = tpu.memref_squeeze %dma_start3A_1983 : memref<1x32x128xi32, #tpu.memory_space<vmem>> -> memref<32x128xi32, #tpu.memory_space<vmem>>
      %dma_start3A_1985 = arith.constant 0 : i32
      %dma_start3A_1986 = tpu.memref_slice %dma_start3A_1984[%dma_start3A_1971, %dma_start3A_1985] : memref<32x128xi32, #tpu.memory_space<vmem>> -> memref<1x128xi32, #tpu.memory_space<vmem>>
      %dma_start3A_1987 = tpu.memref_squeeze %dma_start3A_1986 : memref<1x128xi32, #tpu.memory_space<vmem>> -> memref<128xi32, #tpu.memory_space<vmem>>
      %dma_start3A_1988 = arith.constant 0 : i32
      %dma_start3A_1989 = tpu.memref_slice %arg2[%dma_start3A_1988] : memref<33554432xf32, #tpu.memory_space<hbm>> -> memref<33554432xf32, #tpu.memory_space<hbm>>
      tpu.enqueue_indirect_dma source(%dma_start3A_1989 : memref<33554432xf32, #tpu.memory_space<hbm>>) target(%dma_start3A_1980 : memref<128xf32, #tpu.memory_space<vmem>>) offsets(%dma_start3A_1987 : memref<128xi32, #tpu.memory_space<vmem>>) semaphore(%arg8 : memref<!tpu.dma_semaphore, #tpu.memory_space<semaphore_mem>>)
      %dma_start3A_1990 = arith.constant 1 : i32
      %dma_start3A_1991 = arith.constant 9 : i32
      %dma_start3A_1992 = arith.constant 1 : i32
      %dma_start3A_1993 = arith.constant 9 : i32
      %dma_start3A_1994 = arith.constant 0 : i32
      %dma_start3A_1995 = arith.constant 0 : i32
      %dma_start3A_1996 = tpu.memref_slice %arg6[%dma_start3A_1992, %dma_start3A_1994, %dma_start3A_1995] : memref<2x32x128xf32, #tpu.memory_space<vmem>> -> memref<1x32x128xf32, #tpu.memory_space<vmem>>
      %dma_start3A_1997 = tpu.memref_squeeze %dma_start3A_1996 : memref<1x32x128xf32, #tpu.memory_space<vmem>> -> memref<32x128xf32, #tpu.memory_space<vmem>>
      %dma_start3A_1998 = arith.constant 0 : i32
      %dma_start3A_1999 = tpu.memref_slice %dma_start3A_1997[%dma_start3A_1993, %dma_start3A_1998] : memref<32x128xf32, #tpu.memory_space<vmem>> -> memref<1x128xf32, #tpu.memory_space<vmem>>
      %dma_start3A_2000 = tpu.memref_squeeze %dma_start3A_1999 : memref<1x128xf32, #tpu.memory_space<vmem>> -> memref<128xf32, #tpu.memory_space<vmem>>
      %dma_start3A_2001 = arith.constant 0 : i32
      %dma_start3A_2002 = arith.constant 0 : i32
      %dma_start3A_2003 = tpu.memref_slice %arg5[%dma_start3A_1990, %dma_start3A_2001, %dma_start3A_2002] : memref<2x32x128xi32, #tpu.memory_space<vmem>> -> memref<1x32x128xi32, #tpu.memory_space<vmem>>
      %dma_start3A_2004 = tpu.memref_squeeze %dma_start3A_2003 : memref<1x32x128xi32, #tpu.memory_space<vmem>> -> memref<32x128xi32, #tpu.memory_space<vmem>>
      %dma_start3A_2005 = arith.constant 0 : i32
      %dma_start3A_2006 = tpu.memref_slice %dma_start3A_2004[%dma_start3A_1991, %dma_start3A_2005] : memref<32x128xi32, #tpu.memory_space<vmem>> -> memref<1x128xi32, #tpu.memory_space<vmem>>
      %dma_start3A_2007 = tpu.memref_squeeze %dma_start3A_2006 : memref<1x128xi32, #tpu.memory_space<vmem>> -> memref<128xi32, #tpu.memory_space<vmem>>
      %dma_start3A_2008 = arith.constant 0 : i32
      %dma_start3A_2009 = tpu.memref_slice %arg2[%dma_start3A_2008] : memref<33554432xf32, #tpu.memory_space<hbm>> -> memref<33554432xf32, #tpu.memory_space<hbm>>
      tpu.enqueue_indirect_dma source(%dma_start3A_2009 : memref<33554432xf32, #tpu.memory_space<hbm>>) target(%dma_start3A_2000 : memref<128xf32, #tpu.memory_space<vmem>>) offsets(%dma_start3A_2007 : memref<128xi32, #tpu.memory_space<vmem>>) semaphore(%arg8 : memref<!tpu.dma_semaphore, #tpu.memory_space<semaphore_mem>>)
      %dma_start3A_2010 = arith.constant 1 : i32
      %dma_start3A_2011 = arith.constant 10 : i32
      %dma_start3A_2012 = arith.constant 1 : i32
      %dma_start3A_2013 = arith.constant 10 : i32
      %dma_start3A_2014 = arith.constant 0 : i32
      %dma_start3A_2015 = arith.constant 0 : i32
      %dma_start3A_2016 = tpu.memref_slice %arg6[%dma_start3A_2012, %dma_start3A_2014, %dma_start3A_2015] : memref<2x32x128xf32, #tpu.memory_space<vmem>> -> memref<1x32x128xf32, #tpu.memory_space<vmem>>
      %dma_start3A_2017 = tpu.memref_squeeze %dma_start3A_2016 : memref<1x32x128xf32, #tpu.memory_space<vmem>> -> memref<32x128xf32, #tpu.memory_space<vmem>>
      %dma_start3A_2018 = arith.constant 0 : i32
      %dma_start3A_2019 = tpu.memref_slice %dma_start3A_2017[%dma_start3A_2013, %dma_start3A_2018] : memref<32x128xf32, #tpu.memory_space<vmem>> -> memref<1x128xf32, #tpu.memory_space<vmem>>
      %dma_start3A_2020 = tpu.memref_squeeze %dma_start3A_2019 : memref<1x128xf32, #tpu.memory_space<vmem>> -> memref<128xf32, #tpu.memory_space<vmem>>
      %dma_start3A_2021 = arith.constant 0 : i32
      %dma_start3A_2022 = arith.constant 0 : i32
      %dma_start3A_2023 = tpu.memref_slice %arg5[%dma_start3A_2010, %dma_start3A_2021, %dma_start3A_2022] : memref<2x32x128xi32, #tpu.memory_space<vmem>> -> memref<1x32x128xi32, #tpu.memory_space<vmem>>
      %dma_start3A_2024 = tpu.memref_squeeze %dma_start3A_2023 : memref<1x32x128xi32, #tpu.memory_space<vmem>> -> memref<32x128xi32, #tpu.memory_space<vmem>>
      %dma_start3A_2025 = arith.constant 0 : i32
      %dma_start3A_2026 = tpu.memref_slice %dma_start3A_2024[%dma_start3A_2011, %dma_start3A_2025] : memref<32x128xi32, #tpu.memory_space<vmem>> -> memref<1x128xi32, #tpu.memory_space<vmem>>
      %dma_start3A_2027 = tpu.memref_squeeze %dma_start3A_2026 : memref<1x128xi32, #tpu.memory_space<vmem>> -> memref<128xi32, #tpu.memory_space<vmem>>
      %dma_start3A_2028 = arith.constant 0 : i32
      %dma_start3A_2029 = tpu.memref_slice %arg2[%dma_start3A_2028] : memref<33554432xf32, #tpu.memory_space<hbm>> -> memref<33554432xf32, #tpu.memory_space<hbm>>
      tpu.enqueue_indirect_dma source(%dma_start3A_2029 : memref<33554432xf32, #tpu.memory_space<hbm>>) target(%dma_start3A_2020 : memref<128xf32, #tpu.memory_space<vmem>>) offsets(%dma_start3A_2027 : memref<128xi32, #tpu.memory_space<vmem>>) semaphore(%arg8 : memref<!tpu.dma_semaphore, #tpu.memory_space<semaphore_mem>>)
      %dma_start3A_2030 = arith.constant 1 : i32
      %dma_start3A_2031 = arith.constant 11 : i32
      %dma_start3A_2032 = arith.constant 1 : i32
      %dma_start3A_2033 = arith.constant 11 : i32
      %dma_start3A_2034 = arith.constant 0 : i32
      %dma_start3A_2035 = arith.constant 0 : i32
      %dma_start3A_2036 = tpu.memref_slice %arg6[%dma_start3A_2032, %dma_start3A_2034, %dma_start3A_2035] : memref<2x32x128xf32, #tpu.memory_space<vmem>> -> memref<1x32x128xf32, #tpu.memory_space<vmem>>
      %dma_start3A_2037 = tpu.memref_squeeze %dma_start3A_2036 : memref<1x32x128xf32, #tpu.memory_space<vmem>> -> memref<32x128xf32, #tpu.memory_space<vmem>>
      %dma_start3A_2038 = arith.constant 0 : i32
      %dma_start3A_2039 = tpu.memref_slice %dma_start3A_2037[%dma_start3A_2033, %dma_start3A_2038] : memref<32x128xf32, #tpu.memory_space<vmem>> -> memref<1x128xf32, #tpu.memory_space<vmem>>
      %dma_start3A_2040 = tpu.memref_squeeze %dma_start3A_2039 : memref<1x128xf32, #tpu.memory_space<vmem>> -> memref<128xf32, #tpu.memory_space<vmem>>
      %dma_start3A_2041 = arith.constant 0 : i32
      %dma_start3A_2042 = arith.constant 0 : i32
      %dma_start3A_2043 = tpu.memref_slice %arg5[%dma_start3A_2030, %dma_start3A_2041, %dma_start3A_2042] : memref<2x32x128xi32, #tpu.memory_space<vmem>> -> memref<1x32x128xi32, #tpu.memory_space<vmem>>
      %dma_start3A_2044 = tpu.memref_squeeze %dma_start3A_2043 : memref<1x32x128xi32, #tpu.memory_space<vmem>> -> memref<32x128xi32, #tpu.memory_space<vmem>>
      %dma_start3A_2045 = arith.constant 0 : i32
      %dma_start3A_2046 = tpu.memref_slice %dma_start3A_2044[%dma_start3A_2031, %dma_start3A_2045] : memref<32x128xi32, #tpu.memory_space<vmem>> -> memref<1x128xi32, #tpu.memory_space<vmem>>
      %dma_start3A_2047 = tpu.memref_squeeze %dma_start3A_2046 : memref<1x128xi32, #tpu.memory_space<vmem>> -> memref<128xi32, #tpu.memory_space<vmem>>
      %dma_start3A_2048 = arith.constant 0 : i32
      %dma_start3A_2049 = tpu.memref_slice %arg2[%dma_start3A_2048] : memref<33554432xf32, #tpu.memory_space<hbm>> -> memref<33554432xf32, #tpu.memory_space<hbm>>
      tpu.enqueue_indirect_dma source(%dma_start3A_2049 : memref<33554432xf32, #tpu.memory_space<hbm>>) target(%dma_start3A_2040 : memref<128xf32, #tpu.memory_space<vmem>>) offsets(%dma_start3A_2047 : memref<128xi32, #tpu.memory_space<vmem>>) semaphore(%arg8 : memref<!tpu.dma_semaphore, #tpu.memory_space<semaphore_mem>>)
      %dma_start3A_2050 = arith.constant 1 : i32
      %dma_start3A_2051 = arith.constant 12 : i32
      %dma_start3A_2052 = arith.constant 1 : i32
      %dma_start3A_2053 = arith.constant 12 : i32
      %dma_start3A_2054 = arith.constant 0 : i32
      %dma_start3A_2055 = arith.constant 0 : i32
      %dma_start3A_2056 = tpu.memref_slice %arg6[%dma_start3A_2052, %dma_start3A_2054, %dma_start3A_2055] : memref<2x32x128xf32, #tpu.memory_space<vmem>> -> memref<1x32x128xf32, #tpu.memory_space<vmem>>
      %dma_start3A_2057 = tpu.memref_squeeze %dma_start3A_2056 : memref<1x32x128xf32, #tpu.memory_space<vmem>> -> memref<32x128xf32, #tpu.memory_space<vmem>>
      %dma_start3A_2058 = arith.constant 0 : i32
      %dma_start3A_2059 = tpu.memref_slice %dma_start3A_2057[%dma_start3A_2053, %dma_start3A_2058] : memref<32x128xf32, #tpu.memory_space<vmem>> -> memref<1x128xf32, #tpu.memory_space<vmem>>
      %dma_start3A_2060 = tpu.memref_squeeze %dma_start3A_2059 : memref<1x128xf32, #tpu.memory_space<vmem>> -> memref<128xf32, #tpu.memory_space<vmem>>
      %dma_start3A_2061 = arith.constant 0 : i32
      %dma_start3A_2062 = arith.constant 0 : i32
      %dma_start3A_2063 = tpu.memref_slice %arg5[%dma_start3A_2050, %dma_start3A_2061, %dma_start3A_2062] : memref<2x32x128xi32, #tpu.memory_space<vmem>> -> memref<1x32x128xi32, #tpu.memory_space<vmem>>
      %dma_start3A_2064 = tpu.memref_squeeze %dma_start3A_2063 : memref<1x32x128xi32, #tpu.memory_space<vmem>> -> memref<32x128xi32, #tpu.memory_space<vmem>>
      %dma_start3A_2065 = arith.constant 0 : i32
      %dma_start3A_2066 = tpu.memref_slice %dma_start3A_2064[%dma_start3A_2051, %dma_start3A_2065] : memref<32x128xi32, #tpu.memory_space<vmem>> -> memref<1x128xi32, #tpu.memory_space<vmem>>
      %dma_start3A_2067 = tpu.memref_squeeze %dma_start3A_2066 : memref<1x128xi32, #tpu.memory_space<vmem>> -> memref<128xi32, #tpu.memory_space<vmem>>
      %dma_start3A_2068 = arith.constant 0 : i32
      %dma_start3A_2069 = tpu.memref_slice %arg2[%dma_start3A_2068] : memref<33554432xf32, #tpu.memory_space<hbm>> -> memref<33554432xf32, #tpu.memory_space<hbm>>
      tpu.enqueue_indirect_dma source(%dma_start3A_2069 : memref<33554432xf32, #tpu.memory_space<hbm>>) target(%dma_start3A_2060 : memref<128xf32, #tpu.memory_space<vmem>>) offsets(%dma_start3A_2067 : memref<128xi32, #tpu.memory_space<vmem>>) semaphore(%arg8 : memref<!tpu.dma_semaphore, #tpu.memory_space<semaphore_mem>>)
      %dma_start3A_2070 = arith.constant 1 : i32
      %dma_start3A_2071 = arith.constant 13 : i32
      %dma_start3A_2072 = arith.constant 1 : i32
      %dma_start3A_2073 = arith.constant 13 : i32
      %dma_start3A_2074 = arith.constant 0 : i32
      %dma_start3A_2075 = arith.constant 0 : i32
      %dma_start3A_2076 = tpu.memref_slice %arg6[%dma_start3A_2072, %dma_start3A_2074, %dma_start3A_2075] : memref<2x32x128xf32, #tpu.memory_space<vmem>> -> memref<1x32x128xf32, #tpu.memory_space<vmem>>
      %dma_start3A_2077 = tpu.memref_squeeze %dma_start3A_2076 : memref<1x32x128xf32, #tpu.memory_space<vmem>> -> memref<32x128xf32, #tpu.memory_space<vmem>>
      %dma_start3A_2078 = arith.constant 0 : i32
      %dma_start3A_2079 = tpu.memref_slice %dma_start3A_2077[%dma_start3A_2073, %dma_start3A_2078] : memref<32x128xf32, #tpu.memory_space<vmem>> -> memref<1x128xf32, #tpu.memory_space<vmem>>
      %dma_start3A_2080 = tpu.memref_squeeze %dma_start3A_2079 : memref<1x128xf32, #tpu.memory_space<vmem>> -> memref<128xf32, #tpu.memory_space<vmem>>
      %dma_start3A_2081 = arith.constant 0 : i32
      %dma_start3A_2082 = arith.constant 0 : i32
      %dma_start3A_2083 = tpu.memref_slice %arg5[%dma_start3A_2070, %dma_start3A_2081, %dma_start3A_2082] : memref<2x32x128xi32, #tpu.memory_space<vmem>> -> memref<1x32x128xi32, #tpu.memory_space<vmem>>
      %dma_start3A_2084 = tpu.memref_squeeze %dma_start3A_2083 : memref<1x32x128xi32, #tpu.memory_space<vmem>> -> memref<32x128xi32, #tpu.memory_space<vmem>>
      %dma_start3A_2085 = arith.constant 0 : i32
      %dma_start3A_2086 = tpu.memref_slice %dma_start3A_2084[%dma_start3A_2071, %dma_start3A_2085] : memref<32x128xi32, #tpu.memory_space<vmem>> -> memref<1x128xi32, #tpu.memory_space<vmem>>
      %dma_start3A_2087 = tpu.memref_squeeze %dma_start3A_2086 : memref<1x128xi32, #tpu.memory_space<vmem>> -> memref<128xi32, #tpu.memory_space<vmem>>
      %dma_start3A_2088 = arith.constant 0 : i32
      %dma_start3A_2089 = tpu.memref_slice %arg2[%dma_start3A_2088] : memref<33554432xf32, #tpu.memory_space<hbm>> -> memref<33554432xf32, #tpu.memory_space<hbm>>
      tpu.enqueue_indirect_dma source(%dma_start3A_2089 : memref<33554432xf32, #tpu.memory_space<hbm>>) target(%dma_start3A_2080 : memref<128xf32, #tpu.memory_space<vmem>>) offsets(%dma_start3A_2087 : memref<128xi32, #tpu.memory_space<vmem>>) semaphore(%arg8 : memref<!tpu.dma_semaphore, #tpu.memory_space<semaphore_mem>>)
      %dma_start3A_2090 = arith.constant 1 : i32
      %dma_start3A_2091 = arith.constant 14 : i32
      %dma_start3A_2092 = arith.constant 1 : i32
      %dma_start3A_2093 = arith.constant 14 : i32
      %dma_start3A_2094 = arith.constant 0 : i32
      %dma_start3A_2095 = arith.constant 0 : i32
      %dma_start3A_2096 = tpu.memref_slice %arg6[%dma_start3A_2092, %dma_start3A_2094, %dma_start3A_2095] : memref<2x32x128xf32, #tpu.memory_space<vmem>> -> memref<1x32x128xf32, #tpu.memory_space<vmem>>
      %dma_start3A_2097 = tpu.memref_squeeze %dma_start3A_2096 : memref<1x32x128xf32, #tpu.memory_space<vmem>> -> memref<32x128xf32, #tpu.memory_space<vmem>>
      %dma_start3A_2098 = arith.constant 0 : i32
      %dma_start3A_2099 = tpu.memref_slice %dma_start3A_2097[%dma_start3A_2093, %dma_start3A_2098] : memref<32x128xf32, #tpu.memory_space<vmem>> -> memref<1x128xf32, #tpu.memory_space<vmem>>
      %dma_start3A_2100 = tpu.memref_squeeze %dma_start3A_2099 : memref<1x128xf32, #tpu.memory_space<vmem>> -> memref<128xf32, #tpu.memory_space<vmem>>
      %dma_start3A_2101 = arith.constant 0 : i32
      %dma_start3A_2102 = arith.constant 0 : i32
      %dma_start3A_2103 = tpu.memref_slice %arg5[%dma_start3A_2090, %dma_start3A_2101, %dma_start3A_2102] : memref<2x32x128xi32, #tpu.memory_space<vmem>> -> memref<1x32x128xi32, #tpu.memory_space<vmem>>
      %dma_start3A_2104 = tpu.memref_squeeze %dma_start3A_2103 : memref<1x32x128xi32, #tpu.memory_space<vmem>> -> memref<32x128xi32, #tpu.memory_space<vmem>>
      %dma_start3A_2105 = arith.constant 0 : i32
      %dma_start3A_2106 = tpu.memref_slice %dma_start3A_2104[%dma_start3A_2091, %dma_start3A_2105] : memref<32x128xi32, #tpu.memory_space<vmem>> -> memref<1x128xi32, #tpu.memory_space<vmem>>
      %dma_start3A_2107 = tpu.memref_squeeze %dma_start3A_2106 : memref<1x128xi32, #tpu.memory_space<vmem>> -> memref<128xi32, #tpu.memory_space<vmem>>
      %dma_start3A_2108 = arith.constant 0 : i32
      %dma_start3A_2109 = tpu.memref_slice %arg2[%dma_start3A_2108] : memref<33554432xf32, #tpu.memory_space<hbm>> -> memref<33554432xf32, #tpu.memory_space<hbm>>
      tpu.enqueue_indirect_dma source(%dma_start3A_2109 : memref<33554432xf32, #tpu.memory_space<hbm>>) target(%dma_start3A_2100 : memref<128xf32, #tpu.memory_space<vmem>>) offsets(%dma_start3A_2107 : memref<128xi32, #tpu.memory_space<vmem>>) semaphore(%arg8 : memref<!tpu.dma_semaphore, #tpu.memory_space<semaphore_mem>>)
      %dma_start3A_2110 = arith.constant 1 : i32
      %dma_start3A_2111 = arith.constant 15 : i32
      %dma_start3A_2112 = arith.constant 1 : i32
      %dma_start3A_2113 = arith.constant 15 : i32
      %dma_start3A_2114 = arith.constant 0 : i32
      %dma_start3A_2115 = arith.constant 0 : i32
      %dma_start3A_2116 = tpu.memref_slice %arg6[%dma_start3A_2112, %dma_start3A_2114, %dma_start3A_2115] : memref<2x32x128xf32, #tpu.memory_space<vmem>> -> memref<1x32x128xf32, #tpu.memory_space<vmem>>
      %dma_start3A_2117 = tpu.memref_squeeze %dma_start3A_2116 : memref<1x32x128xf32, #tpu.memory_space<vmem>> -> memref<32x128xf32, #tpu.memory_space<vmem>>
      %dma_start3A_2118 = arith.constant 0 : i32
      %dma_start3A_2119 = tpu.memref_slice %dma_start3A_2117[%dma_start3A_2113, %dma_start3A_2118] : memref<32x128xf32, #tpu.memory_space<vmem>> -> memref<1x128xf32, #tpu.memory_space<vmem>>
      %dma_start3A_2120 = tpu.memref_squeeze %dma_start3A_2119 : memref<1x128xf32, #tpu.memory_space<vmem>> -> memref<128xf32, #tpu.memory_space<vmem>>
      %dma_start3A_2121 = arith.constant 0 : i32
      %dma_start3A_2122 = arith.constant 0 : i32
      %dma_start3A_2123 = tpu.memref_slice %arg5[%dma_start3A_2110, %dma_start3A_2121, %dma_start3A_2122] : memref<2x32x128xi32, #tpu.memory_space<vmem>> -> memref<1x32x128xi32, #tpu.memory_space<vmem>>
      %dma_start3A_2124 = tpu.memref_squeeze %dma_start3A_2123 : memref<1x32x128xi32, #tpu.memory_space<vmem>> -> memref<32x128xi32, #tpu.memory_space<vmem>>
      %dma_start3A_2125 = arith.constant 0 : i32
      %dma_start3A_2126 = tpu.memref_slice %dma_start3A_2124[%dma_start3A_2111, %dma_start3A_2125] : memref<32x128xi32, #tpu.memory_space<vmem>> -> memref<1x128xi32, #tpu.memory_space<vmem>>
      %dma_start3A_2127 = tpu.memref_squeeze %dma_start3A_2126 : memref<1x128xi32, #tpu.memory_space<vmem>> -> memref<128xi32, #tpu.memory_space<vmem>>
      %dma_start3A_2128 = arith.constant 0 : i32
      %dma_start3A_2129 = tpu.memref_slice %arg2[%dma_start3A_2128] : memref<33554432xf32, #tpu.memory_space<hbm>> -> memref<33554432xf32, #tpu.memory_space<hbm>>
      tpu.enqueue_indirect_dma source(%dma_start3A_2129 : memref<33554432xf32, #tpu.memory_space<hbm>>) target(%dma_start3A_2120 : memref<128xf32, #tpu.memory_space<vmem>>) offsets(%dma_start3A_2127 : memref<128xi32, #tpu.memory_space<vmem>>) semaphore(%arg8 : memref<!tpu.dma_semaphore, #tpu.memory_space<semaphore_mem>>)
      %dma_start3A_2130 = arith.constant 1 : i32
      %dma_start3A_2131 = arith.constant 16 : i32
      %dma_start3A_2132 = arith.constant 1 : i32
      %dma_start3A_2133 = arith.constant 16 : i32
      %dma_start3A_2134 = arith.constant 0 : i32
      %dma_start3A_2135 = arith.constant 0 : i32
      %dma_start3A_2136 = tpu.memref_slice %arg6[%dma_start3A_2132, %dma_start3A_2134, %dma_start3A_2135] : memref<2x32x128xf32, #tpu.memory_space<vmem>> -> memref<1x32x128xf32, #tpu.memory_space<vmem>>
      %dma_start3A_2137 = tpu.memref_squeeze %dma_start3A_2136 : memref<1x32x128xf32, #tpu.memory_space<vmem>> -> memref<32x128xf32, #tpu.memory_space<vmem>>
      %dma_start3A_2138 = arith.constant 0 : i32
      %dma_start3A_2139 = tpu.memref_slice %dma_start3A_2137[%dma_start3A_2133, %dma_start3A_2138] : memref<32x128xf32, #tpu.memory_space<vmem>> -> memref<1x128xf32, #tpu.memory_space<vmem>>
      %dma_start3A_2140 = tpu.memref_squeeze %dma_start3A_2139 : memref<1x128xf32, #tpu.memory_space<vmem>> -> memref<128xf32, #tpu.memory_space<vmem>>
      %dma_start3A_2141 = arith.constant 0 : i32
      %dma_start3A_2142 = arith.constant 0 : i32
      %dma_start3A_2143 = tpu.memref_slice %arg5[%dma_start3A_2130, %dma_start3A_2141, %dma_start3A_2142] : memref<2x32x128xi32, #tpu.memory_space<vmem>> -> memref<1x32x128xi32, #tpu.memory_space<vmem>>
      %dma_start3A_2144 = tpu.memref_squeeze %dma_start3A_2143 : memref<1x32x128xi32, #tpu.memory_space<vmem>> -> memref<32x128xi32, #tpu.memory_space<vmem>>
      %dma_start3A_2145 = arith.constant 0 : i32
      %dma_start3A_2146 = tpu.memref_slice %dma_start3A_2144[%dma_start3A_2131, %dma_start3A_2145] : memref<32x128xi32, #tpu.memory_space<vmem>> -> memref<1x128xi32, #tpu.memory_space<vmem>>
      %dma_start3A_2147 = tpu.memref_squeeze %dma_start3A_2146 : memref<1x128xi32, #tpu.memory_space<vmem>> -> memref<128xi32, #tpu.memory_space<vmem>>
      %dma_start3A_2148 = arith.constant 0 : i32
      %dma_start3A_2149 = tpu.memref_slice %arg2[%dma_start3A_2148] : memref<33554432xf32, #tpu.memory_space<hbm>> -> memref<33554432xf32, #tpu.memory_space<hbm>>
      tpu.enqueue_indirect_dma source(%dma_start3A_2149 : memref<33554432xf32, #tpu.memory_space<hbm>>) target(%dma_start3A_2140 : memref<128xf32, #tpu.memory_space<vmem>>) offsets(%dma_start3A_2147 : memref<128xi32, #tpu.memory_space<vmem>>) semaphore(%arg8 : memref<!tpu.dma_semaphore, #tpu.memory_space<semaphore_mem>>)
      %dma_start3A_2150 = arith.constant 1 : i32
      %dma_start3A_2151 = arith.constant 17 : i32
      %dma_start3A_2152 = arith.constant 1 : i32
      %dma_start3A_2153 = arith.constant 17 : i32
      %dma_start3A_2154 = arith.constant 0 : i32
      %dma_start3A_2155 = arith.constant 0 : i32
      %dma_start3A_2156 = tpu.memref_slice %arg6[%dma_start3A_2152, %dma_start3A_2154, %dma_start3A_2155] : memref<2x32x128xf32, #tpu.memory_space<vmem>> -> memref<1x32x128xf32, #tpu.memory_space<vmem>>
      %dma_start3A_2157 = tpu.memref_squeeze %dma_start3A_2156 : memref<1x32x128xf32, #tpu.memory_space<vmem>> -> memref<32x128xf32, #tpu.memory_space<vmem>>
      %dma_start3A_2158 = arith.constant 0 : i32
      %dma_start3A_2159 = tpu.memref_slice %dma_start3A_2157[%dma_start3A_2153, %dma_start3A_2158] : memref<32x128xf32, #tpu.memory_space<vmem>> -> memref<1x128xf32, #tpu.memory_space<vmem>>
      %dma_start3A_2160 = tpu.memref_squeeze %dma_start3A_2159 : memref<1x128xf32, #tpu.memory_space<vmem>> -> memref<128xf32, #tpu.memory_space<vmem>>
      %dma_start3A_2161 = arith.constant 0 : i32
      %dma_start3A_2162 = arith.constant 0 : i32
      %dma_start3A_2163 = tpu.memref_slice %arg5[%dma_start3A_2150, %dma_start3A_2161, %dma_start3A_2162] : memref<2x32x128xi32, #tpu.memory_space<vmem>> -> memref<1x32x128xi32, #tpu.memory_space<vmem>>
      %dma_start3A_2164 = tpu.memref_squeeze %dma_start3A_2163 : memref<1x32x128xi32, #tpu.memory_space<vmem>> -> memref<32x128xi32, #tpu.memory_space<vmem>>
      %dma_start3A_2165 = arith.constant 0 : i32
      %dma_start3A_2166 = tpu.memref_slice %dma_start3A_2164[%dma_start3A_2151, %dma_start3A_2165] : memref<32x128xi32, #tpu.memory_space<vmem>> -> memref<1x128xi32, #tpu.memory_space<vmem>>
      %dma_start3A_2167 = tpu.memref_squeeze %dma_start3A_2166 : memref<1x128xi32, #tpu.memory_space<vmem>> -> memref<128xi32, #tpu.memory_space<vmem>>
      %dma_start3A_2168 = arith.constant 0 : i32
      %dma_start3A_2169 = tpu.memref_slice %arg2[%dma_start3A_2168] : memref<33554432xf32, #tpu.memory_space<hbm>> -> memref<33554432xf32, #tpu.memory_space<hbm>>
      tpu.enqueue_indirect_dma source(%dma_start3A_2169 : memref<33554432xf32, #tpu.memory_space<hbm>>) target(%dma_start3A_2160 : memref<128xf32, #tpu.memory_space<vmem>>) offsets(%dma_start3A_2167 : memref<128xi32, #tpu.memory_space<vmem>>) semaphore(%arg8 : memref<!tpu.dma_semaphore, #tpu.memory_space<semaphore_mem>>)
      %dma_start3A_2170 = arith.constant 1 : i32
      %dma_start3A_2171 = arith.constant 18 : i32
      %dma_start3A_2172 = arith.constant 1 : i32
      %dma_start3A_2173 = arith.constant 18 : i32
      %dma_start3A_2174 = arith.constant 0 : i32
      %dma_start3A_2175 = arith.constant 0 : i32
      %dma_start3A_2176 = tpu.memref_slice %arg6[%dma_start3A_2172, %dma_start3A_2174, %dma_start3A_2175] : memref<2x32x128xf32, #tpu.memory_space<vmem>> -> memref<1x32x128xf32, #tpu.memory_space<vmem>>
      %dma_start3A_2177 = tpu.memref_squeeze %dma_start3A_2176 : memref<1x32x128xf32, #tpu.memory_space<vmem>> -> memref<32x128xf32, #tpu.memory_space<vmem>>
      %dma_start3A_2178 = arith.constant 0 : i32
      %dma_start3A_2179 = tpu.memref_slice %dma_start3A_2177[%dma_start3A_2173, %dma_start3A_2178] : memref<32x128xf32, #tpu.memory_space<vmem>> -> memref<1x128xf32, #tpu.memory_space<vmem>>
      %dma_start3A_2180 = tpu.memref_squeeze %dma_start3A_2179 : memref<1x128xf32, #tpu.memory_space<vmem>> -> memref<128xf32, #tpu.memory_space<vmem>>
      %dma_start3A_2181 = arith.constant 0 : i32
      %dma_start3A_2182 = arith.constant 0 : i32
      %dma_start3A_2183 = tpu.memref_slice %arg5[%dma_start3A_2170, %dma_start3A_2181, %dma_start3A_2182] : memref<2x32x128xi32, #tpu.memory_space<vmem>> -> memref<1x32x128xi32, #tpu.memory_space<vmem>>
      %dma_start3A_2184 = tpu.memref_squeeze %dma_start3A_2183 : memref<1x32x128xi32, #tpu.memory_space<vmem>> -> memref<32x128xi32, #tpu.memory_space<vmem>>
      %dma_start3A_2185 = arith.constant 0 : i32
      %dma_start3A_2186 = tpu.memref_slice %dma_start3A_2184[%dma_start3A_2171, %dma_start3A_2185] : memref<32x128xi32, #tpu.memory_space<vmem>> -> memref<1x128xi32, #tpu.memory_space<vmem>>
      %dma_start3A_2187 = tpu.memref_squeeze %dma_start3A_2186 : memref<1x128xi32, #tpu.memory_space<vmem>> -> memref<128xi32, #tpu.memory_space<vmem>>
      %dma_start3A_2188 = arith.constant 0 : i32
      %dma_start3A_2189 = tpu.memref_slice %arg2[%dma_start3A_2188] : memref<33554432xf32, #tpu.memory_space<hbm>> -> memref<33554432xf32, #tpu.memory_space<hbm>>
      tpu.enqueue_indirect_dma source(%dma_start3A_2189 : memref<33554432xf32, #tpu.memory_space<hbm>>) target(%dma_start3A_2180 : memref<128xf32, #tpu.memory_space<vmem>>) offsets(%dma_start3A_2187 : memref<128xi32, #tpu.memory_space<vmem>>) semaphore(%arg8 : memref<!tpu.dma_semaphore, #tpu.memory_space<semaphore_mem>>)
      %dma_start3A_2190 = arith.constant 1 : i32
      %dma_start3A_2191 = arith.constant 19 : i32
      %dma_start3A_2192 = arith.constant 1 : i32
      %dma_start3A_2193 = arith.constant 19 : i32
      %dma_start3A_2194 = arith.constant 0 : i32
      %dma_start3A_2195 = arith.constant 0 : i32
      %dma_start3A_2196 = tpu.memref_slice %arg6[%dma_start3A_2192, %dma_start3A_2194, %dma_start3A_2195] : memref<2x32x128xf32, #tpu.memory_space<vmem>> -> memref<1x32x128xf32, #tpu.memory_space<vmem>>
      %dma_start3A_2197 = tpu.memref_squeeze %dma_start3A_2196 : memref<1x32x128xf32, #tpu.memory_space<vmem>> -> memref<32x128xf32, #tpu.memory_space<vmem>>
      %dma_start3A_2198 = arith.constant 0 : i32
      %dma_start3A_2199 = tpu.memref_slice %dma_start3A_2197[%dma_start3A_2193, %dma_start3A_2198] : memref<32x128xf32, #tpu.memory_space<vmem>> -> memref<1x128xf32, #tpu.memory_space<vmem>>
      %dma_start3A_2200 = tpu.memref_squeeze %dma_start3A_2199 : memref<1x128xf32, #tpu.memory_space<vmem>> -> memref<128xf32, #tpu.memory_space<vmem>>
      %dma_start3A_2201 = arith.constant 0 : i32
      %dma_start3A_2202 = arith.constant 0 : i32
      %dma_start3A_2203 = tpu.memref_slice %arg5[%dma_start3A_2190, %dma_start3A_2201, %dma_start3A_2202] : memref<2x32x128xi32, #tpu.memory_space<vmem>> -> memref<1x32x128xi32, #tpu.memory_space<vmem>>
      %dma_start3A_2204 = tpu.memref_squeeze %dma_start3A_2203 : memref<1x32x128xi32, #tpu.memory_space<vmem>> -> memref<32x128xi32, #tpu.memory_space<vmem>>
      %dma_start3A_2205 = arith.constant 0 : i32
      %dma_start3A_2206 = tpu.memref_slice %dma_start3A_2204[%dma_start3A_2191, %dma_start3A_2205] : memref<32x128xi32, #tpu.memory_space<vmem>> -> memref<1x128xi32, #tpu.memory_space<vmem>>
      %dma_start3A_2207 = tpu.memref_squeeze %dma_start3A_2206 : memref<1x128xi32, #tpu.memory_space<vmem>> -> memref<128xi32, #tpu.memory_space<vmem>>
      %dma_start3A_2208 = arith.constant 0 : i32
      %dma_start3A_2209 = tpu.memref_slice %arg2[%dma_start3A_2208] : memref<33554432xf32, #tpu.memory_space<hbm>> -> memref<33554432xf32, #tpu.memory_space<hbm>>
      tpu.enqueue_indirect_dma source(%dma_start3A_2209 : memref<33554432xf32, #tpu.memory_space<hbm>>) target(%dma_start3A_2200 : memref<128xf32, #tpu.memory_space<vmem>>) offsets(%dma_start3A_2207 : memref<128xi32, #tpu.memory_space<vmem>>) semaphore(%arg8 : memref<!tpu.dma_semaphore, #tpu.memory_space<semaphore_mem>>)
      %dma_start3A_2210 = arith.constant 1 : i32
      %dma_start3A_2211 = arith.constant 20 : i32
      %dma_start3A_2212 = arith.constant 1 : i32
      %dma_start3A_2213 = arith.constant 20 : i32
      %dma_start3A_2214 = arith.constant 0 : i32
      %dma_start3A_2215 = arith.constant 0 : i32
      %dma_start3A_2216 = tpu.memref_slice %arg6[%dma_start3A_2212, %dma_start3A_2214, %dma_start3A_2215] : memref<2x32x128xf32, #tpu.memory_space<vmem>> -> memref<1x32x128xf32, #tpu.memory_space<vmem>>
      %dma_start3A_2217 = tpu.memref_squeeze %dma_start3A_2216 : memref<1x32x128xf32, #tpu.memory_space<vmem>> -> memref<32x128xf32, #tpu.memory_space<vmem>>
      %dma_start3A_2218 = arith.constant 0 : i32
      %dma_start3A_2219 = tpu.memref_slice %dma_start3A_2217[%dma_start3A_2213, %dma_start3A_2218] : memref<32x128xf32, #tpu.memory_space<vmem>> -> memref<1x128xf32, #tpu.memory_space<vmem>>
      %dma_start3A_2220 = tpu.memref_squeeze %dma_start3A_2219 : memref<1x128xf32, #tpu.memory_space<vmem>> -> memref<128xf32, #tpu.memory_space<vmem>>
      %dma_start3A_2221 = arith.constant 0 : i32
      %dma_start3A_2222 = arith.constant 0 : i32
      %dma_start3A_2223 = tpu.memref_slice %arg5[%dma_start3A_2210, %dma_start3A_2221, %dma_start3A_2222] : memref<2x32x128xi32, #tpu.memory_space<vmem>> -> memref<1x32x128xi32, #tpu.memory_space<vmem>>
      %dma_start3A_2224 = tpu.memref_squeeze %dma_start3A_2223 : memref<1x32x128xi32, #tpu.memory_space<vmem>> -> memref<32x128xi32, #tpu.memory_space<vmem>>
      %dma_start3A_2225 = arith.constant 0 : i32
      %dma_start3A_2226 = tpu.memref_slice %dma_start3A_2224[%dma_start3A_2211, %dma_start3A_2225] : memref<32x128xi32, #tpu.memory_space<vmem>> -> memref<1x128xi32, #tpu.memory_space<vmem>>
      %dma_start3A_2227 = tpu.memref_squeeze %dma_start3A_2226 : memref<1x128xi32, #tpu.memory_space<vmem>> -> memref<128xi32, #tpu.memory_space<vmem>>
      %dma_start3A_2228 = arith.constant 0 : i32
      %dma_start3A_2229 = tpu.memref_slice %arg2[%dma_start3A_2228] : memref<33554432xf32, #tpu.memory_space<hbm>> -> memref<33554432xf32, #tpu.memory_space<hbm>>
      tpu.enqueue_indirect_dma source(%dma_start3A_2229 : memref<33554432xf32, #tpu.memory_space<hbm>>) target(%dma_start3A_2220 : memref<128xf32, #tpu.memory_space<vmem>>) offsets(%dma_start3A_2227 : memref<128xi32, #tpu.memory_space<vmem>>) semaphore(%arg8 : memref<!tpu.dma_semaphore, #tpu.memory_space<semaphore_mem>>)
      %dma_start3A_2230 = arith.constant 1 : i32
      %dma_start3A_2231 = arith.constant 21 : i32
      %dma_start3A_2232 = arith.constant 1 : i32
      %dma_start3A_2233 = arith.constant 21 : i32
      %dma_start3A_2234 = arith.constant 0 : i32
      %dma_start3A_2235 = arith.constant 0 : i32
      %dma_start3A_2236 = tpu.memref_slice %arg6[%dma_start3A_2232, %dma_start3A_2234, %dma_start3A_2235] : memref<2x32x128xf32, #tpu.memory_space<vmem>> -> memref<1x32x128xf32, #tpu.memory_space<vmem>>
      %dma_start3A_2237 = tpu.memref_squeeze %dma_start3A_2236 : memref<1x32x128xf32, #tpu.memory_space<vmem>> -> memref<32x128xf32, #tpu.memory_space<vmem>>
      %dma_start3A_2238 = arith.constant 0 : i32
      %dma_start3A_2239 = tpu.memref_slice %dma_start3A_2237[%dma_start3A_2233, %dma_start3A_2238] : memref<32x128xf32, #tpu.memory_space<vmem>> -> memref<1x128xf32, #tpu.memory_space<vmem>>
      %dma_start3A_2240 = tpu.memref_squeeze %dma_start3A_2239 : memref<1x128xf32, #tpu.memory_space<vmem>> -> memref<128xf32, #tpu.memory_space<vmem>>
      %dma_start3A_2241 = arith.constant 0 : i32
      %dma_start3A_2242 = arith.constant 0 : i32
      %dma_start3A_2243 = tpu.memref_slice %arg5[%dma_start3A_2230, %dma_start3A_2241, %dma_start3A_2242] : memref<2x32x128xi32, #tpu.memory_space<vmem>> -> memref<1x32x128xi32, #tpu.memory_space<vmem>>
      %dma_start3A_2244 = tpu.memref_squeeze %dma_start3A_2243 : memref<1x32x128xi32, #tpu.memory_space<vmem>> -> memref<32x128xi32, #tpu.memory_space<vmem>>
      %dma_start3A_2245 = arith.constant 0 : i32
      %dma_start3A_2246 = tpu.memref_slice %dma_start3A_2244[%dma_start3A_2231, %dma_start3A_2245] : memref<32x128xi32, #tpu.memory_space<vmem>> -> memref<1x128xi32, #tpu.memory_space<vmem>>
      %dma_start3A_2247 = tpu.memref_squeeze %dma_start3A_2246 : memref<1x128xi32, #tpu.memory_space<vmem>> -> memref<128xi32, #tpu.memory_space<vmem>>
      %dma_start3A_2248 = arith.constant 0 : i32
      %dma_start3A_2249 = tpu.memref_slice %arg2[%dma_start3A_2248] : memref<33554432xf32, #tpu.memory_space<hbm>> -> memref<33554432xf32, #tpu.memory_space<hbm>>
      tpu.enqueue_indirect_dma source(%dma_start3A_2249 : memref<33554432xf32, #tpu.memory_space<hbm>>) target(%dma_start3A_2240 : memref<128xf32, #tpu.memory_space<vmem>>) offsets(%dma_start3A_2247 : memref<128xi32, #tpu.memory_space<vmem>>) semaphore(%arg8 : memref<!tpu.dma_semaphore, #tpu.memory_space<semaphore_mem>>)
      %dma_start3A_2250 = arith.constant 1 : i32
      %dma_start3A_2251 = arith.constant 22 : i32
      %dma_start3A_2252 = arith.constant 1 : i32
      %dma_start3A_2253 = arith.constant 22 : i32
      %dma_start3A_2254 = arith.constant 0 : i32
      %dma_start3A_2255 = arith.constant 0 : i32
      %dma_start3A_2256 = tpu.memref_slice %arg6[%dma_start3A_2252, %dma_start3A_2254, %dma_start3A_2255] : memref<2x32x128xf32, #tpu.memory_space<vmem>> -> memref<1x32x128xf32, #tpu.memory_space<vmem>>
      %dma_start3A_2257 = tpu.memref_squeeze %dma_start3A_2256 : memref<1x32x128xf32, #tpu.memory_space<vmem>> -> memref<32x128xf32, #tpu.memory_space<vmem>>
      %dma_start3A_2258 = arith.constant 0 : i32
      %dma_start3A_2259 = tpu.memref_slice %dma_start3A_2257[%dma_start3A_2253, %dma_start3A_2258] : memref<32x128xf32, #tpu.memory_space<vmem>> -> memref<1x128xf32, #tpu.memory_space<vmem>>
      %dma_start3A_2260 = tpu.memref_squeeze %dma_start3A_2259 : memref<1x128xf32, #tpu.memory_space<vmem>> -> memref<128xf32, #tpu.memory_space<vmem>>
      %dma_start3A_2261 = arith.constant 0 : i32
      %dma_start3A_2262 = arith.constant 0 : i32
      %dma_start3A_2263 = tpu.memref_slice %arg5[%dma_start3A_2250, %dma_start3A_2261, %dma_start3A_2262] : memref<2x32x128xi32, #tpu.memory_space<vmem>> -> memref<1x32x128xi32, #tpu.memory_space<vmem>>
      %dma_start3A_2264 = tpu.memref_squeeze %dma_start3A_2263 : memref<1x32x128xi32, #tpu.memory_space<vmem>> -> memref<32x128xi32, #tpu.memory_space<vmem>>
      %dma_start3A_2265 = arith.constant 0 : i32
      %dma_start3A_2266 = tpu.memref_slice %dma_start3A_2264[%dma_start3A_2251, %dma_start3A_2265] : memref<32x128xi32, #tpu.memory_space<vmem>> -> memref<1x128xi32, #tpu.memory_space<vmem>>
      %dma_start3A_2267 = tpu.memref_squeeze %dma_start3A_2266 : memref<1x128xi32, #tpu.memory_space<vmem>> -> memref<128xi32, #tpu.memory_space<vmem>>
      %dma_start3A_2268 = arith.constant 0 : i32
      %dma_start3A_2269 = tpu.memref_slice %arg2[%dma_start3A_2268] : memref<33554432xf32, #tpu.memory_space<hbm>> -> memref<33554432xf32, #tpu.memory_space<hbm>>
      tpu.enqueue_indirect_dma source(%dma_start3A_2269 : memref<33554432xf32, #tpu.memory_space<hbm>>) target(%dma_start3A_2260 : memref<128xf32, #tpu.memory_space<vmem>>) offsets(%dma_start3A_2267 : memref<128xi32, #tpu.memory_space<vmem>>) semaphore(%arg8 : memref<!tpu.dma_semaphore, #tpu.memory_space<semaphore_mem>>)
      %dma_start3A_2270 = arith.constant 1 : i32
      %dma_start3A_2271 = arith.constant 23 : i32
      %dma_start3A_2272 = arith.constant 1 : i32
      %dma_start3A_2273 = arith.constant 23 : i32
      %dma_start3A_2274 = arith.constant 0 : i32
      %dma_start3A_2275 = arith.constant 0 : i32
      %dma_start3A_2276 = tpu.memref_slice %arg6[%dma_start3A_2272, %dma_start3A_2274, %dma_start3A_2275] : memref<2x32x128xf32, #tpu.memory_space<vmem>> -> memref<1x32x128xf32, #tpu.memory_space<vmem>>
      %dma_start3A_2277 = tpu.memref_squeeze %dma_start3A_2276 : memref<1x32x128xf32, #tpu.memory_space<vmem>> -> memref<32x128xf32, #tpu.memory_space<vmem>>
      %dma_start3A_2278 = arith.constant 0 : i32
      %dma_start3A_2279 = tpu.memref_slice %dma_start3A_2277[%dma_start3A_2273, %dma_start3A_2278] : memref<32x128xf32, #tpu.memory_space<vmem>> -> memref<1x128xf32, #tpu.memory_space<vmem>>
      %dma_start3A_2280 = tpu.memref_squeeze %dma_start3A_2279 : memref<1x128xf32, #tpu.memory_space<vmem>> -> memref<128xf32, #tpu.memory_space<vmem>>
      %dma_start3A_2281 = arith.constant 0 : i32
      %dma_start3A_2282 = arith.constant 0 : i32
      %dma_start3A_2283 = tpu.memref_slice %arg5[%dma_start3A_2270, %dma_start3A_2281, %dma_start3A_2282] : memref<2x32x128xi32, #tpu.memory_space<vmem>> -> memref<1x32x128xi32, #tpu.memory_space<vmem>>
      %dma_start3A_2284 = tpu.memref_squeeze %dma_start3A_2283 : memref<1x32x128xi32, #tpu.memory_space<vmem>> -> memref<32x128xi32, #tpu.memory_space<vmem>>
      %dma_start3A_2285 = arith.constant 0 : i32
      %dma_start3A_2286 = tpu.memref_slice %dma_start3A_2284[%dma_start3A_2271, %dma_start3A_2285] : memref<32x128xi32, #tpu.memory_space<vmem>> -> memref<1x128xi32, #tpu.memory_space<vmem>>
      %dma_start3A_2287 = tpu.memref_squeeze %dma_start3A_2286 : memref<1x128xi32, #tpu.memory_space<vmem>> -> memref<128xi32, #tpu.memory_space<vmem>>
      %dma_start3A_2288 = arith.constant 0 : i32
      %dma_start3A_2289 = tpu.memref_slice %arg2[%dma_start3A_2288] : memref<33554432xf32, #tpu.memory_space<hbm>> -> memref<33554432xf32, #tpu.memory_space<hbm>>
      tpu.enqueue_indirect_dma source(%dma_start3A_2289 : memref<33554432xf32, #tpu.memory_space<hbm>>) target(%dma_start3A_2280 : memref<128xf32, #tpu.memory_space<vmem>>) offsets(%dma_start3A_2287 : memref<128xi32, #tpu.memory_space<vmem>>) semaphore(%arg8 : memref<!tpu.dma_semaphore, #tpu.memory_space<semaphore_mem>>)
      %dma_start3A_2290 = arith.constant 1 : i32
      %dma_start3A_2291 = arith.constant 24 : i32
      %dma_start3A_2292 = arith.constant 1 : i32
      %dma_start3A_2293 = arith.constant 24 : i32
      %dma_start3A_2294 = arith.constant 0 : i32
      %dma_start3A_2295 = arith.constant 0 : i32
      %dma_start3A_2296 = tpu.memref_slice %arg6[%dma_start3A_2292, %dma_start3A_2294, %dma_start3A_2295] : memref<2x32x128xf32, #tpu.memory_space<vmem>> -> memref<1x32x128xf32, #tpu.memory_space<vmem>>
      %dma_start3A_2297 = tpu.memref_squeeze %dma_start3A_2296 : memref<1x32x128xf32, #tpu.memory_space<vmem>> -> memref<32x128xf32, #tpu.memory_space<vmem>>
      %dma_start3A_2298 = arith.constant 0 : i32
      %dma_start3A_2299 = tpu.memref_slice %dma_start3A_2297[%dma_start3A_2293, %dma_start3A_2298] : memref<32x128xf32, #tpu.memory_space<vmem>> -> memref<1x128xf32, #tpu.memory_space<vmem>>
      %dma_start3A_2300 = tpu.memref_squeeze %dma_start3A_2299 : memref<1x128xf32, #tpu.memory_space<vmem>> -> memref<128xf32, #tpu.memory_space<vmem>>
      %dma_start3A_2301 = arith.constant 0 : i32
      %dma_start3A_2302 = arith.constant 0 : i32
      %dma_start3A_2303 = tpu.memref_slice %arg5[%dma_start3A_2290, %dma_start3A_2301, %dma_start3A_2302] : memref<2x32x128xi32, #tpu.memory_space<vmem>> -> memref<1x32x128xi32, #tpu.memory_space<vmem>>
      %dma_start3A_2304 = tpu.memref_squeeze %dma_start3A_2303 : memref<1x32x128xi32, #tpu.memory_space<vmem>> -> memref<32x128xi32, #tpu.memory_space<vmem>>
      %dma_start3A_2305 = arith.constant 0 : i32
      %dma_start3A_2306 = tpu.memref_slice %dma_start3A_2304[%dma_start3A_2291, %dma_start3A_2305] : memref<32x128xi32, #tpu.memory_space<vmem>> -> memref<1x128xi32, #tpu.memory_space<vmem>>
      %dma_start3A_2307 = tpu.memref_squeeze %dma_start3A_2306 : memref<1x128xi32, #tpu.memory_space<vmem>> -> memref<128xi32, #tpu.memory_space<vmem>>
      %dma_start3A_2308 = arith.constant 0 : i32
      %dma_start3A_2309 = tpu.memref_slice %arg2[%dma_start3A_2308] : memref<33554432xf32, #tpu.memory_space<hbm>> -> memref<33554432xf32, #tpu.memory_space<hbm>>
      tpu.enqueue_indirect_dma source(%dma_start3A_2309 : memref<33554432xf32, #tpu.memory_space<hbm>>) target(%dma_start3A_2300 : memref<128xf32, #tpu.memory_space<vmem>>) offsets(%dma_start3A_2307 : memref<128xi32, #tpu.memory_space<vmem>>) semaphore(%arg8 : memref<!tpu.dma_semaphore, #tpu.memory_space<semaphore_mem>>)
      %dma_start3A_2310 = arith.constant 1 : i32
      %dma_start3A_2311 = arith.constant 25 : i32
      %dma_start3A_2312 = arith.constant 1 : i32
      %dma_start3A_2313 = arith.constant 25 : i32
      %dma_start3A_2314 = arith.constant 0 : i32
      %dma_start3A_2315 = arith.constant 0 : i32
      %dma_start3A_2316 = tpu.memref_slice %arg6[%dma_start3A_2312, %dma_start3A_2314, %dma_start3A_2315] : memref<2x32x128xf32, #tpu.memory_space<vmem>> -> memref<1x32x128xf32, #tpu.memory_space<vmem>>
      %dma_start3A_2317 = tpu.memref_squeeze %dma_start3A_2316 : memref<1x32x128xf32, #tpu.memory_space<vmem>> -> memref<32x128xf32, #tpu.memory_space<vmem>>
      %dma_start3A_2318 = arith.constant 0 : i32
      %dma_start3A_2319 = tpu.memref_slice %dma_start3A_2317[%dma_start3A_2313, %dma_start3A_2318] : memref<32x128xf32, #tpu.memory_space<vmem>> -> memref<1x128xf32, #tpu.memory_space<vmem>>
      %dma_start3A_2320 = tpu.memref_squeeze %dma_start3A_2319 : memref<1x128xf32, #tpu.memory_space<vmem>> -> memref<128xf32, #tpu.memory_space<vmem>>
      %dma_start3A_2321 = arith.constant 0 : i32
      %dma_start3A_2322 = arith.constant 0 : i32
      %dma_start3A_2323 = tpu.memref_slice %arg5[%dma_start3A_2310, %dma_start3A_2321, %dma_start3A_2322] : memref<2x32x128xi32, #tpu.memory_space<vmem>> -> memref<1x32x128xi32, #tpu.memory_space<vmem>>
      %dma_start3A_2324 = tpu.memref_squeeze %dma_start3A_2323 : memref<1x32x128xi32, #tpu.memory_space<vmem>> -> memref<32x128xi32, #tpu.memory_space<vmem>>
      %dma_start3A_2325 = arith.constant 0 : i32
      %dma_start3A_2326 = tpu.memref_slice %dma_start3A_2324[%dma_start3A_2311, %dma_start3A_2325] : memref<32x128xi32, #tpu.memory_space<vmem>> -> memref<1x128xi32, #tpu.memory_space<vmem>>
      %dma_start3A_2327 = tpu.memref_squeeze %dma_start3A_2326 : memref<1x128xi32, #tpu.memory_space<vmem>> -> memref<128xi32, #tpu.memory_space<vmem>>
      %dma_start3A_2328 = arith.constant 0 : i32
      %dma_start3A_2329 = tpu.memref_slice %arg2[%dma_start3A_2328] : memref<33554432xf32, #tpu.memory_space<hbm>> -> memref<33554432xf32, #tpu.memory_space<hbm>>
      tpu.enqueue_indirect_dma source(%dma_start3A_2329 : memref<33554432xf32, #tpu.memory_space<hbm>>) target(%dma_start3A_2320 : memref<128xf32, #tpu.memory_space<vmem>>) offsets(%dma_start3A_2327 : memref<128xi32, #tpu.memory_space<vmem>>) semaphore(%arg8 : memref<!tpu.dma_semaphore, #tpu.memory_space<semaphore_mem>>)
      %dma_start3A_2330 = arith.constant 1 : i32
      %dma_start3A_2331 = arith.constant 26 : i32
      %dma_start3A_2332 = arith.constant 1 : i32
      %dma_start3A_2333 = arith.constant 26 : i32
      %dma_start3A_2334 = arith.constant 0 : i32
      %dma_start3A_2335 = arith.constant 0 : i32
      %dma_start3A_2336 = tpu.memref_slice %arg6[%dma_start3A_2332, %dma_start3A_2334, %dma_start3A_2335] : memref<2x32x128xf32, #tpu.memory_space<vmem>> -> memref<1x32x128xf32, #tpu.memory_space<vmem>>
      %dma_start3A_2337 = tpu.memref_squeeze %dma_start3A_2336 : memref<1x32x128xf32, #tpu.memory_space<vmem>> -> memref<32x128xf32, #tpu.memory_space<vmem>>
      %dma_start3A_2338 = arith.constant 0 : i32
      %dma_start3A_2339 = tpu.memref_slice %dma_start3A_2337[%dma_start3A_2333, %dma_start3A_2338] : memref<32x128xf32, #tpu.memory_space<vmem>> -> memref<1x128xf32, #tpu.memory_space<vmem>>
      %dma_start3A_2340 = tpu.memref_squeeze %dma_start3A_2339 : memref<1x128xf32, #tpu.memory_space<vmem>> -> memref<128xf32, #tpu.memory_space<vmem>>
      %dma_start3A_2341 = arith.constant 0 : i32
      %dma_start3A_2342 = arith.constant 0 : i32
      %dma_start3A_2343 = tpu.memref_slice %arg5[%dma_start3A_2330, %dma_start3A_2341, %dma_start3A_2342] : memref<2x32x128xi32, #tpu.memory_space<vmem>> -> memref<1x32x128xi32, #tpu.memory_space<vmem>>
      %dma_start3A_2344 = tpu.memref_squeeze %dma_start3A_2343 : memref<1x32x128xi32, #tpu.memory_space<vmem>> -> memref<32x128xi32, #tpu.memory_space<vmem>>
      %dma_start3A_2345 = arith.constant 0 : i32
      %dma_start3A_2346 = tpu.memref_slice %dma_start3A_2344[%dma_start3A_2331, %dma_start3A_2345] : memref<32x128xi32, #tpu.memory_space<vmem>> -> memref<1x128xi32, #tpu.memory_space<vmem>>
      %dma_start3A_2347 = tpu.memref_squeeze %dma_start3A_2346 : memref<1x128xi32, #tpu.memory_space<vmem>> -> memref<128xi32, #tpu.memory_space<vmem>>
      %dma_start3A_2348 = arith.constant 0 : i32
      %dma_start3A_2349 = tpu.memref_slice %arg2[%dma_start3A_2348] : memref<33554432xf32, #tpu.memory_space<hbm>> -> memref<33554432xf32, #tpu.memory_space<hbm>>
      tpu.enqueue_indirect_dma source(%dma_start3A_2349 : memref<33554432xf32, #tpu.memory_space<hbm>>) target(%dma_start3A_2340 : memref<128xf32, #tpu.memory_space<vmem>>) offsets(%dma_start3A_2347 : memref<128xi32, #tpu.memory_space<vmem>>) semaphore(%arg8 : memref<!tpu.dma_semaphore, #tpu.memory_space<semaphore_mem>>)
      %dma_start3A_2350 = arith.constant 1 : i32
      %dma_start3A_2351 = arith.constant 27 : i32
      %dma_start3A_2352 = arith.constant 1 : i32
      %dma_start3A_2353 = arith.constant 27 : i32
      %dma_start3A_2354 = arith.constant 0 : i32
      %dma_start3A_2355 = arith.constant 0 : i32
      %dma_start3A_2356 = tpu.memref_slice %arg6[%dma_start3A_2352, %dma_start3A_2354, %dma_start3A_2355] : memref<2x32x128xf32, #tpu.memory_space<vmem>> -> memref<1x32x128xf32, #tpu.memory_space<vmem>>
      %dma_start3A_2357 = tpu.memref_squeeze %dma_start3A_2356 : memref<1x32x128xf32, #tpu.memory_space<vmem>> -> memref<32x128xf32, #tpu.memory_space<vmem>>
      %dma_start3A_2358 = arith.constant 0 : i32
      %dma_start3A_2359 = tpu.memref_slice %dma_start3A_2357[%dma_start3A_2353, %dma_start3A_2358] : memref<32x128xf32, #tpu.memory_space<vmem>> -> memref<1x128xf32, #tpu.memory_space<vmem>>
      %dma_start3A_2360 = tpu.memref_squeeze %dma_start3A_2359 : memref<1x128xf32, #tpu.memory_space<vmem>> -> memref<128xf32, #tpu.memory_space<vmem>>
      %dma_start3A_2361 = arith.constant 0 : i32
      %dma_start3A_2362 = arith.constant 0 : i32
      %dma_start3A_2363 = tpu.memref_slice %arg5[%dma_start3A_2350, %dma_start3A_2361, %dma_start3A_2362] : memref<2x32x128xi32, #tpu.memory_space<vmem>> -> memref<1x32x128xi32, #tpu.memory_space<vmem>>
      %dma_start3A_2364 = tpu.memref_squeeze %dma_start3A_2363 : memref<1x32x128xi32, #tpu.memory_space<vmem>> -> memref<32x128xi32, #tpu.memory_space<vmem>>
      %dma_start3A_2365 = arith.constant 0 : i32
      %dma_start3A_2366 = tpu.memref_slice %dma_start3A_2364[%dma_start3A_2351, %dma_start3A_2365] : memref<32x128xi32, #tpu.memory_space<vmem>> -> memref<1x128xi32, #tpu.memory_space<vmem>>
      %dma_start3A_2367 = tpu.memref_squeeze %dma_start3A_2366 : memref<1x128xi32, #tpu.memory_space<vmem>> -> memref<128xi32, #tpu.memory_space<vmem>>
      %dma_start3A_2368 = arith.constant 0 : i32
      %dma_start3A_2369 = tpu.memref_slice %arg2[%dma_start3A_2368] : memref<33554432xf32, #tpu.memory_space<hbm>> -> memref<33554432xf32, #tpu.memory_space<hbm>>
      tpu.enqueue_indirect_dma source(%dma_start3A_2369 : memref<33554432xf32, #tpu.memory_space<hbm>>) target(%dma_start3A_2360 : memref<128xf32, #tpu.memory_space<vmem>>) offsets(%dma_start3A_2367 : memref<128xi32, #tpu.memory_space<vmem>>) semaphore(%arg8 : memref<!tpu.dma_semaphore, #tpu.memory_space<semaphore_mem>>)
      %dma_start3A_2370 = arith.constant 1 : i32
      %dma_start3A_2371 = arith.constant 28 : i32
      %dma_start3A_2372 = arith.constant 1 : i32
      %dma_start3A_2373 = arith.constant 28 : i32
      %dma_start3A_2374 = arith.constant 0 : i32
      %dma_start3A_2375 = arith.constant 0 : i32
      %dma_start3A_2376 = tpu.memref_slice %arg6[%dma_start3A_2372, %dma_start3A_2374, %dma_start3A_2375] : memref<2x32x128xf32, #tpu.memory_space<vmem>> -> memref<1x32x128xf32, #tpu.memory_space<vmem>>
      %dma_start3A_2377 = tpu.memref_squeeze %dma_start3A_2376 : memref<1x32x128xf32, #tpu.memory_space<vmem>> -> memref<32x128xf32, #tpu.memory_space<vmem>>
      %dma_start3A_2378 = arith.constant 0 : i32
      %dma_start3A_2379 = tpu.memref_slice %dma_start3A_2377[%dma_start3A_2373, %dma_start3A_2378] : memref<32x128xf32, #tpu.memory_space<vmem>> -> memref<1x128xf32, #tpu.memory_space<vmem>>
      %dma_start3A_2380 = tpu.memref_squeeze %dma_start3A_2379 : memref<1x128xf32, #tpu.memory_space<vmem>> -> memref<128xf32, #tpu.memory_space<vmem>>
      %dma_start3A_2381 = arith.constant 0 : i32
      %dma_start3A_2382 = arith.constant 0 : i32
      %dma_start3A_2383 = tpu.memref_slice %arg5[%dma_start3A_2370, %dma_start3A_2381, %dma_start3A_2382] : memref<2x32x128xi32, #tpu.memory_space<vmem>> -> memref<1x32x128xi32, #tpu.memory_space<vmem>>
      %dma_start3A_2384 = tpu.memref_squeeze %dma_start3A_2383 : memref<1x32x128xi32, #tpu.memory_space<vmem>> -> memref<32x128xi32, #tpu.memory_space<vmem>>
      %dma_start3A_2385 = arith.constant 0 : i32
      %dma_start3A_2386 = tpu.memref_slice %dma_start3A_2384[%dma_start3A_2371, %dma_start3A_2385] : memref<32x128xi32, #tpu.memory_space<vmem>> -> memref<1x128xi32, #tpu.memory_space<vmem>>
      %dma_start3A_2387 = tpu.memref_squeeze %dma_start3A_2386 : memref<1x128xi32, #tpu.memory_space<vmem>> -> memref<128xi32, #tpu.memory_space<vmem>>
      %dma_start3A_2388 = arith.constant 0 : i32
      %dma_start3A_2389 = tpu.memref_slice %arg2[%dma_start3A_2388] : memref<33554432xf32, #tpu.memory_space<hbm>> -> memref<33554432xf32, #tpu.memory_space<hbm>>
      tpu.enqueue_indirect_dma source(%dma_start3A_2389 : memref<33554432xf32, #tpu.memory_space<hbm>>) target(%dma_start3A_2380 : memref<128xf32, #tpu.memory_space<vmem>>) offsets(%dma_start3A_2387 : memref<128xi32, #tpu.memory_space<vmem>>) semaphore(%arg8 : memref<!tpu.dma_semaphore, #tpu.memory_space<semaphore_mem>>)
      %dma_start3A_2390 = arith.constant 1 : i32
      %dma_start3A_2391 = arith.constant 29 : i32
      %dma_start3A_2392 = arith.constant 1 : i32
      %dma_start3A_2393 = arith.constant 29 : i32
      %dma_start3A_2394 = arith.constant 0 : i32
      %dma_start3A_2395 = arith.constant 0 : i32
      %dma_start3A_2396 = tpu.memref_slice %arg6[%dma_start3A_2392, %dma_start3A_2394, %dma_start3A_2395] : memref<2x32x128xf32, #tpu.memory_space<vmem>> -> memref<1x32x128xf32, #tpu.memory_space<vmem>>
      %dma_start3A_2397 = tpu.memref_squeeze %dma_start3A_2396 : memref<1x32x128xf32, #tpu.memory_space<vmem>> -> memref<32x128xf32, #tpu.memory_space<vmem>>
      %dma_start3A_2398 = arith.constant 0 : i32
      %dma_start3A_2399 = tpu.memref_slice %dma_start3A_2397[%dma_start3A_2393, %dma_start3A_2398] : memref<32x128xf32, #tpu.memory_space<vmem>> -> memref<1x128xf32, #tpu.memory_space<vmem>>
      %dma_start3A_2400 = tpu.memref_squeeze %dma_start3A_2399 : memref<1x128xf32, #tpu.memory_space<vmem>> -> memref<128xf32, #tpu.memory_space<vmem>>
      %dma_start3A_2401 = arith.constant 0 : i32
      %dma_start3A_2402 = arith.constant 0 : i32
      %dma_start3A_2403 = tpu.memref_slice %arg5[%dma_start3A_2390, %dma_start3A_2401, %dma_start3A_2402] : memref<2x32x128xi32, #tpu.memory_space<vmem>> -> memref<1x32x128xi32, #tpu.memory_space<vmem>>
      %dma_start3A_2404 = tpu.memref_squeeze %dma_start3A_2403 : memref<1x32x128xi32, #tpu.memory_space<vmem>> -> memref<32x128xi32, #tpu.memory_space<vmem>>
      %dma_start3A_2405 = arith.constant 0 : i32
      %dma_start3A_2406 = tpu.memref_slice %dma_start3A_2404[%dma_start3A_2391, %dma_start3A_2405] : memref<32x128xi32, #tpu.memory_space<vmem>> -> memref<1x128xi32, #tpu.memory_space<vmem>>
      %dma_start3A_2407 = tpu.memref_squeeze %dma_start3A_2406 : memref<1x128xi32, #tpu.memory_space<vmem>> -> memref<128xi32, #tpu.memory_space<vmem>>
      %dma_start3A_2408 = arith.constant 0 : i32
      %dma_start3A_2409 = tpu.memref_slice %arg2[%dma_start3A_2408] : memref<33554432xf32, #tpu.memory_space<hbm>> -> memref<33554432xf32, #tpu.memory_space<hbm>>
      tpu.enqueue_indirect_dma source(%dma_start3A_2409 : memref<33554432xf32, #tpu.memory_space<hbm>>) target(%dma_start3A_2400 : memref<128xf32, #tpu.memory_space<vmem>>) offsets(%dma_start3A_2407 : memref<128xi32, #tpu.memory_space<vmem>>) semaphore(%arg8 : memref<!tpu.dma_semaphore, #tpu.memory_space<semaphore_mem>>)
      %dma_start3A_2410 = arith.constant 1 : i32
      %dma_start3A_2411 = arith.constant 30 : i32
      %dma_start3A_2412 = arith.constant 1 : i32
      %dma_start3A_2413 = arith.constant 30 : i32
      %dma_start3A_2414 = arith.constant 0 : i32
      %dma_start3A_2415 = arith.constant 0 : i32
      %dma_start3A_2416 = tpu.memref_slice %arg6[%dma_start3A_2412, %dma_start3A_2414, %dma_start3A_2415] : memref<2x32x128xf32, #tpu.memory_space<vmem>> -> memref<1x32x128xf32, #tpu.memory_space<vmem>>
      %dma_start3A_2417 = tpu.memref_squeeze %dma_start3A_2416 : memref<1x32x128xf32, #tpu.memory_space<vmem>> -> memref<32x128xf32, #tpu.memory_space<vmem>>
      %dma_start3A_2418 = arith.constant 0 : i32
      %dma_start3A_2419 = tpu.memref_slice %dma_start3A_2417[%dma_start3A_2413, %dma_start3A_2418] : memref<32x128xf32, #tpu.memory_space<vmem>> -> memref<1x128xf32, #tpu.memory_space<vmem>>
      %dma_start3A_2420 = tpu.memref_squeeze %dma_start3A_2419 : memref<1x128xf32, #tpu.memory_space<vmem>> -> memref<128xf32, #tpu.memory_space<vmem>>
      %dma_start3A_2421 = arith.constant 0 : i32
      %dma_start3A_2422 = arith.constant 0 : i32
      %dma_start3A_2423 = tpu.memref_slice %arg5[%dma_start3A_2410, %dma_start3A_2421, %dma_start3A_2422] : memref<2x32x128xi32, #tpu.memory_space<vmem>> -> memref<1x32x128xi32, #tpu.memory_space<vmem>>
      %dma_start3A_2424 = tpu.memref_squeeze %dma_start3A_2423 : memref<1x32x128xi32, #tpu.memory_space<vmem>> -> memref<32x128xi32, #tpu.memory_space<vmem>>
      %dma_start3A_2425 = arith.constant 0 : i32
      %dma_start3A_2426 = tpu.memref_slice %dma_start3A_2424[%dma_start3A_2411, %dma_start3A_2425] : memref<32x128xi32, #tpu.memory_space<vmem>> -> memref<1x128xi32, #tpu.memory_space<vmem>>
      %dma_start3A_2427 = tpu.memref_squeeze %dma_start3A_2426 : memref<1x128xi32, #tpu.memory_space<vmem>> -> memref<128xi32, #tpu.memory_space<vmem>>
      %dma_start3A_2428 = arith.constant 0 : i32
      %dma_start3A_2429 = tpu.memref_slice %arg2[%dma_start3A_2428] : memref<33554432xf32, #tpu.memory_space<hbm>> -> memref<33554432xf32, #tpu.memory_space<hbm>>
      tpu.enqueue_indirect_dma source(%dma_start3A_2429 : memref<33554432xf32, #tpu.memory_space<hbm>>) target(%dma_start3A_2420 : memref<128xf32, #tpu.memory_space<vmem>>) offsets(%dma_start3A_2427 : memref<128xi32, #tpu.memory_space<vmem>>) semaphore(%arg8 : memref<!tpu.dma_semaphore, #tpu.memory_space<semaphore_mem>>)
      %dma_start3A_2430 = arith.constant 1 : i32
      %dma_start3A_2431 = arith.constant 31 : i32
      %dma_start3A_2432 = arith.constant 1 : i32
      %dma_start3A_2433 = arith.constant 31 : i32
      %dma_start3A_2434 = arith.constant 0 : i32
      %dma_start3A_2435 = arith.constant 0 : i32
      %dma_start3A_2436 = tpu.memref_slice %arg6[%dma_start3A_2432, %dma_start3A_2434, %dma_start3A_2435] : memref<2x32x128xf32, #tpu.memory_space<vmem>> -> memref<1x32x128xf32, #tpu.memory_space<vmem>>
      %dma_start3A_2437 = tpu.memref_squeeze %dma_start3A_2436 : memref<1x32x128xf32, #tpu.memory_space<vmem>> -> memref<32x128xf32, #tpu.memory_space<vmem>>
      %dma_start3A_2438 = arith.constant 0 : i32
      %dma_start3A_2439 = tpu.memref_slice %dma_start3A_2437[%dma_start3A_2433, %dma_start3A_2438] : memref<32x128xf32, #tpu.memory_space<vmem>> -> memref<1x128xf32, #tpu.memory_space<vmem>>
      %dma_start3A_2440 = tpu.memref_squeeze %dma_start3A_2439 : memref<1x128xf32, #tpu.memory_space<vmem>> -> memref<128xf32, #tpu.memory_space<vmem>>
      %dma_start3A_2441 = arith.constant 0 : i32
      %dma_start3A_2442 = arith.constant 0 : i32
      %dma_start3A_2443 = tpu.memref_slice %arg5[%dma_start3A_2430, %dma_start3A_2441, %dma_start3A_2442] : memref<2x32x128xi32, #tpu.memory_space<vmem>> -> memref<1x32x128xi32, #tpu.memory_space<vmem>>
      %dma_start3A_2444 = tpu.memref_squeeze %dma_start3A_2443 : memref<1x32x128xi32, #tpu.memory_space<vmem>> -> memref<32x128xi32, #tpu.memory_space<vmem>>
      %dma_start3A_2445 = arith.constant 0 : i32
      %dma_start3A_2446 = tpu.memref_slice %dma_start3A_2444[%dma_start3A_2431, %dma_start3A_2445] : memref<32x128xi32, #tpu.memory_space<vmem>> -> memref<1x128xi32, #tpu.memory_space<vmem>>
      %dma_start3A_2447 = tpu.memref_squeeze %dma_start3A_2446 : memref<1x128xi32, #tpu.memory_space<vmem>> -> memref<128xi32, #tpu.memory_space<vmem>>
      %dma_start3A_2448 = arith.constant 0 : i32
      %dma_start3A_2449 = tpu.memref_slice %arg2[%dma_start3A_2448] : memref<33554432xf32, #tpu.memory_space<hbm>> -> memref<33554432xf32, #tpu.memory_space<hbm>>
      tpu.enqueue_indirect_dma source(%dma_start3A_2449 : memref<33554432xf32, #tpu.memory_space<hbm>>) target(%dma_start3A_2440 : memref<128xf32, #tpu.memory_space<vmem>>) offsets(%dma_start3A_2447 : memref<128xi32, #tpu.memory_space<vmem>>) semaphore(%arg8 : memref<!tpu.dma_semaphore, #tpu.memory_space<semaphore_mem>>)
      %add3A_2450 = arith.constant 1 : i32
      %add3A_2451 = arith.addi %add3A_1712, %add3A_2450 : i32
      %lt3A_2452 = arith.constant 16 : i32
      %lt3A_2453 = arith.cmpi slt, %add3A_2451, %lt3A_2452 : i32
      %convert_element_type3A_2454 = arith.extui %lt3A_2453 : i1 to i32
      %cond3A_2455 = arith.constant 0 : i32
      %cond3A_2456 = arith.cmpi ne, %convert_element_type3A_2454, %cond3A_2455 : i32
      scf.if %cond3A_2456 {
        %add3A_3189 = arith.constant 1 : i32
        %add3A_3190 = arith.addi %add3A_1712, %add3A_3189 : i32
        %mul3A_3191 = arith.constant 4 : i32
        %mul3A_3192 = arith.muli %add3A_3190, %mul3A_3191 : i32
        %mul3A_3193 = arith.constant 128 : i32
        %mul3A_3194 = arith.muli %mul3A_3192, %mul3A_3193 : i32
        %add3A_3195 = arith.constant 0 : i32
        %add3A_3196 = arith.addi %mul3A_3194, %add3A_3195 : i32
        %dma_start3A_3197 = arith.constant 0 : i32
        %dma_start3A_3198 = arith.constant 0 : i32
        %dma_start3A_3199 = arith.constant 0 : i32
        %dma_start3A_3200 = tpu.memref_slice %arg5[%dma_start3A_3197, %dma_start3A_3198, %dma_start3A_3199] : memref<2x32x128xi32, #tpu.memory_space<vmem>> -> memref<1x32x128xi32, #tpu.memory_space<vmem>>
        %dma_start3A_3201 = tpu.memref_squeeze %dma_start3A_3200 : memref<1x32x128xi32, #tpu.memory_space<vmem>> -> memref<32x128xi32, #tpu.memory_space<vmem>>
        %dma_start3A_3202 = arith.constant 0 : i32
        %dma_start3A_3203 = arith.constant 0 : i32
        %dma_start3A_3204 = tpu.memref_slice %dma_start3A_3201[%dma_start3A_3202, %dma_start3A_3203] : memref<32x128xi32, #tpu.memory_space<vmem>> -> memref<8x128xi32, #tpu.memory_space<vmem>>
        %dma_start3A_3205 = tpu.memref_slice %arg3[%mul3A_2, %add3A_3196] : memref<256x8192xi32, #tpu.memory_space<hbm>> -> memref<8x128xi32, #tpu.memory_space<hbm>>
        %dma_start3A_3206 = arith.constant 0 : i32
        %dma_start3A_3207 = arith.constant 0 : i32
        %dma_start3A_3208 = tpu.memref_slice %arg5[%dma_start3A_3197, %dma_start3A_3206, %dma_start3A_3207] : memref<2x32x128xi32, #tpu.memory_space<vmem>> -> memref<1x32x128xi32, #tpu.memory_space<vmem>>
        %dma_start3A_3209 = tpu.memref_squeeze %dma_start3A_3208 : memref<1x32x128xi32, #tpu.memory_space<vmem>> -> memref<32x128xi32, #tpu.memory_space<vmem>>
        %dma_start3A_3210 = arith.constant 0 : i32
        %dma_start3A_3211 = arith.constant 0 : i32
        %dma_start3A_3212 = tpu.memref_slice %dma_start3A_3209[%dma_start3A_3210, %dma_start3A_3211] : memref<32x128xi32, #tpu.memory_space<vmem>> -> memref<8x128xi32, #tpu.memory_space<vmem>>
        %dma_start3A_3213 = tpu.memref_slice %arg3[%mul3A_2, %add3A_3196] : memref<256x8192xi32, #tpu.memory_space<hbm>> -> memref<8x128xi32, #tpu.memory_space<hbm>>
        tpu.enqueue_dma source(%dma_start3A_3213 : memref<8x128xi32, #tpu.memory_space<hbm>>) target(%dma_start3A_3212 : memref<8x128xi32, #tpu.memory_space<vmem>>) target_semaphore(%arg7 : memref<!tpu.dma_semaphore, #tpu.memory_space<semaphore_mem>>)
        %add3A_3214 = arith.constant 1 : i32
        %add3A_3215 = arith.addi %add3A_1712, %add3A_3214 : i32
        %mul3A_3216 = arith.constant 4 : i32
        %mul3A_3217 = arith.muli %add3A_3215, %mul3A_3216 : i32
        %mul3A_3218 = arith.constant 128 : i32
        %mul3A_3219 = arith.muli %mul3A_3217, %mul3A_3218 : i32
        %add3A_3220 = arith.constant 128 : i32
        %add3A_3221 = arith.addi %mul3A_3219, %add3A_3220 : i32
        %dma_start3A_3222 = arith.constant 0 : i32
        %dma_start3A_3223 = arith.constant 0 : i32
        %dma_start3A_3224 = arith.constant 0 : i32
        %dma_start3A_3225 = tpu.memref_slice %arg5[%dma_start3A_3222, %dma_start3A_3223, %dma_start3A_3224] : memref<2x32x128xi32, #tpu.memory_space<vmem>> -> memref<1x32x128xi32, #tpu.memory_space<vmem>>
        %dma_start3A_3226 = tpu.memref_squeeze %dma_start3A_3225 : memref<1x32x128xi32, #tpu.memory_space<vmem>> -> memref<32x128xi32, #tpu.memory_space<vmem>>
        %dma_start3A_3227 = arith.constant 8 : i32
        %dma_start3A_3228 = arith.constant 0 : i32
        %dma_start3A_3229 = tpu.memref_slice %dma_start3A_3226[%dma_start3A_3227, %dma_start3A_3228] : memref<32x128xi32, #tpu.memory_space<vmem>> -> memref<8x128xi32, #tpu.memory_space<vmem>>
        %dma_start3A_3230 = tpu.memref_slice %arg3[%mul3A_2, %add3A_3221] : memref<256x8192xi32, #tpu.memory_space<hbm>> -> memref<8x128xi32, #tpu.memory_space<hbm>>
        %dma_start3A_3231 = arith.constant 0 : i32
        %dma_start3A_3232 = arith.constant 0 : i32
        %dma_start3A_3233 = tpu.memref_slice %arg5[%dma_start3A_3222, %dma_start3A_3231, %dma_start3A_3232] : memref<2x32x128xi32, #tpu.memory_space<vmem>> -> memref<1x32x128xi32, #tpu.memory_space<vmem>>
        %dma_start3A_3234 = tpu.memref_squeeze %dma_start3A_3233 : memref<1x32x128xi32, #tpu.memory_space<vmem>> -> memref<32x128xi32, #tpu.memory_space<vmem>>
        %dma_start3A_3235 = arith.constant 8 : i32
        %dma_start3A_3236 = arith.constant 0 : i32
        %dma_start3A_3237 = tpu.memref_slice %dma_start3A_3234[%dma_start3A_3235, %dma_start3A_3236] : memref<32x128xi32, #tpu.memory_space<vmem>> -> memref<8x128xi32, #tpu.memory_space<vmem>>
        %dma_start3A_3238 = tpu.memref_slice %arg3[%mul3A_2, %add3A_3221] : memref<256x8192xi32, #tpu.memory_space<hbm>> -> memref<8x128xi32, #tpu.memory_space<hbm>>
        tpu.enqueue_dma source(%dma_start3A_3238 : memref<8x128xi32, #tpu.memory_space<hbm>>) target(%dma_start3A_3237 : memref<8x128xi32, #tpu.memory_space<vmem>>) target_semaphore(%arg7 : memref<!tpu.dma_semaphore, #tpu.memory_space<semaphore_mem>>)
        %add3A_3239 = arith.constant 1 : i32
        %add3A_3240 = arith.addi %add3A_1712, %add3A_3239 : i32
        %mul3A_3241 = arith.constant 4 : i32
        %mul3A_3242 = arith.muli %add3A_3240, %mul3A_3241 : i32
        %mul3A_3243 = arith.constant 128 : i32
        %mul3A_3244 = arith.muli %mul3A_3242, %mul3A_3243 : i32
        %add3A_3245 = arith.constant 256 : i32
        %add3A_3246 = arith.addi %mul3A_3244, %add3A_3245 : i32
        %dma_start3A_3247 = arith.constant 0 : i32
        %dma_start3A_3248 = arith.constant 0 : i32
        %dma_start3A_3249 = arith.constant 0 : i32
        %dma_start3A_3250 = tpu.memref_slice %arg5[%dma_start3A_3247, %dma_start3A_3248, %dma_start3A_3249] : memref<2x32x128xi32, #tpu.memory_space<vmem>> -> memref<1x32x128xi32, #tpu.memory_space<vmem>>
        %dma_start3A_3251 = tpu.memref_squeeze %dma_start3A_3250 : memref<1x32x128xi32, #tpu.memory_space<vmem>> -> memref<32x128xi32, #tpu.memory_space<vmem>>
        %dma_start3A_3252 = arith.constant 16 : i32
        %dma_start3A_3253 = arith.constant 0 : i32
        %dma_start3A_3254 = tpu.memref_slice %dma_start3A_3251[%dma_start3A_3252, %dma_start3A_3253] : memref<32x128xi32, #tpu.memory_space<vmem>> -> memref<8x128xi32, #tpu.memory_space<vmem>>
        %dma_start3A_3255 = tpu.memref_slice %arg3[%mul3A_2, %add3A_3246] : memref<256x8192xi32, #tpu.memory_space<hbm>> -> memref<8x128xi32, #tpu.memory_space<hbm>>
        %dma_start3A_3256 = arith.constant 0 : i32
        %dma_start3A_3257 = arith.constant 0 : i32
        %dma_start3A_3258 = tpu.memref_slice %arg5[%dma_start3A_3247, %dma_start3A_3256, %dma_start3A_3257] : memref<2x32x128xi32, #tpu.memory_space<vmem>> -> memref<1x32x128xi32, #tpu.memory_space<vmem>>
        %dma_start3A_3259 = tpu.memref_squeeze %dma_start3A_3258 : memref<1x32x128xi32, #tpu.memory_space<vmem>> -> memref<32x128xi32, #tpu.memory_space<vmem>>
        %dma_start3A_3260 = arith.constant 16 : i32
        %dma_start3A_3261 = arith.constant 0 : i32
        %dma_start3A_3262 = tpu.memref_slice %dma_start3A_3259[%dma_start3A_3260, %dma_start3A_3261] : memref<32x128xi32, #tpu.memory_space<vmem>> -> memref<8x128xi32, #tpu.memory_space<vmem>>
        %dma_start3A_3263 = tpu.memref_slice %arg3[%mul3A_2, %add3A_3246] : memref<256x8192xi32, #tpu.memory_space<hbm>> -> memref<8x128xi32, #tpu.memory_space<hbm>>
        tpu.enqueue_dma source(%dma_start3A_3263 : memref<8x128xi32, #tpu.memory_space<hbm>>) target(%dma_start3A_3262 : memref<8x128xi32, #tpu.memory_space<vmem>>) target_semaphore(%arg7 : memref<!tpu.dma_semaphore, #tpu.memory_space<semaphore_mem>>)
        %add3A_3264 = arith.constant 1 : i32
        %add3A_3265 = arith.addi %add3A_1712, %add3A_3264 : i32
        %mul3A_3266 = arith.constant 4 : i32
        %mul3A_3267 = arith.muli %add3A_3265, %mul3A_3266 : i32
        %mul3A_3268 = arith.constant 128 : i32
        %mul3A_3269 = arith.muli %mul3A_3267, %mul3A_3268 : i32
        %add3A_3270 = arith.constant 384 : i32
        %add3A_3271 = arith.addi %mul3A_3269, %add3A_3270 : i32
        %dma_start3A_3272 = arith.constant 0 : i32
        %dma_start3A_3273 = arith.constant 0 : i32
        %dma_start3A_3274 = arith.constant 0 : i32
        %dma_start3A_3275 = tpu.memref_slice %arg5[%dma_start3A_3272, %dma_start3A_3273, %dma_start3A_3274] : memref<2x32x128xi32, #tpu.memory_space<vmem>> -> memref<1x32x128xi32, #tpu.memory_space<vmem>>
        %dma_start3A_3276 = tpu.memref_squeeze %dma_start3A_3275 : memref<1x32x128xi32, #tpu.memory_space<vmem>> -> memref<32x128xi32, #tpu.memory_space<vmem>>
        %dma_start3A_3277 = arith.constant 24 : i32
        %dma_start3A_3278 = arith.constant 0 : i32
        %dma_start3A_3279 = tpu.memref_slice %dma_start3A_3276[%dma_start3A_3277, %dma_start3A_3278] : memref<32x128xi32, #tpu.memory_space<vmem>> -> memref<8x128xi32, #tpu.memory_space<vmem>>
        %dma_start3A_3280 = tpu.memref_slice %arg3[%mul3A_2, %add3A_3271] : memref<256x8192xi32, #tpu.memory_space<hbm>> -> memref<8x128xi32, #tpu.memory_space<hbm>>
        %dma_start3A_3281 = arith.constant 0 : i32
        %dma_start3A_3282 = arith.constant 0 : i32
        %dma_start3A_3283 = tpu.memref_slice %arg5[%dma_start3A_3272, %dma_start3A_3281, %dma_start3A_3282] : memref<2x32x128xi32, #tpu.memory_space<vmem>> -> memref<1x32x128xi32, #tpu.memory_space<vmem>>
        %dma_start3A_3284 = tpu.memref_squeeze %dma_start3A_3283 : memref<1x32x128xi32, #tpu.memory_space<vmem>> -> memref<32x128xi32, #tpu.memory_space<vmem>>
        %dma_start3A_3285 = arith.constant 24 : i32
        %dma_start3A_3286 = arith.constant 0 : i32
        %dma_start3A_3287 = tpu.memref_slice %dma_start3A_3284[%dma_start3A_3285, %dma_start3A_3286] : memref<32x128xi32, #tpu.memory_space<vmem>> -> memref<8x128xi32, #tpu.memory_space<vmem>>
        %dma_start3A_3288 = tpu.memref_slice %arg3[%mul3A_2, %add3A_3271] : memref<256x8192xi32, #tpu.memory_space<hbm>> -> memref<8x128xi32, #tpu.memory_space<hbm>>
        tpu.enqueue_dma source(%dma_start3A_3288 : memref<8x128xi32, #tpu.memory_space<hbm>>) target(%dma_start3A_3287 : memref<8x128xi32, #tpu.memory_space<vmem>>) target_semaphore(%arg7 : memref<!tpu.dma_semaphore, #tpu.memory_space<semaphore_mem>>)
      } else {
      }
      %dma_wait3A_2457 = arith.constant 1 : i32
      %dma_wait3A_2458 = arith.constant 0 : i32
      %dma_wait3A_2459 = arith.constant 1 : i32
      %dma_wait3A_2460 = arith.constant 0 : i32
      %dma_wait3A_2461 = arith.constant 0 : i32
      %dma_wait3A_2462 = arith.constant 0 : i32
      %dma_wait3A_2463 = tpu.memref_slice %arg6[%dma_wait3A_2459, %dma_wait3A_2461, %dma_wait3A_2462] : memref<2x32x128xf32, #tpu.memory_space<vmem>> -> memref<1x32x128xf32, #tpu.memory_space<vmem>>
      %dma_wait3A_2464 = tpu.memref_squeeze %dma_wait3A_2463 : memref<1x32x128xf32, #tpu.memory_space<vmem>> -> memref<32x128xf32, #tpu.memory_space<vmem>>
      %dma_wait3A_2465 = arith.constant 0 : i32
      %dma_wait3A_2466 = tpu.memref_slice %dma_wait3A_2464[%dma_wait3A_2460, %dma_wait3A_2465] : memref<32x128xf32, #tpu.memory_space<vmem>> -> memref<1x128xf32, #tpu.memory_space<vmem>>
      %dma_wait3A_2467 = tpu.memref_squeeze %dma_wait3A_2466 : memref<1x128xf32, #tpu.memory_space<vmem>> -> memref<128xf32, #tpu.memory_space<vmem>>
      %dma_wait3A_2468 = arith.constant 0 : i32
      %dma_wait3A_2469 = arith.constant 0 : i32
      %dma_wait3A_2470 = tpu.memref_slice %arg5[%dma_wait3A_2457, %dma_wait3A_2468, %dma_wait3A_2469] : memref<2x32x128xi32, #tpu.memory_space<vmem>> -> memref<1x32x128xi32, #tpu.memory_space<vmem>>
      %dma_wait3A_2471 = tpu.memref_squeeze %dma_wait3A_2470 : memref<1x32x128xi32, #tpu.memory_space<vmem>> -> memref<32x128xi32, #tpu.memory_space<vmem>>
      %dma_wait3A_2472 = arith.constant 0 : i32
      %dma_wait3A_2473 = tpu.memref_slice %dma_wait3A_2471[%dma_wait3A_2458, %dma_wait3A_2472] : memref<32x128xi32, #tpu.memory_space<vmem>> -> memref<1x128xi32, #tpu.memory_space<vmem>>
      %dma_wait3A_2474 = tpu.memref_squeeze %dma_wait3A_2473 : memref<1x128xi32, #tpu.memory_space<vmem>> -> memref<128xi32, #tpu.memory_space<vmem>>
      %dma_wait3A_2475 = arith.constant 0 : i32
      %dma_wait3A_2476 = tpu.memref_slice %arg2[%dma_wait3A_2475] : memref<33554432xf32, #tpu.memory_space<hbm>> -> memref<33554432xf32, #tpu.memory_space<hbm>>
      tpu.wait_indirect_dma semaphore(%arg8 : memref<!tpu.dma_semaphore, #tpu.memory_space<semaphore_mem>>) src(%dma_wait3A_2476 : memref<33554432xf32, #tpu.memory_space<hbm>>) dst(%dma_wait3A_2467 : memref<128xf32, #tpu.memory_space<vmem>>)
      %dma_wait3A_2477 = arith.constant 1 : i32
      %dma_wait3A_2478 = arith.constant 1 : i32
      %dma_wait3A_2479 = arith.constant 1 : i32
      %dma_wait3A_2480 = arith.constant 1 : i32
      %dma_wait3A_2481 = arith.constant 0 : i32
      %dma_wait3A_2482 = arith.constant 0 : i32
      %dma_wait3A_2483 = tpu.memref_slice %arg6[%dma_wait3A_2479, %dma_wait3A_2481, %dma_wait3A_2482] : memref<2x32x128xf32, #tpu.memory_space<vmem>> -> memref<1x32x128xf32, #tpu.memory_space<vmem>>
      %dma_wait3A_2484 = tpu.memref_squeeze %dma_wait3A_2483 : memref<1x32x128xf32, #tpu.memory_space<vmem>> -> memref<32x128xf32, #tpu.memory_space<vmem>>
      %dma_wait3A_2485 = arith.constant 0 : i32
      %dma_wait3A_2486 = tpu.memref_slice %dma_wait3A_2484[%dma_wait3A_2480, %dma_wait3A_2485] : memref<32x128xf32, #tpu.memory_space<vmem>> -> memref<1x128xf32, #tpu.memory_space<vmem>>
      %dma_wait3A_2487 = tpu.memref_squeeze %dma_wait3A_2486 : memref<1x128xf32, #tpu.memory_space<vmem>> -> memref<128xf32, #tpu.memory_space<vmem>>
      %dma_wait3A_2488 = arith.constant 0 : i32
      %dma_wait3A_2489 = arith.constant 0 : i32
      %dma_wait3A_2490 = tpu.memref_slice %arg5[%dma_wait3A_2477, %dma_wait3A_2488, %dma_wait3A_2489] : memref<2x32x128xi32, #tpu.memory_space<vmem>> -> memref<1x32x128xi32, #tpu.memory_space<vmem>>
      %dma_wait3A_2491 = tpu.memref_squeeze %dma_wait3A_2490 : memref<1x32x128xi32, #tpu.memory_space<vmem>> -> memref<32x128xi32, #tpu.memory_space<vmem>>
      %dma_wait3A_2492 = arith.constant 0 : i32
      %dma_wait3A_2493 = tpu.memref_slice %dma_wait3A_2491[%dma_wait3A_2478, %dma_wait3A_2492] : memref<32x128xi32, #tpu.memory_space<vmem>> -> memref<1x128xi32, #tpu.memory_space<vmem>>
      %dma_wait3A_2494 = tpu.memref_squeeze %dma_wait3A_2493 : memref<1x128xi32, #tpu.memory_space<vmem>> -> memref<128xi32, #tpu.memory_space<vmem>>
      %dma_wait3A_2495 = arith.constant 0 : i32
      %dma_wait3A_2496 = tpu.memref_slice %arg2[%dma_wait3A_2495] : memref<33554432xf32, #tpu.memory_space<hbm>> -> memref<33554432xf32, #tpu.memory_space<hbm>>
      tpu.wait_indirect_dma semaphore(%arg8 : memref<!tpu.dma_semaphore, #tpu.memory_space<semaphore_mem>>) src(%dma_wait3A_2496 : memref<33554432xf32, #tpu.memory_space<hbm>>) dst(%dma_wait3A_2487 : memref<128xf32, #tpu.memory_space<vmem>>)
      %dma_wait3A_2497 = arith.constant 1 : i32
      %dma_wait3A_2498 = arith.constant 2 : i32
      %dma_wait3A_2499 = arith.constant 1 : i32
      %dma_wait3A_2500 = arith.constant 2 : i32
      %dma_wait3A_2501 = arith.constant 0 : i32
      %dma_wait3A_2502 = arith.constant 0 : i32
      %dma_wait3A_2503 = tpu.memref_slice %arg6[%dma_wait3A_2499, %dma_wait3A_2501, %dma_wait3A_2502] : memref<2x32x128xf32, #tpu.memory_space<vmem>> -> memref<1x32x128xf32, #tpu.memory_space<vmem>>
      %dma_wait3A_2504 = tpu.memref_squeeze %dma_wait3A_2503 : memref<1x32x128xf32, #tpu.memory_space<vmem>> -> memref<32x128xf32, #tpu.memory_space<vmem>>
      %dma_wait3A_2505 = arith.constant 0 : i32
      %dma_wait3A_2506 = tpu.memref_slice %dma_wait3A_2504[%dma_wait3A_2500, %dma_wait3A_2505] : memref<32x128xf32, #tpu.memory_space<vmem>> -> memref<1x128xf32, #tpu.memory_space<vmem>>
      %dma_wait3A_2507 = tpu.memref_squeeze %dma_wait3A_2506 : memref<1x128xf32, #tpu.memory_space<vmem>> -> memref<128xf32, #tpu.memory_space<vmem>>
      %dma_wait3A_2508 = arith.constant 0 : i32
      %dma_wait3A_2509 = arith.constant 0 : i32
      %dma_wait3A_2510 = tpu.memref_slice %arg5[%dma_wait3A_2497, %dma_wait3A_2508, %dma_wait3A_2509] : memref<2x32x128xi32, #tpu.memory_space<vmem>> -> memref<1x32x128xi32, #tpu.memory_space<vmem>>
      %dma_wait3A_2511 = tpu.memref_squeeze %dma_wait3A_2510 : memref<1x32x128xi32, #tpu.memory_space<vmem>> -> memref<32x128xi32, #tpu.memory_space<vmem>>
      %dma_wait3A_2512 = arith.constant 0 : i32
      %dma_wait3A_2513 = tpu.memref_slice %dma_wait3A_2511[%dma_wait3A_2498, %dma_wait3A_2512] : memref<32x128xi32, #tpu.memory_space<vmem>> -> memref<1x128xi32, #tpu.memory_space<vmem>>
      %dma_wait3A_2514 = tpu.memref_squeeze %dma_wait3A_2513 : memref<1x128xi32, #tpu.memory_space<vmem>> -> memref<128xi32, #tpu.memory_space<vmem>>
      %dma_wait3A_2515 = arith.constant 0 : i32
      %dma_wait3A_2516 = tpu.memref_slice %arg2[%dma_wait3A_2515] : memref<33554432xf32, #tpu.memory_space<hbm>> -> memref<33554432xf32, #tpu.memory_space<hbm>>
      tpu.wait_indirect_dma semaphore(%arg8 : memref<!tpu.dma_semaphore, #tpu.memory_space<semaphore_mem>>) src(%dma_wait3A_2516 : memref<33554432xf32, #tpu.memory_space<hbm>>) dst(%dma_wait3A_2507 : memref<128xf32, #tpu.memory_space<vmem>>)
      %dma_wait3A_2517 = arith.constant 1 : i32
      %dma_wait3A_2518 = arith.constant 3 : i32
      %dma_wait3A_2519 = arith.constant 1 : i32
      %dma_wait3A_2520 = arith.constant 3 : i32
      %dma_wait3A_2521 = arith.constant 0 : i32
      %dma_wait3A_2522 = arith.constant 0 : i32
      %dma_wait3A_2523 = tpu.memref_slice %arg6[%dma_wait3A_2519, %dma_wait3A_2521, %dma_wait3A_2522] : memref<2x32x128xf32, #tpu.memory_space<vmem>> -> memref<1x32x128xf32, #tpu.memory_space<vmem>>
      %dma_wait3A_2524 = tpu.memref_squeeze %dma_wait3A_2523 : memref<1x32x128xf32, #tpu.memory_space<vmem>> -> memref<32x128xf32, #tpu.memory_space<vmem>>
      %dma_wait3A_2525 = arith.constant 0 : i32
      %dma_wait3A_2526 = tpu.memref_slice %dma_wait3A_2524[%dma_wait3A_2520, %dma_wait3A_2525] : memref<32x128xf32, #tpu.memory_space<vmem>> -> memref<1x128xf32, #tpu.memory_space<vmem>>
      %dma_wait3A_2527 = tpu.memref_squeeze %dma_wait3A_2526 : memref<1x128xf32, #tpu.memory_space<vmem>> -> memref<128xf32, #tpu.memory_space<vmem>>
      %dma_wait3A_2528 = arith.constant 0 : i32
      %dma_wait3A_2529 = arith.constant 0 : i32
      %dma_wait3A_2530 = tpu.memref_slice %arg5[%dma_wait3A_2517, %dma_wait3A_2528, %dma_wait3A_2529] : memref<2x32x128xi32, #tpu.memory_space<vmem>> -> memref<1x32x128xi32, #tpu.memory_space<vmem>>
      %dma_wait3A_2531 = tpu.memref_squeeze %dma_wait3A_2530 : memref<1x32x128xi32, #tpu.memory_space<vmem>> -> memref<32x128xi32, #tpu.memory_space<vmem>>
      %dma_wait3A_2532 = arith.constant 0 : i32
      %dma_wait3A_2533 = tpu.memref_slice %dma_wait3A_2531[%dma_wait3A_2518, %dma_wait3A_2532] : memref<32x128xi32, #tpu.memory_space<vmem>> -> memref<1x128xi32, #tpu.memory_space<vmem>>
      %dma_wait3A_2534 = tpu.memref_squeeze %dma_wait3A_2533 : memref<1x128xi32, #tpu.memory_space<vmem>> -> memref<128xi32, #tpu.memory_space<vmem>>
      %dma_wait3A_2535 = arith.constant 0 : i32
      %dma_wait3A_2536 = tpu.memref_slice %arg2[%dma_wait3A_2535] : memref<33554432xf32, #tpu.memory_space<hbm>> -> memref<33554432xf32, #tpu.memory_space<hbm>>
      tpu.wait_indirect_dma semaphore(%arg8 : memref<!tpu.dma_semaphore, #tpu.memory_space<semaphore_mem>>) src(%dma_wait3A_2536 : memref<33554432xf32, #tpu.memory_space<hbm>>) dst(%dma_wait3A_2527 : memref<128xf32, #tpu.memory_space<vmem>>)
      %dma_wait3A_2537 = arith.constant 1 : i32
      %dma_wait3A_2538 = arith.constant 4 : i32
      %dma_wait3A_2539 = arith.constant 1 : i32
      %dma_wait3A_2540 = arith.constant 4 : i32
      %dma_wait3A_2541 = arith.constant 0 : i32
      %dma_wait3A_2542 = arith.constant 0 : i32
      %dma_wait3A_2543 = tpu.memref_slice %arg6[%dma_wait3A_2539, %dma_wait3A_2541, %dma_wait3A_2542] : memref<2x32x128xf32, #tpu.memory_space<vmem>> -> memref<1x32x128xf32, #tpu.memory_space<vmem>>
      %dma_wait3A_2544 = tpu.memref_squeeze %dma_wait3A_2543 : memref<1x32x128xf32, #tpu.memory_space<vmem>> -> memref<32x128xf32, #tpu.memory_space<vmem>>
      %dma_wait3A_2545 = arith.constant 0 : i32
      %dma_wait3A_2546 = tpu.memref_slice %dma_wait3A_2544[%dma_wait3A_2540, %dma_wait3A_2545] : memref<32x128xf32, #tpu.memory_space<vmem>> -> memref<1x128xf32, #tpu.memory_space<vmem>>
      %dma_wait3A_2547 = tpu.memref_squeeze %dma_wait3A_2546 : memref<1x128xf32, #tpu.memory_space<vmem>> -> memref<128xf32, #tpu.memory_space<vmem>>
      %dma_wait3A_2548 = arith.constant 0 : i32
      %dma_wait3A_2549 = arith.constant 0 : i32
      %dma_wait3A_2550 = tpu.memref_slice %arg5[%dma_wait3A_2537, %dma_wait3A_2548, %dma_wait3A_2549] : memref<2x32x128xi32, #tpu.memory_space<vmem>> -> memref<1x32x128xi32, #tpu.memory_space<vmem>>
      %dma_wait3A_2551 = tpu.memref_squeeze %dma_wait3A_2550 : memref<1x32x128xi32, #tpu.memory_space<vmem>> -> memref<32x128xi32, #tpu.memory_space<vmem>>
      %dma_wait3A_2552 = arith.constant 0 : i32
      %dma_wait3A_2553 = tpu.memref_slice %dma_wait3A_2551[%dma_wait3A_2538, %dma_wait3A_2552] : memref<32x128xi32, #tpu.memory_space<vmem>> -> memref<1x128xi32, #tpu.memory_space<vmem>>
      %dma_wait3A_2554 = tpu.memref_squeeze %dma_wait3A_2553 : memref<1x128xi32, #tpu.memory_space<vmem>> -> memref<128xi32, #tpu.memory_space<vmem>>
      %dma_wait3A_2555 = arith.constant 0 : i32
      %dma_wait3A_2556 = tpu.memref_slice %arg2[%dma_wait3A_2555] : memref<33554432xf32, #tpu.memory_space<hbm>> -> memref<33554432xf32, #tpu.memory_space<hbm>>
      tpu.wait_indirect_dma semaphore(%arg8 : memref<!tpu.dma_semaphore, #tpu.memory_space<semaphore_mem>>) src(%dma_wait3A_2556 : memref<33554432xf32, #tpu.memory_space<hbm>>) dst(%dma_wait3A_2547 : memref<128xf32, #tpu.memory_space<vmem>>)
      %dma_wait3A_2557 = arith.constant 1 : i32
      %dma_wait3A_2558 = arith.constant 5 : i32
      %dma_wait3A_2559 = arith.constant 1 : i32
      %dma_wait3A_2560 = arith.constant 5 : i32
      %dma_wait3A_2561 = arith.constant 0 : i32
      %dma_wait3A_2562 = arith.constant 0 : i32
      %dma_wait3A_2563 = tpu.memref_slice %arg6[%dma_wait3A_2559, %dma_wait3A_2561, %dma_wait3A_2562] : memref<2x32x128xf32, #tpu.memory_space<vmem>> -> memref<1x32x128xf32, #tpu.memory_space<vmem>>
      %dma_wait3A_2564 = tpu.memref_squeeze %dma_wait3A_2563 : memref<1x32x128xf32, #tpu.memory_space<vmem>> -> memref<32x128xf32, #tpu.memory_space<vmem>>
      %dma_wait3A_2565 = arith.constant 0 : i32
      %dma_wait3A_2566 = tpu.memref_slice %dma_wait3A_2564[%dma_wait3A_2560, %dma_wait3A_2565] : memref<32x128xf32, #tpu.memory_space<vmem>> -> memref<1x128xf32, #tpu.memory_space<vmem>>
      %dma_wait3A_2567 = tpu.memref_squeeze %dma_wait3A_2566 : memref<1x128xf32, #tpu.memory_space<vmem>> -> memref<128xf32, #tpu.memory_space<vmem>>
      %dma_wait3A_2568 = arith.constant 0 : i32
      %dma_wait3A_2569 = arith.constant 0 : i32
      %dma_wait3A_2570 = tpu.memref_slice %arg5[%dma_wait3A_2557, %dma_wait3A_2568, %dma_wait3A_2569] : memref<2x32x128xi32, #tpu.memory_space<vmem>> -> memref<1x32x128xi32, #tpu.memory_space<vmem>>
      %dma_wait3A_2571 = tpu.memref_squeeze %dma_wait3A_2570 : memref<1x32x128xi32, #tpu.memory_space<vmem>> -> memref<32x128xi32, #tpu.memory_space<vmem>>
      %dma_wait3A_2572 = arith.constant 0 : i32
      %dma_wait3A_2573 = tpu.memref_slice %dma_wait3A_2571[%dma_wait3A_2558, %dma_wait3A_2572] : memref<32x128xi32, #tpu.memory_space<vmem>> -> memref<1x128xi32, #tpu.memory_space<vmem>>
      %dma_wait3A_2574 = tpu.memref_squeeze %dma_wait3A_2573 : memref<1x128xi32, #tpu.memory_space<vmem>> -> memref<128xi32, #tpu.memory_space<vmem>>
      %dma_wait3A_2575 = arith.constant 0 : i32
      %dma_wait3A_2576 = tpu.memref_slice %arg2[%dma_wait3A_2575] : memref<33554432xf32, #tpu.memory_space<hbm>> -> memref<33554432xf32, #tpu.memory_space<hbm>>
      tpu.wait_indirect_dma semaphore(%arg8 : memref<!tpu.dma_semaphore, #tpu.memory_space<semaphore_mem>>) src(%dma_wait3A_2576 : memref<33554432xf32, #tpu.memory_space<hbm>>) dst(%dma_wait3A_2567 : memref<128xf32, #tpu.memory_space<vmem>>)
      %dma_wait3A_2577 = arith.constant 1 : i32
      %dma_wait3A_2578 = arith.constant 6 : i32
      %dma_wait3A_2579 = arith.constant 1 : i32
      %dma_wait3A_2580 = arith.constant 6 : i32
      %dma_wait3A_2581 = arith.constant 0 : i32
      %dma_wait3A_2582 = arith.constant 0 : i32
      %dma_wait3A_2583 = tpu.memref_slice %arg6[%dma_wait3A_2579, %dma_wait3A_2581, %dma_wait3A_2582] : memref<2x32x128xf32, #tpu.memory_space<vmem>> -> memref<1x32x128xf32, #tpu.memory_space<vmem>>
      %dma_wait3A_2584 = tpu.memref_squeeze %dma_wait3A_2583 : memref<1x32x128xf32, #tpu.memory_space<vmem>> -> memref<32x128xf32, #tpu.memory_space<vmem>>
      %dma_wait3A_2585 = arith.constant 0 : i32
      %dma_wait3A_2586 = tpu.memref_slice %dma_wait3A_2584[%dma_wait3A_2580, %dma_wait3A_2585] : memref<32x128xf32, #tpu.memory_space<vmem>> -> memref<1x128xf32, #tpu.memory_space<vmem>>
      %dma_wait3A_2587 = tpu.memref_squeeze %dma_wait3A_2586 : memref<1x128xf32, #tpu.memory_space<vmem>> -> memref<128xf32, #tpu.memory_space<vmem>>
      %dma_wait3A_2588 = arith.constant 0 : i32
      %dma_wait3A_2589 = arith.constant 0 : i32
      %dma_wait3A_2590 = tpu.memref_slice %arg5[%dma_wait3A_2577, %dma_wait3A_2588, %dma_wait3A_2589] : memref<2x32x128xi32, #tpu.memory_space<vmem>> -> memref<1x32x128xi32, #tpu.memory_space<vmem>>
      %dma_wait3A_2591 = tpu.memref_squeeze %dma_wait3A_2590 : memref<1x32x128xi32, #tpu.memory_space<vmem>> -> memref<32x128xi32, #tpu.memory_space<vmem>>
      %dma_wait3A_2592 = arith.constant 0 : i32
      %dma_wait3A_2593 = tpu.memref_slice %dma_wait3A_2591[%dma_wait3A_2578, %dma_wait3A_2592] : memref<32x128xi32, #tpu.memory_space<vmem>> -> memref<1x128xi32, #tpu.memory_space<vmem>>
      %dma_wait3A_2594 = tpu.memref_squeeze %dma_wait3A_2593 : memref<1x128xi32, #tpu.memory_space<vmem>> -> memref<128xi32, #tpu.memory_space<vmem>>
      %dma_wait3A_2595 = arith.constant 0 : i32
      %dma_wait3A_2596 = tpu.memref_slice %arg2[%dma_wait3A_2595] : memref<33554432xf32, #tpu.memory_space<hbm>> -> memref<33554432xf32, #tpu.memory_space<hbm>>
      tpu.wait_indirect_dma semaphore(%arg8 : memref<!tpu.dma_semaphore, #tpu.memory_space<semaphore_mem>>) src(%dma_wait3A_2596 : memref<33554432xf32, #tpu.memory_space<hbm>>) dst(%dma_wait3A_2587 : memref<128xf32, #tpu.memory_space<vmem>>)
      %dma_wait3A_2597 = arith.constant 1 : i32
      %dma_wait3A_2598 = arith.constant 7 : i32
      %dma_wait3A_2599 = arith.constant 1 : i32
      %dma_wait3A_2600 = arith.constant 7 : i32
      %dma_wait3A_2601 = arith.constant 0 : i32
      %dma_wait3A_2602 = arith.constant 0 : i32
      %dma_wait3A_2603 = tpu.memref_slice %arg6[%dma_wait3A_2599, %dma_wait3A_2601, %dma_wait3A_2602] : memref<2x32x128xf32, #tpu.memory_space<vmem>> -> memref<1x32x128xf32, #tpu.memory_space<vmem>>
      %dma_wait3A_2604 = tpu.memref_squeeze %dma_wait3A_2603 : memref<1x32x128xf32, #tpu.memory_space<vmem>> -> memref<32x128xf32, #tpu.memory_space<vmem>>
      %dma_wait3A_2605 = arith.constant 0 : i32
      %dma_wait3A_2606 = tpu.memref_slice %dma_wait3A_2604[%dma_wait3A_2600, %dma_wait3A_2605] : memref<32x128xf32, #tpu.memory_space<vmem>> -> memref<1x128xf32, #tpu.memory_space<vmem>>
      %dma_wait3A_2607 = tpu.memref_squeeze %dma_wait3A_2606 : memref<1x128xf32, #tpu.memory_space<vmem>> -> memref<128xf32, #tpu.memory_space<vmem>>
      %dma_wait3A_2608 = arith.constant 0 : i32
      %dma_wait3A_2609 = arith.constant 0 : i32
      %dma_wait3A_2610 = tpu.memref_slice %arg5[%dma_wait3A_2597, %dma_wait3A_2608, %dma_wait3A_2609] : memref<2x32x128xi32, #tpu.memory_space<vmem>> -> memref<1x32x128xi32, #tpu.memory_space<vmem>>
      %dma_wait3A_2611 = tpu.memref_squeeze %dma_wait3A_2610 : memref<1x32x128xi32, #tpu.memory_space<vmem>> -> memref<32x128xi32, #tpu.memory_space<vmem>>
      %dma_wait3A_2612 = arith.constant 0 : i32
      %dma_wait3A_2613 = tpu.memref_slice %dma_wait3A_2611[%dma_wait3A_2598, %dma_wait3A_2612] : memref<32x128xi32, #tpu.memory_space<vmem>> -> memref<1x128xi32, #tpu.memory_space<vmem>>
      %dma_wait3A_2614 = tpu.memref_squeeze %dma_wait3A_2613 : memref<1x128xi32, #tpu.memory_space<vmem>> -> memref<128xi32, #tpu.memory_space<vmem>>
      %dma_wait3A_2615 = arith.constant 0 : i32
      %dma_wait3A_2616 = tpu.memref_slice %arg2[%dma_wait3A_2615] : memref<33554432xf32, #tpu.memory_space<hbm>> -> memref<33554432xf32, #tpu.memory_space<hbm>>
      tpu.wait_indirect_dma semaphore(%arg8 : memref<!tpu.dma_semaphore, #tpu.memory_space<semaphore_mem>>) src(%dma_wait3A_2616 : memref<33554432xf32, #tpu.memory_space<hbm>>) dst(%dma_wait3A_2607 : memref<128xf32, #tpu.memory_space<vmem>>)
      %dma_wait3A_2617 = arith.constant 1 : i32
      %dma_wait3A_2618 = arith.constant 8 : i32
      %dma_wait3A_2619 = arith.constant 1 : i32
      %dma_wait3A_2620 = arith.constant 8 : i32
      %dma_wait3A_2621 = arith.constant 0 : i32
      %dma_wait3A_2622 = arith.constant 0 : i32
      %dma_wait3A_2623 = tpu.memref_slice %arg6[%dma_wait3A_2619, %dma_wait3A_2621, %dma_wait3A_2622] : memref<2x32x128xf32, #tpu.memory_space<vmem>> -> memref<1x32x128xf32, #tpu.memory_space<vmem>>
      %dma_wait3A_2624 = tpu.memref_squeeze %dma_wait3A_2623 : memref<1x32x128xf32, #tpu.memory_space<vmem>> -> memref<32x128xf32, #tpu.memory_space<vmem>>
      %dma_wait3A_2625 = arith.constant 0 : i32
      %dma_wait3A_2626 = tpu.memref_slice %dma_wait3A_2624[%dma_wait3A_2620, %dma_wait3A_2625] : memref<32x128xf32, #tpu.memory_space<vmem>> -> memref<1x128xf32, #tpu.memory_space<vmem>>
      %dma_wait3A_2627 = tpu.memref_squeeze %dma_wait3A_2626 : memref<1x128xf32, #tpu.memory_space<vmem>> -> memref<128xf32, #tpu.memory_space<vmem>>
      %dma_wait3A_2628 = arith.constant 0 : i32
      %dma_wait3A_2629 = arith.constant 0 : i32
      %dma_wait3A_2630 = tpu.memref_slice %arg5[%dma_wait3A_2617, %dma_wait3A_2628, %dma_wait3A_2629] : memref<2x32x128xi32, #tpu.memory_space<vmem>> -> memref<1x32x128xi32, #tpu.memory_space<vmem>>
      %dma_wait3A_2631 = tpu.memref_squeeze %dma_wait3A_2630 : memref<1x32x128xi32, #tpu.memory_space<vmem>> -> memref<32x128xi32, #tpu.memory_space<vmem>>
      %dma_wait3A_2632 = arith.constant 0 : i32
      %dma_wait3A_2633 = tpu.memref_slice %dma_wait3A_2631[%dma_wait3A_2618, %dma_wait3A_2632] : memref<32x128xi32, #tpu.memory_space<vmem>> -> memref<1x128xi32, #tpu.memory_space<vmem>>
      %dma_wait3A_2634 = tpu.memref_squeeze %dma_wait3A_2633 : memref<1x128xi32, #tpu.memory_space<vmem>> -> memref<128xi32, #tpu.memory_space<vmem>>
      %dma_wait3A_2635 = arith.constant 0 : i32
      %dma_wait3A_2636 = tpu.memref_slice %arg2[%dma_wait3A_2635] : memref<33554432xf32, #tpu.memory_space<hbm>> -> memref<33554432xf32, #tpu.memory_space<hbm>>
      tpu.wait_indirect_dma semaphore(%arg8 : memref<!tpu.dma_semaphore, #tpu.memory_space<semaphore_mem>>) src(%dma_wait3A_2636 : memref<33554432xf32, #tpu.memory_space<hbm>>) dst(%dma_wait3A_2627 : memref<128xf32, #tpu.memory_space<vmem>>)
      %dma_wait3A_2637 = arith.constant 1 : i32
      %dma_wait3A_2638 = arith.constant 9 : i32
      %dma_wait3A_2639 = arith.constant 1 : i32
      %dma_wait3A_2640 = arith.constant 9 : i32
      %dma_wait3A_2641 = arith.constant 0 : i32
      %dma_wait3A_2642 = arith.constant 0 : i32
      %dma_wait3A_2643 = tpu.memref_slice %arg6[%dma_wait3A_2639, %dma_wait3A_2641, %dma_wait3A_2642] : memref<2x32x128xf32, #tpu.memory_space<vmem>> -> memref<1x32x128xf32, #tpu.memory_space<vmem>>
      %dma_wait3A_2644 = tpu.memref_squeeze %dma_wait3A_2643 : memref<1x32x128xf32, #tpu.memory_space<vmem>> -> memref<32x128xf32, #tpu.memory_space<vmem>>
      %dma_wait3A_2645 = arith.constant 0 : i32
      %dma_wait3A_2646 = tpu.memref_slice %dma_wait3A_2644[%dma_wait3A_2640, %dma_wait3A_2645] : memref<32x128xf32, #tpu.memory_space<vmem>> -> memref<1x128xf32, #tpu.memory_space<vmem>>
      %dma_wait3A_2647 = tpu.memref_squeeze %dma_wait3A_2646 : memref<1x128xf32, #tpu.memory_space<vmem>> -> memref<128xf32, #tpu.memory_space<vmem>>
      %dma_wait3A_2648 = arith.constant 0 : i32
      %dma_wait3A_2649 = arith.constant 0 : i32
      %dma_wait3A_2650 = tpu.memref_slice %arg5[%dma_wait3A_2637, %dma_wait3A_2648, %dma_wait3A_2649] : memref<2x32x128xi32, #tpu.memory_space<vmem>> -> memref<1x32x128xi32, #tpu.memory_space<vmem>>
      %dma_wait3A_2651 = tpu.memref_squeeze %dma_wait3A_2650 : memref<1x32x128xi32, #tpu.memory_space<vmem>> -> memref<32x128xi32, #tpu.memory_space<vmem>>
      %dma_wait3A_2652 = arith.constant 0 : i32
      %dma_wait3A_2653 = tpu.memref_slice %dma_wait3A_2651[%dma_wait3A_2638, %dma_wait3A_2652] : memref<32x128xi32, #tpu.memory_space<vmem>> -> memref<1x128xi32, #tpu.memory_space<vmem>>
      %dma_wait3A_2654 = tpu.memref_squeeze %dma_wait3A_2653 : memref<1x128xi32, #tpu.memory_space<vmem>> -> memref<128xi32, #tpu.memory_space<vmem>>
      %dma_wait3A_2655 = arith.constant 0 : i32
      %dma_wait3A_2656 = tpu.memref_slice %arg2[%dma_wait3A_2655] : memref<33554432xf32, #tpu.memory_space<hbm>> -> memref<33554432xf32, #tpu.memory_space<hbm>>
      tpu.wait_indirect_dma semaphore(%arg8 : memref<!tpu.dma_semaphore, #tpu.memory_space<semaphore_mem>>) src(%dma_wait3A_2656 : memref<33554432xf32, #tpu.memory_space<hbm>>) dst(%dma_wait3A_2647 : memref<128xf32, #tpu.memory_space<vmem>>)
      %dma_wait3A_2657 = arith.constant 1 : i32
      %dma_wait3A_2658 = arith.constant 10 : i32
      %dma_wait3A_2659 = arith.constant 1 : i32
      %dma_wait3A_2660 = arith.constant 10 : i32
      %dma_wait3A_2661 = arith.constant 0 : i32
      %dma_wait3A_2662 = arith.constant 0 : i32
      %dma_wait3A_2663 = tpu.memref_slice %arg6[%dma_wait3A_2659, %dma_wait3A_2661, %dma_wait3A_2662] : memref<2x32x128xf32, #tpu.memory_space<vmem>> -> memref<1x32x128xf32, #tpu.memory_space<vmem>>
      %dma_wait3A_2664 = tpu.memref_squeeze %dma_wait3A_2663 : memref<1x32x128xf32, #tpu.memory_space<vmem>> -> memref<32x128xf32, #tpu.memory_space<vmem>>
      %dma_wait3A_2665 = arith.constant 0 : i32
      %dma_wait3A_2666 = tpu.memref_slice %dma_wait3A_2664[%dma_wait3A_2660, %dma_wait3A_2665] : memref<32x128xf32, #tpu.memory_space<vmem>> -> memref<1x128xf32, #tpu.memory_space<vmem>>
      %dma_wait3A_2667 = tpu.memref_squeeze %dma_wait3A_2666 : memref<1x128xf32, #tpu.memory_space<vmem>> -> memref<128xf32, #tpu.memory_space<vmem>>
      %dma_wait3A_2668 = arith.constant 0 : i32
      %dma_wait3A_2669 = arith.constant 0 : i32
      %dma_wait3A_2670 = tpu.memref_slice %arg5[%dma_wait3A_2657, %dma_wait3A_2668, %dma_wait3A_2669] : memref<2x32x128xi32, #tpu.memory_space<vmem>> -> memref<1x32x128xi32, #tpu.memory_space<vmem>>
      %dma_wait3A_2671 = tpu.memref_squeeze %dma_wait3A_2670 : memref<1x32x128xi32, #tpu.memory_space<vmem>> -> memref<32x128xi32, #tpu.memory_space<vmem>>
      %dma_wait3A_2672 = arith.constant 0 : i32
      %dma_wait3A_2673 = tpu.memref_slice %dma_wait3A_2671[%dma_wait3A_2658, %dma_wait3A_2672] : memref<32x128xi32, #tpu.memory_space<vmem>> -> memref<1x128xi32, #tpu.memory_space<vmem>>
      %dma_wait3A_2674 = tpu.memref_squeeze %dma_wait3A_2673 : memref<1x128xi32, #tpu.memory_space<vmem>> -> memref<128xi32, #tpu.memory_space<vmem>>
      %dma_wait3A_2675 = arith.constant 0 : i32
      %dma_wait3A_2676 = tpu.memref_slice %arg2[%dma_wait3A_2675] : memref<33554432xf32, #tpu.memory_space<hbm>> -> memref<33554432xf32, #tpu.memory_space<hbm>>
      tpu.wait_indirect_dma semaphore(%arg8 : memref<!tpu.dma_semaphore, #tpu.memory_space<semaphore_mem>>) src(%dma_wait3A_2676 : memref<33554432xf32, #tpu.memory_space<hbm>>) dst(%dma_wait3A_2667 : memref<128xf32, #tpu.memory_space<vmem>>)
      %dma_wait3A_2677 = arith.constant 1 : i32
      %dma_wait3A_2678 = arith.constant 11 : i32
      %dma_wait3A_2679 = arith.constant 1 : i32
      %dma_wait3A_2680 = arith.constant 11 : i32
      %dma_wait3A_2681 = arith.constant 0 : i32
      %dma_wait3A_2682 = arith.constant 0 : i32
      %dma_wait3A_2683 = tpu.memref_slice %arg6[%dma_wait3A_2679, %dma_wait3A_2681, %dma_wait3A_2682] : memref<2x32x128xf32, #tpu.memory_space<vmem>> -> memref<1x32x128xf32, #tpu.memory_space<vmem>>
      %dma_wait3A_2684 = tpu.memref_squeeze %dma_wait3A_2683 : memref<1x32x128xf32, #tpu.memory_space<vmem>> -> memref<32x128xf32, #tpu.memory_space<vmem>>
      %dma_wait3A_2685 = arith.constant 0 : i32
      %dma_wait3A_2686 = tpu.memref_slice %dma_wait3A_2684[%dma_wait3A_2680, %dma_wait3A_2685] : memref<32x128xf32, #tpu.memory_space<vmem>> -> memref<1x128xf32, #tpu.memory_space<vmem>>
      %dma_wait3A_2687 = tpu.memref_squeeze %dma_wait3A_2686 : memref<1x128xf32, #tpu.memory_space<vmem>> -> memref<128xf32, #tpu.memory_space<vmem>>
      %dma_wait3A_2688 = arith.constant 0 : i32
      %dma_wait3A_2689 = arith.constant 0 : i32
      %dma_wait3A_2690 = tpu.memref_slice %arg5[%dma_wait3A_2677, %dma_wait3A_2688, %dma_wait3A_2689] : memref<2x32x128xi32, #tpu.memory_space<vmem>> -> memref<1x32x128xi32, #tpu.memory_space<vmem>>
      %dma_wait3A_2691 = tpu.memref_squeeze %dma_wait3A_2690 : memref<1x32x128xi32, #tpu.memory_space<vmem>> -> memref<32x128xi32, #tpu.memory_space<vmem>>
      %dma_wait3A_2692 = arith.constant 0 : i32
      %dma_wait3A_2693 = tpu.memref_slice %dma_wait3A_2691[%dma_wait3A_2678, %dma_wait3A_2692] : memref<32x128xi32, #tpu.memory_space<vmem>> -> memref<1x128xi32, #tpu.memory_space<vmem>>
      %dma_wait3A_2694 = tpu.memref_squeeze %dma_wait3A_2693 : memref<1x128xi32, #tpu.memory_space<vmem>> -> memref<128xi32, #tpu.memory_space<vmem>>
      %dma_wait3A_2695 = arith.constant 0 : i32
      %dma_wait3A_2696 = tpu.memref_slice %arg2[%dma_wait3A_2695] : memref<33554432xf32, #tpu.memory_space<hbm>> -> memref<33554432xf32, #tpu.memory_space<hbm>>
      tpu.wait_indirect_dma semaphore(%arg8 : memref<!tpu.dma_semaphore, #tpu.memory_space<semaphore_mem>>) src(%dma_wait3A_2696 : memref<33554432xf32, #tpu.memory_space<hbm>>) dst(%dma_wait3A_2687 : memref<128xf32, #tpu.memory_space<vmem>>)
      %dma_wait3A_2697 = arith.constant 1 : i32
      %dma_wait3A_2698 = arith.constant 12 : i32
      %dma_wait3A_2699 = arith.constant 1 : i32
      %dma_wait3A_2700 = arith.constant 12 : i32
      %dma_wait3A_2701 = arith.constant 0 : i32
      %dma_wait3A_2702 = arith.constant 0 : i32
      %dma_wait3A_2703 = tpu.memref_slice %arg6[%dma_wait3A_2699, %dma_wait3A_2701, %dma_wait3A_2702] : memref<2x32x128xf32, #tpu.memory_space<vmem>> -> memref<1x32x128xf32, #tpu.memory_space<vmem>>
      %dma_wait3A_2704 = tpu.memref_squeeze %dma_wait3A_2703 : memref<1x32x128xf32, #tpu.memory_space<vmem>> -> memref<32x128xf32, #tpu.memory_space<vmem>>
      %dma_wait3A_2705 = arith.constant 0 : i32
      %dma_wait3A_2706 = tpu.memref_slice %dma_wait3A_2704[%dma_wait3A_2700, %dma_wait3A_2705] : memref<32x128xf32, #tpu.memory_space<vmem>> -> memref<1x128xf32, #tpu.memory_space<vmem>>
      %dma_wait3A_2707 = tpu.memref_squeeze %dma_wait3A_2706 : memref<1x128xf32, #tpu.memory_space<vmem>> -> memref<128xf32, #tpu.memory_space<vmem>>
      %dma_wait3A_2708 = arith.constant 0 : i32
      %dma_wait3A_2709 = arith.constant 0 : i32
      %dma_wait3A_2710 = tpu.memref_slice %arg5[%dma_wait3A_2697, %dma_wait3A_2708, %dma_wait3A_2709] : memref<2x32x128xi32, #tpu.memory_space<vmem>> -> memref<1x32x128xi32, #tpu.memory_space<vmem>>
      %dma_wait3A_2711 = tpu.memref_squeeze %dma_wait3A_2710 : memref<1x32x128xi32, #tpu.memory_space<vmem>> -> memref<32x128xi32, #tpu.memory_space<vmem>>
      %dma_wait3A_2712 = arith.constant 0 : i32
      %dma_wait3A_2713 = tpu.memref_slice %dma_wait3A_2711[%dma_wait3A_2698, %dma_wait3A_2712] : memref<32x128xi32, #tpu.memory_space<vmem>> -> memref<1x128xi32, #tpu.memory_space<vmem>>
      %dma_wait3A_2714 = tpu.memref_squeeze %dma_wait3A_2713 : memref<1x128xi32, #tpu.memory_space<vmem>> -> memref<128xi32, #tpu.memory_space<vmem>>
      %dma_wait3A_2715 = arith.constant 0 : i32
      %dma_wait3A_2716 = tpu.memref_slice %arg2[%dma_wait3A_2715] : memref<33554432xf32, #tpu.memory_space<hbm>> -> memref<33554432xf32, #tpu.memory_space<hbm>>
      tpu.wait_indirect_dma semaphore(%arg8 : memref<!tpu.dma_semaphore, #tpu.memory_space<semaphore_mem>>) src(%dma_wait3A_2716 : memref<33554432xf32, #tpu.memory_space<hbm>>) dst(%dma_wait3A_2707 : memref<128xf32, #tpu.memory_space<vmem>>)
      %dma_wait3A_2717 = arith.constant 1 : i32
      %dma_wait3A_2718 = arith.constant 13 : i32
      %dma_wait3A_2719 = arith.constant 1 : i32
      %dma_wait3A_2720 = arith.constant 13 : i32
      %dma_wait3A_2721 = arith.constant 0 : i32
      %dma_wait3A_2722 = arith.constant 0 : i32
      %dma_wait3A_2723 = tpu.memref_slice %arg6[%dma_wait3A_2719, %dma_wait3A_2721, %dma_wait3A_2722] : memref<2x32x128xf32, #tpu.memory_space<vmem>> -> memref<1x32x128xf32, #tpu.memory_space<vmem>>
      %dma_wait3A_2724 = tpu.memref_squeeze %dma_wait3A_2723 : memref<1x32x128xf32, #tpu.memory_space<vmem>> -> memref<32x128xf32, #tpu.memory_space<vmem>>
      %dma_wait3A_2725 = arith.constant 0 : i32
      %dma_wait3A_2726 = tpu.memref_slice %dma_wait3A_2724[%dma_wait3A_2720, %dma_wait3A_2725] : memref<32x128xf32, #tpu.memory_space<vmem>> -> memref<1x128xf32, #tpu.memory_space<vmem>>
      %dma_wait3A_2727 = tpu.memref_squeeze %dma_wait3A_2726 : memref<1x128xf32, #tpu.memory_space<vmem>> -> memref<128xf32, #tpu.memory_space<vmem>>
      %dma_wait3A_2728 = arith.constant 0 : i32
      %dma_wait3A_2729 = arith.constant 0 : i32
      %dma_wait3A_2730 = tpu.memref_slice %arg5[%dma_wait3A_2717, %dma_wait3A_2728, %dma_wait3A_2729] : memref<2x32x128xi32, #tpu.memory_space<vmem>> -> memref<1x32x128xi32, #tpu.memory_space<vmem>>
      %dma_wait3A_2731 = tpu.memref_squeeze %dma_wait3A_2730 : memref<1x32x128xi32, #tpu.memory_space<vmem>> -> memref<32x128xi32, #tpu.memory_space<vmem>>
      %dma_wait3A_2732 = arith.constant 0 : i32
      %dma_wait3A_2733 = tpu.memref_slice %dma_wait3A_2731[%dma_wait3A_2718, %dma_wait3A_2732] : memref<32x128xi32, #tpu.memory_space<vmem>> -> memref<1x128xi32, #tpu.memory_space<vmem>>
      %dma_wait3A_2734 = tpu.memref_squeeze %dma_wait3A_2733 : memref<1x128xi32, #tpu.memory_space<vmem>> -> memref<128xi32, #tpu.memory_space<vmem>>
      %dma_wait3A_2735 = arith.constant 0 : i32
      %dma_wait3A_2736 = tpu.memref_slice %arg2[%dma_wait3A_2735] : memref<33554432xf32, #tpu.memory_space<hbm>> -> memref<33554432xf32, #tpu.memory_space<hbm>>
      tpu.wait_indirect_dma semaphore(%arg8 : memref<!tpu.dma_semaphore, #tpu.memory_space<semaphore_mem>>) src(%dma_wait3A_2736 : memref<33554432xf32, #tpu.memory_space<hbm>>) dst(%dma_wait3A_2727 : memref<128xf32, #tpu.memory_space<vmem>>)
      %dma_wait3A_2737 = arith.constant 1 : i32
      %dma_wait3A_2738 = arith.constant 14 : i32
      %dma_wait3A_2739 = arith.constant 1 : i32
      %dma_wait3A_2740 = arith.constant 14 : i32
      %dma_wait3A_2741 = arith.constant 0 : i32
      %dma_wait3A_2742 = arith.constant 0 : i32
      %dma_wait3A_2743 = tpu.memref_slice %arg6[%dma_wait3A_2739, %dma_wait3A_2741, %dma_wait3A_2742] : memref<2x32x128xf32, #tpu.memory_space<vmem>> -> memref<1x32x128xf32, #tpu.memory_space<vmem>>
      %dma_wait3A_2744 = tpu.memref_squeeze %dma_wait3A_2743 : memref<1x32x128xf32, #tpu.memory_space<vmem>> -> memref<32x128xf32, #tpu.memory_space<vmem>>
      %dma_wait3A_2745 = arith.constant 0 : i32
      %dma_wait3A_2746 = tpu.memref_slice %dma_wait3A_2744[%dma_wait3A_2740, %dma_wait3A_2745] : memref<32x128xf32, #tpu.memory_space<vmem>> -> memref<1x128xf32, #tpu.memory_space<vmem>>
      %dma_wait3A_2747 = tpu.memref_squeeze %dma_wait3A_2746 : memref<1x128xf32, #tpu.memory_space<vmem>> -> memref<128xf32, #tpu.memory_space<vmem>>
      %dma_wait3A_2748 = arith.constant 0 : i32
      %dma_wait3A_2749 = arith.constant 0 : i32
      %dma_wait3A_2750 = tpu.memref_slice %arg5[%dma_wait3A_2737, %dma_wait3A_2748, %dma_wait3A_2749] : memref<2x32x128xi32, #tpu.memory_space<vmem>> -> memref<1x32x128xi32, #tpu.memory_space<vmem>>
      %dma_wait3A_2751 = tpu.memref_squeeze %dma_wait3A_2750 : memref<1x32x128xi32, #tpu.memory_space<vmem>> -> memref<32x128xi32, #tpu.memory_space<vmem>>
      %dma_wait3A_2752 = arith.constant 0 : i32
      %dma_wait3A_2753 = tpu.memref_slice %dma_wait3A_2751[%dma_wait3A_2738, %dma_wait3A_2752] : memref<32x128xi32, #tpu.memory_space<vmem>> -> memref<1x128xi32, #tpu.memory_space<vmem>>
      %dma_wait3A_2754 = tpu.memref_squeeze %dma_wait3A_2753 : memref<1x128xi32, #tpu.memory_space<vmem>> -> memref<128xi32, #tpu.memory_space<vmem>>
      %dma_wait3A_2755 = arith.constant 0 : i32
      %dma_wait3A_2756 = tpu.memref_slice %arg2[%dma_wait3A_2755] : memref<33554432xf32, #tpu.memory_space<hbm>> -> memref<33554432xf32, #tpu.memory_space<hbm>>
      tpu.wait_indirect_dma semaphore(%arg8 : memref<!tpu.dma_semaphore, #tpu.memory_space<semaphore_mem>>) src(%dma_wait3A_2756 : memref<33554432xf32, #tpu.memory_space<hbm>>) dst(%dma_wait3A_2747 : memref<128xf32, #tpu.memory_space<vmem>>)
      %dma_wait3A_2757 = arith.constant 1 : i32
      %dma_wait3A_2758 = arith.constant 15 : i32
      %dma_wait3A_2759 = arith.constant 1 : i32
      %dma_wait3A_2760 = arith.constant 15 : i32
      %dma_wait3A_2761 = arith.constant 0 : i32
      %dma_wait3A_2762 = arith.constant 0 : i32
      %dma_wait3A_2763 = tpu.memref_slice %arg6[%dma_wait3A_2759, %dma_wait3A_2761, %dma_wait3A_2762] : memref<2x32x128xf32, #tpu.memory_space<vmem>> -> memref<1x32x128xf32, #tpu.memory_space<vmem>>
      %dma_wait3A_2764 = tpu.memref_squeeze %dma_wait3A_2763 : memref<1x32x128xf32, #tpu.memory_space<vmem>> -> memref<32x128xf32, #tpu.memory_space<vmem>>
      %dma_wait3A_2765 = arith.constant 0 : i32
      %dma_wait3A_2766 = tpu.memref_slice %dma_wait3A_2764[%dma_wait3A_2760, %dma_wait3A_2765] : memref<32x128xf32, #tpu.memory_space<vmem>> -> memref<1x128xf32, #tpu.memory_space<vmem>>
      %dma_wait3A_2767 = tpu.memref_squeeze %dma_wait3A_2766 : memref<1x128xf32, #tpu.memory_space<vmem>> -> memref<128xf32, #tpu.memory_space<vmem>>
      %dma_wait3A_2768 = arith.constant 0 : i32
      %dma_wait3A_2769 = arith.constant 0 : i32
      %dma_wait3A_2770 = tpu.memref_slice %arg5[%dma_wait3A_2757, %dma_wait3A_2768, %dma_wait3A_2769] : memref<2x32x128xi32, #tpu.memory_space<vmem>> -> memref<1x32x128xi32, #tpu.memory_space<vmem>>
      %dma_wait3A_2771 = tpu.memref_squeeze %dma_wait3A_2770 : memref<1x32x128xi32, #tpu.memory_space<vmem>> -> memref<32x128xi32, #tpu.memory_space<vmem>>
      %dma_wait3A_2772 = arith.constant 0 : i32
      %dma_wait3A_2773 = tpu.memref_slice %dma_wait3A_2771[%dma_wait3A_2758, %dma_wait3A_2772] : memref<32x128xi32, #tpu.memory_space<vmem>> -> memref<1x128xi32, #tpu.memory_space<vmem>>
      %dma_wait3A_2774 = tpu.memref_squeeze %dma_wait3A_2773 : memref<1x128xi32, #tpu.memory_space<vmem>> -> memref<128xi32, #tpu.memory_space<vmem>>
      %dma_wait3A_2775 = arith.constant 0 : i32
      %dma_wait3A_2776 = tpu.memref_slice %arg2[%dma_wait3A_2775] : memref<33554432xf32, #tpu.memory_space<hbm>> -> memref<33554432xf32, #tpu.memory_space<hbm>>
      tpu.wait_indirect_dma semaphore(%arg8 : memref<!tpu.dma_semaphore, #tpu.memory_space<semaphore_mem>>) src(%dma_wait3A_2776 : memref<33554432xf32, #tpu.memory_space<hbm>>) dst(%dma_wait3A_2767 : memref<128xf32, #tpu.memory_space<vmem>>)
      %dma_wait3A_2777 = arith.constant 1 : i32
      %dma_wait3A_2778 = arith.constant 16 : i32
      %dma_wait3A_2779 = arith.constant 1 : i32
      %dma_wait3A_2780 = arith.constant 16 : i32
      %dma_wait3A_2781 = arith.constant 0 : i32
      %dma_wait3A_2782 = arith.constant 0 : i32
      %dma_wait3A_2783 = tpu.memref_slice %arg6[%dma_wait3A_2779, %dma_wait3A_2781, %dma_wait3A_2782] : memref<2x32x128xf32, #tpu.memory_space<vmem>> -> memref<1x32x128xf32, #tpu.memory_space<vmem>>
      %dma_wait3A_2784 = tpu.memref_squeeze %dma_wait3A_2783 : memref<1x32x128xf32, #tpu.memory_space<vmem>> -> memref<32x128xf32, #tpu.memory_space<vmem>>
      %dma_wait3A_2785 = arith.constant 0 : i32
      %dma_wait3A_2786 = tpu.memref_slice %dma_wait3A_2784[%dma_wait3A_2780, %dma_wait3A_2785] : memref<32x128xf32, #tpu.memory_space<vmem>> -> memref<1x128xf32, #tpu.memory_space<vmem>>
      %dma_wait3A_2787 = tpu.memref_squeeze %dma_wait3A_2786 : memref<1x128xf32, #tpu.memory_space<vmem>> -> memref<128xf32, #tpu.memory_space<vmem>>
      %dma_wait3A_2788 = arith.constant 0 : i32
      %dma_wait3A_2789 = arith.constant 0 : i32
      %dma_wait3A_2790 = tpu.memref_slice %arg5[%dma_wait3A_2777, %dma_wait3A_2788, %dma_wait3A_2789] : memref<2x32x128xi32, #tpu.memory_space<vmem>> -> memref<1x32x128xi32, #tpu.memory_space<vmem>>
      %dma_wait3A_2791 = tpu.memref_squeeze %dma_wait3A_2790 : memref<1x32x128xi32, #tpu.memory_space<vmem>> -> memref<32x128xi32, #tpu.memory_space<vmem>>
      %dma_wait3A_2792 = arith.constant 0 : i32
      %dma_wait3A_2793 = tpu.memref_slice %dma_wait3A_2791[%dma_wait3A_2778, %dma_wait3A_2792] : memref<32x128xi32, #tpu.memory_space<vmem>> -> memref<1x128xi32, #tpu.memory_space<vmem>>
      %dma_wait3A_2794 = tpu.memref_squeeze %dma_wait3A_2793 : memref<1x128xi32, #tpu.memory_space<vmem>> -> memref<128xi32, #tpu.memory_space<vmem>>
      %dma_wait3A_2795 = arith.constant 0 : i32
      %dma_wait3A_2796 = tpu.memref_slice %arg2[%dma_wait3A_2795] : memref<33554432xf32, #tpu.memory_space<hbm>> -> memref<33554432xf32, #tpu.memory_space<hbm>>
      tpu.wait_indirect_dma semaphore(%arg8 : memref<!tpu.dma_semaphore, #tpu.memory_space<semaphore_mem>>) src(%dma_wait3A_2796 : memref<33554432xf32, #tpu.memory_space<hbm>>) dst(%dma_wait3A_2787 : memref<128xf32, #tpu.memory_space<vmem>>)
      %dma_wait3A_2797 = arith.constant 1 : i32
      %dma_wait3A_2798 = arith.constant 17 : i32
      %dma_wait3A_2799 = arith.constant 1 : i32
      %dma_wait3A_2800 = arith.constant 17 : i32
      %dma_wait3A_2801 = arith.constant 0 : i32
      %dma_wait3A_2802 = arith.constant 0 : i32
      %dma_wait3A_2803 = tpu.memref_slice %arg6[%dma_wait3A_2799, %dma_wait3A_2801, %dma_wait3A_2802] : memref<2x32x128xf32, #tpu.memory_space<vmem>> -> memref<1x32x128xf32, #tpu.memory_space<vmem>>
      %dma_wait3A_2804 = tpu.memref_squeeze %dma_wait3A_2803 : memref<1x32x128xf32, #tpu.memory_space<vmem>> -> memref<32x128xf32, #tpu.memory_space<vmem>>
      %dma_wait3A_2805 = arith.constant 0 : i32
      %dma_wait3A_2806 = tpu.memref_slice %dma_wait3A_2804[%dma_wait3A_2800, %dma_wait3A_2805] : memref<32x128xf32, #tpu.memory_space<vmem>> -> memref<1x128xf32, #tpu.memory_space<vmem>>
      %dma_wait3A_2807 = tpu.memref_squeeze %dma_wait3A_2806 : memref<1x128xf32, #tpu.memory_space<vmem>> -> memref<128xf32, #tpu.memory_space<vmem>>
      %dma_wait3A_2808 = arith.constant 0 : i32
      %dma_wait3A_2809 = arith.constant 0 : i32
      %dma_wait3A_2810 = tpu.memref_slice %arg5[%dma_wait3A_2797, %dma_wait3A_2808, %dma_wait3A_2809] : memref<2x32x128xi32, #tpu.memory_space<vmem>> -> memref<1x32x128xi32, #tpu.memory_space<vmem>>
      %dma_wait3A_2811 = tpu.memref_squeeze %dma_wait3A_2810 : memref<1x32x128xi32, #tpu.memory_space<vmem>> -> memref<32x128xi32, #tpu.memory_space<vmem>>
      %dma_wait3A_2812 = arith.constant 0 : i32
      %dma_wait3A_2813 = tpu.memref_slice %dma_wait3A_2811[%dma_wait3A_2798, %dma_wait3A_2812] : memref<32x128xi32, #tpu.memory_space<vmem>> -> memref<1x128xi32, #tpu.memory_space<vmem>>
      %dma_wait3A_2814 = tpu.memref_squeeze %dma_wait3A_2813 : memref<1x128xi32, #tpu.memory_space<vmem>> -> memref<128xi32, #tpu.memory_space<vmem>>
      %dma_wait3A_2815 = arith.constant 0 : i32
      %dma_wait3A_2816 = tpu.memref_slice %arg2[%dma_wait3A_2815] : memref<33554432xf32, #tpu.memory_space<hbm>> -> memref<33554432xf32, #tpu.memory_space<hbm>>
      tpu.wait_indirect_dma semaphore(%arg8 : memref<!tpu.dma_semaphore, #tpu.memory_space<semaphore_mem>>) src(%dma_wait3A_2816 : memref<33554432xf32, #tpu.memory_space<hbm>>) dst(%dma_wait3A_2807 : memref<128xf32, #tpu.memory_space<vmem>>)
      %dma_wait3A_2817 = arith.constant 1 : i32
      %dma_wait3A_2818 = arith.constant 18 : i32
      %dma_wait3A_2819 = arith.constant 1 : i32
      %dma_wait3A_2820 = arith.constant 18 : i32
      %dma_wait3A_2821 = arith.constant 0 : i32
      %dma_wait3A_2822 = arith.constant 0 : i32
      %dma_wait3A_2823 = tpu.memref_slice %arg6[%dma_wait3A_2819, %dma_wait3A_2821, %dma_wait3A_2822] : memref<2x32x128xf32, #tpu.memory_space<vmem>> -> memref<1x32x128xf32, #tpu.memory_space<vmem>>
      %dma_wait3A_2824 = tpu.memref_squeeze %dma_wait3A_2823 : memref<1x32x128xf32, #tpu.memory_space<vmem>> -> memref<32x128xf32, #tpu.memory_space<vmem>>
      %dma_wait3A_2825 = arith.constant 0 : i32
      %dma_wait3A_2826 = tpu.memref_slice %dma_wait3A_2824[%dma_wait3A_2820, %dma_wait3A_2825] : memref<32x128xf32, #tpu.memory_space<vmem>> -> memref<1x128xf32, #tpu.memory_space<vmem>>
      %dma_wait3A_2827 = tpu.memref_squeeze %dma_wait3A_2826 : memref<1x128xf32, #tpu.memory_space<vmem>> -> memref<128xf32, #tpu.memory_space<vmem>>
      %dma_wait3A_2828 = arith.constant 0 : i32
      %dma_wait3A_2829 = arith.constant 0 : i32
      %dma_wait3A_2830 = tpu.memref_slice %arg5[%dma_wait3A_2817, %dma_wait3A_2828, %dma_wait3A_2829] : memref<2x32x128xi32, #tpu.memory_space<vmem>> -> memref<1x32x128xi32, #tpu.memory_space<vmem>>
      %dma_wait3A_2831 = tpu.memref_squeeze %dma_wait3A_2830 : memref<1x32x128xi32, #tpu.memory_space<vmem>> -> memref<32x128xi32, #tpu.memory_space<vmem>>
      %dma_wait3A_2832 = arith.constant 0 : i32
      %dma_wait3A_2833 = tpu.memref_slice %dma_wait3A_2831[%dma_wait3A_2818, %dma_wait3A_2832] : memref<32x128xi32, #tpu.memory_space<vmem>> -> memref<1x128xi32, #tpu.memory_space<vmem>>
      %dma_wait3A_2834 = tpu.memref_squeeze %dma_wait3A_2833 : memref<1x128xi32, #tpu.memory_space<vmem>> -> memref<128xi32, #tpu.memory_space<vmem>>
      %dma_wait3A_2835 = arith.constant 0 : i32
      %dma_wait3A_2836 = tpu.memref_slice %arg2[%dma_wait3A_2835] : memref<33554432xf32, #tpu.memory_space<hbm>> -> memref<33554432xf32, #tpu.memory_space<hbm>>
      tpu.wait_indirect_dma semaphore(%arg8 : memref<!tpu.dma_semaphore, #tpu.memory_space<semaphore_mem>>) src(%dma_wait3A_2836 : memref<33554432xf32, #tpu.memory_space<hbm>>) dst(%dma_wait3A_2827 : memref<128xf32, #tpu.memory_space<vmem>>)
      %dma_wait3A_2837 = arith.constant 1 : i32
      %dma_wait3A_2838 = arith.constant 19 : i32
      %dma_wait3A_2839 = arith.constant 1 : i32
      %dma_wait3A_2840 = arith.constant 19 : i32
      %dma_wait3A_2841 = arith.constant 0 : i32
      %dma_wait3A_2842 = arith.constant 0 : i32
      %dma_wait3A_2843 = tpu.memref_slice %arg6[%dma_wait3A_2839, %dma_wait3A_2841, %dma_wait3A_2842] : memref<2x32x128xf32, #tpu.memory_space<vmem>> -> memref<1x32x128xf32, #tpu.memory_space<vmem>>
      %dma_wait3A_2844 = tpu.memref_squeeze %dma_wait3A_2843 : memref<1x32x128xf32, #tpu.memory_space<vmem>> -> memref<32x128xf32, #tpu.memory_space<vmem>>
      %dma_wait3A_2845 = arith.constant 0 : i32
      %dma_wait3A_2846 = tpu.memref_slice %dma_wait3A_2844[%dma_wait3A_2840, %dma_wait3A_2845] : memref<32x128xf32, #tpu.memory_space<vmem>> -> memref<1x128xf32, #tpu.memory_space<vmem>>
      %dma_wait3A_2847 = tpu.memref_squeeze %dma_wait3A_2846 : memref<1x128xf32, #tpu.memory_space<vmem>> -> memref<128xf32, #tpu.memory_space<vmem>>
      %dma_wait3A_2848 = arith.constant 0 : i32
      %dma_wait3A_2849 = arith.constant 0 : i32
      %dma_wait3A_2850 = tpu.memref_slice %arg5[%dma_wait3A_2837, %dma_wait3A_2848, %dma_wait3A_2849] : memref<2x32x128xi32, #tpu.memory_space<vmem>> -> memref<1x32x128xi32, #tpu.memory_space<vmem>>
      %dma_wait3A_2851 = tpu.memref_squeeze %dma_wait3A_2850 : memref<1x32x128xi32, #tpu.memory_space<vmem>> -> memref<32x128xi32, #tpu.memory_space<vmem>>
      %dma_wait3A_2852 = arith.constant 0 : i32
      %dma_wait3A_2853 = tpu.memref_slice %dma_wait3A_2851[%dma_wait3A_2838, %dma_wait3A_2852] : memref<32x128xi32, #tpu.memory_space<vmem>> -> memref<1x128xi32, #tpu.memory_space<vmem>>
      %dma_wait3A_2854 = tpu.memref_squeeze %dma_wait3A_2853 : memref<1x128xi32, #tpu.memory_space<vmem>> -> memref<128xi32, #tpu.memory_space<vmem>>
      %dma_wait3A_2855 = arith.constant 0 : i32
      %dma_wait3A_2856 = tpu.memref_slice %arg2[%dma_wait3A_2855] : memref<33554432xf32, #tpu.memory_space<hbm>> -> memref<33554432xf32, #tpu.memory_space<hbm>>
      tpu.wait_indirect_dma semaphore(%arg8 : memref<!tpu.dma_semaphore, #tpu.memory_space<semaphore_mem>>) src(%dma_wait3A_2856 : memref<33554432xf32, #tpu.memory_space<hbm>>) dst(%dma_wait3A_2847 : memref<128xf32, #tpu.memory_space<vmem>>)
      %dma_wait3A_2857 = arith.constant 1 : i32
      %dma_wait3A_2858 = arith.constant 20 : i32
      %dma_wait3A_2859 = arith.constant 1 : i32
      %dma_wait3A_2860 = arith.constant 20 : i32
      %dma_wait3A_2861 = arith.constant 0 : i32
      %dma_wait3A_2862 = arith.constant 0 : i32
      %dma_wait3A_2863 = tpu.memref_slice %arg6[%dma_wait3A_2859, %dma_wait3A_2861, %dma_wait3A_2862] : memref<2x32x128xf32, #tpu.memory_space<vmem>> -> memref<1x32x128xf32, #tpu.memory_space<vmem>>
      %dma_wait3A_2864 = tpu.memref_squeeze %dma_wait3A_2863 : memref<1x32x128xf32, #tpu.memory_space<vmem>> -> memref<32x128xf32, #tpu.memory_space<vmem>>
      %dma_wait3A_2865 = arith.constant 0 : i32
      %dma_wait3A_2866 = tpu.memref_slice %dma_wait3A_2864[%dma_wait3A_2860, %dma_wait3A_2865] : memref<32x128xf32, #tpu.memory_space<vmem>> -> memref<1x128xf32, #tpu.memory_space<vmem>>
      %dma_wait3A_2867 = tpu.memref_squeeze %dma_wait3A_2866 : memref<1x128xf32, #tpu.memory_space<vmem>> -> memref<128xf32, #tpu.memory_space<vmem>>
      %dma_wait3A_2868 = arith.constant 0 : i32
      %dma_wait3A_2869 = arith.constant 0 : i32
      %dma_wait3A_2870 = tpu.memref_slice %arg5[%dma_wait3A_2857, %dma_wait3A_2868, %dma_wait3A_2869] : memref<2x32x128xi32, #tpu.memory_space<vmem>> -> memref<1x32x128xi32, #tpu.memory_space<vmem>>
      %dma_wait3A_2871 = tpu.memref_squeeze %dma_wait3A_2870 : memref<1x32x128xi32, #tpu.memory_space<vmem>> -> memref<32x128xi32, #tpu.memory_space<vmem>>
      %dma_wait3A_2872 = arith.constant 0 : i32
      %dma_wait3A_2873 = tpu.memref_slice %dma_wait3A_2871[%dma_wait3A_2858, %dma_wait3A_2872] : memref<32x128xi32, #tpu.memory_space<vmem>> -> memref<1x128xi32, #tpu.memory_space<vmem>>
      %dma_wait3A_2874 = tpu.memref_squeeze %dma_wait3A_2873 : memref<1x128xi32, #tpu.memory_space<vmem>> -> memref<128xi32, #tpu.memory_space<vmem>>
      %dma_wait3A_2875 = arith.constant 0 : i32
      %dma_wait3A_2876 = tpu.memref_slice %arg2[%dma_wait3A_2875] : memref<33554432xf32, #tpu.memory_space<hbm>> -> memref<33554432xf32, #tpu.memory_space<hbm>>
      tpu.wait_indirect_dma semaphore(%arg8 : memref<!tpu.dma_semaphore, #tpu.memory_space<semaphore_mem>>) src(%dma_wait3A_2876 : memref<33554432xf32, #tpu.memory_space<hbm>>) dst(%dma_wait3A_2867 : memref<128xf32, #tpu.memory_space<vmem>>)
      %dma_wait3A_2877 = arith.constant 1 : i32
      %dma_wait3A_2878 = arith.constant 21 : i32
      %dma_wait3A_2879 = arith.constant 1 : i32
      %dma_wait3A_2880 = arith.constant 21 : i32
      %dma_wait3A_2881 = arith.constant 0 : i32
      %dma_wait3A_2882 = arith.constant 0 : i32
      %dma_wait3A_2883 = tpu.memref_slice %arg6[%dma_wait3A_2879, %dma_wait3A_2881, %dma_wait3A_2882] : memref<2x32x128xf32, #tpu.memory_space<vmem>> -> memref<1x32x128xf32, #tpu.memory_space<vmem>>
      %dma_wait3A_2884 = tpu.memref_squeeze %dma_wait3A_2883 : memref<1x32x128xf32, #tpu.memory_space<vmem>> -> memref<32x128xf32, #tpu.memory_space<vmem>>
      %dma_wait3A_2885 = arith.constant 0 : i32
      %dma_wait3A_2886 = tpu.memref_slice %dma_wait3A_2884[%dma_wait3A_2880, %dma_wait3A_2885] : memref<32x128xf32, #tpu.memory_space<vmem>> -> memref<1x128xf32, #tpu.memory_space<vmem>>
      %dma_wait3A_2887 = tpu.memref_squeeze %dma_wait3A_2886 : memref<1x128xf32, #tpu.memory_space<vmem>> -> memref<128xf32, #tpu.memory_space<vmem>>
      %dma_wait3A_2888 = arith.constant 0 : i32
      %dma_wait3A_2889 = arith.constant 0 : i32
      %dma_wait3A_2890 = tpu.memref_slice %arg5[%dma_wait3A_2877, %dma_wait3A_2888, %dma_wait3A_2889] : memref<2x32x128xi32, #tpu.memory_space<vmem>> -> memref<1x32x128xi32, #tpu.memory_space<vmem>>
      %dma_wait3A_2891 = tpu.memref_squeeze %dma_wait3A_2890 : memref<1x32x128xi32, #tpu.memory_space<vmem>> -> memref<32x128xi32, #tpu.memory_space<vmem>>
      %dma_wait3A_2892 = arith.constant 0 : i32
      %dma_wait3A_2893 = tpu.memref_slice %dma_wait3A_2891[%dma_wait3A_2878, %dma_wait3A_2892] : memref<32x128xi32, #tpu.memory_space<vmem>> -> memref<1x128xi32, #tpu.memory_space<vmem>>
      %dma_wait3A_2894 = tpu.memref_squeeze %dma_wait3A_2893 : memref<1x128xi32, #tpu.memory_space<vmem>> -> memref<128xi32, #tpu.memory_space<vmem>>
      %dma_wait3A_2895 = arith.constant 0 : i32
      %dma_wait3A_2896 = tpu.memref_slice %arg2[%dma_wait3A_2895] : memref<33554432xf32, #tpu.memory_space<hbm>> -> memref<33554432xf32, #tpu.memory_space<hbm>>
      tpu.wait_indirect_dma semaphore(%arg8 : memref<!tpu.dma_semaphore, #tpu.memory_space<semaphore_mem>>) src(%dma_wait3A_2896 : memref<33554432xf32, #tpu.memory_space<hbm>>) dst(%dma_wait3A_2887 : memref<128xf32, #tpu.memory_space<vmem>>)
      %dma_wait3A_2897 = arith.constant 1 : i32
      %dma_wait3A_2898 = arith.constant 22 : i32
      %dma_wait3A_2899 = arith.constant 1 : i32
      %dma_wait3A_2900 = arith.constant 22 : i32
      %dma_wait3A_2901 = arith.constant 0 : i32
      %dma_wait3A_2902 = arith.constant 0 : i32
      %dma_wait3A_2903 = tpu.memref_slice %arg6[%dma_wait3A_2899, %dma_wait3A_2901, %dma_wait3A_2902] : memref<2x32x128xf32, #tpu.memory_space<vmem>> -> memref<1x32x128xf32, #tpu.memory_space<vmem>>
      %dma_wait3A_2904 = tpu.memref_squeeze %dma_wait3A_2903 : memref<1x32x128xf32, #tpu.memory_space<vmem>> -> memref<32x128xf32, #tpu.memory_space<vmem>>
      %dma_wait3A_2905 = arith.constant 0 : i32
      %dma_wait3A_2906 = tpu.memref_slice %dma_wait3A_2904[%dma_wait3A_2900, %dma_wait3A_2905] : memref<32x128xf32, #tpu.memory_space<vmem>> -> memref<1x128xf32, #tpu.memory_space<vmem>>
      %dma_wait3A_2907 = tpu.memref_squeeze %dma_wait3A_2906 : memref<1x128xf32, #tpu.memory_space<vmem>> -> memref<128xf32, #tpu.memory_space<vmem>>
      %dma_wait3A_2908 = arith.constant 0 : i32
      %dma_wait3A_2909 = arith.constant 0 : i32
      %dma_wait3A_2910 = tpu.memref_slice %arg5[%dma_wait3A_2897, %dma_wait3A_2908, %dma_wait3A_2909] : memref<2x32x128xi32, #tpu.memory_space<vmem>> -> memref<1x32x128xi32, #tpu.memory_space<vmem>>
      %dma_wait3A_2911 = tpu.memref_squeeze %dma_wait3A_2910 : memref<1x32x128xi32, #tpu.memory_space<vmem>> -> memref<32x128xi32, #tpu.memory_space<vmem>>
      %dma_wait3A_2912 = arith.constant 0 : i32
      %dma_wait3A_2913 = tpu.memref_slice %dma_wait3A_2911[%dma_wait3A_2898, %dma_wait3A_2912] : memref<32x128xi32, #tpu.memory_space<vmem>> -> memref<1x128xi32, #tpu.memory_space<vmem>>
      %dma_wait3A_2914 = tpu.memref_squeeze %dma_wait3A_2913 : memref<1x128xi32, #tpu.memory_space<vmem>> -> memref<128xi32, #tpu.memory_space<vmem>>
      %dma_wait3A_2915 = arith.constant 0 : i32
      %dma_wait3A_2916 = tpu.memref_slice %arg2[%dma_wait3A_2915] : memref<33554432xf32, #tpu.memory_space<hbm>> -> memref<33554432xf32, #tpu.memory_space<hbm>>
      tpu.wait_indirect_dma semaphore(%arg8 : memref<!tpu.dma_semaphore, #tpu.memory_space<semaphore_mem>>) src(%dma_wait3A_2916 : memref<33554432xf32, #tpu.memory_space<hbm>>) dst(%dma_wait3A_2907 : memref<128xf32, #tpu.memory_space<vmem>>)
      %dma_wait3A_2917 = arith.constant 1 : i32
      %dma_wait3A_2918 = arith.constant 23 : i32
      %dma_wait3A_2919 = arith.constant 1 : i32
      %dma_wait3A_2920 = arith.constant 23 : i32
      %dma_wait3A_2921 = arith.constant 0 : i32
      %dma_wait3A_2922 = arith.constant 0 : i32
      %dma_wait3A_2923 = tpu.memref_slice %arg6[%dma_wait3A_2919, %dma_wait3A_2921, %dma_wait3A_2922] : memref<2x32x128xf32, #tpu.memory_space<vmem>> -> memref<1x32x128xf32, #tpu.memory_space<vmem>>
      %dma_wait3A_2924 = tpu.memref_squeeze %dma_wait3A_2923 : memref<1x32x128xf32, #tpu.memory_space<vmem>> -> memref<32x128xf32, #tpu.memory_space<vmem>>
      %dma_wait3A_2925 = arith.constant 0 : i32
      %dma_wait3A_2926 = tpu.memref_slice %dma_wait3A_2924[%dma_wait3A_2920, %dma_wait3A_2925] : memref<32x128xf32, #tpu.memory_space<vmem>> -> memref<1x128xf32, #tpu.memory_space<vmem>>
      %dma_wait3A_2927 = tpu.memref_squeeze %dma_wait3A_2926 : memref<1x128xf32, #tpu.memory_space<vmem>> -> memref<128xf32, #tpu.memory_space<vmem>>
      %dma_wait3A_2928 = arith.constant 0 : i32
      %dma_wait3A_2929 = arith.constant 0 : i32
      %dma_wait3A_2930 = tpu.memref_slice %arg5[%dma_wait3A_2917, %dma_wait3A_2928, %dma_wait3A_2929] : memref<2x32x128xi32, #tpu.memory_space<vmem>> -> memref<1x32x128xi32, #tpu.memory_space<vmem>>
      %dma_wait3A_2931 = tpu.memref_squeeze %dma_wait3A_2930 : memref<1x32x128xi32, #tpu.memory_space<vmem>> -> memref<32x128xi32, #tpu.memory_space<vmem>>
      %dma_wait3A_2932 = arith.constant 0 : i32
      %dma_wait3A_2933 = tpu.memref_slice %dma_wait3A_2931[%dma_wait3A_2918, %dma_wait3A_2932] : memref<32x128xi32, #tpu.memory_space<vmem>> -> memref<1x128xi32, #tpu.memory_space<vmem>>
      %dma_wait3A_2934 = tpu.memref_squeeze %dma_wait3A_2933 : memref<1x128xi32, #tpu.memory_space<vmem>> -> memref<128xi32, #tpu.memory_space<vmem>>
      %dma_wait3A_2935 = arith.constant 0 : i32
      %dma_wait3A_2936 = tpu.memref_slice %arg2[%dma_wait3A_2935] : memref<33554432xf32, #tpu.memory_space<hbm>> -> memref<33554432xf32, #tpu.memory_space<hbm>>
      tpu.wait_indirect_dma semaphore(%arg8 : memref<!tpu.dma_semaphore, #tpu.memory_space<semaphore_mem>>) src(%dma_wait3A_2936 : memref<33554432xf32, #tpu.memory_space<hbm>>) dst(%dma_wait3A_2927 : memref<128xf32, #tpu.memory_space<vmem>>)
      %dma_wait3A_2937 = arith.constant 1 : i32
      %dma_wait3A_2938 = arith.constant 24 : i32
      %dma_wait3A_2939 = arith.constant 1 : i32
      %dma_wait3A_2940 = arith.constant 24 : i32
      %dma_wait3A_2941 = arith.constant 0 : i32
      %dma_wait3A_2942 = arith.constant 0 : i32
      %dma_wait3A_2943 = tpu.memref_slice %arg6[%dma_wait3A_2939, %dma_wait3A_2941, %dma_wait3A_2942] : memref<2x32x128xf32, #tpu.memory_space<vmem>> -> memref<1x32x128xf32, #tpu.memory_space<vmem>>
      %dma_wait3A_2944 = tpu.memref_squeeze %dma_wait3A_2943 : memref<1x32x128xf32, #tpu.memory_space<vmem>> -> memref<32x128xf32, #tpu.memory_space<vmem>>
      %dma_wait3A_2945 = arith.constant 0 : i32
      %dma_wait3A_2946 = tpu.memref_slice %dma_wait3A_2944[%dma_wait3A_2940, %dma_wait3A_2945] : memref<32x128xf32, #tpu.memory_space<vmem>> -> memref<1x128xf32, #tpu.memory_space<vmem>>
      %dma_wait3A_2947 = tpu.memref_squeeze %dma_wait3A_2946 : memref<1x128xf32, #tpu.memory_space<vmem>> -> memref<128xf32, #tpu.memory_space<vmem>>
      %dma_wait3A_2948 = arith.constant 0 : i32
      %dma_wait3A_2949 = arith.constant 0 : i32
      %dma_wait3A_2950 = tpu.memref_slice %arg5[%dma_wait3A_2937, %dma_wait3A_2948, %dma_wait3A_2949] : memref<2x32x128xi32, #tpu.memory_space<vmem>> -> memref<1x32x128xi32, #tpu.memory_space<vmem>>
      %dma_wait3A_2951 = tpu.memref_squeeze %dma_wait3A_2950 : memref<1x32x128xi32, #tpu.memory_space<vmem>> -> memref<32x128xi32, #tpu.memory_space<vmem>>
      %dma_wait3A_2952 = arith.constant 0 : i32
      %dma_wait3A_2953 = tpu.memref_slice %dma_wait3A_2951[%dma_wait3A_2938, %dma_wait3A_2952] : memref<32x128xi32, #tpu.memory_space<vmem>> -> memref<1x128xi32, #tpu.memory_space<vmem>>
      %dma_wait3A_2954 = tpu.memref_squeeze %dma_wait3A_2953 : memref<1x128xi32, #tpu.memory_space<vmem>> -> memref<128xi32, #tpu.memory_space<vmem>>
      %dma_wait3A_2955 = arith.constant 0 : i32
      %dma_wait3A_2956 = tpu.memref_slice %arg2[%dma_wait3A_2955] : memref<33554432xf32, #tpu.memory_space<hbm>> -> memref<33554432xf32, #tpu.memory_space<hbm>>
      tpu.wait_indirect_dma semaphore(%arg8 : memref<!tpu.dma_semaphore, #tpu.memory_space<semaphore_mem>>) src(%dma_wait3A_2956 : memref<33554432xf32, #tpu.memory_space<hbm>>) dst(%dma_wait3A_2947 : memref<128xf32, #tpu.memory_space<vmem>>)
      %dma_wait3A_2957 = arith.constant 1 : i32
      %dma_wait3A_2958 = arith.constant 25 : i32
      %dma_wait3A_2959 = arith.constant 1 : i32
      %dma_wait3A_2960 = arith.constant 25 : i32
      %dma_wait3A_2961 = arith.constant 0 : i32
      %dma_wait3A_2962 = arith.constant 0 : i32
      %dma_wait3A_2963 = tpu.memref_slice %arg6[%dma_wait3A_2959, %dma_wait3A_2961, %dma_wait3A_2962] : memref<2x32x128xf32, #tpu.memory_space<vmem>> -> memref<1x32x128xf32, #tpu.memory_space<vmem>>
      %dma_wait3A_2964 = tpu.memref_squeeze %dma_wait3A_2963 : memref<1x32x128xf32, #tpu.memory_space<vmem>> -> memref<32x128xf32, #tpu.memory_space<vmem>>
      %dma_wait3A_2965 = arith.constant 0 : i32
      %dma_wait3A_2966 = tpu.memref_slice %dma_wait3A_2964[%dma_wait3A_2960, %dma_wait3A_2965] : memref<32x128xf32, #tpu.memory_space<vmem>> -> memref<1x128xf32, #tpu.memory_space<vmem>>
      %dma_wait3A_2967 = tpu.memref_squeeze %dma_wait3A_2966 : memref<1x128xf32, #tpu.memory_space<vmem>> -> memref<128xf32, #tpu.memory_space<vmem>>
      %dma_wait3A_2968 = arith.constant 0 : i32
      %dma_wait3A_2969 = arith.constant 0 : i32
      %dma_wait3A_2970 = tpu.memref_slice %arg5[%dma_wait3A_2957, %dma_wait3A_2968, %dma_wait3A_2969] : memref<2x32x128xi32, #tpu.memory_space<vmem>> -> memref<1x32x128xi32, #tpu.memory_space<vmem>>
      %dma_wait3A_2971 = tpu.memref_squeeze %dma_wait3A_2970 : memref<1x32x128xi32, #tpu.memory_space<vmem>> -> memref<32x128xi32, #tpu.memory_space<vmem>>
      %dma_wait3A_2972 = arith.constant 0 : i32
      %dma_wait3A_2973 = tpu.memref_slice %dma_wait3A_2971[%dma_wait3A_2958, %dma_wait3A_2972] : memref<32x128xi32, #tpu.memory_space<vmem>> -> memref<1x128xi32, #tpu.memory_space<vmem>>
      %dma_wait3A_2974 = tpu.memref_squeeze %dma_wait3A_2973 : memref<1x128xi32, #tpu.memory_space<vmem>> -> memref<128xi32, #tpu.memory_space<vmem>>
      %dma_wait3A_2975 = arith.constant 0 : i32
      %dma_wait3A_2976 = tpu.memref_slice %arg2[%dma_wait3A_2975] : memref<33554432xf32, #tpu.memory_space<hbm>> -> memref<33554432xf32, #tpu.memory_space<hbm>>
      tpu.wait_indirect_dma semaphore(%arg8 : memref<!tpu.dma_semaphore, #tpu.memory_space<semaphore_mem>>) src(%dma_wait3A_2976 : memref<33554432xf32, #tpu.memory_space<hbm>>) dst(%dma_wait3A_2967 : memref<128xf32, #tpu.memory_space<vmem>>)
      %dma_wait3A_2977 = arith.constant 1 : i32
      %dma_wait3A_2978 = arith.constant 26 : i32
      %dma_wait3A_2979 = arith.constant 1 : i32
      %dma_wait3A_2980 = arith.constant 26 : i32
      %dma_wait3A_2981 = arith.constant 0 : i32
      %dma_wait3A_2982 = arith.constant 0 : i32
      %dma_wait3A_2983 = tpu.memref_slice %arg6[%dma_wait3A_2979, %dma_wait3A_2981, %dma_wait3A_2982] : memref<2x32x128xf32, #tpu.memory_space<vmem>> -> memref<1x32x128xf32, #tpu.memory_space<vmem>>
      %dma_wait3A_2984 = tpu.memref_squeeze %dma_wait3A_2983 : memref<1x32x128xf32, #tpu.memory_space<vmem>> -> memref<32x128xf32, #tpu.memory_space<vmem>>
      %dma_wait3A_2985 = arith.constant 0 : i32
      %dma_wait3A_2986 = tpu.memref_slice %dma_wait3A_2984[%dma_wait3A_2980, %dma_wait3A_2985] : memref<32x128xf32, #tpu.memory_space<vmem>> -> memref<1x128xf32, #tpu.memory_space<vmem>>
      %dma_wait3A_2987 = tpu.memref_squeeze %dma_wait3A_2986 : memref<1x128xf32, #tpu.memory_space<vmem>> -> memref<128xf32, #tpu.memory_space<vmem>>
      %dma_wait3A_2988 = arith.constant 0 : i32
      %dma_wait3A_2989 = arith.constant 0 : i32
      %dma_wait3A_2990 = tpu.memref_slice %arg5[%dma_wait3A_2977, %dma_wait3A_2988, %dma_wait3A_2989] : memref<2x32x128xi32, #tpu.memory_space<vmem>> -> memref<1x32x128xi32, #tpu.memory_space<vmem>>
      %dma_wait3A_2991 = tpu.memref_squeeze %dma_wait3A_2990 : memref<1x32x128xi32, #tpu.memory_space<vmem>> -> memref<32x128xi32, #tpu.memory_space<vmem>>
      %dma_wait3A_2992 = arith.constant 0 : i32
      %dma_wait3A_2993 = tpu.memref_slice %dma_wait3A_2991[%dma_wait3A_2978, %dma_wait3A_2992] : memref<32x128xi32, #tpu.memory_space<vmem>> -> memref<1x128xi32, #tpu.memory_space<vmem>>
      %dma_wait3A_2994 = tpu.memref_squeeze %dma_wait3A_2993 : memref<1x128xi32, #tpu.memory_space<vmem>> -> memref<128xi32, #tpu.memory_space<vmem>>
      %dma_wait3A_2995 = arith.constant 0 : i32
      %dma_wait3A_2996 = tpu.memref_slice %arg2[%dma_wait3A_2995] : memref<33554432xf32, #tpu.memory_space<hbm>> -> memref<33554432xf32, #tpu.memory_space<hbm>>
      tpu.wait_indirect_dma semaphore(%arg8 : memref<!tpu.dma_semaphore, #tpu.memory_space<semaphore_mem>>) src(%dma_wait3A_2996 : memref<33554432xf32, #tpu.memory_space<hbm>>) dst(%dma_wait3A_2987 : memref<128xf32, #tpu.memory_space<vmem>>)
      %dma_wait3A_2997 = arith.constant 1 : i32
      %dma_wait3A_2998 = arith.constant 27 : i32
      %dma_wait3A_2999 = arith.constant 1 : i32
      %dma_wait3A_3000 = arith.constant 27 : i32
      %dma_wait3A_3001 = arith.constant 0 : i32
      %dma_wait3A_3002 = arith.constant 0 : i32
      %dma_wait3A_3003 = tpu.memref_slice %arg6[%dma_wait3A_2999, %dma_wait3A_3001, %dma_wait3A_3002] : memref<2x32x128xf32, #tpu.memory_space<vmem>> -> memref<1x32x128xf32, #tpu.memory_space<vmem>>
      %dma_wait3A_3004 = tpu.memref_squeeze %dma_wait3A_3003 : memref<1x32x128xf32, #tpu.memory_space<vmem>> -> memref<32x128xf32, #tpu.memory_space<vmem>>
      %dma_wait3A_3005 = arith.constant 0 : i32
      %dma_wait3A_3006 = tpu.memref_slice %dma_wait3A_3004[%dma_wait3A_3000, %dma_wait3A_3005] : memref<32x128xf32, #tpu.memory_space<vmem>> -> memref<1x128xf32, #tpu.memory_space<vmem>>
      %dma_wait3A_3007 = tpu.memref_squeeze %dma_wait3A_3006 : memref<1x128xf32, #tpu.memory_space<vmem>> -> memref<128xf32, #tpu.memory_space<vmem>>
      %dma_wait3A_3008 = arith.constant 0 : i32
      %dma_wait3A_3009 = arith.constant 0 : i32
      %dma_wait3A_3010 = tpu.memref_slice %arg5[%dma_wait3A_2997, %dma_wait3A_3008, %dma_wait3A_3009] : memref<2x32x128xi32, #tpu.memory_space<vmem>> -> memref<1x32x128xi32, #tpu.memory_space<vmem>>
      %dma_wait3A_3011 = tpu.memref_squeeze %dma_wait3A_3010 : memref<1x32x128xi32, #tpu.memory_space<vmem>> -> memref<32x128xi32, #tpu.memory_space<vmem>>
      %dma_wait3A_3012 = arith.constant 0 : i32
      %dma_wait3A_3013 = tpu.memref_slice %dma_wait3A_3011[%dma_wait3A_2998, %dma_wait3A_3012] : memref<32x128xi32, #tpu.memory_space<vmem>> -> memref<1x128xi32, #tpu.memory_space<vmem>>
      %dma_wait3A_3014 = tpu.memref_squeeze %dma_wait3A_3013 : memref<1x128xi32, #tpu.memory_space<vmem>> -> memref<128xi32, #tpu.memory_space<vmem>>
      %dma_wait3A_3015 = arith.constant 0 : i32
      %dma_wait3A_3016 = tpu.memref_slice %arg2[%dma_wait3A_3015] : memref<33554432xf32, #tpu.memory_space<hbm>> -> memref<33554432xf32, #tpu.memory_space<hbm>>
      tpu.wait_indirect_dma semaphore(%arg8 : memref<!tpu.dma_semaphore, #tpu.memory_space<semaphore_mem>>) src(%dma_wait3A_3016 : memref<33554432xf32, #tpu.memory_space<hbm>>) dst(%dma_wait3A_3007 : memref<128xf32, #tpu.memory_space<vmem>>)
      %dma_wait3A_3017 = arith.constant 1 : i32
      %dma_wait3A_3018 = arith.constant 28 : i32
      %dma_wait3A_3019 = arith.constant 1 : i32
      %dma_wait3A_3020 = arith.constant 28 : i32
      %dma_wait3A_3021 = arith.constant 0 : i32
      %dma_wait3A_3022 = arith.constant 0 : i32
      %dma_wait3A_3023 = tpu.memref_slice %arg6[%dma_wait3A_3019, %dma_wait3A_3021, %dma_wait3A_3022] : memref<2x32x128xf32, #tpu.memory_space<vmem>> -> memref<1x32x128xf32, #tpu.memory_space<vmem>>
      %dma_wait3A_3024 = tpu.memref_squeeze %dma_wait3A_3023 : memref<1x32x128xf32, #tpu.memory_space<vmem>> -> memref<32x128xf32, #tpu.memory_space<vmem>>
      %dma_wait3A_3025 = arith.constant 0 : i32
      %dma_wait3A_3026 = tpu.memref_slice %dma_wait3A_3024[%dma_wait3A_3020, %dma_wait3A_3025] : memref<32x128xf32, #tpu.memory_space<vmem>> -> memref<1x128xf32, #tpu.memory_space<vmem>>
      %dma_wait3A_3027 = tpu.memref_squeeze %dma_wait3A_3026 : memref<1x128xf32, #tpu.memory_space<vmem>> -> memref<128xf32, #tpu.memory_space<vmem>>
      %dma_wait3A_3028 = arith.constant 0 : i32
      %dma_wait3A_3029 = arith.constant 0 : i32
      %dma_wait3A_3030 = tpu.memref_slice %arg5[%dma_wait3A_3017, %dma_wait3A_3028, %dma_wait3A_3029] : memref<2x32x128xi32, #tpu.memory_space<vmem>> -> memref<1x32x128xi32, #tpu.memory_space<vmem>>
      %dma_wait3A_3031 = tpu.memref_squeeze %dma_wait3A_3030 : memref<1x32x128xi32, #tpu.memory_space<vmem>> -> memref<32x128xi32, #tpu.memory_space<vmem>>
      %dma_wait3A_3032 = arith.constant 0 : i32
      %dma_wait3A_3033 = tpu.memref_slice %dma_wait3A_3031[%dma_wait3A_3018, %dma_wait3A_3032] : memref<32x128xi32, #tpu.memory_space<vmem>> -> memref<1x128xi32, #tpu.memory_space<vmem>>
      %dma_wait3A_3034 = tpu.memref_squeeze %dma_wait3A_3033 : memref<1x128xi32, #tpu.memory_space<vmem>> -> memref<128xi32, #tpu.memory_space<vmem>>
      %dma_wait3A_3035 = arith.constant 0 : i32
      %dma_wait3A_3036 = tpu.memref_slice %arg2[%dma_wait3A_3035] : memref<33554432xf32, #tpu.memory_space<hbm>> -> memref<33554432xf32, #tpu.memory_space<hbm>>
      tpu.wait_indirect_dma semaphore(%arg8 : memref<!tpu.dma_semaphore, #tpu.memory_space<semaphore_mem>>) src(%dma_wait3A_3036 : memref<33554432xf32, #tpu.memory_space<hbm>>) dst(%dma_wait3A_3027 : memref<128xf32, #tpu.memory_space<vmem>>)
      %dma_wait3A_3037 = arith.constant 1 : i32
      %dma_wait3A_3038 = arith.constant 29 : i32
      %dma_wait3A_3039 = arith.constant 1 : i32
      %dma_wait3A_3040 = arith.constant 29 : i32
      %dma_wait3A_3041 = arith.constant 0 : i32
      %dma_wait3A_3042 = arith.constant 0 : i32
      %dma_wait3A_3043 = tpu.memref_slice %arg6[%dma_wait3A_3039, %dma_wait3A_3041, %dma_wait3A_3042] : memref<2x32x128xf32, #tpu.memory_space<vmem>> -> memref<1x32x128xf32, #tpu.memory_space<vmem>>
      %dma_wait3A_3044 = tpu.memref_squeeze %dma_wait3A_3043 : memref<1x32x128xf32, #tpu.memory_space<vmem>> -> memref<32x128xf32, #tpu.memory_space<vmem>>
      %dma_wait3A_3045 = arith.constant 0 : i32
      %dma_wait3A_3046 = tpu.memref_slice %dma_wait3A_3044[%dma_wait3A_3040, %dma_wait3A_3045] : memref<32x128xf32, #tpu.memory_space<vmem>> -> memref<1x128xf32, #tpu.memory_space<vmem>>
      %dma_wait3A_3047 = tpu.memref_squeeze %dma_wait3A_3046 : memref<1x128xf32, #tpu.memory_space<vmem>> -> memref<128xf32, #tpu.memory_space<vmem>>
      %dma_wait3A_3048 = arith.constant 0 : i32
      %dma_wait3A_3049 = arith.constant 0 : i32
      %dma_wait3A_3050 = tpu.memref_slice %arg5[%dma_wait3A_3037, %dma_wait3A_3048, %dma_wait3A_3049] : memref<2x32x128xi32, #tpu.memory_space<vmem>> -> memref<1x32x128xi32, #tpu.memory_space<vmem>>
      %dma_wait3A_3051 = tpu.memref_squeeze %dma_wait3A_3050 : memref<1x32x128xi32, #tpu.memory_space<vmem>> -> memref<32x128xi32, #tpu.memory_space<vmem>>
      %dma_wait3A_3052 = arith.constant 0 : i32
      %dma_wait3A_3053 = tpu.memref_slice %dma_wait3A_3051[%dma_wait3A_3038, %dma_wait3A_3052] : memref<32x128xi32, #tpu.memory_space<vmem>> -> memref<1x128xi32, #tpu.memory_space<vmem>>
      %dma_wait3A_3054 = tpu.memref_squeeze %dma_wait3A_3053 : memref<1x128xi32, #tpu.memory_space<vmem>> -> memref<128xi32, #tpu.memory_space<vmem>>
      %dma_wait3A_3055 = arith.constant 0 : i32
      %dma_wait3A_3056 = tpu.memref_slice %arg2[%dma_wait3A_3055] : memref<33554432xf32, #tpu.memory_space<hbm>> -> memref<33554432xf32, #tpu.memory_space<hbm>>
      tpu.wait_indirect_dma semaphore(%arg8 : memref<!tpu.dma_semaphore, #tpu.memory_space<semaphore_mem>>) src(%dma_wait3A_3056 : memref<33554432xf32, #tpu.memory_space<hbm>>) dst(%dma_wait3A_3047 : memref<128xf32, #tpu.memory_space<vmem>>)
      %dma_wait3A_3057 = arith.constant 1 : i32
      %dma_wait3A_3058 = arith.constant 30 : i32
      %dma_wait3A_3059 = arith.constant 1 : i32
      %dma_wait3A_3060 = arith.constant 30 : i32
      %dma_wait3A_3061 = arith.constant 0 : i32
      %dma_wait3A_3062 = arith.constant 0 : i32
      %dma_wait3A_3063 = tpu.memref_slice %arg6[%dma_wait3A_3059, %dma_wait3A_3061, %dma_wait3A_3062] : memref<2x32x128xf32, #tpu.memory_space<vmem>> -> memref<1x32x128xf32, #tpu.memory_space<vmem>>
      %dma_wait3A_3064 = tpu.memref_squeeze %dma_wait3A_3063 : memref<1x32x128xf32, #tpu.memory_space<vmem>> -> memref<32x128xf32, #tpu.memory_space<vmem>>
      %dma_wait3A_3065 = arith.constant 0 : i32
      %dma_wait3A_3066 = tpu.memref_slice %dma_wait3A_3064[%dma_wait3A_3060, %dma_wait3A_3065] : memref<32x128xf32, #tpu.memory_space<vmem>> -> memref<1x128xf32, #tpu.memory_space<vmem>>
      %dma_wait3A_3067 = tpu.memref_squeeze %dma_wait3A_3066 : memref<1x128xf32, #tpu.memory_space<vmem>> -> memref<128xf32, #tpu.memory_space<vmem>>
      %dma_wait3A_3068 = arith.constant 0 : i32
      %dma_wait3A_3069 = arith.constant 0 : i32
      %dma_wait3A_3070 = tpu.memref_slice %arg5[%dma_wait3A_3057, %dma_wait3A_3068, %dma_wait3A_3069] : memref<2x32x128xi32, #tpu.memory_space<vmem>> -> memref<1x32x128xi32, #tpu.memory_space<vmem>>
      %dma_wait3A_3071 = tpu.memref_squeeze %dma_wait3A_3070 : memref<1x32x128xi32, #tpu.memory_space<vmem>> -> memref<32x128xi32, #tpu.memory_space<vmem>>
      %dma_wait3A_3072 = arith.constant 0 : i32
      %dma_wait3A_3073 = tpu.memref_slice %dma_wait3A_3071[%dma_wait3A_3058, %dma_wait3A_3072] : memref<32x128xi32, #tpu.memory_space<vmem>> -> memref<1x128xi32, #tpu.memory_space<vmem>>
      %dma_wait3A_3074 = tpu.memref_squeeze %dma_wait3A_3073 : memref<1x128xi32, #tpu.memory_space<vmem>> -> memref<128xi32, #tpu.memory_space<vmem>>
      %dma_wait3A_3075 = arith.constant 0 : i32
      %dma_wait3A_3076 = tpu.memref_slice %arg2[%dma_wait3A_3075] : memref<33554432xf32, #tpu.memory_space<hbm>> -> memref<33554432xf32, #tpu.memory_space<hbm>>
      tpu.wait_indirect_dma semaphore(%arg8 : memref<!tpu.dma_semaphore, #tpu.memory_space<semaphore_mem>>) src(%dma_wait3A_3076 : memref<33554432xf32, #tpu.memory_space<hbm>>) dst(%dma_wait3A_3067 : memref<128xf32, #tpu.memory_space<vmem>>)
      %dma_wait3A_3077 = arith.constant 1 : i32
      %dma_wait3A_3078 = arith.constant 31 : i32
      %dma_wait3A_3079 = arith.constant 1 : i32
      %dma_wait3A_3080 = arith.constant 31 : i32
      %dma_wait3A_3081 = arith.constant 0 : i32
      %dma_wait3A_3082 = arith.constant 0 : i32
      %dma_wait3A_3083 = tpu.memref_slice %arg6[%dma_wait3A_3079, %dma_wait3A_3081, %dma_wait3A_3082] : memref<2x32x128xf32, #tpu.memory_space<vmem>> -> memref<1x32x128xf32, #tpu.memory_space<vmem>>
      %dma_wait3A_3084 = tpu.memref_squeeze %dma_wait3A_3083 : memref<1x32x128xf32, #tpu.memory_space<vmem>> -> memref<32x128xf32, #tpu.memory_space<vmem>>
      %dma_wait3A_3085 = arith.constant 0 : i32
      %dma_wait3A_3086 = tpu.memref_slice %dma_wait3A_3084[%dma_wait3A_3080, %dma_wait3A_3085] : memref<32x128xf32, #tpu.memory_space<vmem>> -> memref<1x128xf32, #tpu.memory_space<vmem>>
      %dma_wait3A_3087 = tpu.memref_squeeze %dma_wait3A_3086 : memref<1x128xf32, #tpu.memory_space<vmem>> -> memref<128xf32, #tpu.memory_space<vmem>>
      %dma_wait3A_3088 = arith.constant 0 : i32
      %dma_wait3A_3089 = arith.constant 0 : i32
      %dma_wait3A_3090 = tpu.memref_slice %arg5[%dma_wait3A_3077, %dma_wait3A_3088, %dma_wait3A_3089] : memref<2x32x128xi32, #tpu.memory_space<vmem>> -> memref<1x32x128xi32, #tpu.memory_space<vmem>>
      %dma_wait3A_3091 = tpu.memref_squeeze %dma_wait3A_3090 : memref<1x32x128xi32, #tpu.memory_space<vmem>> -> memref<32x128xi32, #tpu.memory_space<vmem>>
      %dma_wait3A_3092 = arith.constant 0 : i32
      %dma_wait3A_3093 = tpu.memref_slice %dma_wait3A_3091[%dma_wait3A_3078, %dma_wait3A_3092] : memref<32x128xi32, #tpu.memory_space<vmem>> -> memref<1x128xi32, #tpu.memory_space<vmem>>
      %dma_wait3A_3094 = tpu.memref_squeeze %dma_wait3A_3093 : memref<1x128xi32, #tpu.memory_space<vmem>> -> memref<128xi32, #tpu.memory_space<vmem>>
      %dma_wait3A_3095 = arith.constant 0 : i32
      %dma_wait3A_3096 = tpu.memref_slice %arg2[%dma_wait3A_3095] : memref<33554432xf32, #tpu.memory_space<hbm>> -> memref<33554432xf32, #tpu.memory_space<hbm>>
      tpu.wait_indirect_dma semaphore(%arg8 : memref<!tpu.dma_semaphore, #tpu.memory_space<semaphore_mem>>) src(%dma_wait3A_3096 : memref<33554432xf32, #tpu.memory_space<hbm>>) dst(%dma_wait3A_3087 : memref<128xf32, #tpu.memory_space<vmem>>)
      %mul3A_3097 = arith.constant 4 : i32
      %mul3A_3098 = arith.muli %add3A_1712, %mul3A_3097 : i32
      %mul3A_3099 = arith.constant 128 : i32
      %mul3A_3100 = arith.muli %mul3A_3098, %mul3A_3099 : i32
      %add3A_3101 = arith.constant 0 : i32
      %add3A_3102 = arith.addi %mul3A_3100, %add3A_3101 : i32
      %dma_start3A_3103 = arith.constant 1 : i32
      %dma_start3A_3104 = arith.constant 0 : i32
      %dma_start3A_3105 = arith.constant 0 : i32
      %dma_start3A_3106 = tpu.memref_slice %arg6[%dma_start3A_3103, %dma_start3A_3104, %dma_start3A_3105] : memref<2x32x128xf32, #tpu.memory_space<vmem>> -> memref<1x32x128xf32, #tpu.memory_space<vmem>>
      %dma_start3A_3107 = tpu.memref_squeeze %dma_start3A_3106 : memref<1x32x128xf32, #tpu.memory_space<vmem>> -> memref<32x128xf32, #tpu.memory_space<vmem>>
      %dma_start3A_3108 = arith.constant 0 : i32
      %dma_start3A_3109 = arith.constant 0 : i32
      %dma_start3A_3110 = tpu.memref_slice %dma_start3A_3107[%dma_start3A_3108, %dma_start3A_3109] : memref<32x128xf32, #tpu.memory_space<vmem>> -> memref<8x128xf32, #tpu.memory_space<vmem>>
      %dma_start3A_3111 = tpu.memref_slice %arg4[%mul3A_2, %add3A_3102] : memref<256x8192xf32, #tpu.memory_space<hbm>> -> memref<8x128xf32, #tpu.memory_space<hbm>>
      %dma_start3A_3112 = tpu.memref_slice %arg4[%mul3A_2, %add3A_3102] : memref<256x8192xf32, #tpu.memory_space<hbm>> -> memref<8x128xf32, #tpu.memory_space<hbm>>
      %dma_start3A_3113 = arith.constant 0 : i32
      %dma_start3A_3114 = arith.constant 0 : i32
      %dma_start3A_3115 = tpu.memref_slice %arg6[%dma_start3A_3103, %dma_start3A_3113, %dma_start3A_3114] : memref<2x32x128xf32, #tpu.memory_space<vmem>> -> memref<1x32x128xf32, #tpu.memory_space<vmem>>
      %dma_start3A_3116 = tpu.memref_squeeze %dma_start3A_3115 : memref<1x32x128xf32, #tpu.memory_space<vmem>> -> memref<32x128xf32, #tpu.memory_space<vmem>>
      %dma_start3A_3117 = arith.constant 0 : i32
      %dma_start3A_3118 = arith.constant 0 : i32
      %dma_start3A_3119 = tpu.memref_slice %dma_start3A_3116[%dma_start3A_3117, %dma_start3A_3118] : memref<32x128xf32, #tpu.memory_space<vmem>> -> memref<8x128xf32, #tpu.memory_space<vmem>>
      tpu.enqueue_dma source(%dma_start3A_3119 : memref<8x128xf32, #tpu.memory_space<vmem>>) target(%dma_start3A_3112 : memref<8x128xf32, #tpu.memory_space<hbm>>) target_semaphore(%arg9 : memref<!tpu.dma_semaphore, #tpu.memory_space<semaphore_mem>>)
      %mul3A_3120 = arith.constant 4 : i32
      %mul3A_3121 = arith.muli %add3A_1712, %mul3A_3120 : i32
      %mul3A_3122 = arith.constant 128 : i32
      %mul3A_3123 = arith.muli %mul3A_3121, %mul3A_3122 : i32
      %add3A_3124 = arith.constant 128 : i32
      %add3A_3125 = arith.addi %mul3A_3123, %add3A_3124 : i32
      %dma_start3A_3126 = arith.constant 1 : i32
      %dma_start3A_3127 = arith.constant 0 : i32
      %dma_start3A_3128 = arith.constant 0 : i32
      %dma_start3A_3129 = tpu.memref_slice %arg6[%dma_start3A_3126, %dma_start3A_3127, %dma_start3A_3128] : memref<2x32x128xf32, #tpu.memory_space<vmem>> -> memref<1x32x128xf32, #tpu.memory_space<vmem>>
      %dma_start3A_3130 = tpu.memref_squeeze %dma_start3A_3129 : memref<1x32x128xf32, #tpu.memory_space<vmem>> -> memref<32x128xf32, #tpu.memory_space<vmem>>
      %dma_start3A_3131 = arith.constant 8 : i32
      %dma_start3A_3132 = arith.constant 0 : i32
      %dma_start3A_3133 = tpu.memref_slice %dma_start3A_3130[%dma_start3A_3131, %dma_start3A_3132] : memref<32x128xf32, #tpu.memory_space<vmem>> -> memref<8x128xf32, #tpu.memory_space<vmem>>
      %dma_start3A_3134 = tpu.memref_slice %arg4[%mul3A_2, %add3A_3125] : memref<256x8192xf32, #tpu.memory_space<hbm>> -> memref<8x128xf32, #tpu.memory_space<hbm>>
      %dma_start3A_3135 = tpu.memref_slice %arg4[%mul3A_2, %add3A_3125] : memref<256x8192xf32, #tpu.memory_space<hbm>> -> memref<8x128xf32, #tpu.memory_space<hbm>>
      %dma_start3A_3136 = arith.constant 0 : i32
      %dma_start3A_3137 = arith.constant 0 : i32
      %dma_start3A_3138 = tpu.memref_slice %arg6[%dma_start3A_3126, %dma_start3A_3136, %dma_start3A_3137] : memref<2x32x128xf32, #tpu.memory_space<vmem>> -> memref<1x32x128xf32, #tpu.memory_space<vmem>>
      %dma_start3A_3139 = tpu.memref_squeeze %dma_start3A_3138 : memref<1x32x128xf32, #tpu.memory_space<vmem>> -> memref<32x128xf32, #tpu.memory_space<vmem>>
      %dma_start3A_3140 = arith.constant 8 : i32
      %dma_start3A_3141 = arith.constant 0 : i32
      %dma_start3A_3142 = tpu.memref_slice %dma_start3A_3139[%dma_start3A_3140, %dma_start3A_3141] : memref<32x128xf32, #tpu.memory_space<vmem>> -> memref<8x128xf32, #tpu.memory_space<vmem>>
      tpu.enqueue_dma source(%dma_start3A_3142 : memref<8x128xf32, #tpu.memory_space<vmem>>) target(%dma_start3A_3135 : memref<8x128xf32, #tpu.memory_space<hbm>>) target_semaphore(%arg9 : memref<!tpu.dma_semaphore, #tpu.memory_space<semaphore_mem>>)
      %mul3A_3143 = arith.constant 4 : i32
      %mul3A_3144 = arith.muli %add3A_1712, %mul3A_3143 : i32
      %mul3A_3145 = arith.constant 128 : i32
      %mul3A_3146 = arith.muli %mul3A_3144, %mul3A_3145 : i32
      %add3A_3147 = arith.constant 256 : i32
      %add3A_3148 = arith.addi %mul3A_3146, %add3A_3147 : i32
      %dma_start3A_3149 = arith.constant 1 : i32
      %dma_start3A_3150 = arith.constant 0 : i32
      %dma_start3A_3151 = arith.constant 0 : i32
      %dma_start3A_3152 = tpu.memref_slice %arg6[%dma_start3A_3149, %dma_start3A_3150, %dma_start3A_3151] : memref<2x32x128xf32, #tpu.memory_space<vmem>> -> memref<1x32x128xf32, #tpu.memory_space<vmem>>
      %dma_start3A_3153 = tpu.memref_squeeze %dma_start3A_3152 : memref<1x32x128xf32, #tpu.memory_space<vmem>> -> memref<32x128xf32, #tpu.memory_space<vmem>>
      %dma_start3A_3154 = arith.constant 16 : i32
      %dma_start3A_3155 = arith.constant 0 : i32
      %dma_start3A_3156 = tpu.memref_slice %dma_start3A_3153[%dma_start3A_3154, %dma_start3A_3155] : memref<32x128xf32, #tpu.memory_space<vmem>> -> memref<8x128xf32, #tpu.memory_space<vmem>>
      %dma_start3A_3157 = tpu.memref_slice %arg4[%mul3A_2, %add3A_3148] : memref<256x8192xf32, #tpu.memory_space<hbm>> -> memref<8x128xf32, #tpu.memory_space<hbm>>
      %dma_start3A_3158 = tpu.memref_slice %arg4[%mul3A_2, %add3A_3148] : memref<256x8192xf32, #tpu.memory_space<hbm>> -> memref<8x128xf32, #tpu.memory_space<hbm>>
      %dma_start3A_3159 = arith.constant 0 : i32
      %dma_start3A_3160 = arith.constant 0 : i32
      %dma_start3A_3161 = tpu.memref_slice %arg6[%dma_start3A_3149, %dma_start3A_3159, %dma_start3A_3160] : memref<2x32x128xf32, #tpu.memory_space<vmem>> -> memref<1x32x128xf32, #tpu.memory_space<vmem>>
      %dma_start3A_3162 = tpu.memref_squeeze %dma_start3A_3161 : memref<1x32x128xf32, #tpu.memory_space<vmem>> -> memref<32x128xf32, #tpu.memory_space<vmem>>
      %dma_start3A_3163 = arith.constant 16 : i32
      %dma_start3A_3164 = arith.constant 0 : i32
      %dma_start3A_3165 = tpu.memref_slice %dma_start3A_3162[%dma_start3A_3163, %dma_start3A_3164] : memref<32x128xf32, #tpu.memory_space<vmem>> -> memref<8x128xf32, #tpu.memory_space<vmem>>
      tpu.enqueue_dma source(%dma_start3A_3165 : memref<8x128xf32, #tpu.memory_space<vmem>>) target(%dma_start3A_3158 : memref<8x128xf32, #tpu.memory_space<hbm>>) target_semaphore(%arg9 : memref<!tpu.dma_semaphore, #tpu.memory_space<semaphore_mem>>)
      %mul3A_3166 = arith.constant 4 : i32
      %mul3A_3167 = arith.muli %add3A_1712, %mul3A_3166 : i32
      %mul3A_3168 = arith.constant 128 : i32
      %mul3A_3169 = arith.muli %mul3A_3167, %mul3A_3168 : i32
      %add3A_3170 = arith.constant 384 : i32
      %add3A_3171 = arith.addi %mul3A_3169, %add3A_3170 : i32
      %dma_start3A_3172 = arith.constant 1 : i32
      %dma_start3A_3173 = arith.constant 0 : i32
      %dma_start3A_3174 = arith.constant 0 : i32
      %dma_start3A_3175 = tpu.memref_slice %arg6[%dma_start3A_3172, %dma_start3A_3173, %dma_start3A_3174] : memref<2x32x128xf32, #tpu.memory_space<vmem>> -> memref<1x32x128xf32, #tpu.memory_space<vmem>>
      %dma_start3A_3176 = tpu.memref_squeeze %dma_start3A_3175 : memref<1x32x128xf32, #tpu.memory_space<vmem>> -> memref<32x128xf32, #tpu.memory_space<vmem>>
      %dma_start3A_3177 = arith.constant 24 : i32
      %dma_start3A_3178 = arith.constant 0 : i32
      %dma_start3A_3179 = tpu.memref_slice %dma_start3A_3176[%dma_start3A_3177, %dma_start3A_3178] : memref<32x128xf32, #tpu.memory_space<vmem>> -> memref<8x128xf32, #tpu.memory_space<vmem>>
      %dma_start3A_3180 = tpu.memref_slice %arg4[%mul3A_2, %add3A_3171] : memref<256x8192xf32, #tpu.memory_space<hbm>> -> memref<8x128xf32, #tpu.memory_space<hbm>>
      %dma_start3A_3181 = tpu.memref_slice %arg4[%mul3A_2, %add3A_3171] : memref<256x8192xf32, #tpu.memory_space<hbm>> -> memref<8x128xf32, #tpu.memory_space<hbm>>
      %dma_start3A_3182 = arith.constant 0 : i32
      %dma_start3A_3183 = arith.constant 0 : i32
      %dma_start3A_3184 = tpu.memref_slice %arg6[%dma_start3A_3172, %dma_start3A_3182, %dma_start3A_3183] : memref<2x32x128xf32, #tpu.memory_space<vmem>> -> memref<1x32x128xf32, #tpu.memory_space<vmem>>
      %dma_start3A_3185 = tpu.memref_squeeze %dma_start3A_3184 : memref<1x32x128xf32, #tpu.memory_space<vmem>> -> memref<32x128xf32, #tpu.memory_space<vmem>>
      %dma_start3A_3186 = arith.constant 24 : i32
      %dma_start3A_3187 = arith.constant 0 : i32
      %dma_start3A_3188 = tpu.memref_slice %dma_start3A_3185[%dma_start3A_3186, %dma_start3A_3187] : memref<32x128xf32, #tpu.memory_space<vmem>> -> memref<8x128xf32, #tpu.memory_space<vmem>>
      tpu.enqueue_dma source(%dma_start3A_3188 : memref<8x128xf32, #tpu.memory_space<vmem>>) target(%dma_start3A_3181 : memref<8x128xf32, #tpu.memory_space<hbm>>) target_semaphore(%arg9 : memref<!tpu.dma_semaphore, #tpu.memory_space<semaphore_mem>>)
    }
    %scan3A_82 = arith.constant 8 : i32
    %dma_wait3A = arith.constant 0 : i32
    %dma_wait3A_83 = arith.constant 0 : i32
    %dma_wait3A_84 = arith.constant 0 : i32
    %dma_wait3A_85 = tpu.memref_slice %arg6[%dma_wait3A, %dma_wait3A_83, %dma_wait3A_84] : memref<2x32x128xf32, #tpu.memory_space<vmem>> -> memref<1x32x128xf32, #tpu.memory_space<vmem>>
    %dma_wait3A_86 = tpu.memref_squeeze %dma_wait3A_85 : memref<1x32x128xf32, #tpu.memory_space<vmem>> -> memref<32x128xf32, #tpu.memory_space<vmem>>
    %dma_wait3A_87 = arith.constant 0 : i32
    %dma_wait3A_88 = arith.constant 0 : i32
    %dma_wait3A_89 = tpu.memref_slice %dma_wait3A_86[%dma_wait3A_87, %dma_wait3A_88] : memref<32x128xf32, #tpu.memory_space<vmem>> -> memref<8x128xf32, #tpu.memory_space<vmem>>
    %dma_wait3A_90 = arith.constant 7168 : i32
    %dma_wait3A_91 = tpu.memref_slice %arg4[%mul3A_2, %dma_wait3A_90] : memref<256x8192xf32, #tpu.memory_space<hbm>> -> memref<8x128xf32, #tpu.memory_space<hbm>>
    %dma_wait3A_92 = arith.constant 7168 : i32
    %dma_wait3A_93 = tpu.memref_slice %arg4[%mul3A_2, %dma_wait3A_92] : memref<256x8192xf32, #tpu.memory_space<hbm>> -> memref<8x128xf32, #tpu.memory_space<hbm>>
    %dma_wait3A_94 = arith.constant 0 : i32
    %dma_wait3A_95 = arith.constant 0 : i32
    %dma_wait3A_96 = tpu.memref_slice %arg6[%dma_wait3A, %dma_wait3A_94, %dma_wait3A_95] : memref<2x32x128xf32, #tpu.memory_space<vmem>> -> memref<1x32x128xf32, #tpu.memory_space<vmem>>
    %dma_wait3A_97 = tpu.memref_squeeze %dma_wait3A_96 : memref<1x32x128xf32, #tpu.memory_space<vmem>> -> memref<32x128xf32, #tpu.memory_space<vmem>>
    %dma_wait3A_98 = arith.constant 0 : i32
    %dma_wait3A_99 = arith.constant 0 : i32
    %dma_wait3A_100 = tpu.memref_slice %dma_wait3A_97[%dma_wait3A_98, %dma_wait3A_99] : memref<32x128xf32, #tpu.memory_space<vmem>> -> memref<8x128xf32, #tpu.memory_space<vmem>>
    tpu.wait_dma2 semaphore(%arg9 : memref<!tpu.dma_semaphore, #tpu.memory_space<semaphore_mem>>) src(%dma_wait3A_100 : memref<8x128xf32, #tpu.memory_space<vmem>>) dst(%dma_wait3A_93 : memref<8x128xf32, #tpu.memory_space<hbm>>)
    %dma_wait3A_101 = arith.constant 0 : i32
    %dma_wait3A_102 = arith.constant 0 : i32
    %dma_wait3A_103 = arith.constant 0 : i32
    %dma_wait3A_104 = tpu.memref_slice %arg6[%dma_wait3A_101, %dma_wait3A_102, %dma_wait3A_103] : memref<2x32x128xf32, #tpu.memory_space<vmem>> -> memref<1x32x128xf32, #tpu.memory_space<vmem>>
    %dma_wait3A_105 = tpu.memref_squeeze %dma_wait3A_104 : memref<1x32x128xf32, #tpu.memory_space<vmem>> -> memref<32x128xf32, #tpu.memory_space<vmem>>
    %dma_wait3A_106 = arith.constant 8 : i32
    %dma_wait3A_107 = arith.constant 0 : i32
    %dma_wait3A_108 = tpu.memref_slice %dma_wait3A_105[%dma_wait3A_106, %dma_wait3A_107] : memref<32x128xf32, #tpu.memory_space<vmem>> -> memref<8x128xf32, #tpu.memory_space<vmem>>
    %dma_wait3A_109 = arith.constant 7296 : i32
    %dma_wait3A_110 = tpu.memref_slice %arg4[%mul3A_2, %dma_wait3A_109] : memref<256x8192xf32, #tpu.memory_space<hbm>> -> memref<8x128xf32, #tpu.memory_space<hbm>>
    %dma_wait3A_111 = arith.constant 7296 : i32
    %dma_wait3A_112 = tpu.memref_slice %arg4[%mul3A_2, %dma_wait3A_111] : memref<256x8192xf32, #tpu.memory_space<hbm>> -> memref<8x128xf32, #tpu.memory_space<hbm>>
    %dma_wait3A_113 = arith.constant 0 : i32
    %dma_wait3A_114 = arith.constant 0 : i32
    %dma_wait3A_115 = tpu.memref_slice %arg6[%dma_wait3A_101, %dma_wait3A_113, %dma_wait3A_114] : memref<2x32x128xf32, #tpu.memory_space<vmem>> -> memref<1x32x128xf32, #tpu.memory_space<vmem>>
    %dma_wait3A_116 = tpu.memref_squeeze %dma_wait3A_115 : memref<1x32x128xf32, #tpu.memory_space<vmem>> -> memref<32x128xf32, #tpu.memory_space<vmem>>
    %dma_wait3A_117 = arith.constant 8 : i32
    %dma_wait3A_118 = arith.constant 0 : i32
    %dma_wait3A_119 = tpu.memref_slice %dma_wait3A_116[%dma_wait3A_117, %dma_wait3A_118] : memref<32x128xf32, #tpu.memory_space<vmem>> -> memref<8x128xf32, #tpu.memory_space<vmem>>
    tpu.wait_dma2 semaphore(%arg9 : memref<!tpu.dma_semaphore, #tpu.memory_space<semaphore_mem>>) src(%dma_wait3A_119 : memref<8x128xf32, #tpu.memory_space<vmem>>) dst(%dma_wait3A_112 : memref<8x128xf32, #tpu.memory_space<hbm>>)
    %dma_wait3A_120 = arith.constant 0 : i32
    %dma_wait3A_121 = arith.constant 0 : i32
    %dma_wait3A_122 = arith.constant 0 : i32
    %dma_wait3A_123 = tpu.memref_slice %arg6[%dma_wait3A_120, %dma_wait3A_121, %dma_wait3A_122] : memref<2x32x128xf32, #tpu.memory_space<vmem>> -> memref<1x32x128xf32, #tpu.memory_space<vmem>>
    %dma_wait3A_124 = tpu.memref_squeeze %dma_wait3A_123 : memref<1x32x128xf32, #tpu.memory_space<vmem>> -> memref<32x128xf32, #tpu.memory_space<vmem>>
    %dma_wait3A_125 = arith.constant 16 : i32
    %dma_wait3A_126 = arith.constant 0 : i32
    %dma_wait3A_127 = tpu.memref_slice %dma_wait3A_124[%dma_wait3A_125, %dma_wait3A_126] : memref<32x128xf32, #tpu.memory_space<vmem>> -> memref<8x128xf32, #tpu.memory_space<vmem>>
    %dma_wait3A_128 = arith.constant 7424 : i32
    %dma_wait3A_129 = tpu.memref_slice %arg4[%mul3A_2, %dma_wait3A_128] : memref<256x8192xf32, #tpu.memory_space<hbm>> -> memref<8x128xf32, #tpu.memory_space<hbm>>
    %dma_wait3A_130 = arith.constant 7424 : i32
    %dma_wait3A_131 = tpu.memref_slice %arg4[%mul3A_2, %dma_wait3A_130] : memref<256x8192xf32, #tpu.memory_space<hbm>> -> memref<8x128xf32, #tpu.memory_space<hbm>>
    %dma_wait3A_132 = arith.constant 0 : i32
    %dma_wait3A_133 = arith.constant 0 : i32
    %dma_wait3A_134 = tpu.memref_slice %arg6[%dma_wait3A_120, %dma_wait3A_132, %dma_wait3A_133] : memref<2x32x128xf32, #tpu.memory_space<vmem>> -> memref<1x32x128xf32, #tpu.memory_space<vmem>>
    %dma_wait3A_135 = tpu.memref_squeeze %dma_wait3A_134 : memref<1x32x128xf32, #tpu.memory_space<vmem>> -> memref<32x128xf32, #tpu.memory_space<vmem>>
    %dma_wait3A_136 = arith.constant 16 : i32
    %dma_wait3A_137 = arith.constant 0 : i32
    %dma_wait3A_138 = tpu.memref_slice %dma_wait3A_135[%dma_wait3A_136, %dma_wait3A_137] : memref<32x128xf32, #tpu.memory_space<vmem>> -> memref<8x128xf32, #tpu.memory_space<vmem>>
    tpu.wait_dma2 semaphore(%arg9 : memref<!tpu.dma_semaphore, #tpu.memory_space<semaphore_mem>>) src(%dma_wait3A_138 : memref<8x128xf32, #tpu.memory_space<vmem>>) dst(%dma_wait3A_131 : memref<8x128xf32, #tpu.memory_space<hbm>>)
    %dma_wait3A_139 = arith.constant 0 : i32
    %dma_wait3A_140 = arith.constant 0 : i32
    %dma_wait3A_141 = arith.constant 0 : i32
    %dma_wait3A_142 = tpu.memref_slice %arg6[%dma_wait3A_139, %dma_wait3A_140, %dma_wait3A_141] : memref<2x32x128xf32, #tpu.memory_space<vmem>> -> memref<1x32x128xf32, #tpu.memory_space<vmem>>
    %dma_wait3A_143 = tpu.memref_squeeze %dma_wait3A_142 : memref<1x32x128xf32, #tpu.memory_space<vmem>> -> memref<32x128xf32, #tpu.memory_space<vmem>>
    %dma_wait3A_144 = arith.constant 24 : i32
    %dma_wait3A_145 = arith.constant 0 : i32
    %dma_wait3A_146 = tpu.memref_slice %dma_wait3A_143[%dma_wait3A_144, %dma_wait3A_145] : memref<32x128xf32, #tpu.memory_space<vmem>> -> memref<8x128xf32, #tpu.memory_space<vmem>>
    %dma_wait3A_147 = arith.constant 7552 : i32
    %dma_wait3A_148 = tpu.memref_slice %arg4[%mul3A_2, %dma_wait3A_147] : memref<256x8192xf32, #tpu.memory_space<hbm>> -> memref<8x128xf32, #tpu.memory_space<hbm>>
    %dma_wait3A_149 = arith.constant 7552 : i32
    %dma_wait3A_150 = tpu.memref_slice %arg4[%mul3A_2, %dma_wait3A_149] : memref<256x8192xf32, #tpu.memory_space<hbm>> -> memref<8x128xf32, #tpu.memory_space<hbm>>
    %dma_wait3A_151 = arith.constant 0 : i32
    %dma_wait3A_152 = arith.constant 0 : i32
    %dma_wait3A_153 = tpu.memref_slice %arg6[%dma_wait3A_139, %dma_wait3A_151, %dma_wait3A_152] : memref<2x32x128xf32, #tpu.memory_space<vmem>> -> memref<1x32x128xf32, #tpu.memory_space<vmem>>
    %dma_wait3A_154 = tpu.memref_squeeze %dma_wait3A_153 : memref<1x32x128xf32, #tpu.memory_space<vmem>> -> memref<32x128xf32, #tpu.memory_space<vmem>>
    %dma_wait3A_155 = arith.constant 24 : i32
    %dma_wait3A_156 = arith.constant 0 : i32
    %dma_wait3A_157 = tpu.memref_slice %dma_wait3A_154[%dma_wait3A_155, %dma_wait3A_156] : memref<32x128xf32, #tpu.memory_space<vmem>> -> memref<8x128xf32, #tpu.memory_space<vmem>>
    tpu.wait_dma2 semaphore(%arg9 : memref<!tpu.dma_semaphore, #tpu.memory_space<semaphore_mem>>) src(%dma_wait3A_157 : memref<8x128xf32, #tpu.memory_space<vmem>>) dst(%dma_wait3A_150 : memref<8x128xf32, #tpu.memory_space<hbm>>)
    %dma_wait3A_158 = arith.constant 1 : i32
    %dma_wait3A_159 = arith.constant 0 : i32
    %dma_wait3A_160 = arith.constant 0 : i32
    %dma_wait3A_161 = tpu.memref_slice %arg6[%dma_wait3A_158, %dma_wait3A_159, %dma_wait3A_160] : memref<2x32x128xf32, #tpu.memory_space<vmem>> -> memref<1x32x128xf32, #tpu.memory_space<vmem>>
    %dma_wait3A_162 = tpu.memref_squeeze %dma_wait3A_161 : memref<1x32x128xf32, #tpu.memory_space<vmem>> -> memref<32x128xf32, #tpu.memory_space<vmem>>
    %dma_wait3A_163 = arith.constant 0 : i32
    %dma_wait3A_164 = arith.constant 0 : i32
    %dma_wait3A_165 = tpu.memref_slice %dma_wait3A_162[%dma_wait3A_163, %dma_wait3A_164] : memref<32x128xf32, #tpu.memory_space<vmem>> -> memref<8x128xf32, #tpu.memory_space<vmem>>
    %dma_wait3A_166 = arith.constant 7680 : i32
    %dma_wait3A_167 = tpu.memref_slice %arg4[%mul3A_2, %dma_wait3A_166] : memref<256x8192xf32, #tpu.memory_space<hbm>> -> memref<8x128xf32, #tpu.memory_space<hbm>>
    %dma_wait3A_168 = arith.constant 7680 : i32
    %dma_wait3A_169 = tpu.memref_slice %arg4[%mul3A_2, %dma_wait3A_168] : memref<256x8192xf32, #tpu.memory_space<hbm>> -> memref<8x128xf32, #tpu.memory_space<hbm>>
    %dma_wait3A_170 = arith.constant 0 : i32
    %dma_wait3A_171 = arith.constant 0 : i32
    %dma_wait3A_172 = tpu.memref_slice %arg6[%dma_wait3A_158, %dma_wait3A_170, %dma_wait3A_171] : memref<2x32x128xf32, #tpu.memory_space<vmem>> -> memref<1x32x128xf32, #tpu.memory_space<vmem>>
    %dma_wait3A_173 = tpu.memref_squeeze %dma_wait3A_172 : memref<1x32x128xf32, #tpu.memory_space<vmem>> -> memref<32x128xf32, #tpu.memory_space<vmem>>
    %dma_wait3A_174 = arith.constant 0 : i32
    %dma_wait3A_175 = arith.constant 0 : i32
    %dma_wait3A_176 = tpu.memref_slice %dma_wait3A_173[%dma_wait3A_174, %dma_wait3A_175] : memref<32x128xf32, #tpu.memory_space<vmem>> -> memref<8x128xf32, #tpu.memory_space<vmem>>
    tpu.wait_dma2 semaphore(%arg9 : memref<!tpu.dma_semaphore, #tpu.memory_space<semaphore_mem>>) src(%dma_wait3A_176 : memref<8x128xf32, #tpu.memory_space<vmem>>) dst(%dma_wait3A_169 : memref<8x128xf32, #tpu.memory_space<hbm>>)
    %dma_wait3A_177 = arith.constant 1 : i32
    %dma_wait3A_178 = arith.constant 0 : i32
    %dma_wait3A_179 = arith.constant 0 : i32
    %dma_wait3A_180 = tpu.memref_slice %arg6[%dma_wait3A_177, %dma_wait3A_178, %dma_wait3A_179] : memref<2x32x128xf32, #tpu.memory_space<vmem>> -> memref<1x32x128xf32, #tpu.memory_space<vmem>>
    %dma_wait3A_181 = tpu.memref_squeeze %dma_wait3A_180 : memref<1x32x128xf32, #tpu.memory_space<vmem>> -> memref<32x128xf32, #tpu.memory_space<vmem>>
    %dma_wait3A_182 = arith.constant 8 : i32
    %dma_wait3A_183 = arith.constant 0 : i32
    %dma_wait3A_184 = tpu.memref_slice %dma_wait3A_181[%dma_wait3A_182, %dma_wait3A_183] : memref<32x128xf32, #tpu.memory_space<vmem>> -> memref<8x128xf32, #tpu.memory_space<vmem>>
    %dma_wait3A_185 = arith.constant 7808 : i32
    %dma_wait3A_186 = tpu.memref_slice %arg4[%mul3A_2, %dma_wait3A_185] : memref<256x8192xf32, #tpu.memory_space<hbm>> -> memref<8x128xf32, #tpu.memory_space<hbm>>
    %dma_wait3A_187 = arith.constant 7808 : i32
    %dma_wait3A_188 = tpu.memref_slice %arg4[%mul3A_2, %dma_wait3A_187] : memref<256x8192xf32, #tpu.memory_space<hbm>> -> memref<8x128xf32, #tpu.memory_space<hbm>>
    %dma_wait3A_189 = arith.constant 0 : i32
    %dma_wait3A_190 = arith.constant 0 : i32
    %dma_wait3A_191 = tpu.memref_slice %arg6[%dma_wait3A_177, %dma_wait3A_189, %dma_wait3A_190] : memref<2x32x128xf32, #tpu.memory_space<vmem>> -> memref<1x32x128xf32, #tpu.memory_space<vmem>>
    %dma_wait3A_192 = tpu.memref_squeeze %dma_wait3A_191 : memref<1x32x128xf32, #tpu.memory_space<vmem>> -> memref<32x128xf32, #tpu.memory_space<vmem>>
    %dma_wait3A_193 = arith.constant 8 : i32
    %dma_wait3A_194 = arith.constant 0 : i32
    %dma_wait3A_195 = tpu.memref_slice %dma_wait3A_192[%dma_wait3A_193, %dma_wait3A_194] : memref<32x128xf32, #tpu.memory_space<vmem>> -> memref<8x128xf32, #tpu.memory_space<vmem>>
    tpu.wait_dma2 semaphore(%arg9 : memref<!tpu.dma_semaphore, #tpu.memory_space<semaphore_mem>>) src(%dma_wait3A_195 : memref<8x128xf32, #tpu.memory_space<vmem>>) dst(%dma_wait3A_188 : memref<8x128xf32, #tpu.memory_space<hbm>>)
    %dma_wait3A_196 = arith.constant 1 : i32
    %dma_wait3A_197 = arith.constant 0 : i32
    %dma_wait3A_198 = arith.constant 0 : i32
    %dma_wait3A_199 = tpu.memref_slice %arg6[%dma_wait3A_196, %dma_wait3A_197, %dma_wait3A_198] : memref<2x32x128xf32, #tpu.memory_space<vmem>> -> memref<1x32x128xf32, #tpu.memory_space<vmem>>
    %dma_wait3A_200 = tpu.memref_squeeze %dma_wait3A_199 : memref<1x32x128xf32, #tpu.memory_space<vmem>> -> memref<32x128xf32, #tpu.memory_space<vmem>>
    %dma_wait3A_201 = arith.constant 16 : i32
    %dma_wait3A_202 = arith.constant 0 : i32
    %dma_wait3A_203 = tpu.memref_slice %dma_wait3A_200[%dma_wait3A_201, %dma_wait3A_202] : memref<32x128xf32, #tpu.memory_space<vmem>> -> memref<8x128xf32, #tpu.memory_space<vmem>>
    %dma_wait3A_204 = arith.constant 7936 : i32
    %dma_wait3A_205 = tpu.memref_slice %arg4[%mul3A_2, %dma_wait3A_204] : memref<256x8192xf32, #tpu.memory_space<hbm>> -> memref<8x128xf32, #tpu.memory_space<hbm>>
    %dma_wait3A_206 = arith.constant 7936 : i32
    %dma_wait3A_207 = tpu.memref_slice %arg4[%mul3A_2, %dma_wait3A_206] : memref<256x8192xf32, #tpu.memory_space<hbm>> -> memref<8x128xf32, #tpu.memory_space<hbm>>
    %dma_wait3A_208 = arith.constant 0 : i32
    %dma_wait3A_209 = arith.constant 0 : i32
    %dma_wait3A_210 = tpu.memref_slice %arg6[%dma_wait3A_196, %dma_wait3A_208, %dma_wait3A_209] : memref<2x32x128xf32, #tpu.memory_space<vmem>> -> memref<1x32x128xf32, #tpu.memory_space<vmem>>
    %dma_wait3A_211 = tpu.memref_squeeze %dma_wait3A_210 : memref<1x32x128xf32, #tpu.memory_space<vmem>> -> memref<32x128xf32, #tpu.memory_space<vmem>>
    %dma_wait3A_212 = arith.constant 16 : i32
    %dma_wait3A_213 = arith.constant 0 : i32
    %dma_wait3A_214 = tpu.memref_slice %dma_wait3A_211[%dma_wait3A_212, %dma_wait3A_213] : memref<32x128xf32, #tpu.memory_space<vmem>> -> memref<8x128xf32, #tpu.memory_space<vmem>>
    tpu.wait_dma2 semaphore(%arg9 : memref<!tpu.dma_semaphore, #tpu.memory_space<semaphore_mem>>) src(%dma_wait3A_214 : memref<8x128xf32, #tpu.memory_space<vmem>>) dst(%dma_wait3A_207 : memref<8x128xf32, #tpu.memory_space<hbm>>)
    %dma_wait3A_215 = arith.constant 1 : i32
    %dma_wait3A_216 = arith.constant 0 : i32
    %dma_wait3A_217 = arith.constant 0 : i32
    %dma_wait3A_218 = tpu.memref_slice %arg6[%dma_wait3A_215, %dma_wait3A_216, %dma_wait3A_217] : memref<2x32x128xf32, #tpu.memory_space<vmem>> -> memref<1x32x128xf32, #tpu.memory_space<vmem>>
    %dma_wait3A_219 = tpu.memref_squeeze %dma_wait3A_218 : memref<1x32x128xf32, #tpu.memory_space<vmem>> -> memref<32x128xf32, #tpu.memory_space<vmem>>
    %dma_wait3A_220 = arith.constant 24 : i32
    %dma_wait3A_221 = arith.constant 0 : i32
    %dma_wait3A_222 = tpu.memref_slice %dma_wait3A_219[%dma_wait3A_220, %dma_wait3A_221] : memref<32x128xf32, #tpu.memory_space<vmem>> -> memref<8x128xf32, #tpu.memory_space<vmem>>
    %dma_wait3A_223 = arith.constant 8064 : i32
    %dma_wait3A_224 = tpu.memref_slice %arg4[%mul3A_2, %dma_wait3A_223] : memref<256x8192xf32, #tpu.memory_space<hbm>> -> memref<8x128xf32, #tpu.memory_space<hbm>>
    %dma_wait3A_225 = arith.constant 8064 : i32
    %dma_wait3A_226 = tpu.memref_slice %arg4[%mul3A_2, %dma_wait3A_225] : memref<256x8192xf32, #tpu.memory_space<hbm>> -> memref<8x128xf32, #tpu.memory_space<hbm>>
    %dma_wait3A_227 = arith.constant 0 : i32
    %dma_wait3A_228 = arith.constant 0 : i32
    %dma_wait3A_229 = tpu.memref_slice %arg6[%dma_wait3A_215, %dma_wait3A_227, %dma_wait3A_228] : memref<2x32x128xf32, #tpu.memory_space<vmem>> -> memref<1x32x128xf32, #tpu.memory_space<vmem>>
    %dma_wait3A_230 = tpu.memref_squeeze %dma_wait3A_229 : memref<1x32x128xf32, #tpu.memory_space<vmem>> -> memref<32x128xf32, #tpu.memory_space<vmem>>
    %dma_wait3A_231 = arith.constant 24 : i32
    %dma_wait3A_232 = arith.constant 0 : i32
    %dma_wait3A_233 = tpu.memref_slice %dma_wait3A_230[%dma_wait3A_231, %dma_wait3A_232] : memref<32x128xf32, #tpu.memory_space<vmem>> -> memref<8x128xf32, #tpu.memory_space<vmem>>
    tpu.wait_dma2 semaphore(%arg9 : memref<!tpu.dma_semaphore, #tpu.memory_space<semaphore_mem>>) src(%dma_wait3A_233 : memref<8x128xf32, #tpu.memory_space<vmem>>) dst(%dma_wait3A_226 : memref<8x128xf32, #tpu.memory_space<hbm>>)
    return
  }
}

module attributes {stable_mosaic.version = 14 : i64} {
  func.func @_addr_body(%arg0: i32, %arg1: memref<256x2048xi32, #tpu.memory_space<vmem>>, %arg2: memref<512x12xi32, #tpu.memory_space<vmem>>, %arg3: memref<256x512xi32, #tpu.memory_space<vmem>>, %arg4: memref<256x256xbf16, #tpu.memory_space<vmem>>) attributes {dimension_semantics = [#tpu.dimension_semantics<arbitrary>], iteration_bounds = array<i64: 16>, scalar_prefetch = 0 : i64, scratch_operands = 1 : i64, tpu.core_type = #tpu.core_type<tc>, window_params = [{pipeline_mode = #tpu.pipeline_mode<synchronous>, transform_indices = @transform_0, window_bounds = array<i64: 256, 2048>}, {transform_indices = @transform_1, window_bounds = array<i64: 512, 12>}, {transform_indices = @transform_2, window_bounds = array<i64: 256, 512>}]} {
    %eq3A = arith.constant 0 : i32
    %eq3A_0 = arith.cmpi eq, %arg0, %eq3A : i32
    %convert_element_type3A = arith.extui %eq3A_0 : i1 to i32
    %cond3A = arith.constant 0 : i32
    %cond3A_1 = arith.cmpi ne, %convert_element_type3A, %cond3A : i32
    scf.if %cond3A_1 {
      %get3A_324 = arith.constant 0 : index
      %get3A_325 = arith.constant 0 : index
      %get3A_326 = vector.load %arg1[%get3A_324, %get3A_325] : memref<256x2048xi32, #tpu.memory_space<vmem>>, vector<256x2048xi32>
      %convert_element_type3A_327 = arith.sitofp %get3A_326 : vector<256x2048xi32> to vector<256x2048xbf16>
      %iota3A_328 = tpu.iota {dimensions = array<i32: 0>} : vector<2048x256xi32>
      %iota3A_329 = tpu.iota {dimensions = array<i32: 1>} : vector<2048x256xi32>
      %and3A_330 = arith.constant 7 : i32
      %and3A_331 = vector.broadcast %and3A_330 : i32 to vector<2048x256xi32>
      %and3A_332 = arith.andi %iota3A_328, %and3A_331 : vector<2048x256xi32>
      %shift_left3A_333 = arith.constant 1 : i32
      %shift_left3A_334 = vector.broadcast %shift_left3A_333 : i32 to vector<2048x256xi32>
      %shift_left3A_335 = arith.shli %shift_left3A_334, %and3A_332 : vector<2048x256xi32>
      %shift_right_arithmetic3A_336 = arith.constant 3 : i32
      %shift_right_arithmetic3A_337 = vector.broadcast %shift_right_arithmetic3A_336 : i32 to vector<2048x256xi32>
      %shift_right_arithmetic3A_338 = arith.shrsi %iota3A_328, %shift_right_arithmetic3A_337 : vector<2048x256xi32>
      %eq3A_339 = arith.cmpi eq, %shift_right_arithmetic3A_338, %iota3A_329 : vector<2048x256xi32>
      %jit3A = arith.constant 0 : i32
      %broadcast_in_dim3A_340 = vector.broadcast %jit3A : i32 to vector<2048x256xi32>
      %select_n3A = arith.select %eq3A_339, %shift_left3A_335, %broadcast_in_dim3A_340 : vector<2048x256xi1>, vector<2048x256xi32>
      %convert_element_type3A_341 = arith.sitofp %select_n3A : vector<2048x256xi32> to vector<2048x256xbf16>
      %dot_general3A_342 = arith.constant dense<0.000000e+00> : vector<256x256xf32>
      %dot_general3A_343 = tpu.matmul %convert_element_type3A_327, %convert_element_type3A_341, %dot_general3A_342 {dimension_numbers = #tpu.dot_dimension_numbers<[1], [0], [0], [1], [0, 0, 1, 1], [], []>, transpose_lhs_hint = false} : vector<256x2048xbf16>, vector<2048x256xbf16>, vector<256x256xf32> -> vector<256x256xf32>
      %convert_element_type3A_344 = arith.truncf %dot_general3A_343 : vector<256x256xf32> to vector<256x256xbf16>
      %swap3A_345 = arith.constant 0 : index
      %swap3A_346 = arith.constant 0 : index
      %swap3A_347 = vector.load %arg4[%swap3A_345, %swap3A_346] : memref<256x256xbf16, #tpu.memory_space<vmem>>, vector<256x256xbf16>
      tpu.vector_store %arg4[%swap3A_345, %swap3A_346], %convert_element_type3A_344 {strides = array<i32>} : memref<256x256xbf16, #tpu.memory_space<vmem>>, vector<256x256xbf16>,
    } else {
    }
    %get3A = arith.constant 0 : index
    %get3A_2 = arith.constant 0 : index
    %get3A_3 = vector.load %arg4[%get3A, %get3A_2] : memref<256x256xbf16, #tpu.memory_space<vmem>>, vector<256x256xbf16>
    %get3A_4 = arith.constant 0 : index
    %get3A_5 = arith.constant 0 : index
    %get3A_6 = vector.load %arg2[%get3A_4, %get3A_5] : memref<512x12xi32, #tpu.memory_space<vmem>>, vector<512x12xi32>
    %shift_right_arithmetic3A = arith.constant 3 : i32
    %shift_right_arithmetic3A_7 = vector.broadcast %shift_right_arithmetic3A : i32 to vector<512x12xi32>
    %shift_right_arithmetic3A_8 = arith.shrsi %get3A_6, %shift_right_arithmetic3A_7 : vector<512x12xi32>
    %and3A = arith.constant 7 : i32
    %and3A_9 = vector.broadcast %and3A : i32 to vector<512x12xi32>
    %and3A_10 = arith.andi %get3A_6, %and3A_9 : vector<512x12xi32>
    %broadcast_in_dim3A = arith.constant 0 : i32
    %broadcast_in_dim3A_11 = vector.broadcast %broadcast_in_dim3A : i32 to vector<256x512xi32>
    %slice3A = vector.extract_strided_slice %shift_right_arithmetic3A_8 {offsets = [0, 0], sizes = [512, 1], strides = [1, 1]} : vector<512x12xi32> to vector<512x1xi32>
    %squeeze3A = vector.shape_cast %slice3A : vector<512x1xi32> to vector<512xi32>
    %iota3A = tpu.iota {dimensions = array<i32: 0>} : vector<256x512xi32>
    %broadcast_in_dim3A_12 = vector.shape_cast %squeeze3A : vector<512xi32> to vector<1x512xi32>
    %eq3A_13 = vector.broadcast %broadcast_in_dim3A_12 : vector<1x512xi32> to vector<256x512xi32>
    %eq3A_14 = arith.cmpi eq, %iota3A, %eq3A_13 : vector<256x512xi32>
    %convert_element_type3A_15 = arith.extui %eq3A_14 : vector<256x512xi1> to vector<256x512xi32>
    %convert_element_type3A_16 = arith.sitofp %convert_element_type3A_15 : vector<256x512xi32> to vector<256x512xf32>
    %convert_element_type3A_17 = arith.truncf %convert_element_type3A_16 : vector<256x512xf32> to vector<256x512xbf16>
    %dot_general3A = arith.constant dense<0.000000e+00> : vector<256x512xf32>
    %dot_general3A_18 = tpu.matmul %get3A_3, %convert_element_type3A_17, %dot_general3A {dimension_numbers = #tpu.dot_dimension_numbers<[1], [0], [0], [1], [0, 0, 1, 1], [], []>, transpose_lhs_hint = false} : vector<256x256xbf16>, vector<256x512xbf16>, vector<256x512xf32> -> vector<256x512xf32>
    %convert_element_type3A_19 = arith.fptosi %dot_general3A_18 : vector<256x512xf32> to vector<256x512xi32>
    %slice3A_20 = vector.extract_strided_slice %and3A_10 {offsets = [0, 0], sizes = [512, 1], strides = [1, 1]} : vector<512x12xi32> to vector<512x1xi32>
    %squeeze3A_21 = vector.shape_cast %slice3A_20 : vector<512x1xi32> to vector<512xi32>
    %broadcast_in_dim3A_22 = vector.shape_cast %squeeze3A_21 : vector<512xi32> to vector<1x512xi32>
    %shift_right_arithmetic3A_23 = vector.broadcast %broadcast_in_dim3A_22 : vector<1x512xi32> to vector<256x512xi32>
    %shift_right_arithmetic3A_24 = arith.shrsi %convert_element_type3A_19, %shift_right_arithmetic3A_23 : vector<256x512xi32>
    %and3A_25 = arith.constant 1 : i32
    %and3A_26 = vector.broadcast %and3A_25 : i32 to vector<256x512xi32>
    %and3A_27 = arith.andi %shift_right_arithmetic3A_24, %and3A_26 : vector<256x512xi32>
    %shift_left3A = arith.constant 0 : i32
    %shift_left3A_28 = vector.broadcast %shift_left3A : i32 to vector<256x512xi32>
    %shift_left3A_29 = arith.shli %and3A_27, %shift_left3A_28 : vector<256x512xi32>
    %add3A = arith.addi %broadcast_in_dim3A_11, %shift_left3A_29 : vector<256x512xi32>
    %slice3A_30 = vector.extract_strided_slice %shift_right_arithmetic3A_8 {offsets = [0, 1], sizes = [512, 1], strides = [1, 1]} : vector<512x12xi32> to vector<512x1xi32>
    %squeeze3A_31 = vector.shape_cast %slice3A_30 : vector<512x1xi32> to vector<512xi32>
    %iota3A_32 = tpu.iota {dimensions = array<i32: 0>} : vector<256x512xi32>
    %broadcast_in_dim3A_33 = vector.shape_cast %squeeze3A_31 : vector<512xi32> to vector<1x512xi32>
    %eq3A_34 = vector.broadcast %broadcast_in_dim3A_33 : vector<1x512xi32> to vector<256x512xi32>
    %eq3A_35 = arith.cmpi eq, %iota3A_32, %eq3A_34 : vector<256x512xi32>
    %convert_element_type3A_36 = arith.extui %eq3A_35 : vector<256x512xi1> to vector<256x512xi32>
    %convert_element_type3A_37 = arith.sitofp %convert_element_type3A_36 : vector<256x512xi32> to vector<256x512xf32>
    %convert_element_type3A_38 = arith.truncf %convert_element_type3A_37 : vector<256x512xf32> to vector<256x512xbf16>
    %dot_general3A_39 = arith.constant dense<0.000000e+00> : vector<256x512xf32>
    %dot_general3A_40 = tpu.matmul %get3A_3, %convert_element_type3A_38, %dot_general3A_39 {dimension_numbers = #tpu.dot_dimension_numbers<[1], [0], [0], [1], [0, 0, 1, 1], [], []>, transpose_lhs_hint = false} : vector<256x256xbf16>, vector<256x512xbf16>, vector<256x512xf32> -> vector<256x512xf32>
    %convert_element_type3A_41 = arith.fptosi %dot_general3A_40 : vector<256x512xf32> to vector<256x512xi32>
    %slice3A_42 = vector.extract_strided_slice %and3A_10 {offsets = [0, 1], sizes = [512, 1], strides = [1, 1]} : vector<512x12xi32> to vector<512x1xi32>
    %squeeze3A_43 = vector.shape_cast %slice3A_42 : vector<512x1xi32> to vector<512xi32>
    %broadcast_in_dim3A_44 = vector.shape_cast %squeeze3A_43 : vector<512xi32> to vector<1x512xi32>
    %shift_right_arithmetic3A_45 = vector.broadcast %broadcast_in_dim3A_44 : vector<1x512xi32> to vector<256x512xi32>
    %shift_right_arithmetic3A_46 = arith.shrsi %convert_element_type3A_41, %shift_right_arithmetic3A_45 : vector<256x512xi32>
    %and3A_47 = arith.constant 1 : i32
    %and3A_48 = vector.broadcast %and3A_47 : i32 to vector<256x512xi32>
    %and3A_49 = arith.andi %shift_right_arithmetic3A_46, %and3A_48 : vector<256x512xi32>
    %shift_left3A_50 = arith.constant 1 : i32
    %shift_left3A_51 = vector.broadcast %shift_left3A_50 : i32 to vector<256x512xi32>
    %shift_left3A_52 = arith.shli %and3A_49, %shift_left3A_51 : vector<256x512xi32>
    %add3A_53 = arith.addi %add3A, %shift_left3A_52 : vector<256x512xi32>
    %slice3A_54 = vector.extract_strided_slice %shift_right_arithmetic3A_8 {offsets = [0, 2], sizes = [512, 1], strides = [1, 1]} : vector<512x12xi32> to vector<512x1xi32>
    %squeeze3A_55 = vector.shape_cast %slice3A_54 : vector<512x1xi32> to vector<512xi32>
    %iota3A_56 = tpu.iota {dimensions = array<i32: 0>} : vector<256x512xi32>
    %broadcast_in_dim3A_57 = vector.shape_cast %squeeze3A_55 : vector<512xi32> to vector<1x512xi32>
    %eq3A_58 = vector.broadcast %broadcast_in_dim3A_57 : vector<1x512xi32> to vector<256x512xi32>
    %eq3A_59 = arith.cmpi eq, %iota3A_56, %eq3A_58 : vector<256x512xi32>
    %convert_element_type3A_60 = arith.extui %eq3A_59 : vector<256x512xi1> to vector<256x512xi32>
    %convert_element_type3A_61 = arith.sitofp %convert_element_type3A_60 : vector<256x512xi32> to vector<256x512xf32>
    %convert_element_type3A_62 = arith.truncf %convert_element_type3A_61 : vector<256x512xf32> to vector<256x512xbf16>
    %dot_general3A_63 = arith.constant dense<0.000000e+00> : vector<256x512xf32>
    %dot_general3A_64 = tpu.matmul %get3A_3, %convert_element_type3A_62, %dot_general3A_63 {dimension_numbers = #tpu.dot_dimension_numbers<[1], [0], [0], [1], [0, 0, 1, 1], [], []>, transpose_lhs_hint = false} : vector<256x256xbf16>, vector<256x512xbf16>, vector<256x512xf32> -> vector<256x512xf32>
    %convert_element_type3A_65 = arith.fptosi %dot_general3A_64 : vector<256x512xf32> to vector<256x512xi32>
    %slice3A_66 = vector.extract_strided_slice %and3A_10 {offsets = [0, 2], sizes = [512, 1], strides = [1, 1]} : vector<512x12xi32> to vector<512x1xi32>
    %squeeze3A_67 = vector.shape_cast %slice3A_66 : vector<512x1xi32> to vector<512xi32>
    %broadcast_in_dim3A_68 = vector.shape_cast %squeeze3A_67 : vector<512xi32> to vector<1x512xi32>
    %shift_right_arithmetic3A_69 = vector.broadcast %broadcast_in_dim3A_68 : vector<1x512xi32> to vector<256x512xi32>
    %shift_right_arithmetic3A_70 = arith.shrsi %convert_element_type3A_65, %shift_right_arithmetic3A_69 : vector<256x512xi32>
    %and3A_71 = arith.constant 1 : i32
    %and3A_72 = vector.broadcast %and3A_71 : i32 to vector<256x512xi32>
    %and3A_73 = arith.andi %shift_right_arithmetic3A_70, %and3A_72 : vector<256x512xi32>
    %shift_left3A_74 = arith.constant 2 : i32
    %shift_left3A_75 = vector.broadcast %shift_left3A_74 : i32 to vector<256x512xi32>
    %shift_left3A_76 = arith.shli %and3A_73, %shift_left3A_75 : vector<256x512xi32>
    %add3A_77 = arith.addi %add3A_53, %shift_left3A_76 : vector<256x512xi32>
    %slice3A_78 = vector.extract_strided_slice %shift_right_arithmetic3A_8 {offsets = [0, 3], sizes = [512, 1], strides = [1, 1]} : vector<512x12xi32> to vector<512x1xi32>
    %squeeze3A_79 = vector.shape_cast %slice3A_78 : vector<512x1xi32> to vector<512xi32>
    %iota3A_80 = tpu.iota {dimensions = array<i32: 0>} : vector<256x512xi32>
    %broadcast_in_dim3A_81 = vector.shape_cast %squeeze3A_79 : vector<512xi32> to vector<1x512xi32>
    %eq3A_82 = vector.broadcast %broadcast_in_dim3A_81 : vector<1x512xi32> to vector<256x512xi32>
    %eq3A_83 = arith.cmpi eq, %iota3A_80, %eq3A_82 : vector<256x512xi32>
    %convert_element_type3A_84 = arith.extui %eq3A_83 : vector<256x512xi1> to vector<256x512xi32>
    %convert_element_type3A_85 = arith.sitofp %convert_element_type3A_84 : vector<256x512xi32> to vector<256x512xf32>
    %convert_element_type3A_86 = arith.truncf %convert_element_type3A_85 : vector<256x512xf32> to vector<256x512xbf16>
    %dot_general3A_87 = arith.constant dense<0.000000e+00> : vector<256x512xf32>
    %dot_general3A_88 = tpu.matmul %get3A_3, %convert_element_type3A_86, %dot_general3A_87 {dimension_numbers = #tpu.dot_dimension_numbers<[1], [0], [0], [1], [0, 0, 1, 1], [], []>, transpose_lhs_hint = false} : vector<256x256xbf16>, vector<256x512xbf16>, vector<256x512xf32> -> vector<256x512xf32>
    %convert_element_type3A_89 = arith.fptosi %dot_general3A_88 : vector<256x512xf32> to vector<256x512xi32>
    %slice3A_90 = vector.extract_strided_slice %and3A_10 {offsets = [0, 3], sizes = [512, 1], strides = [1, 1]} : vector<512x12xi32> to vector<512x1xi32>
    %squeeze3A_91 = vector.shape_cast %slice3A_90 : vector<512x1xi32> to vector<512xi32>
    %broadcast_in_dim3A_92 = vector.shape_cast %squeeze3A_91 : vector<512xi32> to vector<1x512xi32>
    %shift_right_arithmetic3A_93 = vector.broadcast %broadcast_in_dim3A_92 : vector<1x512xi32> to vector<256x512xi32>
    %shift_right_arithmetic3A_94 = arith.shrsi %convert_element_type3A_89, %shift_right_arithmetic3A_93 : vector<256x512xi32>
    %and3A_95 = arith.constant 1 : i32
    %and3A_96 = vector.broadcast %and3A_95 : i32 to vector<256x512xi32>
    %and3A_97 = arith.andi %shift_right_arithmetic3A_94, %and3A_96 : vector<256x512xi32>
    %shift_left3A_98 = arith.constant 3 : i32
    %shift_left3A_99 = vector.broadcast %shift_left3A_98 : i32 to vector<256x512xi32>
    %shift_left3A_100 = arith.shli %and3A_97, %shift_left3A_99 : vector<256x512xi32>
    %add3A_101 = arith.addi %add3A_77, %shift_left3A_100 : vector<256x512xi32>
    %slice3A_102 = vector.extract_strided_slice %shift_right_arithmetic3A_8 {offsets = [0, 4], sizes = [512, 1], strides = [1, 1]} : vector<512x12xi32> to vector<512x1xi32>
    %squeeze3A_103 = vector.shape_cast %slice3A_102 : vector<512x1xi32> to vector<512xi32>
    %iota3A_104 = tpu.iota {dimensions = array<i32: 0>} : vector<256x512xi32>
    %broadcast_in_dim3A_105 = vector.shape_cast %squeeze3A_103 : vector<512xi32> to vector<1x512xi32>
    %eq3A_106 = vector.broadcast %broadcast_in_dim3A_105 : vector<1x512xi32> to vector<256x512xi32>
    %eq3A_107 = arith.cmpi eq, %iota3A_104, %eq3A_106 : vector<256x512xi32>
    %convert_element_type3A_108 = arith.extui %eq3A_107 : vector<256x512xi1> to vector<256x512xi32>
    %convert_element_type3A_109 = arith.sitofp %convert_element_type3A_108 : vector<256x512xi32> to vector<256x512xf32>
    %convert_element_type3A_110 = arith.truncf %convert_element_type3A_109 : vector<256x512xf32> to vector<256x512xbf16>
    %dot_general3A_111 = arith.constant dense<0.000000e+00> : vector<256x512xf32>
    %dot_general3A_112 = tpu.matmul %get3A_3, %convert_element_type3A_110, %dot_general3A_111 {dimension_numbers = #tpu.dot_dimension_numbers<[1], [0], [0], [1], [0, 0, 1, 1], [], []>, transpose_lhs_hint = false} : vector<256x256xbf16>, vector<256x512xbf16>, vector<256x512xf32> -> vector<256x512xf32>
    %convert_element_type3A_113 = arith.fptosi %dot_general3A_112 : vector<256x512xf32> to vector<256x512xi32>
    %slice3A_114 = vector.extract_strided_slice %and3A_10 {offsets = [0, 4], sizes = [512, 1], strides = [1, 1]} : vector<512x12xi32> to vector<512x1xi32>
    %squeeze3A_115 = vector.shape_cast %slice3A_114 : vector<512x1xi32> to vector<512xi32>
    %broadcast_in_dim3A_116 = vector.shape_cast %squeeze3A_115 : vector<512xi32> to vector<1x512xi32>
    %shift_right_arithmetic3A_117 = vector.broadcast %broadcast_in_dim3A_116 : vector<1x512xi32> to vector<256x512xi32>
    %shift_right_arithmetic3A_118 = arith.shrsi %convert_element_type3A_113, %shift_right_arithmetic3A_117 : vector<256x512xi32>
    %and3A_119 = arith.constant 1 : i32
    %and3A_120 = vector.broadcast %and3A_119 : i32 to vector<256x512xi32>
    %and3A_121 = arith.andi %shift_right_arithmetic3A_118, %and3A_120 : vector<256x512xi32>
    %shift_left3A_122 = arith.constant 4 : i32
    %shift_left3A_123 = vector.broadcast %shift_left3A_122 : i32 to vector<256x512xi32>
    %shift_left3A_124 = arith.shli %and3A_121, %shift_left3A_123 : vector<256x512xi32>
    %add3A_125 = arith.addi %add3A_101, %shift_left3A_124 : vector<256x512xi32>
    %slice3A_126 = vector.extract_strided_slice %shift_right_arithmetic3A_8 {offsets = [0, 5], sizes = [512, 1], strides = [1, 1]} : vector<512x12xi32> to vector<512x1xi32>
    %squeeze3A_127 = vector.shape_cast %slice3A_126 : vector<512x1xi32> to vector<512xi32>
    %iota3A_128 = tpu.iota {dimensions = array<i32: 0>} : vector<256x512xi32>
    %broadcast_in_dim3A_129 = vector.shape_cast %squeeze3A_127 : vector<512xi32> to vector<1x512xi32>
    %eq3A_130 = vector.broadcast %broadcast_in_dim3A_129 : vector<1x512xi32> to vector<256x512xi32>
    %eq3A_131 = arith.cmpi eq, %iota3A_128, %eq3A_130 : vector<256x512xi32>
    %convert_element_type3A_132 = arith.extui %eq3A_131 : vector<256x512xi1> to vector<256x512xi32>
    %convert_element_type3A_133 = arith.sitofp %convert_element_type3A_132 : vector<256x512xi32> to vector<256x512xf32>
    %convert_element_type3A_134 = arith.truncf %convert_element_type3A_133 : vector<256x512xf32> to vector<256x512xbf16>
    %dot_general3A_135 = arith.constant dense<0.000000e+00> : vector<256x512xf32>
    %dot_general3A_136 = tpu.matmul %get3A_3, %convert_element_type3A_134, %dot_general3A_135 {dimension_numbers = #tpu.dot_dimension_numbers<[1], [0], [0], [1], [0, 0, 1, 1], [], []>, transpose_lhs_hint = false} : vector<256x256xbf16>, vector<256x512xbf16>, vector<256x512xf32> -> vector<256x512xf32>
    %convert_element_type3A_137 = arith.fptosi %dot_general3A_136 : vector<256x512xf32> to vector<256x512xi32>
    %slice3A_138 = vector.extract_strided_slice %and3A_10 {offsets = [0, 5], sizes = [512, 1], strides = [1, 1]} : vector<512x12xi32> to vector<512x1xi32>
    %squeeze3A_139 = vector.shape_cast %slice3A_138 : vector<512x1xi32> to vector<512xi32>
    %broadcast_in_dim3A_140 = vector.shape_cast %squeeze3A_139 : vector<512xi32> to vector<1x512xi32>
    %shift_right_arithmetic3A_141 = vector.broadcast %broadcast_in_dim3A_140 : vector<1x512xi32> to vector<256x512xi32>
    %shift_right_arithmetic3A_142 = arith.shrsi %convert_element_type3A_137, %shift_right_arithmetic3A_141 : vector<256x512xi32>
    %and3A_143 = arith.constant 1 : i32
    %and3A_144 = vector.broadcast %and3A_143 : i32 to vector<256x512xi32>
    %and3A_145 = arith.andi %shift_right_arithmetic3A_142, %and3A_144 : vector<256x512xi32>
    %shift_left3A_146 = arith.constant 5 : i32
    %shift_left3A_147 = vector.broadcast %shift_left3A_146 : i32 to vector<256x512xi32>
    %shift_left3A_148 = arith.shli %and3A_145, %shift_left3A_147 : vector<256x512xi32>
    %add3A_149 = arith.addi %add3A_125, %shift_left3A_148 : vector<256x512xi32>
    %slice3A_150 = vector.extract_strided_slice %shift_right_arithmetic3A_8 {offsets = [0, 6], sizes = [512, 1], strides = [1, 1]} : vector<512x12xi32> to vector<512x1xi32>
    %squeeze3A_151 = vector.shape_cast %slice3A_150 : vector<512x1xi32> to vector<512xi32>
    %iota3A_152 = tpu.iota {dimensions = array<i32: 0>} : vector<256x512xi32>
    %broadcast_in_dim3A_153 = vector.shape_cast %squeeze3A_151 : vector<512xi32> to vector<1x512xi32>
    %eq3A_154 = vector.broadcast %broadcast_in_dim3A_153 : vector<1x512xi32> to vector<256x512xi32>
    %eq3A_155 = arith.cmpi eq, %iota3A_152, %eq3A_154 : vector<256x512xi32>
    %convert_element_type3A_156 = arith.extui %eq3A_155 : vector<256x512xi1> to vector<256x512xi32>
    %convert_element_type3A_157 = arith.sitofp %convert_element_type3A_156 : vector<256x512xi32> to vector<256x512xf32>
    %convert_element_type3A_158 = arith.truncf %convert_element_type3A_157 : vector<256x512xf32> to vector<256x512xbf16>
    %dot_general3A_159 = arith.constant dense<0.000000e+00> : vector<256x512xf32>
    %dot_general3A_160 = tpu.matmul %get3A_3, %convert_element_type3A_158, %dot_general3A_159 {dimension_numbers = #tpu.dot_dimension_numbers<[1], [0], [0], [1], [0, 0, 1, 1], [], []>, transpose_lhs_hint = false} : vector<256x256xbf16>, vector<256x512xbf16>, vector<256x512xf32> -> vector<256x512xf32>
    %convert_element_type3A_161 = arith.fptosi %dot_general3A_160 : vector<256x512xf32> to vector<256x512xi32>
    %slice3A_162 = vector.extract_strided_slice %and3A_10 {offsets = [0, 6], sizes = [512, 1], strides = [1, 1]} : vector<512x12xi32> to vector<512x1xi32>
    %squeeze3A_163 = vector.shape_cast %slice3A_162 : vector<512x1xi32> to vector<512xi32>
    %broadcast_in_dim3A_164 = vector.shape_cast %squeeze3A_163 : vector<512xi32> to vector<1x512xi32>
    %shift_right_arithmetic3A_165 = vector.broadcast %broadcast_in_dim3A_164 : vector<1x512xi32> to vector<256x512xi32>
    %shift_right_arithmetic3A_166 = arith.shrsi %convert_element_type3A_161, %shift_right_arithmetic3A_165 : vector<256x512xi32>
    %and3A_167 = arith.constant 1 : i32
    %and3A_168 = vector.broadcast %and3A_167 : i32 to vector<256x512xi32>
    %and3A_169 = arith.andi %shift_right_arithmetic3A_166, %and3A_168 : vector<256x512xi32>
    %shift_left3A_170 = arith.constant 6 : i32
    %shift_left3A_171 = vector.broadcast %shift_left3A_170 : i32 to vector<256x512xi32>
    %shift_left3A_172 = arith.shli %and3A_169, %shift_left3A_171 : vector<256x512xi32>
    %add3A_173 = arith.addi %add3A_149, %shift_left3A_172 : vector<256x512xi32>
    %slice3A_174 = vector.extract_strided_slice %shift_right_arithmetic3A_8 {offsets = [0, 7], sizes = [512, 1], strides = [1, 1]} : vector<512x12xi32> to vector<512x1xi32>
    %squeeze3A_175 = vector.shape_cast %slice3A_174 : vector<512x1xi32> to vector<512xi32>
    %iota3A_176 = tpu.iota {dimensions = array<i32: 0>} : vector<256x512xi32>
    %broadcast_in_dim3A_177 = vector.shape_cast %squeeze3A_175 : vector<512xi32> to vector<1x512xi32>
    %eq3A_178 = vector.broadcast %broadcast_in_dim3A_177 : vector<1x512xi32> to vector<256x512xi32>
    %eq3A_179 = arith.cmpi eq, %iota3A_176, %eq3A_178 : vector<256x512xi32>
    %convert_element_type3A_180 = arith.extui %eq3A_179 : vector<256x512xi1> to vector<256x512xi32>
    %convert_element_type3A_181 = arith.sitofp %convert_element_type3A_180 : vector<256x512xi32> to vector<256x512xf32>
    %convert_element_type3A_182 = arith.truncf %convert_element_type3A_181 : vector<256x512xf32> to vector<256x512xbf16>
    %dot_general3A_183 = arith.constant dense<0.000000e+00> : vector<256x512xf32>
    %dot_general3A_184 = tpu.matmul %get3A_3, %convert_element_type3A_182, %dot_general3A_183 {dimension_numbers = #tpu.dot_dimension_numbers<[1], [0], [0], [1], [0, 0, 1, 1], [], []>, transpose_lhs_hint = false} : vector<256x256xbf16>, vector<256x512xbf16>, vector<256x512xf32> -> vector<256x512xf32>
    %convert_element_type3A_185 = arith.fptosi %dot_general3A_184 : vector<256x512xf32> to vector<256x512xi32>
    %slice3A_186 = vector.extract_strided_slice %and3A_10 {offsets = [0, 7], sizes = [512, 1], strides = [1, 1]} : vector<512x12xi32> to vector<512x1xi32>
    %squeeze3A_187 = vector.shape_cast %slice3A_186 : vector<512x1xi32> to vector<512xi32>
    %broadcast_in_dim3A_188 = vector.shape_cast %squeeze3A_187 : vector<512xi32> to vector<1x512xi32>
    %shift_right_arithmetic3A_189 = vector.broadcast %broadcast_in_dim3A_188 : vector<1x512xi32> to vector<256x512xi32>
    %shift_right_arithmetic3A_190 = arith.shrsi %convert_element_type3A_185, %shift_right_arithmetic3A_189 : vector<256x512xi32>
    %and3A_191 = arith.constant 1 : i32
    %and3A_192 = vector.broadcast %and3A_191 : i32 to vector<256x512xi32>
    %and3A_193 = arith.andi %shift_right_arithmetic3A_190, %and3A_192 : vector<256x512xi32>
    %shift_left3A_194 = arith.constant 7 : i32
    %shift_left3A_195 = vector.broadcast %shift_left3A_194 : i32 to vector<256x512xi32>
    %shift_left3A_196 = arith.shli %and3A_193, %shift_left3A_195 : vector<256x512xi32>
    %add3A_197 = arith.addi %add3A_173, %shift_left3A_196 : vector<256x512xi32>
    %slice3A_198 = vector.extract_strided_slice %shift_right_arithmetic3A_8 {offsets = [0, 8], sizes = [512, 1], strides = [1, 1]} : vector<512x12xi32> to vector<512x1xi32>
    %squeeze3A_199 = vector.shape_cast %slice3A_198 : vector<512x1xi32> to vector<512xi32>
    %iota3A_200 = tpu.iota {dimensions = array<i32: 0>} : vector<256x512xi32>
    %broadcast_in_dim3A_201 = vector.shape_cast %squeeze3A_199 : vector<512xi32> to vector<1x512xi32>
    %eq3A_202 = vector.broadcast %broadcast_in_dim3A_201 : vector<1x512xi32> to vector<256x512xi32>
    %eq3A_203 = arith.cmpi eq, %iota3A_200, %eq3A_202 : vector<256x512xi32>
    %convert_element_type3A_204 = arith.extui %eq3A_203 : vector<256x512xi1> to vector<256x512xi32>
    %convert_element_type3A_205 = arith.sitofp %convert_element_type3A_204 : vector<256x512xi32> to vector<256x512xf32>
    %convert_element_type3A_206 = arith.truncf %convert_element_type3A_205 : vector<256x512xf32> to vector<256x512xbf16>
    %dot_general3A_207 = arith.constant dense<0.000000e+00> : vector<256x512xf32>
    %dot_general3A_208 = tpu.matmul %get3A_3, %convert_element_type3A_206, %dot_general3A_207 {dimension_numbers = #tpu.dot_dimension_numbers<[1], [0], [0], [1], [0, 0, 1, 1], [], []>, transpose_lhs_hint = false} : vector<256x256xbf16>, vector<256x512xbf16>, vector<256x512xf32> -> vector<256x512xf32>
    %convert_element_type3A_209 = arith.fptosi %dot_general3A_208 : vector<256x512xf32> to vector<256x512xi32>
    %slice3A_210 = vector.extract_strided_slice %and3A_10 {offsets = [0, 8], sizes = [512, 1], strides = [1, 1]} : vector<512x12xi32> to vector<512x1xi32>
    %squeeze3A_211 = vector.shape_cast %slice3A_210 : vector<512x1xi32> to vector<512xi32>
    %broadcast_in_dim3A_212 = vector.shape_cast %squeeze3A_211 : vector<512xi32> to vector<1x512xi32>
    %shift_right_arithmetic3A_213 = vector.broadcast %broadcast_in_dim3A_212 : vector<1x512xi32> to vector<256x512xi32>
    %shift_right_arithmetic3A_214 = arith.shrsi %convert_element_type3A_209, %shift_right_arithmetic3A_213 : vector<256x512xi32>
    %and3A_215 = arith.constant 1 : i32
    %and3A_216 = vector.broadcast %and3A_215 : i32 to vector<256x512xi32>
    %and3A_217 = arith.andi %shift_right_arithmetic3A_214, %and3A_216 : vector<256x512xi32>
    %shift_left3A_218 = arith.constant 8 : i32
    %shift_left3A_219 = vector.broadcast %shift_left3A_218 : i32 to vector<256x512xi32>
    %shift_left3A_220 = arith.shli %and3A_217, %shift_left3A_219 : vector<256x512xi32>
    %add3A_221 = arith.addi %add3A_197, %shift_left3A_220 : vector<256x512xi32>
    %slice3A_222 = vector.extract_strided_slice %shift_right_arithmetic3A_8 {offsets = [0, 9], sizes = [512, 1], strides = [1, 1]} : vector<512x12xi32> to vector<512x1xi32>
    %squeeze3A_223 = vector.shape_cast %slice3A_222 : vector<512x1xi32> to vector<512xi32>
    %iota3A_224 = tpu.iota {dimensions = array<i32: 0>} : vector<256x512xi32>
    %broadcast_in_dim3A_225 = vector.shape_cast %squeeze3A_223 : vector<512xi32> to vector<1x512xi32>
    %eq3A_226 = vector.broadcast %broadcast_in_dim3A_225 : vector<1x512xi32> to vector<256x512xi32>
    %eq3A_227 = arith.cmpi eq, %iota3A_224, %eq3A_226 : vector<256x512xi32>
    %convert_element_type3A_228 = arith.extui %eq3A_227 : vector<256x512xi1> to vector<256x512xi32>
    %convert_element_type3A_229 = arith.sitofp %convert_element_type3A_228 : vector<256x512xi32> to vector<256x512xf32>
    %convert_element_type3A_230 = arith.truncf %convert_element_type3A_229 : vector<256x512xf32> to vector<256x512xbf16>
    %dot_general3A_231 = arith.constant dense<0.000000e+00> : vector<256x512xf32>
    %dot_general3A_232 = tpu.matmul %get3A_3, %convert_element_type3A_230, %dot_general3A_231 {dimension_numbers = #tpu.dot_dimension_numbers<[1], [0], [0], [1], [0, 0, 1, 1], [], []>, transpose_lhs_hint = false} : vector<256x256xbf16>, vector<256x512xbf16>, vector<256x512xf32> -> vector<256x512xf32>
    %convert_element_type3A_233 = arith.fptosi %dot_general3A_232 : vector<256x512xf32> to vector<256x512xi32>
    %slice3A_234 = vector.extract_strided_slice %and3A_10 {offsets = [0, 9], sizes = [512, 1], strides = [1, 1]} : vector<512x12xi32> to vector<512x1xi32>
    %squeeze3A_235 = vector.shape_cast %slice3A_234 : vector<512x1xi32> to vector<512xi32>
    %broadcast_in_dim3A_236 = vector.shape_cast %squeeze3A_235 : vector<512xi32> to vector<1x512xi32>
    %shift_right_arithmetic3A_237 = vector.broadcast %broadcast_in_dim3A_236 : vector<1x512xi32> to vector<256x512xi32>
    %shift_right_arithmetic3A_238 = arith.shrsi %convert_element_type3A_233, %shift_right_arithmetic3A_237 : vector<256x512xi32>
    %and3A_239 = arith.constant 1 : i32
    %and3A_240 = vector.broadcast %and3A_239 : i32 to vector<256x512xi32>
    %and3A_241 = arith.andi %shift_right_arithmetic3A_238, %and3A_240 : vector<256x512xi32>
    %shift_left3A_242 = arith.constant 9 : i32
    %shift_left3A_243 = vector.broadcast %shift_left3A_242 : i32 to vector<256x512xi32>
    %shift_left3A_244 = arith.shli %and3A_241, %shift_left3A_243 : vector<256x512xi32>
    %add3A_245 = arith.addi %add3A_221, %shift_left3A_244 : vector<256x512xi32>
    %slice3A_246 = vector.extract_strided_slice %shift_right_arithmetic3A_8 {offsets = [0, 10], sizes = [512, 1], strides = [1, 1]} : vector<512x12xi32> to vector<512x1xi32>
    %squeeze3A_247 = vector.shape_cast %slice3A_246 : vector<512x1xi32> to vector<512xi32>
    %iota3A_248 = tpu.iota {dimensions = array<i32: 0>} : vector<256x512xi32>
    %broadcast_in_dim3A_249 = vector.shape_cast %squeeze3A_247 : vector<512xi32> to vector<1x512xi32>
    %eq3A_250 = vector.broadcast %broadcast_in_dim3A_249 : vector<1x512xi32> to vector<256x512xi32>
    %eq3A_251 = arith.cmpi eq, %iota3A_248, %eq3A_250 : vector<256x512xi32>
    %convert_element_type3A_252 = arith.extui %eq3A_251 : vector<256x512xi1> to vector<256x512xi32>
    %convert_element_type3A_253 = arith.sitofp %convert_element_type3A_252 : vector<256x512xi32> to vector<256x512xf32>
    %convert_element_type3A_254 = arith.truncf %convert_element_type3A_253 : vector<256x512xf32> to vector<256x512xbf16>
    %dot_general3A_255 = arith.constant dense<0.000000e+00> : vector<256x512xf32>
    %dot_general3A_256 = tpu.matmul %get3A_3, %convert_element_type3A_254, %dot_general3A_255 {dimension_numbers = #tpu.dot_dimension_numbers<[1], [0], [0], [1], [0, 0, 1, 1], [], []>, transpose_lhs_hint = false} : vector<256x256xbf16>, vector<256x512xbf16>, vector<256x512xf32> -> vector<256x512xf32>
    %convert_element_type3A_257 = arith.fptosi %dot_general3A_256 : vector<256x512xf32> to vector<256x512xi32>
    %slice3A_258 = vector.extract_strided_slice %and3A_10 {offsets = [0, 10], sizes = [512, 1], strides = [1, 1]} : vector<512x12xi32> to vector<512x1xi32>
    %squeeze3A_259 = vector.shape_cast %slice3A_258 : vector<512x1xi32> to vector<512xi32>
    %broadcast_in_dim3A_260 = vector.shape_cast %squeeze3A_259 : vector<512xi32> to vector<1x512xi32>
    %shift_right_arithmetic3A_261 = vector.broadcast %broadcast_in_dim3A_260 : vector<1x512xi32> to vector<256x512xi32>
    %shift_right_arithmetic3A_262 = arith.shrsi %convert_element_type3A_257, %shift_right_arithmetic3A_261 : vector<256x512xi32>
    %and3A_263 = arith.constant 1 : i32
    %and3A_264 = vector.broadcast %and3A_263 : i32 to vector<256x512xi32>
    %and3A_265 = arith.andi %shift_right_arithmetic3A_262, %and3A_264 : vector<256x512xi32>
    %shift_left3A_266 = arith.constant 10 : i32
    %shift_left3A_267 = vector.broadcast %shift_left3A_266 : i32 to vector<256x512xi32>
    %shift_left3A_268 = arith.shli %and3A_265, %shift_left3A_267 : vector<256x512xi32>
    %add3A_269 = arith.addi %add3A_245, %shift_left3A_268 : vector<256x512xi32>
    %slice3A_270 = vector.extract_strided_slice %shift_right_arithmetic3A_8 {offsets = [0, 11], sizes = [512, 1], strides = [1, 1]} : vector<512x12xi32> to vector<512x1xi32>
    %squeeze3A_271 = vector.shape_cast %slice3A_270 : vector<512x1xi32> to vector<512xi32>
    %iota3A_272 = tpu.iota {dimensions = array<i32: 0>} : vector<256x512xi32>
    %broadcast_in_dim3A_273 = vector.shape_cast %squeeze3A_271 : vector<512xi32> to vector<1x512xi32>
    %eq3A_274 = vector.broadcast %broadcast_in_dim3A_273 : vector<1x512xi32> to vector<256x512xi32>
    %eq3A_275 = arith.cmpi eq, %iota3A_272, %eq3A_274 : vector<256x512xi32>
    %convert_element_type3A_276 = arith.extui %eq3A_275 : vector<256x512xi1> to vector<256x512xi32>
    %convert_element_type3A_277 = arith.sitofp %convert_element_type3A_276 : vector<256x512xi32> to vector<256x512xf32>
    %convert_element_type3A_278 = arith.truncf %convert_element_type3A_277 : vector<256x512xf32> to vector<256x512xbf16>
    %dot_general3A_279 = arith.constant dense<0.000000e+00> : vector<256x512xf32>
    %dot_general3A_280 = tpu.matmul %get3A_3, %convert_element_type3A_278, %dot_general3A_279 {dimension_numbers = #tpu.dot_dimension_numbers<[1], [0], [0], [1], [0, 0, 1, 1], [], []>, transpose_lhs_hint = false} : vector<256x256xbf16>, vector<256x512xbf16>, vector<256x512xf32> -> vector<256x512xf32>
    %convert_element_type3A_281 = arith.fptosi %dot_general3A_280 : vector<256x512xf32> to vector<256x512xi32>
    %slice3A_282 = vector.extract_strided_slice %and3A_10 {offsets = [0, 11], sizes = [512, 1], strides = [1, 1]} : vector<512x12xi32> to vector<512x1xi32>
    %squeeze3A_283 = vector.shape_cast %slice3A_282 : vector<512x1xi32> to vector<512xi32>
    %broadcast_in_dim3A_284 = vector.shape_cast %squeeze3A_283 : vector<512xi32> to vector<1x512xi32>
    %shift_right_arithmetic3A_285 = vector.broadcast %broadcast_in_dim3A_284 : vector<1x512xi32> to vector<256x512xi32>
    %shift_right_arithmetic3A_286 = arith.shrsi %convert_element_type3A_281, %shift_right_arithmetic3A_285 : vector<256x512xi32>
    %and3A_287 = arith.constant 1 : i32
    %and3A_288 = vector.broadcast %and3A_287 : i32 to vector<256x512xi32>
    %and3A_289 = arith.andi %shift_right_arithmetic3A_286, %and3A_288 : vector<256x512xi32>
    %shift_left3A_290 = arith.constant 11 : i32
    %shift_left3A_291 = vector.broadcast %shift_left3A_290 : i32 to vector<256x512xi32>
    %shift_left3A_292 = arith.shli %and3A_289, %shift_left3A_291 : vector<256x512xi32>
    %add3A_293 = arith.addi %add3A_269, %shift_left3A_292 : vector<256x512xi32>
    %mul3A = arith.constant 512 : i32
    %mul3A_294 = arith.muli %arg0, %mul3A : i32
    %iota3A_295 = tpu.iota {dimensions = array<i32: 1>} : vector<256x512xi32>
    %add3A_296 = vector.broadcast %mul3A_294 : i32 to vector<256x512xi32>
    %add3A_297 = arith.addi %add3A_296, %iota3A_295 : vector<256x512xi32>
    %shift_right_arithmetic3A_298 = arith.constant 3 : i32
    %shift_right_arithmetic3A_299 = vector.broadcast %shift_right_arithmetic3A_298 : i32 to vector<256x512xi32>
    %shift_right_arithmetic3A_300 = arith.shrsi %add3A_297, %shift_right_arithmetic3A_299 : vector<256x512xi32>
    %shift_left3A_301 = arith.constant 15 : i32
    %shift_left3A_302 = vector.broadcast %shift_left3A_301 : i32 to vector<256x512xi32>
    %shift_left3A_303 = arith.shli %shift_right_arithmetic3A_300, %shift_left3A_302 : vector<256x512xi32>
    %shift_right_arithmetic3A_304 = arith.constant 7 : i32
    %shift_right_arithmetic3A_305 = vector.broadcast %shift_right_arithmetic3A_304 : i32 to vector<256x512xi32>
    %shift_right_arithmetic3A_306 = arith.shrsi %add3A_293, %shift_right_arithmetic3A_305 : vector<256x512xi32>
    %shift_left3A_307 = arith.constant 10 : i32
    %shift_left3A_308 = vector.broadcast %shift_left3A_307 : i32 to vector<256x512xi32>
    %shift_left3A_309 = arith.shli %shift_right_arithmetic3A_306, %shift_left3A_308 : vector<256x512xi32>
    %add3A_310 = arith.addi %shift_left3A_303, %shift_left3A_309 : vector<256x512xi32>
    %and3A_311 = arith.constant 7 : i32
    %and3A_312 = vector.broadcast %and3A_311 : i32 to vector<256x512xi32>
    %and3A_313 = arith.andi %add3A_297, %and3A_312 : vector<256x512xi32>
    %shift_left3A_314 = arith.constant 7 : i32
    %shift_left3A_315 = vector.broadcast %shift_left3A_314 : i32 to vector<256x512xi32>
    %shift_left3A_316 = arith.shli %and3A_313, %shift_left3A_315 : vector<256x512xi32>
    %add3A_317 = arith.addi %add3A_310, %shift_left3A_316 : vector<256x512xi32>
    %and3A_318 = arith.constant 127 : i32
    %and3A_319 = vector.broadcast %and3A_318 : i32 to vector<256x512xi32>
    %and3A_320 = arith.andi %add3A_293, %and3A_319 : vector<256x512xi32>
    %add3A_321 = arith.addi %add3A_317, %and3A_320 : vector<256x512xi32>
    %swap3A = arith.constant 0 : index
    %swap3A_322 = arith.constant 0 : index
    %swap3A_323 = vector.load %arg3[%swap3A, %swap3A_322] : memref<256x512xi32, #tpu.memory_space<vmem>>, vector<256x512xi32>
    tpu.vector_store %arg3[%swap3A, %swap3A_322], %add3A_321 {strides = array<i32>} : memref<256x512xi32, #tpu.memory_space<vmem>>, vector<256x512xi32>,
    return
  }
  func.func @transform_0(%arg0: i32) -> (i32, i32) {
    %c0_i32 = arith.constant 0 : i32
    %c0_i32_0 = arith.constant 0 : i32
    %c0_i32_1 = arith.constant 0 : i32
    return %c0_i32, %c0_i32_0 : i32, i32
  }
  func.func @transform_1(%arg0: i32) -> (i32, i32) {
    %c0_i32 = arith.constant 0 : i32
    %c0_i32_0 = arith.constant 0 : i32
    return %arg0, %c0_i32 : i32, i32
  }
  func.func @transform_2(%arg0: i32) -> (i32, i32) {
    %c0_i32 = arith.constant 0 : i32
    %c0_i32_0 = arith.constant 0 : i32
    return %c0_i32, %arg0 : i32, i32
  }
}

</mosaic_0001>

<sc_bundles>
// kernel: kernel.4.cloned.1.call-start
scs
__scs_entry_jumppad:
0x0: {  	(pc) =	sbr.rel $0x88, $3  }
0x1: {  	(tag) =	ssettag $0x0;
	lr =	simm.s32 $0x1  }
0x2: {  	[smem:$0x3F9E] =	sst lr;
	_ =	strace $0xD0000000  }
0x3: {  	_ = 	snop  }
0x4: {  	_ = 	snop  }
0x5: {  	_ = 	snop  }
0x6: {  	_ = 	snop  }
0x7: {  	_ = 	snop  }
__scs_overlays_trampoline_lowered:
0x8: {  	[smem:$0x3FAD] =	sst s0  }
0x9: {  	[smem:$0x3FAE] =	sst s1  }
0xa: {  	[smem:$0x3FAF] =	sst s2  }
0xb: {  	[smem:$0x3FB0] =	sst s3  }
0xc: {  	[smem:$0x3FB1] =	sst s4  }
0xd: {  	[smem:$0x3FB2] =	sst s5  }
0xe: {  	[smem:$0x3FB3] =	sst s6  }
0xf: {  	[smem:$0x3FB4] =	sst s7  }
0x10: {  	[smem:$0x3FB5] =	sst s8  }
0x11: {  	[smem:$0x3FB6] =	sst s9;
	s0 =	simm.s32 @!p0 $0x0  }
0x12: {  	s1 =	sld [smem:$0x3F9C];
	s0 =	simm.s32 @p0 $0x1  }
0x13: {  	[smem:$0x3FB7] =	sst s0;
	s0 =	simm.s32 @!p1 $0x0  }
0x14: {  	s2 =	sld [smem:$0x3F9B];
	s0 =	simm.s32 @p1 $0x1  }
0x15: {  	[smem:$0x3FB8] =	sst s0;
	s0 =	simm.s32 @!p2 $0x0  }
0x16: {  	s3 =	sld [smem:$0x3FDB];
	s0 =	simm.s32 @p2 $0x1  }
0x17: {  	s4 =	simm.s32 $0x1BF5;
	[smem:$0x3FBA] =	sst s0  }
0x18: {  	s0 =	sld [smem:$0x3F9D];
	_ =	swait.ge [sflag:s4], $0x0  }
0x19: {  	s7 =	sld [smem:$0x3F9E]  }
0x1a: {  	s8 =	sadd.s32 $0xFFFFE003, lr  }
0x1b: {  	s9 =	sadd.s32 $0xFFFFFEF7, lr;
	s5 =	simm.s32 $0xFFFFFFFF;
	p2 =	slt.u32 s8, $0xFFFFF086  }
0x1c: {  	p1 =	slt.u32 s9, $0xF7A;
	s5 =	simm.s32 @!p2 $0x0  }
0x1d: {  	s5 =	simm.s32 @p1 $0x1;
	p0 =	seq.s32 s7, s2  }
0x1e: {  	s7 =	smul.u32 @!p0 $0xF7A, s2;
	p2 =	seq.s32 @!p0 s5, $0x0  }
0x1f: {  	s9 =	smul.u32 $0xF7A, s1;
	s8 =	simm.s32 @!p0 $0x1BF5;
	p2 =	por !p2, p0  }
0x20: {  	[sflag:s8] =	ssyncset.s32 @!p0 $0xFFFFF086;
	s6 =	sadd.s32 @!p0 s3, s7;
	s7 =	simm.s32 @!p0 $0x108  }
0x21: {  	s3 =	sadd.s32 s3, s9;
	s6 =	sadd.s32 @!p0 $0x88, s6;
	s7 =	simm.s32 @p2 $0x1082  }
0x22: {  	[simem:s7], [sflag:s8] =	dma.local @!p0 [hbm:s6], $0xF7A  }
0x23: {  	s9 =	sor.u32 $0xD0000000, s2;
	s6 =	simm.s32 $0x108;
	_ =	swait.ge @!p0 [sflag:s8], $0x0  }
0x24: {  	s3 =	sadd.s32 $0x88, s3;
	s6 =	simm.s32 @!p1 $0x1082;
	[sflag:s4] =	ssyncset.s32 $0xFFFFF086  }
0x25: {  	[simem:s6], [sflag:s4] =	dma.local [hbm:s3], $0xF7A  }
0x26: {  	[smem:$0x3F9E] =	sst s1;
	(tag) =	ssettag s2;
	_ =	strace s9  }
0x27: {  	s1 =	sld [smem:$0x3FAE]  }
0x28: {  	s2 =	sld [smem:$0x3FAF]  }
0x29: {  	s4 =	sld [smem:$0x3FB1]  }
0x2a: {  	p0 =	seq.s32 s5, $0x0;
	s5 =	sld [smem:$0x3FB2]  }
0x2b: {  	s6 =	sld [smem:$0x3FB3]  }
0x2c: {  	s7 =	sld [smem:$0x3FB4]  }
0x2d: {  	s3 =	simm.s32 $0x108;
	s8 =	sld [smem:$0x3FB5]  }
0x2e: {  	s3 =	simm.s32 @!p0 $0x1082;
	s9 =	sld [smem:$0x3FB6]  }
0x2f: {  	lr =	sadd.s32 s0, s3;
	s0 =	sld [smem:$0x3FAD]  }
0x30: {  	s3 =	sld [smem:$0x3FB0]  }
0x31: {  	[smem:$0x3FB9] =	sst s10  }
0x32: {  	s10 =	sld [smem:$0x3FB7];
	_ =	sdelay $0x3  }
0x33: {  	p0 =	seq.s32 s10, $0x1;
	s10 =	sld [smem:$0x3FB9];
	_ =	sdelay $0x3  }
0x34: {  	[smem:$0x3FB9] =	sst s10  }
0x35: {  	s10 =	sld [smem:$0x3FB8];
	_ =	sdelay $0x3  }
0x36: {  	p1 =	seq.s32 s10, $0x1;
	s10 =	sld [smem:$0x3FB9];
	_ =	sdelay $0x3  }
0x37: {  	[smem:$0x3FB9] =	sst s10  }
0x38: {  	s10 =	sld [smem:$0x3FBA]  }
0x39: {  	_ = 	snop;
	(pc) =	sbr.ind lr, $3  }
0x3a: {  	_ = 	snop  }
0x3b: {  	_ = 	snop  }
0x3c: {  	p2 =	seq.s32 s10, $0x1;
	s10 =	sld [smem:$0x3FB9]  }
0x3d: {  	_ =	shalt  }
0x3e: {  	_ =	shalt  }
0x3f: {  	_ =	shalt  }
0x40: {  	_ =	shalt  }
0x41: {  	_ =	shalt  }
0x42: {  	_ =	shalt  }
0x43: {  	_ =	shalt  }
0x44: {  	_ =	shalt  }
0x45: {  	_ =	shalt  }
0x46: {  	_ =	shalt  }
0x47: {  	_ =	shalt  }
0x48: {  	_ =	shalt  }
0x49: {  	_ =	shalt  }
0x4a: {  	_ =	shalt  }
0x4b: {  	_ =	shalt  }
0x4c: {  	_ =	shalt  }
0x4d: {  	_ =	shalt  }
0x4e: {  	_ =	shalt  }
0x4f: {  	_ =	shalt  }
0x50: {  	_ =	shalt  }
0x51: {  	_ =	shalt  }
0x52: {  	_ =	shalt  }
0x53: {  	_ =	shalt  }
0x54: {  	_ =	shalt  }
0x55: {  	_ =	shalt  }
0x56: {  	_ =	shalt  }
0x57: {  	_ =	shalt  }
0x58: {  	_ =	shalt  }
0x59: {  	_ =	shalt  }
0x5a: {  	_ =	shalt  }
0x5b: {  	_ =	shalt  }
0x5c: {  	_ =	shalt  }
0x5d: {  	_ =	shalt  }
0x5e: {  	_ =	shalt  }
0x5f: {  	_ =	shalt  }
0x60: {  	_ =	shalt  }
0x61: {  	_ =	shalt  }
0x62: {  	_ =	shalt  }
0x63: {  	_ =	shalt  }
0x64: {  	_ =	shalt  }
0x65: {  	_ =	shalt  }
0x66: {  	_ =	shalt  }
0x67: {  	_ =	shalt  }
0x68: {  	_ =	shalt  }
0x69: {  	_ =	shalt  }
0x6a: {  	_ =	shalt  }
0x6b: {  	_ =	shalt  }
0x6c: {  	_ =	shalt  }
0x6d: {  	_ =	shalt  }
0x6e: {  	_ =	shalt  }
0x6f: {  	_ =	shalt  }
0x70: {  	_ =	shalt  }
0x71: {  	_ =	shalt  }
0x72: {  	_ =	shalt  }
0x73: {  	_ =	shalt  }
0x74: {  	_ =	shalt  }
0x75: {  	_ =	shalt  }
0x76: {  	_ =	shalt  }
0x77: {  	_ =	shalt  }
0x78: {  	_ =	shalt  }
0x79: {  	_ =	shalt  }
0x7a: {  	_ =	shalt  }
0x7b: {  	_ =	shalt  }
0x7c: {  	_ =	shalt  }
0x7d: {  	_ =	shalt  }
0x7e: {  	_ =	shalt  }
0x7f: {  	_ =	shalt  }
0x80: {  	_ =	shalt  }
0x81: {  	_ =	shalt  }
0x82: {  	_ =	shalt  }
0x83: {  	_ =	shalt  }
0x84: {  	_ =	shalt  }
0x85: {  	_ =	shalt  }
0x86: {  	_ =	shalt  }
0x87: {  	_ =	shalt  }
.Lfunc_end0:
.L_simem_size_0:
called_computation_lowered:
.L_overlay_start_0:
0x88: {  	s2 =	sld [smem:$0x3FD9]  }
0x89: {  	s3 =	sld [smem:$0x3FFE];
	_ =	sdelay $0x1  }
0x8a: {  	s1 =	srdreg.scid  }
0x8b: {  	s0 =	sand.u32 $0x1, s1  }
0x8c: {  	s17 =	sshll.u32 s0, $0xA;
	s2 =	sadd.s32 s3, s2  }
0x8d: {  	s2 =	sadd.s32 s2, s17  }
0x8e: {  	[smem:$0x3FC5] =	sst s2  }
0x8f: {  	_ = 	snop  }
0x90: {  	s2 =	sld [smem:$0x3FC7]  }
0x91: {  	s18 =	sld [smem:$0x3FD0];
	(tm) =	ssettm $0x1  }
0x92: {  	s4 =	sld [smem:$0x3FFB];
	_ =	sdelay $0x3  }
0x93: {  	_ =	strace s4  }
0x94: {  	s4 =	sld [smem:$0x3FFC];
	_ =	sdelay $0x3  }
0x95: {  	_ =	strace s4  }
0x96: {  	s4 =	sld [smem:$0x3FFD];
	_ =	sdelay $0x3  }
0x97: {  	_ =	strace s4  }
0x98: {  	_ =	strace $0x8FFFFFFF  }
0x99: {  	s19 =	sld [smem:$0x3FDB];
	_ =	sdelay $0x1  }
0x9a: {  	s5 =	simm.s32 $_scs_section_size  }
0x9b: {  	s6 =	simm.s32 $_size__tile_overlayer_lowered;
	s7 =	simm.s32 $_tile_overlayer_lowered  }
0x9c: {  	s22 =	simm.s32 $0x1BFF;
	s21 =	sshll.u32 s7, $0x1;
	s4 =	sadd.s32 s5, s19  }
0x9d: {  	s8 =	simm.s32 $0x0;
	s20 =	sshll.u32 s6, $0x1;
	s6 =	sadd.s32 s21, s4  }
0x9e: {  	[timem:s8], [sflag:s22] =	dma.local [hbm:s6], s20  }
0x9f: {  	_ =	swait.ge [sflag:s22], s20  }
0xa0: {  	s5 =	ssub.s32 $0x0, s20;
	[sflag:s22] =	ssyncset.done $0x0  }
0xa1: {  	[sflag:s22] =	ssyncadd.s32 s5;
	_ =	sdelay $0x1  }
0xa2: {  	s23 =	simm.s32 $0x1B8B  }
0xa3: {  	_ =	swait.ge [sflag:s23], $0x1  }
0xa4: {  	[sflag:s23] =	ssyncset.done $0x0  }
0xa5: {  	s25 =	simm.s32 $0x1B8E;
	s24 =	sld [smem:$0x3FFE];
	[sflag:s23] =	ssyncadd.s32 $0xFFFFFFFF  }
0xa6: {  	s26 =	simm.s32 $execute0_lowered;
	[smem:$0x3FD2] =	sst s25  }
0xa7: {  	s6 =	sshll.u32 s26, $0x1;
	_ =	strace $0x80000046;
	[dreg:$0x1] =	wrdreg $0xFFFFFFFF  }
0xa8: {  	s28 =	simm.s32 $_size_execute0_lowered;
	s4 =	sadd.s32 s4, s6;
	[dreg:$0x0] =	wrdreg $0x0  }
0xa9: {  	s6 =	sshll.u32 s28, $0x1;
	[dreg:$0x2] =	wrdreg s4  }
0xaa: {  	[dreg:$0x3] =	wrdreg s6  }
0xab: {  	[dreg:$0x4] =	wrdreg $0xC0  }
0xac: {  	_ =	task [dreg:s8], $0x5FFFF  }
0xad: {  	[dreg:$0x1] =	wrdreg $0xFFFFFFFF  }
0xae: {  	[dreg:$0x0] =	wrdreg $0x60  }
0xaf: {  	[dreg:$0x2] =	wrdreg s2  }
0xb0: {  	[dreg:$0x3] =	wrdreg s24  }
0xb1: {  	[dreg:$0x4] =	wrdreg s18  }
0xb2: {  	[dreg:$0x5] =	wrdreg $0x9  }
0xb3: {  	_ =	task.clear_ibuf [dreg:s8], $0x6FFFF;
	_ =	strace $0x90000046  }
0xb4: {  	s29 =	simm.s32 $0x9;
	_ =	strace $0x80000048  }
0xb5: {  	_ =	swait.ge [sflag:s29], $0x1  }
0xb6: {  	[sflag:s29] =	ssyncadd.s32 $0xFFFFFFFF  }
0xb7: {  	_ =	strace $0x90000048  }
0xb8: {  	_ =	sfence  }
0xb9: {  	s30 =	sld [smem:$0x0];
	_ =	sdelay $0x2  }
0xba: {  	s31 =	sshll.u32 s1, $0xD;
	s1 =	sshrl.u32 s1, $0x2  }
0xbb: {  	s3 =	sand.u32 $0x4000, s31;
	s1 =	sadd.s32 s1, s30  }
0xbc: {  	s0 =	sor.u32 s3, s0;
	s1 =	sshll.u32 s1, $0x11  }
0xbd: {  	s0 =	sor.u32 s1, s0  }
0xbe: {  	s0 =	sadd.s32 $0x8F2B, s0  }
0xbf: {  	[sflag:s0] =	ssyncadd.remote.s32 $0x1  }
0xc0: {  	_ =	sfence.sel $0xFFFF  }
0xc1: {  	[dreg:$0x0] =	wrdreg $0xFFFFFFFF;
	(pc) =	sbr.abs _section_cstart, $3  }
0xc2: {  	[dreg:$0x1] =	wrdreg $0xFFFFFFFF  }
0xc3: {  	_ =	task.clear_ibuf [dreg:s8], $0x2FFFF;
	_ =	strace $0x9FFFFFFF  }
0xc4: {  	(tm) =	ssettm $0x7FFFFFFF  }
0xc5: {  	_ =	shalt  }
tec
execute0_lowered:
.L_overlay_start_1:
0x0: {  	(tag) =	ssettag $0x1  }
0x1: {  	s1 =	rddreg [dreg:$0x0]  }
0x2: {  	s4 =	rddreg [dreg:$0x1]  }
0x3: {  	s6 =	rddreg [dreg:$0x2];
	s2 =	stileid.u32;
	s3 =	simm.s32 $0x0  }
0x4: {  	s22 =	sshll.u32 s2, $0x11;
	[smem:$0x7FF] =	sst s3;
	s2 =	simm.s32 $0x2080  }
0x5: {  	s9 =	simm.s32 $0x180;
	_ =	strace $0x80000047;
	[dreg:$0x9] =	wrdreg s2  }
0x6: {  	s10 =	simm.s32 $0x2180;
	[dreg:$0xc] =	wrdreg s9  }
0x7: {  	s11 =	simm.s32 $0x200;
	[dreg:$0xd] =	wrdreg s10  }
0x8: {  	s12 =	simm.s32 $0x2200;
	[dreg:$0xe] =	wrdreg s11  }
0x9: {  	s13 =	simm.s32 $0x280;
	[dreg:$0xf] =	wrdreg s12  }
0xa: {  	s14 =	simm.s32 $0x2280;
	[dreg:$0x10] =	wrdreg s13  }
0xb: {  	s15 =	simm.s32 $0x300;
	[dreg:$0x11] =	wrdreg s14  }
0xc: {  	s16 =	simm.s32 $0x2300;
	[dreg:$0x12] =	wrdreg s15  }
0xd: {  	s17 =	simm.s32 $0x380;
	[dreg:$0x13] =	wrdreg s16  }
0xe: {  	s18 =	simm.s32 $0x2380;
	[dreg:$0x14] =	wrdreg s17  }
0xf: {  	s19 =	simm.s32 $0x480;
	[dreg:$0x15] =	wrdreg s18  }
0x10: {  	s20 =	simm.s32 $0x2480;
	[dreg:$0x16] =	wrdreg s19  }
0x11: {  	s21 =	simm.s32 $0x500;
	[dreg:$0x17] =	wrdreg s20  }
0x12: {  	[dreg:$0x18] =	wrdreg s21;
	s2 =	simm.s32 $0x700  }
0x13: {  	s9 =	simm.s32 $0x2780;
	[smem:$0x7A4] =	sst s2  }
0x14: {  	s10 =	simm.s32 $0x880;
	[smem:$0x7A7] =	sst s9  }
0x15: {  	s11 =	simm.s32 $0x2880;
	[smem:$0x7A8] =	sst s10  }
0x16: {  	s12 =	simm.s32 $0x900;
	[smem:$0x7A9] =	sst s11  }
0x17: {  	s13 =	simm.s32 $0x2900;
	[smem:$0x7AA] =	sst s12  }
0x18: {  	s14 =	simm.s32 $0x980;
	[smem:$0x7AB] =	sst s13  }
0x19: {  	s15 =	simm.s32 $0x2980;
	[smem:$0x7AC] =	sst s14  }
0x1a: {  	s16 =	simm.s32 $0xA00;
	[smem:$0x7AD] =	sst s15  }
0x1b: {  	s17 =	simm.s32 $0x2A00;
	[smem:$0x7AE] =	sst s16  }
0x1c: {  	s18 =	simm.s32 $0xA80;
	[smem:$0x7AF] =	sst s17  }
0x1d: {  	s0 =	srdreg.scid;
	s19 =	simm.s32 $0x2A80;
	[smem:$0x7B0] =	sst s18  }
0x1e: {  	s5 =	sand.u32 $0x1, s0;
	s20 =	simm.s32 $0xB00;
	[smem:$0x7B1] =	sst s19  }
0x1f: {  	s7 =	sshll.u32 s5, $0x10;
	s21 =	simm.s32 $0x2B00;
	[smem:$0x7B2] =	sst s20  }
0x20: {  	s7 =	sor.u32 s7, s22;
	s22 =	simm.s32 $0x2500;
	[smem:$0x7B3] =	sst s21  }
0x21: {  	s2 =	simm.s32 $0x2D80;
	[dreg:$0x19] =	wrdreg s22  }
0x22: {  	s9 =	simm.s32 $0xE80;
	[smem:$0x7BB] =	sst s2  }
0x23: {  	s10 =	simm.s32 $0x2E80;
	[smem:$0x7BE] =	sst s9  }
0x24: {  	s11 =	simm.s32 $0xF00;
	[smem:$0x7BF] =	sst s10  }
0x25: {  	s12 =	simm.s32 $0x2F00;
	[smem:$0x7C0] =	sst s11  }
0x26: {  	s13 =	simm.s32 $0xF80;
	[smem:$0x7C1] =	sst s12  }
0x27: {  	s14 =	simm.s32 $0x2F80;
	[smem:$0x7C2] =	sst s13  }
0x28: {  	s15 =	simm.s32 $0x1080;
	[smem:$0x7C3] =	sst s14  }
0x29: {  	s16 =	simm.s32 $0x3080;
	[smem:$0x7C4] =	sst s15  }
0x2a: {  	s17 =	simm.s32 $0x1100;
	[smem:$0x7C5] =	sst s16  }
0x2b: {  	s18 =	simm.s32 $0x3100;
	[smem:$0x7C6] =	sst s17  }
0x2c: {  	s19 =	simm.s32 $0x1180;
	[smem:$0x7C7] =	sst s18  }
0x2d: {  	s20 =	simm.s32 $0x3180;
	[smem:$0x7C8] =	sst s19  }
0x2e: {  	s21 =	simm.s32 $0x1200;
	[smem:$0x7C9] =	sst s20  }
0x2f: {  	s22 =	simm.s32 $0xB80;
	[smem:$0x7CA] =	sst s21  }
0x30: {  	s2 =	simm.s32 $0x1480;
	[smem:$0x7B4] =	sst s22  }
0x31: {  	s9 =	simm.s32 $0x3500;
	[smem:$0x7D2] =	sst s2  }
0x32: {  	s10 =	simm.s32 $0x1580;
	[smem:$0x7D5] =	sst s9  }
0x33: {  	s11 =	simm.s32 $0x3580;
	[smem:$0x7D6] =	sst s10  }
0x34: {  	s12 =	simm.s32 $0x1600;
	[smem:$0x7D7] =	sst s11  }
0x35: {  	s13 =	simm.s32 $0x3600;
	[smem:$0x7D8] =	sst s12  }
0x36: {  	s14 =	simm.s32 $0x1680;
	[smem:$0x7D9] =	sst s13  }
0x37: {  	s15 =	simm.s32 $0x3680;
	[smem:$0x7DA] =	sst s14  }
0x38: {  	s16 =	simm.s32 $0x1700;
	[smem:$0x7DB] =	sst s15  }
0x39: {  	s17 =	simm.s32 $0x3700;
	[smem:$0x7DC] =	sst s16  }
0x3a: {  	s18 =	simm.s32 $0x1780;
	[smem:$0x7DD] =	sst s17  }
0x3b: {  	s19 =	simm.s32 $0x3780;
	[smem:$0x7DE] =	sst s18  }
0x3c: {  	s20 =	simm.s32 $0x1880;
	[smem:$0x7DF] =	sst s19  }
0x3d: {  	s0 =	sshrl.u32 s7, $0x3;
	s21 =	simm.s32 $0x3880;
	[smem:$0x7E0] =	sst s20  }
0x3e: {  	s24 =	sor.u32 $0x2800, s7;
	s6 =	sadd.s32 s0, s6;
	[smem:$0x7E1] =	sst s21  }
0x3f: {  	s25 =	sshrl.u32 s24, $0x3;
	s24 =	simm.s32 $0x2580;
	[dreg:$0x4] =	wrdreg s6  }
0x40: {  	s22 =	simm.s32 $0x3200;
	[dreg:$0x1b] =	wrdreg s24  }
0x41: {  	s2 =	simm.s32 $0x3A00;
	[smem:$0x7CB] =	sst s22  }
0x42: {  	s9 =	simm.s32 $0x3A80;
	[smem:$0x7E7] =	sst s2  }
0x43: {  	s11 =	simm.s32 $0x1B00;
	[smem:$0x7EB] =	sst s9  }
0x44: {  	s12 =	simm.s32 $0x3B00;
	[smem:$0x7EC] =	sst s11  }
0x45: {  	s13 =	simm.s32 $0x1B80;
	[smem:$0x7ED] =	sst s12  }
0x46: {  	s14 =	simm.s32 $0x3B80;
	[smem:$0x7EE] =	sst s13  }
0x47: {  	s15 =	simm.s32 $0x1C80;
	[smem:$0x7EF] =	sst s14  }
0x48: {  	s16 =	simm.s32 $0x3C80;
	[smem:$0x7F0] =	sst s15  }
0x49: {  	s17 =	simm.s32 $0x1D00;
	[smem:$0x7F1] =	sst s16  }
0x4a: {  	s4 =	sadd.s32 $0x800, s4;
	s18 =	simm.s32 $0x3D00;
	[smem:$0x7F2] =	sst s17  }
0x4b: {  	s8 =	sor.u32 $0x2C00, s7;
	s19 =	simm.s32 $0x1D80;
	[smem:$0x7F3] =	sst s18  }
0x4c: {  	s26 =	sor.u32 $0x2400, s7;
	s20 =	simm.s32 $0x3D80;
	[smem:$0x7F4] =	sst s19  }
0x4d: {  	s8 =	sshrl.u32 s8, $0x3;
	s21 =	simm.s32 $0x1E00;
	[smem:$0x7F5] =	sst s20  }
0x4e: {  	s7 =	sor.u32 $0x2000, s7;
	s23 =	sadd.s32 s8, s4;
	[smem:$0x7F6] =	sst s21  }
0x4f: {  	s7 =	sshrl.u32 s7, $0x3;
	s6 =	sadd.s32 s25, s4;
	[dreg:$0x5] =	wrdreg s23  }
0x50: {  	s31 =	sadd.s32 s7, s4;
	[dreg:$0x6] =	wrdreg s6  }
0x51: {  	s7 =	simm.s32 $0x100;
	[dreg:$0x8] =	wrdreg s31  }
0x52: {  	s25 =	simm.s32 $0x600;
	[dreg:$0xa] =	wrdreg s7  }
0x53: {  	s8 =	sshrl.u32 s26, $0x3;
	s26 =	simm.s32 $0x2600;
	[dreg:$0x1c] =	wrdreg s25  }
0x54: {  	s24 =	simm.s32 $0xC80;
	[dreg:$0x1d] =	wrdreg s26  }
0x55: {  	s22 =	simm.s32 $0x1900;
	[smem:$0x7B6] =	sst s24  }
0x56: {  	s30 =	sadd.s32 s8, s4;
	[smem:$0x7E2] =	sst s22  }
0x57: {  	s8 =	simm.s32 $0x2100;
	[dreg:$0x7] =	wrdreg s30  }
0x58: {  	s23 =	simm.s32 $0x580;
	[dreg:$0xb] =	wrdreg s8  }
0x59: {  	s31 =	simm.s32 $0x2680;
	[dreg:$0x1a] =	wrdreg s23  }
0x5a: {  	s7 =	simm.s32 $0x2700;
	[dreg:$0x1f] =	wrdreg s31  }
0x5b: {  	s25 =	simm.s32 $0x2C80;
	[smem:$0x7A5] =	sst s7  }
0x5c: {  	s26 =	simm.s32 $0xD00;
	[smem:$0x7B7] =	sst s25  }
0x5d: {  	s24 =	simm.s32 $0x3280;
	[smem:$0x7B8] =	sst s26  }
0x5e: {  	s6 =	simm.s32 $0x1A80;
	[smem:$0x7CD] =	sst s24  }
0x5f: {  	s22 =	simm.s32 $0x3E00;
	[smem:$0x7E9] =	sst s6  }
0x60: {  	s30 =	simm.s32 $0x680;
	[smem:$0x7F7] =	sst s22  }
0x61: {  	s8 =	simm.s32 $0x780;
	[dreg:$0x1e] =	wrdreg s30  }
0x62: {  	s28 =	simm.s32 $0x3;
	s23 =	simm.s32 $0x2B80;
	[smem:$0x7A6] =	sst s8  }
0x63: {  	s29 =	simm.s32 $0x0;
	s31 =	simm.s32 $0xD80;
	[smem:$0x7B5] =	sst s23  }
0x64: {  	s5 =	ssub.s32 $0x2, s5;
	s7 =	simm.s32 $0xE00;
	[smem:$0x7BA] =	sst s31  }
0x65: {  	s9 =	simm.s32 $0x400;
	s25 =	simm.s32 $0x1300;
	[smem:$0x7BC] =	sst s7  }
0x66: {  	s11 =	simm.s32 $0xC00;
	s26 =	simm.s32 $0x3300;
	[smem:$0x7CE] =	sst s25  }
0x67: {  	s4 =	sadd.s32 s0, s4;
	s24 =	simm.s32 $0x1980;
	[smem:$0x7CF] =	sst s26  }
0x68: {  	s12 =	simm.s32 $0x1;
	s10 =	sadd.s32 $0x100, s4;
	[smem:$0x7E4] =	sst s24  }
0x69: {  	s13 =	simm.s32 $0x80;
	s30 =	simm.s32 $0x2D00;
	[smem:$0x7EA] =	sst s10  }
0x6a: {  	s14 =	simm.s32 $0x2000;
	s8 =	simm.s32 $0x2E00;
	[smem:$0x7B9] =	sst s30  }
0x6b: {  	s15 =	simm.s32 $0x2400;
	s23 =	simm.s32 $0x1280;
	[smem:$0x7BD] =	sst s8  }
0x6c: {  	s16 =	simm.s32 $0x2800;
	s31 =	simm.s32 $0x3380;
	[smem:$0x7CC] =	sst s23  }
0x6d: {  	s17 =	simm.s32 $0x2C00;
	s7 =	simm.s32 $0x3480;
	[smem:$0x7D1] =	sst s31  }
0x6e: {  	s18 =	simm.s32 $0x1000;
	s25 =	simm.s32 $0x3980;
	[smem:$0x7D3] =	sst s7  }
0x6f: {  	s19 =	simm.s32 $0x1400;
	s24 =	simm.s32 $0x3E80;
	[smem:$0x7E5] =	sst s25  }
0x70: {  	s20 =	simm.s32 $0x1800;
	s30 =	simm.s32 $0x1380;
	[smem:$0x7F9] =	sst s24  }
0x71: {  	s21 =	simm.s32 $0x1C00;
	s8 =	simm.s32 $0x1500;
	[smem:$0x7D0] =	sst s30  }
0x72: {  	s22 =	simm.s32 $0x2;
	s23 =	simm.s32 $0x3900;
	[smem:$0x7D4] =	sst s8  }
0x73: {  	s26 =	sshrl.u32 s5, $0x1;
	s7 =	sadd.s32 $0x80, s4;
	[smem:$0x7E3] =	sst s23  }
0x74: {  	s10 =	simm.s32 $0x800;
	s25 =	simm.s32 $0x1F00;
	[smem:$0x7E8] =	sst s7  }
0x75: {  	s31 =	ssub.s32 s5, s26;
	s26 =	simm.s32 $0x3F00;
	[smem:$0x7FA] =	sst s25  }
0x76: {  	s24 =	simm.s32 $0x3400;
	s30 =	simm.s32 $0x1A00;
	[smem:$0x7FB] =	sst s26  }
0x77: {  	s7 =	sadd.s32 $0x180, s4;
	s23 =	simm.s32 $0x1E80;
	[smem:$0x7E6] =	sst s30  }
0x78: {  	s8 =	smax.u32 s31, $0x1;
	s31 =	simm.s32 $0x3F80;
	[smem:$0x7F8] =	sst s23  }
0x79: {  	s25 =	simm.s32 $0x3800;
	s30 =	simm.s32 $0x1F80;
	[smem:$0x7FD] =	sst s31  }
0x7a: {  	s26 =	simm.s32 $0x3C00;
	s23 =	simm.s32 $0x3000;
	[smem:$0x7FC] =	sst s30  }
.LBB2_1:
0x7b: {  	s0 =	sld [smem:$0x7E8]  }
0x7c: {  	[tilespmem:s3], [sflag:$0x1] =	stream.linear.gather [hbm4b:s4+s3], $0x400, $0x38;
	[tilespmem:$0x4000] =	vst v63  }
0x7d: {  	s31 =	sld [smem:$0x7EA]  }
0x7e: {  	[tilespmem:s9], [sflag:$0x1] =	stream.linear.gather [hbm4b:s0+s3], $0x400, $0x38;
	[tilespmem:$0x4000] =	vst v63  }
0x7f: {  	_ = 	snop  }
0x80: {  	[tilespmem:s10], [sflag:$0x1] =	stream.linear.gather [hbm4b:s31+s3], $0x400, $0x38;
	[tilespmem:$0x4000] =	vst v63  }
0x81: {  	s30 =	simm.s32 $0x0  }
0x82: {  	[tilespmem:s11], [sflag:$0x1] =	stream.linear.gather [hbm4b:s7+s3], $0x400, $0x38;
	[tilespmem:$0x4000] =	vst v63  }
.LBB2_2:
0x83: {  	_ =	swait.ge [sflag:s12], $0x400  }
0x84: {  	[sflag:s12] =	ssyncset.done $0x0  }
0x85: {  	[sflag:s12] =	ssyncadd.s32 $0xFFFFFC00  }
0x86: {  	_ =	swait.ge [sflag:s12], $0x400  }
0x87: {  	[sflag:s12] =	ssyncset.done $0x0  }
0x88: {  	[sflag:s12] =	ssyncadd.s32 $0xFFFFFC00  }
0x89: {  	_ =	swait.ge [sflag:s12], $0x400  }
0x8a: {  	[sflag:s12] =	ssyncset.done $0x0  }
0x8b: {  	[sflag:s12] =	ssyncadd.s32 $0xFFFFFC00  }
0x8c: {  	_ =	swait.ge [sflag:s12], $0x400  }
0x8d: {  	p0 =	seq.s32 s30, $0x0;
	[sflag:s12] =	ssyncset.done $0x0  }
0x8e: {  	s0 =	simm.s32 @!p0 $0x3;
	[sflag:s12] =	ssyncadd.s32 $0xFFFFFC00  }
0x8f: {  	_ =	swait.ge @!p0 [sflag:s0], $0x400  }
0x90: {  	[sflag:s0] =	ssyncset.done @!p0 $0x0  }
0x91: {  	[sflag:s0] =	ssyncadd.s32 @!p0 $0xFFFFFC00  }
0x92: {  	_ =	swait.ge @!p0 [sflag:s0], $0x400  }
0x93: {  	[sflag:s0] =	ssyncset.done @!p0 $0x0  }
0x94: {  	[sflag:s0] =	ssyncadd.s32 @!p0 $0xFFFFFC00  }
0x95: {  	_ =	swait.ge @!p0 [sflag:s0], $0x400  }
0x96: {  	[sflag:s0] =	ssyncset.done @!p0 $0x0  }
0x97: {  	[sflag:s0] =	ssyncadd.s32 @!p0 $0xFFFFFC00  }
0x98: {  	_ =	swait.ge @!p0 [sflag:s0], $0x400  }
0x99: {  	s31 =	rddreg [dreg:$0x9]  }
0x9a: {  	[sflag:s0] =	ssyncset.done @!p0 $0x0;
	s2 =	rddreg [dreg:$0xb]  }
0x9b: {  	s5 =	rddreg [dreg:$0xc];
	[sflag:s0] =	ssyncadd.s32 @!p0 $0xFFFFFC00  }
0x9c: {  	[tilespmem:s14], [sflag:$0x2] =	stream.indirect.gather [hbm4b:s1+s13], $0x1, s3, s13, $0xb8;
	[tilespmem:$0x4000] =	vst v63  }
0x9d: {  	s6 =	rddreg [dreg:$0xd]  }
0x9e: {  	[tilespmem:s31], [sflag:$0x2] =	stream.indirect.gather [hbm4b:s1+s13], $0x1, s13, s13, $0xb8;
	[tilespmem:$0x4000] =	vst v63  }
0x9f: {  	s31 =	rddreg [dreg:$0xa]  }
0xa0: {  	[tilespmem:s2], [sflag:$0x2] =	stream.indirect.gather [hbm4b:s1+s13], $0x1, s31, s13, $0xb8;
	[tilespmem:$0x4000] =	vst v63  }
0xa1: {  	s2 =	rddreg [dreg:$0xe]  }
0xa2: {  	s31 =	rddreg [dreg:$0x11]  }
0xa3: {  	[tilespmem:s6], [sflag:$0x2] =	stream.indirect.gather [hbm4b:s1+s13], $0x1, s5, s13, $0xb8;
	[tilespmem:$0x4000] =	vst v63  }
0xa4: {  	s5 =	rddreg [dreg:$0xf]  }
0xa5: {  	s6 =	rddreg [dreg:$0x10]  }
0xa6: {  	[tilespmem:s5], [sflag:$0x2] =	stream.indirect.gather [hbm4b:s1+s13], $0x1, s2, s13, $0xb8;
	[tilespmem:$0x4000] =	vst v63  }
0xa7: {  	s2 =	rddreg [dreg:$0x12]  }
0xa8: {  	s5 =	rddreg [dreg:$0x13]  }
0xa9: {  	[tilespmem:s31], [sflag:$0x2] =	stream.indirect.gather [hbm4b:s1+s13], $0x1, s6, s13, $0xb8;
	[tilespmem:$0x4000] =	vst v63  }
0xaa: {  	s6 =	rddreg [dreg:$0x14]  }
0xab: {  	s31 =	rddreg [dreg:$0x15]  }
0xac: {  	[tilespmem:s5], [sflag:$0x2] =	stream.indirect.gather [hbm4b:s1+s13], $0x1, s2, s13, $0xb8;
	[tilespmem:$0x4000] =	vst v63  }
0xad: {  	s2 =	rddreg [dreg:$0x18]  }
0xae: {  	s5 =	rddreg [dreg:$0x19]  }
0xaf: {  	[tilespmem:s31], [sflag:$0x2] =	stream.indirect.gather [hbm4b:s1+s13], $0x1, s6, s13, $0xb8;
	[tilespmem:$0x4000] =	vst v63  }
0xb0: {  	s6 =	rddreg [dreg:$0x16]  }
0xb1: {  	[tilespmem:s15], [sflag:$0x2] =	stream.indirect.gather [hbm4b:s1+s13], $0x1, s9, s13, $0xb8;
	[tilespmem:$0x4000] =	vst v63  }
0xb2: {  	s31 =	rddreg [dreg:$0x17]  }
0xb3: {  	[tilespmem:s31], [sflag:$0x2] =	stream.indirect.gather [hbm4b:s1+s13], $0x1, s6, s13, $0xb8;
	[tilespmem:$0x4000] =	vst v63  }
0xb4: {  	s6 =	rddreg [dreg:$0x1a]  }
0xb5: {  	s31 =	rddreg [dreg:$0x1b]  }
0xb6: {  	[tilespmem:s5], [sflag:$0x2] =	stream.indirect.gather [hbm4b:s1+s13], $0x1, s2, s13, $0xb8;
	[tilespmem:$0x4000] =	vst v63  }
0xb7: {  	s2 =	rddreg [dreg:$0x1c]  }
0xb8: {  	s5 =	rddreg [dreg:$0x1d]  }
0xb9: {  	[tilespmem:s31], [sflag:$0x2] =	stream.indirect.gather [hbm4b:s1+s13], $0x1, s6, s13, $0xb8;
	[tilespmem:$0x4000] =	vst v63  }
0xba: {  	s6 =	rddreg [dreg:$0x1e]  }
0xbb: {  	s31 =	rddreg [dreg:$0x1f]  }
0xbc: {  	[tilespmem:s5], [sflag:$0x2] =	stream.indirect.gather [hbm4b:s1+s13], $0x1, s2, s13, $0xb8;
	[tilespmem:$0x4000] =	vst v63  }
0xbd: {  	s2 =	sld [smem:$0x7A4]  }
0xbe: {  	s5 =	sld [smem:$0x7A5]  }
0xbf: {  	[tilespmem:s31], [sflag:$0x2] =	stream.indirect.gather [hbm4b:s1+s13], $0x1, s6, s13, $0xb8;
	[tilespmem:$0x4000] =	vst v63  }
0xc0: {  	s6 =	sld [smem:$0x7A6]  }
0xc1: {  	s31 =	sld [smem:$0x7A7]  }
0xc2: {  	[tilespmem:s5], [sflag:$0x2] =	stream.indirect.gather [hbm4b:s1+s13], $0x1, s2, s13, $0xb8;
	[tilespmem:$0x4000] =	vst v63  }
0xc3: {  	s2 =	sld [smem:$0x7AA]  }
0xc4: {  	[tilespmem:s31], [sflag:$0x2] =	stream.indirect.gather [hbm4b:s1+s13], $0x1, s6, s13, $0xb8;
	[tilespmem:$0x4000] =	vst v63  }
0xc5: {  	s6 =	sld [smem:$0x7A8]  }
0xc6: {  	s31 =	sld [smem:$0x7A9]  }
0xc7: {  	[tilespmem:s16], [sflag:$0x2] =	stream.indirect.gather [hbm4b:s1+s13], $0x1, s10, s13, $0xb8;
	[tilespmem:$0x4000] =	vst v63  }
0xc8: {  	s5 =	sld [smem:$0x7AB]  }
0xc9: {  	[tilespmem:s31], [sflag:$0x2] =	stream.indirect.gather [hbm4b:s1+s13], $0x1, s6, s13, $0xb8;
	[tilespmem:$0x4000] =	vst v63  }
0xca: {  	s6 =	sld [smem:$0x7AC]  }
0xcb: {  	s31 =	sld [smem:$0x7AD]  }
0xcc: {  	[tilespmem:s5], [sflag:$0x2] =	stream.indirect.gather [hbm4b:s1+s13], $0x1, s2, s13, $0xb8;
	[tilespmem:$0x4000] =	vst v63  }
0xcd: {  	s2 =	sld [smem:$0x7AE]  }
0xce: {  	s5 =	sld [smem:$0x7AF]  }
0xcf: {  	[tilespmem:s31], [sflag:$0x2] =	stream.indirect.gather [hbm4b:s1+s13], $0x1, s6, s13, $0xb8;
	[tilespmem:$0x4000] =	vst v63  }
0xd0: {  	s6 =	sld [smem:$0x7B0]  }
0xd1: {  	s31 =	sld [smem:$0x7B1]  }
0xd2: {  	[tilespmem:s5], [sflag:$0x2] =	stream.indirect.gather [hbm4b:s1+s13], $0x1, s2, s13, $0xb8;
	[tilespmem:$0x4000] =	vst v63  }
0xd3: {  	s2 =	sld [smem:$0x7B2]  }
0xd4: {  	s5 =	sld [smem:$0x7B3]  }
0xd5: {  	[tilespmem:s31], [sflag:$0x2] =	stream.indirect.gather [hbm4b:s1+s13], $0x1, s6, s13, $0xb8;
	[tilespmem:$0x4000] =	vst v63  }
0xd6: {  	s6 =	sld [smem:$0x7B4]  }
0xd7: {  	s31 =	sld [smem:$0x7B5]  }
0xd8: {  	[tilespmem:s5], [sflag:$0x2] =	stream.indirect.gather [hbm4b:s1+s13], $0x1, s2, s13, $0xb8;
	[tilespmem:$0x4000] =	vst v63  }
0xd9: {  	s2 =	sld [smem:$0x7B8]  }
0xda: {  	[tilespmem:s31], [sflag:$0x2] =	stream.indirect.gather [hbm4b:s1+s13], $0x1, s6, s13, $0xb8;
	[tilespmem:$0x4000] =	vst v63  }
0xdb: {  	s6 =	sld [smem:$0x7B6]  }
0xdc: {  	s31 =	sld [smem:$0x7B7]  }
0xdd: {  	[tilespmem:s17], [sflag:$0x2] =	stream.indirect.gather [hbm4b:s1+s13], $0x1, s11, s13, $0xb8;
	[tilespmem:$0x4000] =	vst v63  }
0xde: {  	s5 =	sld [smem:$0x7B9]  }
0xdf: {  	[tilespmem:s31], [sflag:$0x2] =	stream.indirect.gather [hbm4b:s1+s13], $0x1, s6, s13, $0xb8;
	[tilespmem:$0x4000] =	vst v63  }
0xe0: {  	s6 =	sld [smem:$0x7BA]  }
0xe1: {  	s31 =	sld [smem:$0x7BB]  }
0xe2: {  	[tilespmem:s5], [sflag:$0x2] =	stream.indirect.gather [hbm4b:s1+s13], $0x1, s2, s13, $0xb8;
	[tilespmem:$0x4000] =	vst v63  }
0xe3: {  	s2 =	sld [smem:$0x7BC]  }
0xe4: {  	s5 =	sld [smem:$0x7BD]  }
0xe5: {  	[tilespmem:s31], [sflag:$0x2] =	stream.indirect.gather [hbm4b:s1+s13], $0x1, s6, s13, $0xb8;
	[tilespmem:$0x4000] =	vst v63  }
0xe6: {  	s6 =	sld [smem:$0x7BE]  }
0xe7: {  	s31 =	sld [smem:$0x7BF]  }
0xe8: {  	[tilespmem:s5], [sflag:$0x2] =	stream.indirect.gather [hbm4b:s1+s13], $0x1, s2, s13, $0xb8;
	[tilespmem:$0x4000] =	vst v63  }
0xe9: {  	s2 =	sld [smem:$0x7C0]  }
0xea: {  	s5 =	sld [smem:$0x7C1]  }
0xeb: {  	[tilespmem:s31], [sflag:$0x2] =	stream.indirect.gather [hbm4b:s1+s13], $0x1, s6, s13, $0xb8;
	[tilespmem:$0x4000] =	vst v63  }
0xec: {  	s6 =	sld [smem:$0x7C2]  }
0xed: {  	s31 =	sld [smem:$0x7C3]  }
0xee: {  	[tilespmem:s5], [sflag:$0x2] =	stream.indirect.gather [hbm4b:s1+s13], $0x1, s2, s13, $0xb8;
	[tilespmem:$0x4000] =	vst v63  }
0xef: {  	s2 =	sadd.s32 s30, s4  }
0xf0: {  	[tilespmem:s31], [sflag:$0x2] =	stream.indirect.gather [hbm4b:s1+s13], $0x1, s6, s13, $0xb8;
	[tilespmem:$0x4000] =	vst v63  }
0xf1: {  	s6 =	sadd.s32 $0x200, s2  }
0xf2: {  	[tilespmem:s18], [sflag:$0x1] =	stream.linear.gather [hbm4b:s6+s3], $0x400, $0x38;
	[tilespmem:$0x4000] =	vst v63  }
0xf3: {  	s31 =	sadd.s32 $0x280, s2  }
0xf4: {  	[tilespmem:s19], [sflag:$0x1] =	stream.linear.gather [hbm4b:s31+s3], $0x400, $0x38;
	[tilespmem:$0x4000] =	vst v63  }
0xf5: {  	s6 =	sadd.s32 $0x300, s2  }
0xf6: {  	[tilespmem:s20], [sflag:$0x1] =	stream.linear.gather [hbm4b:s6+s3], $0x400, $0x38;
	[tilespmem:$0x4000] =	vst v63  }
0xf7: {  	s2 =	sadd.s32 $0x380, s2  }
0xf8: {  	[tilespmem:s21], [sflag:$0x1] =	stream.linear.gather [hbm4b:s2+s3], $0x400, $0x38;
	[tilespmem:$0x4000] =	vst v63  }
0xf9: {  	_ =	swait.ge [sflag:s22], $0x80  }
0xfa: {  	[sflag:s22] =	ssyncset.done $0x0  }
0xfb: {  	[sflag:s22] =	ssyncadd.s32 $0xFFFFFF80  }
0xfc: {  	_ =	swait.ge [sflag:s22], $0x80  }
0xfd: {  	[sflag:s22] =	ssyncset.done $0x0  }
0xfe: {  	[sflag:s22] =	ssyncadd.s32 $0xFFFFFF80  }
0xff: {  	_ =	swait.ge [sflag:s22], $0x80  }
0x100: {  	[sflag:s22] =	ssyncset.done $0x0  }
0x101: {  	[sflag:s22] =	ssyncadd.s32 $0xFFFFFF80  }
0x102: {  	_ =	swait.ge [sflag:s22], $0x80  }
0x103: {  	[sflag:s22] =	ssyncset.done $0x0  }
0x104: {  	[sflag:s22] =	ssyncadd.s32 $0xFFFFFF80  }
0x105: {  	_ =	swait.ge [sflag:s22], $0x80  }
0x106: {  	[sflag:s22] =	ssyncset.done $0x0  }
0x107: {  	[sflag:s22] =	ssyncadd.s32 $0xFFFFFF80  }
0x108: {  	_ =	swait.ge [sflag:s22], $0x80  }
0x109: {  	[sflag:s22] =	ssyncset.done $0x0  }
0x10a: {  	[sflag:s22] =	ssyncadd.s32 $0xFFFFFF80  }
0x10b: {  	_ =	swait.ge [sflag:s22], $0x80  }
0x10c: {  	[sflag:s22] =	ssyncset.done $0x0  }
0x10d: {  	[sflag:s22] =	ssyncadd.s32 $0xFFFFFF80  }
0x10e: {  	_ =	swait.ge [sflag:s22], $0x80  }
0x10f: {  	[sflag:s22] =	ssyncset.done $0x0  }
0x110: {  	[sflag:s22] =	ssyncadd.s32 $0xFFFFFF80  }
0x111: {  	_ =	swait.ge [sflag:s22], $0x80  }
0x112: {  	[sflag:s22] =	ssyncset.done $0x0  }
0x113: {  	[sflag:s22] =	ssyncadd.s32 $0xFFFFFF80  }
0x114: {  	_ =	swait.ge [sflag:s22], $0x80  }
0x115: {  	[sflag:s22] =	ssyncset.done $0x0  }
0x116: {  	[sflag:s22] =	ssyncadd.s32 $0xFFFFFF80  }
0x117: {  	_ =	swait.ge [sflag:s22], $0x80  }
0x118: {  	[sflag:s22] =	ssyncset.done $0x0  }
0x119: {  	[sflag:s22] =	ssyncadd.s32 $0xFFFFFF80  }
0x11a: {  	_ =	swait.ge [sflag:s22], $0x80  }
0x11b: {  	[sflag:s22] =	ssyncset.done $0x0  }
0x11c: {  	[sflag:s22] =	ssyncadd.s32 $0xFFFFFF80  }
0x11d: {  	_ =	swait.ge [sflag:s22], $0x80  }
0x11e: {  	[sflag:s22] =	ssyncset.done $0x0  }
0x11f: {  	[sflag:s22] =	ssyncadd.s32 $0xFFFFFF80  }
0x120: {  	_ =	swait.ge [sflag:s22], $0x80  }
0x121: {  	[sflag:s22] =	ssyncset.done $0x0  }
0x122: {  	[sflag:s22] =	ssyncadd.s32 $0xFFFFFF80  }
0x123: {  	_ =	swait.ge [sflag:s22], $0x80  }
0x124: {  	[sflag:s22] =	ssyncset.done $0x0  }
0x125: {  	[sflag:s22] =	ssyncadd.s32 $0xFFFFFF80  }
0x126: {  	_ =	swait.ge [sflag:s22], $0x80  }
0x127: {  	[sflag:s22] =	ssyncset.done $0x0  }
0x128: {  	[sflag:s22] =	ssyncadd.s32 $0xFFFFFF80  }
0x129: {  	_ =	swait.ge [sflag:s22], $0x80  }
0x12a: {  	[sflag:s22] =	ssyncset.done $0x0  }
0x12b: {  	[sflag:s22] =	ssyncadd.s32 $0xFFFFFF80  }
0x12c: {  	_ =	swait.ge [sflag:s22], $0x80  }
0x12d: {  	[sflag:s22] =	ssyncset.done $0x0  }
0x12e: {  	[sflag:s22] =	ssyncadd.s32 $0xFFFFFF80  }
0x12f: {  	_ =	swait.ge [sflag:s22], $0x80  }
0x130: {  	[sflag:s22] =	ssyncset.done $0x0  }
0x131: {  	[sflag:s22] =	ssyncadd.s32 $0xFFFFFF80  }
0x132: {  	_ =	swait.ge [sflag:s22], $0x80  }
0x133: {  	[sflag:s22] =	ssyncset.done $0x0  }
0x134: {  	[sflag:s22] =	ssyncadd.s32 $0xFFFFFF80  }
0x135: {  	_ =	swait.ge [sflag:s22], $0x80  }
0x136: {  	[sflag:s22] =	ssyncset.done $0x0  }
0x137: {  	[sflag:s22] =	ssyncadd.s32 $0xFFFFFF80  }
0x138: {  	_ =	swait.ge [sflag:s22], $0x80  }
0x139: {  	[sflag:s22] =	ssyncset.done $0x0  }
0x13a: {  	[sflag:s22] =	ssyncadd.s32 $0xFFFFFF80  }
0x13b: {  	_ =	swait.ge [sflag:s22], $0x80  }
0x13c: {  	[sflag:s22] =	ssyncset.done $0x0  }
0x13d: {  	[sflag:s22] =	ssyncadd.s32 $0xFFFFFF80  }
0x13e: {  	_ =	swait.ge [sflag:s22], $0x80  }
0x13f: {  	[sflag:s22] =	ssyncset.done $0x0  }
0x140: {  	[sflag:s22] =	ssyncadd.s32 $0xFFFFFF80  }
0x141: {  	_ =	swait.ge [sflag:s22], $0x80  }
0x142: {  	[sflag:s22] =	ssyncset.done $0x0  }
0x143: {  	[sflag:s22] =	ssyncadd.s32 $0xFFFFFF80  }
0x144: {  	_ =	swait.ge [sflag:s22], $0x80  }
0x145: {  	[sflag:s22] =	ssyncset.done $0x0  }
0x146: {  	[sflag:s22] =	ssyncadd.s32 $0xFFFFFF80  }
0x147: {  	_ =	swait.ge [sflag:s22], $0x80  }
0x148: {  	[sflag:s22] =	ssyncset.done $0x0  }
0x149: {  	[sflag:s22] =	ssyncadd.s32 $0xFFFFFF80  }
0x14a: {  	_ =	swait.ge [sflag:s22], $0x80  }
0x14b: {  	[sflag:s22] =	ssyncset.done $0x0  }
0x14c: {  	[sflag:s22] =	ssyncadd.s32 $0xFFFFFF80  }
0x14d: {  	_ =	swait.ge [sflag:s22], $0x80  }
0x14e: {  	[sflag:s22] =	ssyncset.done $0x0  }
0x14f: {  	[sflag:s22] =	ssyncadd.s32 $0xFFFFFF80  }
0x150: {  	_ =	swait.ge [sflag:s22], $0x80  }
0x151: {  	[sflag:s22] =	ssyncset.done $0x0  }
0x152: {  	[sflag:s22] =	ssyncadd.s32 $0xFFFFFF80  }
0x153: {  	_ =	swait.ge [sflag:s22], $0x80  }
0x154: {  	[sflag:s22] =	ssyncset.done $0x0  }
0x155: {  	[sflag:s22] =	ssyncadd.s32 $0xFFFFFF80  }
0x156: {  	_ =	swait.ge [sflag:s22], $0x80  }
0x157: {  	s31 =	rddreg [dreg:$0x4];
	[sflag:s22] =	ssyncset.done $0x0  }
0x158: {  	[sflag:s22] =	ssyncadd.s32 $0xFFFFFF80;
	s31 =	sadd.s32 s30, s31  }
0x159: {  	[hbm4b:s31+s3] =	stream.linear.scatter [tilespmem:s14], [sflag:$0x3], $0x400, $0x38;
	[tilespmem:$0x4000] =	vst v63  }
0x15a: {  	s2 =	sadd.s32 $0x80, s31  }
0x15b: {  	[hbm4b:s2+s3] =	stream.linear.scatter [tilespmem:s15], [sflag:$0x3], $0x400, $0x38;
	[tilespmem:$0x4000] =	vst v63  }
0x15c: {  	s5 =	sadd.s32 $0x100, s31  }
0x15d: {  	[hbm4b:s5+s3] =	stream.linear.scatter [tilespmem:s16], [sflag:$0x3], $0x400, $0x38;
	[tilespmem:$0x4000] =	vst v63  }
0x15e: {  	s6 =	sadd.s32 $0x180, s31  }
0x15f: {  	[hbm4b:s6+s3] =	stream.linear.scatter [tilespmem:s17], [sflag:$0x3], $0x400, $0x38;
	[tilespmem:$0x4000] =	vst v63  }
0x160: {  	_ =	swait.ge [sflag:s12], $0x400  }
0x161: {  	[sflag:s12] =	ssyncset.done $0x0  }
0x162: {  	[sflag:s12] =	ssyncadd.s32 $0xFFFFFC00  }
0x163: {  	_ =	swait.ge [sflag:s12], $0x400  }
0x164: {  	[sflag:s12] =	ssyncset.done $0x0  }
0x165: {  	[sflag:s12] =	ssyncadd.s32 $0xFFFFFC00  }
0x166: {  	_ =	swait.ge [sflag:s12], $0x400  }
0x167: {  	[sflag:s12] =	ssyncset.done $0x0  }
0x168: {  	[sflag:s12] =	ssyncadd.s32 $0xFFFFFC00  }
0x169: {  	_ =	swait.ge [sflag:s12], $0x400  }
0x16a: {  	[sflag:s12] =	ssyncset.done $0x0  }
0x16b: {  	[sflag:s12] =	ssyncadd.s32 $0xFFFFFC00  }
0x16c: {  	_ =	swait.ge @!p0 [sflag:s0], $0x400  }
0x16d: {  	[sflag:s0] =	ssyncset.done @!p0 $0x0  }
0x16e: {  	[sflag:s0] =	ssyncadd.s32 @!p0 $0xFFFFFC00  }
0x16f: {  	_ =	swait.ge @!p0 [sflag:s0], $0x400  }
0x170: {  	[sflag:s0] =	ssyncset.done @!p0 $0x0  }
0x171: {  	[sflag:s0] =	ssyncadd.s32 @!p0 $0xFFFFFC00  }
0x172: {  	_ =	swait.ge @!p0 [sflag:s0], $0x400  }
0x173: {  	[sflag:s0] =	ssyncset.done @!p0 $0x0  }
0x174: {  	[sflag:s0] =	ssyncadd.s32 @!p0 $0xFFFFFC00  }
0x175: {  	_ =	swait.ge @!p0 [sflag:s0], $0x400  }
0x176: {  	s5 =	sld [smem:$0x7C4]  }
0x177: {  	[sflag:s0] =	ssyncset.done @!p0 $0x0;
	s6 =	sld [smem:$0x7C5]  }
0x178: {  	s2 =	sld [smem:$0x7C7];
	[sflag:s0] =	ssyncadd.s32 @!p0 $0xFFFFFC00  }
0x179: {  	[tilespmem:s23], [sflag:$0x2] =	stream.indirect.gather [hbm4b:s1+s13], $0x1, s18, s13, $0xb8;
	[tilespmem:$0x4000] =	vst v63  }
0x17a: {  	s0 =	sld [smem:$0x7C6]  }
0x17b: {  	[tilespmem:s6], [sflag:$0x2] =	stream.indirect.gather [hbm4b:s1+s13], $0x1, s5, s13, $0xb8;
	[tilespmem:$0x4000] =	vst v63  }
0x17c: {  	s5 =	sld [smem:$0x7C8]  }
0x17d: {  	s6 =	sld [smem:$0x7C9]  }
0x17e: {  	[tilespmem:s2], [sflag:$0x2] =	stream.indirect.gather [hbm4b:s1+s13], $0x1, s0, s13, $0xb8;
	[tilespmem:$0x4000] =	vst v63  }
0x17f: {  	s0 =	sld [smem:$0x7CA]  }
0x180: {  	s2 =	sld [smem:$0x7CB]  }
0x181: {  	[tilespmem:s6], [sflag:$0x2] =	stream.indirect.gather [hbm4b:s1+s13], $0x1, s5, s13, $0xb8;
	[tilespmem:$0x4000] =	vst v63  }
0x182: {  	s5 =	sld [smem:$0x7CC]  }
0x183: {  	s6 =	sld [smem:$0x7CD]  }
0x184: {  	[tilespmem:s2], [sflag:$0x2] =	stream.indirect.gather [hbm4b:s1+s13], $0x1, s0, s13, $0xb8;
	[tilespmem:$0x4000] =	vst v63  }
0x185: {  	s0 =	sld [smem:$0x7CE]  }
0x186: {  	s2 =	sld [smem:$0x7CF]  }
0x187: {  	[tilespmem:s6], [sflag:$0x2] =	stream.indirect.gather [hbm4b:s1+s13], $0x1, s5, s13, $0xb8;
	[tilespmem:$0x4000] =	vst v63  }
0x188: {  	s5 =	sld [smem:$0x7D0]  }
0x189: {  	s6 =	sld [smem:$0x7D1]  }
0x18a: {  	[tilespmem:s2], [sflag:$0x2] =	stream.indirect.gather [hbm4b:s1+s13], $0x1, s0, s13, $0xb8;
	[tilespmem:$0x4000] =	vst v63  }
0x18b: {  	s0 =	sld [smem:$0x7D4]  }
0x18c: {  	[tilespmem:s6], [sflag:$0x2] =	stream.indirect.gather [hbm4b:s1+s13], $0x1, s5, s13, $0xb8;
	[tilespmem:$0x4000] =	vst v63  }
0x18d: {  	s5 =	sld [smem:$0x7D2]  }
0x18e: {  	s6 =	sld [smem:$0x7D3]  }
0x18f: {  	[tilespmem:s24], [sflag:$0x2] =	stream.indirect.gather [hbm4b:s1+s13], $0x1, s19, s13, $0xb8;
	[tilespmem:$0x4000] =	vst v63  }
0x190: {  	s2 =	sld [smem:$0x7D5]  }
0x191: {  	[tilespmem:s6], [sflag:$0x2] =	stream.indirect.gather [hbm4b:s1+s13], $0x1, s5, s13, $0xb8;
	[tilespmem:$0x4000] =	vst v63  }
0x192: {  	s5 =	sld [smem:$0x7D6]  }
0x193: {  	s6 =	sld [smem:$0x7D7]  }
0x194: {  	[tilespmem:s2], [sflag:$0x2] =	stream.indirect.gather [hbm4b:s1+s13], $0x1, s0, s13, $0xb8;
	[tilespmem:$0x4000] =	vst v63  }
0x195: {  	s0 =	sld [smem:$0x7D8]  }
0x196: {  	s2 =	sld [smem:$0x7D9]  }
0x197: {  	[tilespmem:s6], [sflag:$0x2] =	stream.indirect.gather [hbm4b:s1+s13], $0x1, s5, s13, $0xb8;
	[tilespmem:$0x4000] =	vst v63  }
0x198: {  	s5 =	sld [smem:$0x7DA]  }
0x199: {  	s6 =	sld [smem:$0x7DB]  }
0x19a: {  	[tilespmem:s2], [sflag:$0x2] =	stream.indirect.gather [hbm4b:s1+s13], $0x1, s0, s13, $0xb8;
	[tilespmem:$0x4000] =	vst v63  }
0x19b: {  	s0 =	sld [smem:$0x7DC]  }
0x19c: {  	s2 =	sld [smem:$0x7DD]  }
0x19d: {  	[tilespmem:s6], [sflag:$0x2] =	stream.indirect.gather [hbm4b:s1+s13], $0x1, s5, s13, $0xb8;
	[tilespmem:$0x4000] =	vst v63  }
0x19e: {  	s5 =	sld [smem:$0x7DE]  }
0x19f: {  	s6 =	sld [smem:$0x7DF]  }
0x1a0: {  	[tilespmem:s2], [sflag:$0x2] =	stream.indirect.gather [hbm4b:s1+s13], $0x1, s0, s13, $0xb8;
	[tilespmem:$0x4000] =	vst v63  }
0x1a1: {  	s0 =	sld [smem:$0x7E2]  }
0x1a2: {  	[tilespmem:s6], [sflag:$0x2] =	stream.indirect.gather [hbm4b:s1+s13], $0x1, s5, s13, $0xb8;
	[tilespmem:$0x4000] =	vst v63  }
0x1a3: {  	s5 =	sld [smem:$0x7E0]  }
0x1a4: {  	s6 =	sld [smem:$0x7E1]  }
0x1a5: {  	[tilespmem:s25], [sflag:$0x2] =	stream.indirect.gather [hbm4b:s1+s13], $0x1, s20, s13, $0xb8;
	[tilespmem:$0x4000] =	vst v63  }
0x1a6: {  	s2 =	sld [smem:$0x7E3]  }
0x1a7: {  	[tilespmem:s6], [sflag:$0x2] =	stream.indirect.gather [hbm4b:s1+s13], $0x1, s5, s13, $0xb8;
	[tilespmem:$0x4000] =	vst v63  }
0x1a8: {  	s5 =	sld [smem:$0x7E4]  }
0x1a9: {  	s6 =	sld [smem:$0x7E5]  }
0x1aa: {  	[tilespmem:s2], [sflag:$0x2] =	stream.indirect.gather [hbm4b:s1+s13], $0x1, s0, s13, $0xb8;
	[tilespmem:$0x4000] =	vst v63  }
0x1ab: {  	s0 =	sld [smem:$0x7E6]  }
0x1ac: {  	s2 =	sld [smem:$0x7E7]  }
0x1ad: {  	[tilespmem:s6], [sflag:$0x2] =	stream.indirect.gather [hbm4b:s1+s13], $0x1, s5, s13, $0xb8;
	[tilespmem:$0x4000] =	vst v63  }
0x1ae: {  	s5 =	sld [smem:$0x7E9]  }
0x1af: {  	s6 =	sld [smem:$0x7EB]  }
0x1b0: {  	[tilespmem:s2], [sflag:$0x2] =	stream.indirect.gather [hbm4b:s1+s13], $0x1, s0, s13, $0xb8;
	[tilespmem:$0x4000] =	vst v63  }
0x1b1: {  	s0 =	sld [smem:$0x7EC]  }
0x1b2: {  	s2 =	sld [smem:$0x7ED]  }
0x1b3: {  	[tilespmem:s6], [sflag:$0x2] =	stream.indirect.gather [hbm4b:s1+s13], $0x1, s5, s13, $0xb8;
	[tilespmem:$0x4000] =	vst v63  }
0x1b4: {  	s5 =	sld [smem:$0x7EE]  }
0x1b5: {  	s6 =	sld [smem:$0x7EF]  }
0x1b6: {  	[tilespmem:s2], [sflag:$0x2] =	stream.indirect.gather [hbm4b:s1+s13], $0x1, s0, s13, $0xb8;
	[tilespmem:$0x4000] =	vst v63  }
0x1b7: {  	s0 =	sld [smem:$0x7F2]  }
0x1b8: {  	[tilespmem:s6], [sflag:$0x2] =	stream.indirect.gather [hbm4b:s1+s13], $0x1, s5, s13, $0xb8;
	[tilespmem:$0x4000] =	vst v63  }
0x1b9: {  	s5 =	sld [smem:$0x7F0]  }
0x1ba: {  	s6 =	sld [smem:$0x7F1]  }
0x1bb: {  	[tilespmem:s26], [sflag:$0x2] =	stream.indirect.gather [hbm4b:s1+s13], $0x1, s21, s13, $0xb8;
	[tilespmem:$0x4000] =	vst v63  }
0x1bc: {  	s2 =	sld [smem:$0x7F3]  }
0x1bd: {  	[tilespmem:s6], [sflag:$0x2] =	stream.indirect.gather [hbm4b:s1+s13], $0x1, s5, s13, $0xb8;
	[tilespmem:$0x4000] =	vst v63  }
0x1be: {  	s5 =	sld [smem:$0x7F4]  }
0x1bf: {  	s6 =	sld [smem:$0x7F5]  }
0x1c0: {  	[tilespmem:s2], [sflag:$0x2] =	stream.indirect.gather [hbm4b:s1+s13], $0x1, s0, s13, $0xb8;
	[tilespmem:$0x4000] =	vst v63  }
0x1c1: {  	s0 =	sld [smem:$0x7F6]  }
0x1c2: {  	s2 =	sld [smem:$0x7F7]  }
0x1c3: {  	[tilespmem:s6], [sflag:$0x2] =	stream.indirect.gather [hbm4b:s1+s13], $0x1, s5, s13, $0xb8;
	[tilespmem:$0x4000] =	vst v63  }
0x1c4: {  	s5 =	sld [smem:$0x7F8]  }
0x1c5: {  	s6 =	sld [smem:$0x7F9]  }
0x1c6: {  	[tilespmem:s2], [sflag:$0x2] =	stream.indirect.gather [hbm4b:s1+s13], $0x1, s0, s13, $0xb8;
	[tilespmem:$0x4000] =	vst v63  }
0x1c7: {  	s0 =	sld [smem:$0x7FA]  }
0x1c8: {  	s2 =	sld [smem:$0x7FB]  }
0x1c9: {  	[tilespmem:s6], [sflag:$0x2] =	stream.indirect.gather [hbm4b:s1+s13], $0x1, s5, s13, $0xb8;
	[tilespmem:$0x4000] =	vst v63  }
0x1ca: {  	s5 =	sld [smem:$0x7FC]  }
0x1cb: {  	s6 =	sld [smem:$0x7FD]  }
0x1cc: {  	[tilespmem:s2], [sflag:$0x2] =	stream.indirect.gather [hbm4b:s1+s13], $0x1, s0, s13, $0xb8;
	[tilespmem:$0x4000] =	vst v63  }
0x1cd: {  	p0 =	seq.s32 s30, $0x1C00;
	s0 =	rddreg [dreg:$0x8]  }
0x1ce: {  	[tilespmem:s6], [sflag:$0x2] =	stream.indirect.gather [hbm4b:s1+s13], $0x1, s5, s13, $0xb8;
	[tilespmem:$0x4000] =	vst v63  }
0x1cf: {  	s2 =	rddreg [dreg:$0x7];
	s0 =	sadd.s32 @!p0 s30, s0;
	s5 =	simm.s32 @!p0 $0x0  }
0x1d0: {  	[tilespmem:s5], [sflag:$0x1] =	stream.linear.gather @!p0 [hbm4b:s0+s5], $0x400, $0x38;
	[tilespmem:$0x4000] =	vst v63  }
0x1d1: {  	s6 =	rddreg [dreg:$0x6];
	s0 =	sadd.s32 @!p0 s30, s2;
	s2 =	simm.s32 @!p0 $0x400  }
0x1d2: {  	[tilespmem:s2], [sflag:$0x1] =	stream.linear.gather @!p0 [hbm4b:s0+s5], $0x400, $0x38;
	[tilespmem:$0x4000] =	vst v63  }
0x1d3: {  	s0 =	rddreg [dreg:$0x5];
	s2 =	sadd.s32 @!p0 s30, s6;
	s6 =	simm.s32 @!p0 $0x800  }
0x1d4: {  	[tilespmem:s6], [sflag:$0x1] =	stream.linear.gather @!p0 [hbm4b:s2+s5], $0x400, $0x38;
	[tilespmem:$0x4000] =	vst v63  }
0x1d5: {  	s0 =	sadd.s32 @!p0 s30, s0;
	s2 =	simm.s32 @!p0 $0xC00  }
0x1d6: {  	[tilespmem:s2], [sflag:$0x1] =	stream.linear.gather @!p0 [hbm4b:s0+s5], $0x400, $0x38;
	[tilespmem:$0x4000] =	vst v63  }
0x1d7: {  	_ =	swait.ge [sflag:s22], $0x80  }
0x1d8: {  	[sflag:s22] =	ssyncset.done $0x0  }
0x1d9: {  	[sflag:s22] =	ssyncadd.s32 $0xFFFFFF80  }
0x1da: {  	_ =	swait.ge [sflag:s22], $0x80  }
0x1db: {  	[sflag:s22] =	ssyncset.done $0x0  }
0x1dc: {  	[sflag:s22] =	ssyncadd.s32 $0xFFFFFF80  }
0x1dd: {  	_ =	swait.ge [sflag:s22], $0x80  }
0x1de: {  	[sflag:s22] =	ssyncset.done $0x0  }
0x1df: {  	[sflag:s22] =	ssyncadd.s32 $0xFFFFFF80  }
0x1e0: {  	_ =	swait.ge [sflag:s22], $0x80  }
0x1e1: {  	[sflag:s22] =	ssyncset.done $0x0  }
0x1e2: {  	[sflag:s22] =	ssyncadd.s32 $0xFFFFFF80  }
0x1e3: {  	_ =	swait.ge [sflag:s22], $0x80  }
0x1e4: {  	[sflag:s22] =	ssyncset.done $0x0  }
0x1e5: {  	[sflag:s22] =	ssyncadd.s32 $0xFFFFFF80  }
0x1e6: {  	_ =	swait.ge [sflag:s22], $0x80  }
0x1e7: {  	[sflag:s22] =	ssyncset.done $0x0  }
0x1e8: {  	[sflag:s22] =	ssyncadd.s32 $0xFFFFFF80  }
0x1e9: {  	_ =	swait.ge [sflag:s22], $0x80  }
0x1ea: {  	[sflag:s22] =	ssyncset.done $0x0  }
0x1eb: {  	[sflag:s22] =	ssyncadd.s32 $0xFFFFFF80  }
0x1ec: {  	_ =	swait.ge [sflag:s22], $0x80  }
0x1ed: {  	[sflag:s22] =	ssyncset.done $0x0  }
0x1ee: {  	[sflag:s22] =	ssyncadd.s32 $0xFFFFFF80  }
0x1ef: {  	_ =	swait.ge [sflag:s22], $0x80  }
0x1f0: {  	[sflag:s22] =	ssyncset.done $0x0  }
0x1f1: {  	[sflag:s22] =	ssyncadd.s32 $0xFFFFFF80  }
0x1f2: {  	_ =	swait.ge [sflag:s22], $0x80  }
0x1f3: {  	[sflag:s22] =	ssyncset.done $0x0  }
0x1f4: {  	[sflag:s22] =	ssyncadd.s32 $0xFFFFFF80  }
0x1f5: {  	_ =	swait.ge [sflag:s22], $0x80  }
0x1f6: {  	[sflag:s22] =	ssyncset.done $0x0  }
0x1f7: {  	[sflag:s22] =	ssyncadd.s32 $0xFFFFFF80  }
0x1f8: {  	_ =	swait.ge [sflag:s22], $0x80  }
0x1f9: {  	[sflag:s22] =	ssyncset.done $0x0  }
0x1fa: {  	[sflag:s22] =	ssyncadd.s32 $0xFFFFFF80  }
0x1fb: {  	_ =	swait.ge [sflag:s22], $0x80  }
0x1fc: {  	[sflag:s22] =	ssyncset.done $0x0  }
0x1fd: {  	[sflag:s22] =	ssyncadd.s32 $0xFFFFFF80  }
0x1fe: {  	_ =	swait.ge [sflag:s22], $0x80  }
0x1ff: {  	[sflag:s22] =	ssyncset.done $0x0  }
0x200: {  	[sflag:s22] =	ssyncadd.s32 $0xFFFFFF80  }
0x201: {  	_ =	swait.ge [sflag:s22], $0x80  }
0x202: {  	[sflag:s22] =	ssyncset.done $0x0  }
0x203: {  	[sflag:s22] =	ssyncadd.s32 $0xFFFFFF80  }
0x204: {  	_ =	swait.ge [sflag:s22], $0x80  }
0x205: {  	[sflag:s22] =	ssyncset.done $0x0  }
0x206: {  	[sflag:s22] =	ssyncadd.s32 $0xFFFFFF80  }
0x207: {  	_ =	swait.ge [sflag:s22], $0x80  }
0x208: {  	[sflag:s22] =	ssyncset.done $0x0  }
0x209: {  	[sflag:s22] =	ssyncadd.s32 $0xFFFFFF80  }
0x20a: {  	_ =	swait.ge [sflag:s22], $0x80  }
0x20b: {  	[sflag:s22] =	ssyncset.done $0x0  }
0x20c: {  	[sflag:s22] =	ssyncadd.s32 $0xFFFFFF80  }
0x20d: {  	_ =	swait.ge [sflag:s22], $0x80  }
0x20e: {  	[sflag:s22] =	ssyncset.done $0x0  }
0x20f: {  	[sflag:s22] =	ssyncadd.s32 $0xFFFFFF80  }
0x210: {  	_ =	swait.ge [sflag:s22], $0x80  }
0x211: {  	[sflag:s22] =	ssyncset.done $0x0  }
0x212: {  	[sflag:s22] =	ssyncadd.s32 $0xFFFFFF80  }
0x213: {  	_ =	swait.ge [sflag:s22], $0x80  }
0x214: {  	[sflag:s22] =	ssyncset.done $0x0  }
0x215: {  	[sflag:s22] =	ssyncadd.s32 $0xFFFFFF80  }
0x216: {  	_ =	swait.ge [sflag:s22], $0x80  }
0x217: {  	[sflag:s22] =	ssyncset.done $0x0  }
0x218: {  	[sflag:s22] =	ssyncadd.s32 $0xFFFFFF80  }
0x219: {  	_ =	swait.ge [sflag:s22], $0x80  }
0x21a: {  	[sflag:s22] =	ssyncset.done $0x0  }
0x21b: {  	[sflag:s22] =	ssyncadd.s32 $0xFFFFFF80  }
0x21c: {  	_ =	swait.ge [sflag:s22], $0x80  }
0x21d: {  	[sflag:s22] =	ssyncset.done $0x0  }
0x21e: {  	[sflag:s22] =	ssyncadd.s32 $0xFFFFFF80  }
0x21f: {  	_ =	swait.ge [sflag:s22], $0x80  }
0x220: {  	[sflag:s22] =	ssyncset.done $0x0  }
0x221: {  	[sflag:s22] =	ssyncadd.s32 $0xFFFFFF80  }
0x222: {  	_ =	swait.ge [sflag:s22], $0x80  }
0x223: {  	[sflag:s22] =	ssyncset.done $0x0  }
0x224: {  	[sflag:s22] =	ssyncadd.s32 $0xFFFFFF80  }
0x225: {  	_ =	swait.ge [sflag:s22], $0x80  }
0x226: {  	[sflag:s22] =	ssyncset.done $0x0  }
0x227: {  	[sflag:s22] =	ssyncadd.s32 $0xFFFFFF80  }
0x228: {  	_ =	swait.ge [sflag:s22], $0x80  }
0x229: {  	[sflag:s22] =	ssyncset.done $0x0  }
0x22a: {  	[sflag:s22] =	ssyncadd.s32 $0xFFFFFF80  }
0x22b: {  	_ =	swait.ge [sflag:s22], $0x80  }
0x22c: {  	[sflag:s22] =	ssyncset.done $0x0  }
0x22d: {  	[sflag:s22] =	ssyncadd.s32 $0xFFFFFF80  }
0x22e: {  	_ =	swait.ge [sflag:s22], $0x80  }
0x22f: {  	[sflag:s22] =	ssyncset.done $0x0  }
0x230: {  	[sflag:s22] =	ssyncadd.s32 $0xFFFFFF80  }
0x231: {  	_ =	swait.ge [sflag:s22], $0x80  }
0x232: {  	[sflag:s22] =	ssyncset.done $0x0  }
0x233: {  	[sflag:s22] =	ssyncadd.s32 $0xFFFFFF80  }
0x234: {  	_ =	swait.ge [sflag:s22], $0x80  }
0x235: {  	[sflag:s22] =	ssyncset.done $0x0  }
0x236: {  	s30 =	sadd.s32 $0x400, s30;
	s2 =	sadd.s32 $0x200, s31;
	[sflag:s22] =	ssyncadd.s32 $0xFFFFFF80  }
0x237: {  	[hbm4b:s2+s3] =	stream.linear.scatter [tilespmem:s23], [sflag:$0x3], $0x400, $0x38;
	[tilespmem:$0x4000] =	vst v63  }
0x238: {  	s5 =	sadd.s32 $0x280, s31;
	p0 =	sne.s32 s30, $0x2000  }
0x239: {  	[hbm4b:s5+s3] =	stream.linear.scatter [tilespmem:s24], [sflag:$0x3], $0x400, $0x38;
	[tilespmem:$0x4000] =	vst v63  }
.Ltmp0:
0x23a: {  	_ = 	snop;
	(pc) =	sbr.rel @p0 .LBB2_2-.Ltmp0, $4  }
0x23b: {  	s6 =	sadd.s32 $0x300, s31  }
0x23c: {  	[hbm4b:s6+s3] =	stream.linear.scatter [tilespmem:s25], [sflag:$0x3], $0x400, $0x38;
	[tilespmem:$0x4000] =	vst v63  }
0x23d: {  	s31 =	sadd.s32 $0x380, s31  }
0x23e: {  	[hbm4b:s31+s3] =	stream.linear.scatter [tilespmem:s26], [sflag:$0x3], $0x400, $0x38;
	[tilespmem:$0x4000] =	vst v63  }
0x23f: {  	_ =	swait.ge [sflag:s28], $0x400  }
0x240: {  	[sflag:s28] =	ssyncset.done $0x0  }
0x241: {  	[sflag:s28] =	ssyncadd.s32 $0xFFFFFC00  }
0x242: {  	_ =	swait.ge [sflag:s28], $0x400  }
0x243: {  	[sflag:s28] =	ssyncset.done $0x0  }
0x244: {  	[sflag:s28] =	ssyncadd.s32 $0xFFFFFC00  }
0x245: {  	_ =	swait.ge [sflag:s28], $0x400  }
0x246: {  	[sflag:s28] =	ssyncset.done $0x0  }
0x247: {  	[sflag:s28] =	ssyncadd.s32 $0xFFFFFC00  }
0x248: {  	_ =	swait.ge [sflag:s28], $0x400  }
0x249: {  	[sflag:s28] =	ssyncset.done $0x0  }
0x24a: {  	[sflag:s28] =	ssyncadd.s32 $0xFFFFFC00  }
0x24b: {  	_ =	swait.ge [sflag:s28], $0x400  }
0x24c: {  	[sflag:s28] =	ssyncset.done $0x0  }
0x24d: {  	[sflag:s28] =	ssyncadd.s32 $0xFFFFFC00  }
0x24e: {  	_ =	swait.ge [sflag:s28], $0x400  }
0x24f: {  	[sflag:s28] =	ssyncset.done $0x0  }
0x250: {  	s29 =	sadd.s32 $0x1, s29;
	[sflag:s28] =	ssyncadd.s32 $0xFFFFFC00  }
0x251: {  	p0 =	sne.s32 s29, s8;
	_ =	swait.ge [sflag:s28], $0x400  }
.Ltmp1:
0x252: {  	[sflag:s28] =	ssyncset.done $0x0;
	(pc) =	sbr.rel @p0 .LBB2_1-.Ltmp1, $4  }
0x253: {  	[sflag:s28] =	ssyncadd.s32 $0xFFFFFC00  }
0x254: {  	_ =	swait.ge [sflag:s28], $0x400  }
0x255: {  	[sflag:s28] =	ssyncset.done $0x0  }
0x256: {  	[sflag:s28] =	ssyncadd.s32 $0xFFFFFC00  }
0x257: {  	_ =	sfence.sel $0x180000  }
0x258: {  	[bflag:$0x0] =	sbarrier.arrive $0xFFFF  }
0x259: {  	_ =	strace $0x90000047  }
0x25a: {  	s0 =	stileid.u32;
	[bflag:$0x2] =	sbarrier.arrive $0xFFFF  }
0x25b: {  	p0 =	sne.s32 s0, $0x0;
	s0 =	rddreg [dreg:$0x3]  }
0x25c: {  	s0 =	sadd.s32 @!p0 $0x100000, s0  }
0x25d: {  	[sflag:s0] =	ssyncadd.tile.s32 @!p0 $0x1;
	_ =	shalt  }
.Lfunc_end2:
_tile_overlayer_lowered:
.L_overlay_start_2:
0x25e: {  	(tag) =	ssettag $0x2  }
0x25f: {  	s0 =	rddreg [dreg:$0x0];
	s2 =	stileid.u32  }
0x260: {  	s1 =	rddreg [dreg:$0x1];
	p0 =	sne.s32 s2, $0x0  }
0x261: {  	s3 =	rddreg [dreg:$0x2];
	[bflag:$0x3] =	sbarrier.arrive $0xFFFF;
	s2 =	simm.s32 @!p0 $0x1C04  }
0x262: {  	[timem:s3], [sflag:s2] =	dma.local @!p0 [hbm:s0], s1  }
0x263: {  	s0 =	simm.s32 @!p0 $0x4  }
0x264: {  	_ =	swait.ge @!p0 [sflag:s0], s1  }
0x265: {  	s1 =	ssub.s32 @!p0 $0x0, s1;
	[sflag:s0] =	ssyncset.done @!p0 $0x0  }
0x266: {  	[sflag:s0] =	ssyncadd.s32 @!p0 s1  }
0x267: {  	[bflag:$0x3] =	sbarrier.arrive $0xFFFF  }
0x268: {  	_ =	shalt  }

</sc_bundles>
